<compile_context>
chip_gen: v7x
topology: tpu7x:2x2x1
jax: 0.10.2.dev20260603
libtpu: 0.0.44.dev20260713+nightly
codegen_flags: <defaults>
</compile_context>

<pallas_src>
import functools

import jax
import jax.numpy as jnp
from jax import lax
from jax.experimental import pallas as pl
from jax.experimental.pallas import tpu as pltpu
from jax.experimental.pallas import tpu_sc as plsc

N = 10000
E = 320000
D = 128
B = 8192

NPAD = 10240
G = 128
NWORK = 32
GPW = 80
NGROUP = NWORK * GPW
EPAD = NGROUP * G
ROWS_PT = NPAD // 16
IPC = 4
SUB = 32
NSUB = IPC * G // SUB
RING = 8
LEAD = 6

_MESH = plsc.VectorSubcoreMesh(
    core_axis_name="c", subcore_axis_name="s", num_cores=2, num_subcores=16)


def _agg_body(src_hbm, dst_hbm, feat_hbm,
              accA, accB, degA, degB,
              idx_s, idx_d, b0, b1, b2, b3, b4, b5, b6, b7, ones1,
              acc_sp, deg_sp, sems_g, sems_s, sem_d):
    cid = lax.axis_index("c")
    sid = lax.axis_index("s")
    wid = cid * 16 + sid
    bufs = (b0, b1, b2, b3, b4, b5, b6, b7)

    zero16 = jnp.zeros((16,), jnp.float32)

    def zrow(r, carry):
        for c in range(D // 16):
            b0[r, pl.ds(c * 16, 16)] = zero16
            b1[r, pl.ds(c * 16, 16)] = zero16
            b2[r, pl.ds(c * 16, 16)] = zero16
            b3[r, pl.ds(c * 16, 16)] = zero16
        return carry

    lax.fori_loop(0, SUB, zrow, 0)
    one16 = jnp.ones((16,), jnp.float32)
    for j in range(G // 16):
        ones1[pl.ds(j * 16, 16)] = one16

    r0 = sid * ROWS_PT
    for k in range(ROWS_PT // G):
        for q in range(4):
            pltpu.sync_copy(bufs[q], acc_sp.at[pl.ds(r0 + k * G + q * SUB, SUB)])
        pltpu.sync_copy(b0.at[0], deg_sp.at[pl.ds(r0 + k * G, G)])

    plsc.subcore_barrier()

    def sub_idx(ref, t):
        return ref.at[t // (G // SUB)].at[pl.ds((t % (G // SUB)) * SUB, SUB)]

    def chunk(ci, carry):
        pltpu.sync_copy(src_hbm.at[wid].at[pl.ds(ci * IPC, IPC)], idx_s)
        pltpu.sync_copy(dst_hbm.at[wid].at[pl.ds(ci * IPC, IPC)], idx_d)
        gath = [None] * NSUB
        scat = [None] * NSUB
        waited = [False] * NSUB
        degc = [None] * IPC
        for t in range(LEAD):
            gath[t] = pltpu.async_copy(
                feat_hbm.at[sub_idx(idx_s, t)], bufs[t % RING],
                sems_g.at[t % RING])
        for t in range(NSUB):
            gath[t].wait()
            scat[t] = pltpu.async_copy(
                bufs[t % RING], acc_sp.at[sub_idx(idx_d, t)],
                sems_s.at[t % RING], add=True)
            if t % (G // SUB) == 0:
                j = t // (G // SUB)
                degc[j] = pltpu.async_copy(
                    ones1, deg_sp.at[idx_d.at[j]], sem_d, add=True)
            nxt = t + LEAD
            if nxt < NSUB:
                prev = nxt - RING
                if prev >= 0:
                    scat[prev].wait()
                    waited[prev] = True
                gath[nxt] = pltpu.async_copy(
                    feat_hbm.at[sub_idx(idx_s, nxt)], bufs[nxt % RING],
                    sems_g.at[nxt % RING])
        for t in range(NSUB):
            if not waited[t]:
                scat[t].wait()
        for j in range(IPC):
            degc[j].wait()
        return carry

    lax.fori_loop(0, GPW // IPC, chunk, 0)

    plsc.subcore_barrier()

    @pl.when(cid == 0)
    def _():
        pltpu.sync_copy(acc_sp.at[pl.ds(r0, ROWS_PT)], accA.at[pl.ds(r0, ROWS_PT)])
        pltpu.sync_copy(deg_sp.at[pl.ds(r0, ROWS_PT)], degA.at[pl.ds(r0, ROWS_PT)])

    @pl.when(cid == 1)
    def _():
        pltpu.sync_copy(acc_sp.at[pl.ds(r0, ROWS_PT)], accB.at[pl.ds(r0, ROWS_PT)])
        pltpu.sync_copy(deg_sp.at[pl.ds(r0, ROWS_PT)], degB.at[pl.ds(r0, ROWS_PT)])


_agg_kernel = functools.partial(
    pl.kernel,
    out_type=[
        jax.ShapeDtypeStruct((NPAD, D), jnp.float32),
        jax.ShapeDtypeStruct((NPAD, D), jnp.float32),
        jax.ShapeDtypeStruct((NPAD,), jnp.float32),
        jax.ShapeDtypeStruct((NPAD,), jnp.float32),
    ],
    mesh=_MESH,
    scratch_types=[
        pltpu.VMEM((IPC, G), jnp.int32),
        pltpu.VMEM((IPC, G), jnp.int32),
        pltpu.VMEM((SUB, D), jnp.float32),
        pltpu.VMEM((SUB, D), jnp.float32),
        pltpu.VMEM((SUB, D), jnp.float32),
        pltpu.VMEM((SUB, D), jnp.float32),
        pltpu.VMEM((SUB, D), jnp.float32),
        pltpu.VMEM((SUB, D), jnp.float32),
        pltpu.VMEM((SUB, D), jnp.float32),
        pltpu.VMEM((SUB, D), jnp.float32),
        pltpu.VMEM((G,), jnp.float32),
        pltpu.VMEM_SHARED((NPAD, D), jnp.float32),
        pltpu.VMEM_SHARED((NPAD,), jnp.float32),
        pltpu.SemaphoreType.DMA((RING,)),
        pltpu.SemaphoreType.DMA((RING,)),
        pltpu.SemaphoreType.DMA,
    ],
    compiler_params=pltpu.CompilerParams(needs_layout_passes=False),
)(_agg_body)


def _gather_body(nodes_hbm, feat_hbm, accA, accB, degA, degB,
                 selfF, a0, a1, dsum,
                 idx, bufF, bufA, bufB, dtabA, dtabB, dout, sems):
    wid = lax.axis_index("c") * 16 + lax.axis_index("s")
    pltpu.sync_copy(nodes_hbm.at[wid], idx)
    pltpu.sync_copy(degA, dtabA)
    pltpu.sync_copy(degB, dtabB)
    for g in range(2):
        base = wid * 2 * G + g * G
        cF = pltpu.async_copy(feat_hbm.at[idx.at[g]], bufF, sems.at[0])
        cA = pltpu.async_copy(accA.at[idx.at[g]], bufA, sems.at[1])
        cB = pltpu.async_copy(accB.at[idx.at[g]], bufB, sems.at[2])
        for j in range(G // 16):
            nidx = idx[g, pl.ds(j * 16, 16)]
            dv = (plsc.load_gather(dtabA, [nidx])
                  + plsc.load_gather(dtabB, [nidx]))
            dout[g, pl.ds(j * 16, 16)] = dv
        cF.wait()
        cA.wait()
        cB.wait()
        pltpu.sync_copy(bufF, selfF.at[pl.ds(base, G)])
        pltpu.sync_copy(bufA, a0.at[pl.ds(base, G)])
        pltpu.sync_copy(bufB, a1.at[pl.ds(base, G)])
    pltpu.sync_copy(dout, dsum.at[wid])


_gather_kernel = functools.partial(
    pl.kernel,
    out_type=[
        jax.ShapeDtypeStruct((B, D), jnp.float32),
        jax.ShapeDtypeStruct((B, D), jnp.float32),
        jax.ShapeDtypeStruct((B, D), jnp.float32),
        jax.ShapeDtypeStruct((NWORK, 2, G), jnp.float32),
    ],
    mesh=_MESH,
    scratch_types=[
        pltpu.VMEM((2, G), jnp.int32),
        pltpu.VMEM((G, D), jnp.float32),
        pltpu.VMEM((G, D), jnp.float32),
        pltpu.VMEM((G, D), jnp.float32),
        pltpu.VMEM((NPAD,), jnp.float32),
        pltpu.VMEM((NPAD,), jnp.float32),
        pltpu.VMEM((2, G), jnp.float32),
        pltpu.SemaphoreType.DMA((3,)),
    ],
    compiler_params=pltpu.CompilerParams(needs_layout_passes=False),
)(_gather_body)


def _dense_body(selfF, a0, a1, dsum,
                W1sT, W1nT, W2sT, W2nT, attA, logisW, logisB, out):
    s = selfF[...]
    agg = a0[...] + a1[...]
    deg = jnp.maximum(dsum[...], 1.0)
    neigh = agg / deg
    e1 = jnp.maximum(
        jnp.dot(s, W1sT[...], preferred_element_type=jnp.float32)
        + jnp.dot(neigh, W1nT[...], preferred_element_type=jnp.float32), 0.0)
    e2 = jnp.maximum(
        jnp.dot(s, W2sT[...], preferred_element_type=jnp.float32)
        + jnp.dot(neigh, W2nT[...], preferred_element_type=jnp.float32), 0.0)
    a = attA[...]
    s1 = jnp.sum(e1 * e1 * a, axis=1, keepdims=True)
    s2 = jnp.sum(e1 * e2 * a, axis=1, keepdims=True)
    s1 = jnp.where(s1 >= 0, s1, 0.5 * s1)
    s2 = jnp.where(s2 >= 0, s2, 0.5 * s2)
    m = jnp.maximum(s1, s2)
    ea = jnp.exp(s1 - m)
    eb = jnp.exp(s2 - m)
    inv = 1.0 / (ea + eb)
    res = (ea * inv) * e1 + (eb * inv) * e2
    z = jnp.dot(res, logisW[...], preferred_element_type=jnp.float32) + logisB[...]
    out[...] = 1.0 / (1.0 + jnp.exp(-z))


_dense_kernel = pl.pallas_call(
    _dense_body,
    out_shape=jax.ShapeDtypeStruct((B, 1), jnp.float32),
)


def kernel(nodes, edge_index, features, W1, W2, att_a, logis_W, logis_b):
    src = edge_index[0]
    dst = edge_index[1]
    pad = EPAD - E
    src3d = jnp.concatenate(
        [src, jnp.zeros((pad,), jnp.int32)]).reshape(NWORK, GPW, G)
    pad_dst = jnp.tile(jnp.arange(N, NPAD, dtype=jnp.int32), pad // (NPAD - N))
    dst3d = jnp.concatenate([dst, pad_dst]).reshape(NWORK, GPW, G)
    nodes3d = nodes.reshape(NWORK, 2, G)

    accA, accB, degA, degB = _agg_kernel(src3d, dst3d, features)
    selfF, a0, a1, dsum = _gather_kernel(
        nodes3d, features, accA, accB, degA, degB)

    W1T = W1.T
    W2T = W2.T
    return _dense_kernel(
        selfF, a0, a1, dsum.reshape(B, 1),
        W1T[:D, :], W1T[D:, :], W2T[:D, :], W2T[D:, :],
        att_a.reshape(1, D), logis_W, logis_b.reshape(1, 1))

# --- scband reference (transcript-rebuilt; emitter-appended) ---
"""Pipeline reference for scband-supervised-graph-sage-31112743092385 (READ-ONLY COPY).

The authoritative reference and input builder live on the scoring server;
editing this copy changes nothing except your own understanding.
"""

import jax, jax.numpy as jnp
import numpy as np

N_NODES = 10000
N_EDGES = 320000
D_FEAT = 128
EMBED_DIM = 128
BATCH = 8192


def setup_inputs(seed: int = 0) -> dict:
    key = jax.random.key(seed)
    ks = jax.random.split(key, 8)
    nodes = jax.random.randint(ks[0], (BATCH,), 0, N_NODES, dtype=jnp.int64 if jax.config.jax_enable_x64 else jnp.int32).astype(jnp.int32)
    edge_index = jax.random.randint(ks[1], (2, N_EDGES), 0, N_NODES).astype(jnp.int32)
    features = jax.random.normal(ks[2], (N_NODES, D_FEAT), dtype=jnp.float32)
    # enc1/enc2 GraphSage encoder weights: embed_dim x (2*d_feat) (self || mean-neighbor concat)
    W1 = 0.05 * jax.random.normal(ks[3], (EMBED_DIM, 2 * D_FEAT), dtype=jnp.float32)
    W2 = 0.05 * jax.random.normal(ks[4], (EMBED_DIM, 2 * D_FEAT), dtype=jnp.float32)
    # BitwiseMultipyLogis attention vector over elementwise (bitwise-multiply) products
    att_a = 0.05 * jax.random.normal(ks[5], (EMBED_DIM,), dtype=jnp.float32)
    # LogisticRegression head
    logis_W = 0.05 * jax.random.normal(ks[6], (EMBED_DIM, 1), dtype=jnp.float32)
    logis_b = jnp.zeros((1,), dtype=jnp.float32)
    return {"nodes": nodes, "edge_index": edge_index, "features": features,
            "W1": W1, "W2": W2, "att_a": att_a, "logis_W": logis_W, "logis_b": logis_b}


def reference(nodes, edge_index, features, W1, W2, att_a, logis_W, logis_b):
    N = features.shape[0]
    src = edge_index[0]
    dst = edge_index[1]
    # GraphSage mean aggregation over all nodes (gather + scatter-add)
    msg = jnp.take(features, src, axis=0)                      # [E, d] gather
    agg = jax.ops.segment_sum(msg, dst, num_segments=N)        # [N, d] scatter-add
    deg = jax.ops.segment_sum(jnp.ones((src.shape[0],), jnp.float32), dst, num_segments=N)
    neigh = agg / jnp.maximum(deg, 1.0)[:, None]
    # encode the batch nodes: concat(self, neigh) then linear+relu  -> [embed_dim, B]
    self_f = jnp.take(features, nodes, axis=0)                 # [B, d]
    neigh_f = jnp.take(neigh, nodes, axis=0)                   # [B, d]
    cat = jnp.concatenate([self_f, neigh_f], axis=1)           # [B, 2d]
    embeds1 = jax.nn.relu(W1 @ cat.T)                          # [embed_dim, B]
    embeds2 = jax.nn.relu(W2 @ cat.T)                          # [embed_dim, B]
    embeds = [embeds1.T, embeds2.T]                            # list of [B, embed_dim] (.t())
    # BitwiseMultipyLogis layer attention (predict_layer = 0); dropout inactive at eval
    pred_layer = embeds[0]
    scores = jnp.stack([
        jax.nn.leaky_relu((pred_layer * e) @ att_a, negative_slope=0.5)
        for e in embeds
    ], axis=1)                                                 # [B, lay_num]
    weight = jax.nn.softmax(scores, axis=1)                    # [B, lay_num]
    result = sum(weight[:, i, None] * embeds[i] for i in range(len(embeds)))  # [B, embed_dim]
    # Logistic regression head
    predict = jax.nn.sigmoid(result @ logis_W + logis_b)       # [B, 1]
    return predict

if __name__ == "__main__":
    import jax
    _d = setup_inputs()
    print(jax.jit(kernel)(*tuple(_d.values())))

</pallas_src>

<mosaic_0001>
#map = affine_map<(d0, d1) -> (0, 0, 0)>
#map1 = affine_map<(d0, d1) -> (0, 0)>
#map2 = affine_map<(d0, d1) -> (0)>
module attributes {stable_mosaic.version = 14 : i64} {
  func.func @_gather_body(%arg0: i32, %arg1: i32, %arg2: memref<32x2x128xi32, #tpu.memory_space<hbm>>, %arg3: memref<10000x128xf32, #tpu.memory_space<hbm>>, %arg4: memref<10240x128xf32, #tpu.memory_space<hbm>>, %arg5: memref<10240x128xf32, #tpu.memory_space<hbm>>, %arg6: memref<10240xf32, #tpu.memory_space<hbm>>, %arg7: memref<10240xf32, #tpu.memory_space<hbm>>, %arg8: memref<8192x128xf32, #tpu.memory_space<hbm>>, %arg9: memref<8192x128xf32, #tpu.memory_space<hbm>>, %arg10: memref<8192x128xf32, #tpu.memory_space<hbm>>, %arg11: memref<32x2x128xf32, #tpu.memory_space<hbm>>, %arg12: memref<2x128xi32, #tpu.memory_space<vmem>>, %arg13: memref<128x128xf32, #tpu.memory_space<vmem>>, %arg14: memref<128x128xf32, #tpu.memory_space<vmem>>, %arg15: memref<128x128xf32, #tpu.memory_space<vmem>>, %arg16: memref<10240xf32, #tpu.memory_space<vmem>>, %arg17: memref<10240xf32, #tpu.memory_space<vmem>>, %arg18: memref<2x128xf32, #tpu.memory_space<vmem>>, %arg19: memref<3x!tpu.dma_semaphore, #tpu.memory_space<semaphore_mem>>) attributes {dimension_semantics = [#tpu.dimension_semantics<core_parallel>, #tpu.dimension_semantics<subcore_parallel>], iteration_bounds = array<i64: 2, 16>, scalar_prefetch = 0 : i64, scratch_operands = 8 : i64, tpu.core_type = #tpu.core_type<sc_vector_subcore>, window_params = [{transform_indices = #map}, {transform_indices = #map1}, {transform_indices = #map1}, {transform_indices = #map1}, {transform_indices = #map2}, {transform_indices = #map2}, {transform_indices = #map1}, {transform_indices = #map1}, {transform_indices = #map1}, {transform_indices = #map}]} {
    %mul3A = arith.constant 16 : i32
    %mul3A_0 = arith.muli %arg0, %mul3A : i32
    %add3A = arith.addi %mul3A_0, %arg1 : i32
    "tpu.region"() ({
      %run_scoped3A = tpu.sem_alloc : memref<!tpu.dma_semaphore, #tpu.memory_space<semaphore_mem>>
      %dma_start3A_304 = arith.constant 0 : i32
      %dma_start3A_305 = arith.constant 0 : i32
      %dma_start3A_306 = tpu.memref_slice %arg2[%add3A, %dma_start3A_304, %dma_start3A_305] : memref<32x2x128xi32, #tpu.memory_space<hbm>> -> memref<1x2x128xi32, #tpu.memory_space<hbm>>
      %dma_start3A_307 = tpu.memref_squeeze %dma_start3A_306 : memref<1x2x128xi32, #tpu.memory_space<hbm>> -> memref<2x128xi32, #tpu.memory_space<hbm>>
      %dma_start3A_308 = arith.constant 0 : i32
      %dma_start3A_309 = arith.constant 0 : i32
      %dma_start3A_310 = tpu.memref_slice %arg2[%add3A, %dma_start3A_308, %dma_start3A_309] : memref<32x2x128xi32, #tpu.memory_space<hbm>> -> memref<1x2x128xi32, #tpu.memory_space<hbm>>
      %dma_start3A_311 = tpu.memref_squeeze %dma_start3A_310 : memref<1x2x128xi32, #tpu.memory_space<hbm>> -> memref<2x128xi32, #tpu.memory_space<hbm>>
      tpu.enqueue_dma source(%dma_start3A_311 : memref<2x128xi32, #tpu.memory_space<hbm>>) target(%arg12 : memref<2x128xi32, #tpu.memory_space<vmem>>) target_semaphore(%run_scoped3A : memref<!tpu.dma_semaphore, #tpu.memory_space<semaphore_mem>>)
      %dma_wait3A_312 = arith.constant 0 : i32
      %dma_wait3A_313 = arith.constant 0 : i32
      %dma_wait3A_314 = tpu.memref_slice %arg2[%add3A, %dma_wait3A_312, %dma_wait3A_313] : memref<32x2x128xi32, #tpu.memory_space<hbm>> -> memref<1x2x128xi32, #tpu.memory_space<hbm>>
      %dma_wait3A_315 = tpu.memref_squeeze %dma_wait3A_314 : memref<1x2x128xi32, #tpu.memory_space<hbm>> -> memref<2x128xi32, #tpu.memory_space<hbm>>
      %dma_wait3A_316 = arith.constant 0 : i32
      %dma_wait3A_317 = arith.constant 0 : i32
      %dma_wait3A_318 = tpu.memref_slice %arg2[%add3A, %dma_wait3A_316, %dma_wait3A_317] : memref<32x2x128xi32, #tpu.memory_space<hbm>> -> memref<1x2x128xi32, #tpu.memory_space<hbm>>
      %dma_wait3A_319 = tpu.memref_squeeze %dma_wait3A_318 : memref<1x2x128xi32, #tpu.memory_space<hbm>> -> memref<2x128xi32, #tpu.memory_space<hbm>>
      tpu.wait_dma2 semaphore(%run_scoped3A : memref<!tpu.dma_semaphore, #tpu.memory_space<semaphore_mem>>) src(%dma_wait3A_319 : memref<2x128xi32, #tpu.memory_space<hbm>>) dst(%arg12 : memref<2x128xi32, #tpu.memory_space<vmem>>)
      tpu.yield
    }) : () -> ()
    "tpu.region"() ({
      %run_scoped3A = tpu.sem_alloc : memref<!tpu.dma_semaphore, #tpu.memory_space<semaphore_mem>>
      tpu.enqueue_dma source(%arg6 : memref<10240xf32, #tpu.memory_space<hbm>>) target(%arg16 : memref<10240xf32, #tpu.memory_space<vmem>>) target_semaphore(%run_scoped3A : memref<!tpu.dma_semaphore, #tpu.memory_space<semaphore_mem>>)
      tpu.wait_dma2 semaphore(%run_scoped3A : memref<!tpu.dma_semaphore, #tpu.memory_space<semaphore_mem>>) src(%arg6 : memref<10240xf32, #tpu.memory_space<hbm>>) dst(%arg16 : memref<10240xf32, #tpu.memory_space<vmem>>)
      tpu.yield
    }) : () -> ()
    "tpu.region"() ({
      %run_scoped3A = tpu.sem_alloc : memref<!tpu.dma_semaphore, #tpu.memory_space<semaphore_mem>>
      tpu.enqueue_dma source(%arg7 : memref<10240xf32, #tpu.memory_space<hbm>>) target(%arg17 : memref<10240xf32, #tpu.memory_space<vmem>>) target_semaphore(%run_scoped3A : memref<!tpu.dma_semaphore, #tpu.memory_space<semaphore_mem>>)
      tpu.wait_dma2 semaphore(%run_scoped3A : memref<!tpu.dma_semaphore, #tpu.memory_space<semaphore_mem>>) src(%arg7 : memref<10240xf32, #tpu.memory_space<hbm>>) dst(%arg17 : memref<10240xf32, #tpu.memory_space<vmem>>)
      tpu.yield
    }) : () -> ()
    %mul3A_1 = arith.constant 2 : i32
    %mul3A_2 = arith.muli %add3A, %mul3A_1 : i32
    %mul3A_3 = arith.constant 128 : i32
    %mul3A_4 = arith.muli %mul3A_2, %mul3A_3 : i32
    %add3A_5 = arith.constant 0 : i32
    %add3A_6 = arith.addi %mul3A_4, %add3A_5 : i32
    %dma_start3A = arith.constant 0 : i32
    %dma_start3A_7 = arith.constant 0 : i32
    %dma_start3A_8 = arith.constant 0 : i32
    %dma_start3A_9 = tpu.memref_slice %arg12[%dma_start3A, %dma_start3A_8] : memref<2x128xi32, #tpu.memory_space<vmem>> -> memref<1x128xi32, #tpu.memory_space<vmem>>
    %dma_start3A_10 = tpu.memref_squeeze %dma_start3A_9 : memref<1x128xi32, #tpu.memory_space<vmem>> -> memref<128xi32, #tpu.memory_space<vmem>>
    %dma_start3A_11 = arith.constant 0 : i32
    %dma_start3A_12 = arith.constant 0 : i32
    %dma_start3A_13 = tpu.memref_slice %arg3[%dma_start3A_11, %dma_start3A_12] : memref<10000x128xf32, #tpu.memory_space<hbm>> -> memref<10000x128xf32, #tpu.memory_space<hbm>>
    %dma_start3A_14 = tpu.memref_slice %arg19[%dma_start3A_7] : memref<3x!tpu.dma_semaphore, #tpu.memory_space<semaphore_mem>> -> memref<1x!tpu.dma_semaphore, #tpu.memory_space<semaphore_mem>>
    %dma_start3A_15 = tpu.memref_squeeze %dma_start3A_14 : memref<1x!tpu.dma_semaphore, #tpu.memory_space<semaphore_mem>> -> memref<!tpu.dma_semaphore, #tpu.memory_space<semaphore_mem>>
    tpu.enqueue_indirect_dma source(%dma_start3A_13 : memref<10000x128xf32, #tpu.memory_space<hbm>>) target(%arg13 : memref<128x128xf32, #tpu.memory_space<vmem>>) offsets(%dma_start3A_10 : memref<128xi32, #tpu.memory_space<vmem>>) semaphore(%dma_start3A_15 : memref<!tpu.dma_semaphore, #tpu.memory_space<semaphore_mem>>)
    %dma_start3A_16 = arith.constant 0 : i32
    %dma_start3A_17 = arith.constant 1 : i32
    %dma_start3A_18 = arith.constant 0 : i32
    %dma_start3A_19 = tpu.memref_slice %arg12[%dma_start3A_16, %dma_start3A_18] : memref<2x128xi32, #tpu.memory_space<vmem>> -> memref<1x128xi32, #tpu.memory_space<vmem>>
    %dma_start3A_20 = tpu.memref_squeeze %dma_start3A_19 : memref<1x128xi32, #tpu.memory_space<vmem>> -> memref<128xi32, #tpu.memory_space<vmem>>
    %dma_start3A_21 = arith.constant 0 : i32
    %dma_start3A_22 = arith.constant 0 : i32
    %dma_start3A_23 = tpu.memref_slice %arg4[%dma_start3A_21, %dma_start3A_22] : memref<10240x128xf32, #tpu.memory_space<hbm>> -> memref<10240x128xf32, #tpu.memory_space<hbm>>
    %dma_start3A_24 = tpu.memref_slice %arg19[%dma_start3A_17] : memref<3x!tpu.dma_semaphore, #tpu.memory_space<semaphore_mem>> -> memref<1x!tpu.dma_semaphore, #tpu.memory_space<semaphore_mem>>
    %dma_start3A_25 = tpu.memref_squeeze %dma_start3A_24 : memref<1x!tpu.dma_semaphore, #tpu.memory_space<semaphore_mem>> -> memref<!tpu.dma_semaphore, #tpu.memory_space<semaphore_mem>>
    tpu.enqueue_indirect_dma source(%dma_start3A_23 : memref<10240x128xf32, #tpu.memory_space<hbm>>) target(%arg14 : memref<128x128xf32, #tpu.memory_space<vmem>>) offsets(%dma_start3A_20 : memref<128xi32, #tpu.memory_space<vmem>>) semaphore(%dma_start3A_25 : memref<!tpu.dma_semaphore, #tpu.memory_space<semaphore_mem>>)
    %dma_start3A_26 = arith.constant 0 : i32
    %dma_start3A_27 = arith.constant 2 : i32
    %dma_start3A_28 = arith.constant 0 : i32
    %dma_start3A_29 = tpu.memref_slice %arg12[%dma_start3A_26, %dma_start3A_28] : memref<2x128xi32, #tpu.memory_space<vmem>> -> memref<1x128xi32, #tpu.memory_space<vmem>>
    %dma_start3A_30 = tpu.memref_squeeze %dma_start3A_29 : memref<1x128xi32, #tpu.memory_space<vmem>> -> memref<128xi32, #tpu.memory_space<vmem>>
    %dma_start3A_31 = arith.constant 0 : i32
    %dma_start3A_32 = arith.constant 0 : i32
    %dma_start3A_33 = tpu.memref_slice %arg5[%dma_start3A_31, %dma_start3A_32] : memref<10240x128xf32, #tpu.memory_space<hbm>> -> memref<10240x128xf32, #tpu.memory_space<hbm>>
    %dma_start3A_34 = tpu.memref_slice %arg19[%dma_start3A_27] : memref<3x!tpu.dma_semaphore, #tpu.memory_space<semaphore_mem>> -> memref<1x!tpu.dma_semaphore, #tpu.memory_space<semaphore_mem>>
    %dma_start3A_35 = tpu.memref_squeeze %dma_start3A_34 : memref<1x!tpu.dma_semaphore, #tpu.memory_space<semaphore_mem>> -> memref<!tpu.dma_semaphore, #tpu.memory_space<semaphore_mem>>
    tpu.enqueue_indirect_dma source(%dma_start3A_33 : memref<10240x128xf32, #tpu.memory_space<hbm>>) target(%arg15 : memref<128x128xf32, #tpu.memory_space<vmem>>) offsets(%dma_start3A_30 : memref<128xi32, #tpu.memory_space<vmem>>) semaphore(%dma_start3A_35 : memref<!tpu.dma_semaphore, #tpu.memory_space<semaphore_mem>>)
    %get3A = arith.constant 0 : i32
    %get3A_36 = arith.index_cast %get3A : i32 to index
    %get3A_37 = arith.constant 0 : index
    %get3A_38 = tpu.vector_load %arg12[%get3A_36, %get3A_37] {strides = array<i32>} : memref<2x128xi32, #tpu.memory_space<vmem>>, vector<16xi32>,
    %gather3A = tpu.vector_load_idx %arg16[%get3A_38] : memref<10240xf32, #tpu.memory_space<vmem>>[vector<16xi32>], vector<16xf32>,
    %gather3A_39 = tpu.vector_load_idx %arg17[%get3A_38] : memref<10240xf32, #tpu.memory_space<vmem>>[vector<16xi32>], vector<16xf32>,
    %add3A_40 = arith.addf %gather3A, %gather3A_39 : vector<16xf32>
    %swap3A = arith.constant 0 : i32
    %swap3A_41 = arith.index_cast %swap3A : i32 to index
    %swap3A_42 = arith.constant 0 : index
    %swap3A_43 = tpu.vector_load %arg18[%swap3A_41, %swap3A_42] {strides = array<i32>} : memref<2x128xf32, #tpu.memory_space<vmem>>, vector<16xf32>,
    tpu.vector_store %arg18[%swap3A_41, %swap3A_42], %add3A_40 {strides = array<i32>} : memref<2x128xf32, #tpu.memory_space<vmem>>, vector<16xf32>,
    %get3A_44 = arith.constant 0 : i32
    %get3A_45 = arith.index_cast %get3A_44 : i32 to index
    %get3A_46 = arith.constant 16 : index
    %get3A_47 = tpu.vector_load %arg12[%get3A_45, %get3A_46] {strides = array<i32>} : memref<2x128xi32, #tpu.memory_space<vmem>>, vector<16xi32>,
    %gather3A_48 = tpu.vector_load_idx %arg16[%get3A_47] : memref<10240xf32, #tpu.memory_space<vmem>>[vector<16xi32>], vector<16xf32>,
    %gather3A_49 = tpu.vector_load_idx %arg17[%get3A_47] : memref<10240xf32, #tpu.memory_space<vmem>>[vector<16xi32>], vector<16xf32>,
    %add3A_50 = arith.addf %gather3A_48, %gather3A_49 : vector<16xf32>
    %swap3A_51 = arith.constant 0 : i32
    %swap3A_52 = arith.index_cast %swap3A_51 : i32 to index
    %swap3A_53 = arith.constant 16 : index
    %swap3A_54 = tpu.vector_load %arg18[%swap3A_52, %swap3A_53] {strides = array<i32>} : memref<2x128xf32, #tpu.memory_space<vmem>>, vector<16xf32>,
    tpu.vector_store %arg18[%swap3A_52, %swap3A_53], %add3A_50 {strides = array<i32>} : memref<2x128xf32, #tpu.memory_space<vmem>>, vector<16xf32>,
    %get3A_55 = arith.constant 0 : i32
    %get3A_56 = arith.index_cast %get3A_55 : i32 to index
    %get3A_57 = arith.constant 32 : index
    %get3A_58 = tpu.vector_load %arg12[%get3A_56, %get3A_57] {strides = array<i32>} : memref<2x128xi32, #tpu.memory_space<vmem>>, vector<16xi32>,
    %gather3A_59 = tpu.vector_load_idx %arg16[%get3A_58] : memref<10240xf32, #tpu.memory_space<vmem>>[vector<16xi32>], vector<16xf32>,
    %gather3A_60 = tpu.vector_load_idx %arg17[%get3A_58] : memref<10240xf32, #tpu.memory_space<vmem>>[vector<16xi32>], vector<16xf32>,
    %add3A_61 = arith.addf %gather3A_59, %gather3A_60 : vector<16xf32>
    %swap3A_62 = arith.constant 0 : i32
    %swap3A_63 = arith.index_cast %swap3A_62 : i32 to index
    %swap3A_64 = arith.constant 32 : index
    %swap3A_65 = tpu.vector_load %arg18[%swap3A_63, %swap3A_64] {strides = array<i32>} : memref<2x128xf32, #tpu.memory_space<vmem>>, vector<16xf32>,
    tpu.vector_store %arg18[%swap3A_63, %swap3A_64], %add3A_61 {strides = array<i32>} : memref<2x128xf32, #tpu.memory_space<vmem>>, vector<16xf32>,
    %get3A_66 = arith.constant 0 : i32
    %get3A_67 = arith.index_cast %get3A_66 : i32 to index
    %get3A_68 = arith.constant 48 : index
    %get3A_69 = tpu.vector_load %arg12[%get3A_67, %get3A_68] {strides = array<i32>} : memref<2x128xi32, #tpu.memory_space<vmem>>, vector<16xi32>,
    %gather3A_70 = tpu.vector_load_idx %arg16[%get3A_69] : memref<10240xf32, #tpu.memory_space<vmem>>[vector<16xi32>], vector<16xf32>,
    %gather3A_71 = tpu.vector_load_idx %arg17[%get3A_69] : memref<10240xf32, #tpu.memory_space<vmem>>[vector<16xi32>], vector<16xf32>,
    %add3A_72 = arith.addf %gather3A_70, %gather3A_71 : vector<16xf32>
    %swap3A_73 = arith.constant 0 : i32
    %swap3A_74 = arith.index_cast %swap3A_73 : i32 to index
    %swap3A_75 = arith.constant 48 : index
    %swap3A_76 = tpu.vector_load %arg18[%swap3A_74, %swap3A_75] {strides = array<i32>} : memref<2x128xf32, #tpu.memory_space<vmem>>, vector<16xf32>,
    tpu.vector_store %arg18[%swap3A_74, %swap3A_75], %add3A_72 {strides = array<i32>} : memref<2x128xf32, #tpu.memory_space<vmem>>, vector<16xf32>,
    %get3A_77 = arith.constant 0 : i32
    %get3A_78 = arith.index_cast %get3A_77 : i32 to index
    %get3A_79 = arith.constant 64 : index
    %get3A_80 = tpu.vector_load %arg12[%get3A_78, %get3A_79] {strides = array<i32>} : memref<2x128xi32, #tpu.memory_space<vmem>>, vector<16xi32>,
    %gather3A_81 = tpu.vector_load_idx %arg16[%get3A_80] : memref<10240xf32, #tpu.memory_space<vmem>>[vector<16xi32>], vector<16xf32>,
    %gather3A_82 = tpu.vector_load_idx %arg17[%get3A_80] : memref<10240xf32, #tpu.memory_space<vmem>>[vector<16xi32>], vector<16xf32>,
    %add3A_83 = arith.addf %gather3A_81, %gather3A_82 : vector<16xf32>
    %swap3A_84 = arith.constant 0 : i32
    %swap3A_85 = arith.index_cast %swap3A_84 : i32 to index
    %swap3A_86 = arith.constant 64 : index
    %swap3A_87 = tpu.vector_load %arg18[%swap3A_85, %swap3A_86] {strides = array<i32>} : memref<2x128xf32, #tpu.memory_space<vmem>>, vector<16xf32>,
    tpu.vector_store %arg18[%swap3A_85, %swap3A_86], %add3A_83 {strides = array<i32>} : memref<2x128xf32, #tpu.memory_space<vmem>>, vector<16xf32>,
    %get3A_88 = arith.constant 0 : i32
    %get3A_89 = arith.index_cast %get3A_88 : i32 to index
    %get3A_90 = arith.constant 80 : index
    %get3A_91 = tpu.vector_load %arg12[%get3A_89, %get3A_90] {strides = array<i32>} : memref<2x128xi32, #tpu.memory_space<vmem>>, vector<16xi32>,
    %gather3A_92 = tpu.vector_load_idx %arg16[%get3A_91] : memref<10240xf32, #tpu.memory_space<vmem>>[vector<16xi32>], vector<16xf32>,
    %gather3A_93 = tpu.vector_load_idx %arg17[%get3A_91] : memref<10240xf32, #tpu.memory_space<vmem>>[vector<16xi32>], vector<16xf32>,
    %add3A_94 = arith.addf %gather3A_92, %gather3A_93 : vector<16xf32>
    %swap3A_95 = arith.constant 0 : i32
    %swap3A_96 = arith.index_cast %swap3A_95 : i32 to index
    %swap3A_97 = arith.constant 80 : index
    %swap3A_98 = tpu.vector_load %arg18[%swap3A_96, %swap3A_97] {strides = array<i32>} : memref<2x128xf32, #tpu.memory_space<vmem>>, vector<16xf32>,
    tpu.vector_store %arg18[%swap3A_96, %swap3A_97], %add3A_94 {strides = array<i32>} : memref<2x128xf32, #tpu.memory_space<vmem>>, vector<16xf32>,
    %get3A_99 = arith.constant 0 : i32
    %get3A_100 = arith.index_cast %get3A_99 : i32 to index
    %get3A_101 = arith.constant 96 : index
    %get3A_102 = tpu.vector_load %arg12[%get3A_100, %get3A_101] {strides = array<i32>} : memref<2x128xi32, #tpu.memory_space<vmem>>, vector<16xi32>,
    %gather3A_103 = tpu.vector_load_idx %arg16[%get3A_102] : memref<10240xf32, #tpu.memory_space<vmem>>[vector<16xi32>], vector<16xf32>,
    %gather3A_104 = tpu.vector_load_idx %arg17[%get3A_102] : memref<10240xf32, #tpu.memory_space<vmem>>[vector<16xi32>], vector<16xf32>,
    %add3A_105 = arith.addf %gather3A_103, %gather3A_104 : vector<16xf32>
    %swap3A_106 = arith.constant 0 : i32
    %swap3A_107 = arith.index_cast %swap3A_106 : i32 to index
    %swap3A_108 = arith.constant 96 : index
    %swap3A_109 = tpu.vector_load %arg18[%swap3A_107, %swap3A_108] {strides = array<i32>} : memref<2x128xf32, #tpu.memory_space<vmem>>, vector<16xf32>,
    tpu.vector_store %arg18[%swap3A_107, %swap3A_108], %add3A_105 {strides = array<i32>} : memref<2x128xf32, #tpu.memory_space<vmem>>, vector<16xf32>,
    %get3A_110 = arith.constant 0 : i32
    %get3A_111 = arith.index_cast %get3A_110 : i32 to index
    %get3A_112 = arith.constant 112 : index
    %get3A_113 = tpu.vector_load %arg12[%get3A_111, %get3A_112] {strides = array<i32>} : memref<2x128xi32, #tpu.memory_space<vmem>>, vector<16xi32>,
    %gather3A_114 = tpu.vector_load_idx %arg16[%get3A_113] : memref<10240xf32, #tpu.memory_space<vmem>>[vector<16xi32>], vector<16xf32>,
    %gather3A_115 = tpu.vector_load_idx %arg17[%get3A_113] : memref<10240xf32, #tpu.memory_space<vmem>>[vector<16xi32>], vector<16xf32>,
    %add3A_116 = arith.addf %gather3A_114, %gather3A_115 : vector<16xf32>
    %swap3A_117 = arith.constant 0 : i32
    %swap3A_118 = arith.index_cast %swap3A_117 : i32 to index
    %swap3A_119 = arith.constant 112 : index
    %swap3A_120 = tpu.vector_load %arg18[%swap3A_118, %swap3A_119] {strides = array<i32>} : memref<2x128xf32, #tpu.memory_space<vmem>>, vector<16xf32>,
    tpu.vector_store %arg18[%swap3A_118, %swap3A_119], %add3A_116 {strides = array<i32>} : memref<2x128xf32, #tpu.memory_space<vmem>>, vector<16xf32>,
    %dma_wait3A = arith.constant 0 : i32
    %dma_wait3A_121 = arith.constant 0 : i32
    %dma_wait3A_122 = arith.constant 0 : i32
    %dma_wait3A_123 = tpu.memref_slice %arg12[%dma_wait3A, %dma_wait3A_122] : memref<2x128xi32, #tpu.memory_space<vmem>> -> memref<1x128xi32, #tpu.memory_space<vmem>>
    %dma_wait3A_124 = tpu.memref_squeeze %dma_wait3A_123 : memref<1x128xi32, #tpu.memory_space<vmem>> -> memref<128xi32, #tpu.memory_space<vmem>>
    %dma_wait3A_125 = arith.constant 0 : i32
    %dma_wait3A_126 = arith.constant 0 : i32
    %dma_wait3A_127 = tpu.memref_slice %arg3[%dma_wait3A_125, %dma_wait3A_126] : memref<10000x128xf32, #tpu.memory_space<hbm>> -> memref<10000x128xf32, #tpu.memory_space<hbm>>
    %dma_wait3A_128 = tpu.memref_slice %arg19[%dma_wait3A_121] : memref<3x!tpu.dma_semaphore, #tpu.memory_space<semaphore_mem>> -> memref<1x!tpu.dma_semaphore, #tpu.memory_space<semaphore_mem>>
    %dma_wait3A_129 = tpu.memref_squeeze %dma_wait3A_128 : memref<1x!tpu.dma_semaphore, #tpu.memory_space<semaphore_mem>> -> memref<!tpu.dma_semaphore, #tpu.memory_space<semaphore_mem>>
    tpu.wait_indirect_dma semaphore(%dma_wait3A_129 : memref<!tpu.dma_semaphore, #tpu.memory_space<semaphore_mem>>) src(%dma_wait3A_127 : memref<10000x128xf32, #tpu.memory_space<hbm>>) dst(%arg13 : memref<128x128xf32, #tpu.memory_space<vmem>>)
    %dma_wait3A_130 = arith.constant 0 : i32
    %dma_wait3A_131 = arith.constant 1 : i32
    %dma_wait3A_132 = arith.constant 0 : i32
    %dma_wait3A_133 = tpu.memref_slice %arg12[%dma_wait3A_130, %dma_wait3A_132] : memref<2x128xi32, #tpu.memory_space<vmem>> -> memref<1x128xi32, #tpu.memory_space<vmem>>
    %dma_wait3A_134 = tpu.memref_squeeze %dma_wait3A_133 : memref<1x128xi32, #tpu.memory_space<vmem>> -> memref<128xi32, #tpu.memory_space<vmem>>
    %dma_wait3A_135 = arith.constant 0 : i32
    %dma_wait3A_136 = arith.constant 0 : i32
    %dma_wait3A_137 = tpu.memref_slice %arg4[%dma_wait3A_135, %dma_wait3A_136] : memref<10240x128xf32, #tpu.memory_space<hbm>> -> memref<10240x128xf32, #tpu.memory_space<hbm>>
    %dma_wait3A_138 = tpu.memref_slice %arg19[%dma_wait3A_131] : memref<3x!tpu.dma_semaphore, #tpu.memory_space<semaphore_mem>> -> memref<1x!tpu.dma_semaphore, #tpu.memory_space<semaphore_mem>>
    %dma_wait3A_139 = tpu.memref_squeeze %dma_wait3A_138 : memref<1x!tpu.dma_semaphore, #tpu.memory_space<semaphore_mem>> -> memref<!tpu.dma_semaphore, #tpu.memory_space<semaphore_mem>>
    tpu.wait_indirect_dma semaphore(%dma_wait3A_139 : memref<!tpu.dma_semaphore, #tpu.memory_space<semaphore_mem>>) src(%dma_wait3A_137 : memref<10240x128xf32, #tpu.memory_space<hbm>>) dst(%arg14 : memref<128x128xf32, #tpu.memory_space<vmem>>)
    %dma_wait3A_140 = arith.constant 0 : i32
    %dma_wait3A_141 = arith.constant 2 : i32
    %dma_wait3A_142 = arith.constant 0 : i32
    %dma_wait3A_143 = tpu.memref_slice %arg12[%dma_wait3A_140, %dma_wait3A_142] : memref<2x128xi32, #tpu.memory_space<vmem>> -> memref<1x128xi32, #tpu.memory_space<vmem>>
    %dma_wait3A_144 = tpu.memref_squeeze %dma_wait3A_143 : memref<1x128xi32, #tpu.memory_space<vmem>> -> memref<128xi32, #tpu.memory_space<vmem>>
    %dma_wait3A_145 = arith.constant 0 : i32
    %dma_wait3A_146 = arith.constant 0 : i32
    %dma_wait3A_147 = tpu.memref_slice %arg5[%dma_wait3A_145, %dma_wait3A_146] : memref<10240x128xf32, #tpu.memory_space<hbm>> -> memref<10240x128xf32, #tpu.memory_space<hbm>>
    %dma_wait3A_148 = tpu.memref_slice %arg19[%dma_wait3A_141] : memref<3x!tpu.dma_semaphore, #tpu.memory_space<semaphore_mem>> -> memref<1x!tpu.dma_semaphore, #tpu.memory_space<semaphore_mem>>
    %dma_wait3A_149 = tpu.memref_squeeze %dma_wait3A_148 : memref<1x!tpu.dma_semaphore, #tpu.memory_space<semaphore_mem>> -> memref<!tpu.dma_semaphore, #tpu.memory_space<semaphore_mem>>
    tpu.wait_indirect_dma semaphore(%dma_wait3A_149 : memref<!tpu.dma_semaphore, #tpu.memory_space<semaphore_mem>>) src(%dma_wait3A_147 : memref<10240x128xf32, #tpu.memory_space<hbm>>) dst(%arg15 : memref<128x128xf32, #tpu.memory_space<vmem>>)
    "tpu.region"() ({
      %run_scoped3A = tpu.sem_alloc : memref<!tpu.dma_semaphore, #tpu.memory_space<semaphore_mem>>
      %dma_start3A_304 = arith.constant 0 : i32
      %dma_start3A_305 = tpu.memref_slice %arg8[%add3A_6, %dma_start3A_304] : memref<8192x128xf32, #tpu.memory_space<hbm>> -> memref<128x128xf32, #tpu.memory_space<hbm>>
      %dma_start3A_306 = arith.constant 0 : i32
      %dma_start3A_307 = tpu.memref_slice %arg8[%add3A_6, %dma_start3A_306] : memref<8192x128xf32, #tpu.memory_space<hbm>> -> memref<128x128xf32, #tpu.memory_space<hbm>>
      tpu.enqueue_dma source(%arg13 : memref<128x128xf32, #tpu.memory_space<vmem>>) target(%dma_start3A_307 : memref<128x128xf32, #tpu.memory_space<hbm>>) target_semaphore(%run_scoped3A : memref<!tpu.dma_semaphore, #tpu.memory_space<semaphore_mem>>)
      %dma_wait3A_308 = arith.constant 0 : i32
      %dma_wait3A_309 = tpu.memref_slice %arg8[%add3A_6, %dma_wait3A_308] : memref<8192x128xf32, #tpu.memory_space<hbm>> -> memref<128x128xf32, #tpu.memory_space<hbm>>
      %dma_wait3A_310 = arith.constant 0 : i32
      %dma_wait3A_311 = tpu.memref_slice %arg8[%add3A_6, %dma_wait3A_310] : memref<8192x128xf32, #tpu.memory_space<hbm>> -> memref<128x128xf32, #tpu.memory_space<hbm>>
      tpu.wait_dma2 semaphore(%run_scoped3A : memref<!tpu.dma_semaphore, #tpu.memory_space<semaphore_mem>>) src(%arg13 : memref<128x128xf32, #tpu.memory_space<vmem>>) dst(%dma_wait3A_311 : memref<128x128xf32, #tpu.memory_space<hbm>>)
      tpu.yield
    }) : () -> ()
    "tpu.region"() ({
      %run_scoped3A = tpu.sem_alloc : memref<!tpu.dma_semaphore, #tpu.memory_space<semaphore_mem>>
      %dma_start3A_304 = arith.constant 0 : i32
      %dma_start3A_305 = tpu.memref_slice %arg9[%add3A_6, %dma_start3A_304] : memref<8192x128xf32, #tpu.memory_space<hbm>> -> memref<128x128xf32, #tpu.memory_space<hbm>>
      %dma_start3A_306 = arith.constant 0 : i32
      %dma_start3A_307 = tpu.memref_slice %arg9[%add3A_6, %dma_start3A_306] : memref<8192x128xf32, #tpu.memory_space<hbm>> -> memref<128x128xf32, #tpu.memory_space<hbm>>
      tpu.enqueue_dma source(%arg14 : memref<128x128xf32, #tpu.memory_space<vmem>>) target(%dma_start3A_307 : memref<128x128xf32, #tpu.memory_space<hbm>>) target_semaphore(%run_scoped3A : memref<!tpu.dma_semaphore, #tpu.memory_space<semaphore_mem>>)
      %dma_wait3A_308 = arith.constant 0 : i32
      %dma_wait3A_309 = tpu.memref_slice %arg9[%add3A_6, %dma_wait3A_308] : memref<8192x128xf32, #tpu.memory_space<hbm>> -> memref<128x128xf32, #tpu.memory_space<hbm>>
      %dma_wait3A_310 = arith.constant 0 : i32
      %dma_wait3A_311 = tpu.memref_slice %arg9[%add3A_6, %dma_wait3A_310] : memref<8192x128xf32, #tpu.memory_space<hbm>> -> memref<128x128xf32, #tpu.memory_space<hbm>>
      tpu.wait_dma2 semaphore(%run_scoped3A : memref<!tpu.dma_semaphore, #tpu.memory_space<semaphore_mem>>) src(%arg14 : memref<128x128xf32, #tpu.memory_space<vmem>>) dst(%dma_wait3A_311 : memref<128x128xf32, #tpu.memory_space<hbm>>)
      tpu.yield
    }) : () -> ()
    "tpu.region"() ({
      %run_scoped3A = tpu.sem_alloc : memref<!tpu.dma_semaphore, #tpu.memory_space<semaphore_mem>>
      %dma_start3A_304 = arith.constant 0 : i32
      %dma_start3A_305 = tpu.memref_slice %arg10[%add3A_6, %dma_start3A_304] : memref<8192x128xf32, #tpu.memory_space<hbm>> -> memref<128x128xf32, #tpu.memory_space<hbm>>
      %dma_start3A_306 = arith.constant 0 : i32
      %dma_start3A_307 = tpu.memref_slice %arg10[%add3A_6, %dma_start3A_306] : memref<8192x128xf32, #tpu.memory_space<hbm>> -> memref<128x128xf32, #tpu.memory_space<hbm>>
      tpu.enqueue_dma source(%arg15 : memref<128x128xf32, #tpu.memory_space<vmem>>) target(%dma_start3A_307 : memref<128x128xf32, #tpu.memory_space<hbm>>) target_semaphore(%run_scoped3A : memref<!tpu.dma_semaphore, #tpu.memory_space<semaphore_mem>>)
      %dma_wait3A_308 = arith.constant 0 : i32
      %dma_wait3A_309 = tpu.memref_slice %arg10[%add3A_6, %dma_wait3A_308] : memref<8192x128xf32, #tpu.memory_space<hbm>> -> memref<128x128xf32, #tpu.memory_space<hbm>>
      %dma_wait3A_310 = arith.constant 0 : i32
      %dma_wait3A_311 = tpu.memref_slice %arg10[%add3A_6, %dma_wait3A_310] : memref<8192x128xf32, #tpu.memory_space<hbm>> -> memref<128x128xf32, #tpu.memory_space<hbm>>
      tpu.wait_dma2 semaphore(%run_scoped3A : memref<!tpu.dma_semaphore, #tpu.memory_space<semaphore_mem>>) src(%arg15 : memref<128x128xf32, #tpu.memory_space<vmem>>) dst(%dma_wait3A_311 : memref<128x128xf32, #tpu.memory_space<hbm>>)
      tpu.yield
    }) : () -> ()
    %mul3A_150 = arith.constant 2 : i32
    %mul3A_151 = arith.muli %add3A, %mul3A_150 : i32
    %mul3A_152 = arith.constant 128 : i32
    %mul3A_153 = arith.muli %mul3A_151, %mul3A_152 : i32
    %add3A_154 = arith.constant 128 : i32
    %add3A_155 = arith.addi %mul3A_153, %add3A_154 : i32
    %dma_start3A_156 = arith.constant 1 : i32
    %dma_start3A_157 = arith.constant 0 : i32
    %dma_start3A_158 = arith.constant 0 : i32
    %dma_start3A_159 = tpu.memref_slice %arg12[%dma_start3A_156, %dma_start3A_158] : memref<2x128xi32, #tpu.memory_space<vmem>> -> memref<1x128xi32, #tpu.memory_space<vmem>>
    %dma_start3A_160 = tpu.memref_squeeze %dma_start3A_159 : memref<1x128xi32, #tpu.memory_space<vmem>> -> memref<128xi32, #tpu.memory_space<vmem>>
    %dma_start3A_161 = arith.constant 0 : i32
    %dma_start3A_162 = arith.constant 0 : i32
    %dma_start3A_163 = tpu.memref_slice %arg3[%dma_start3A_161, %dma_start3A_162] : memref<10000x128xf32, #tpu.memory_space<hbm>> -> memref<10000x128xf32, #tpu.memory_space<hbm>>
    %dma_start3A_164 = tpu.memref_slice %arg19[%dma_start3A_157] : memref<3x!tpu.dma_semaphore, #tpu.memory_space<semaphore_mem>> -> memref<1x!tpu.dma_semaphore, #tpu.memory_space<semaphore_mem>>
    %dma_start3A_165 = tpu.memref_squeeze %dma_start3A_164 : memref<1x!tpu.dma_semaphore, #tpu.memory_space<semaphore_mem>> -> memref<!tpu.dma_semaphore, #tpu.memory_space<semaphore_mem>>
    tpu.enqueue_indirect_dma source(%dma_start3A_163 : memref<10000x128xf32, #tpu.memory_space<hbm>>) target(%arg13 : memref<128x128xf32, #tpu.memory_space<vmem>>) offsets(%dma_start3A_160 : memref<128xi32, #tpu.memory_space<vmem>>) semaphore(%dma_start3A_165 : memref<!tpu.dma_semaphore, #tpu.memory_space<semaphore_mem>>)
    %dma_start3A_166 = arith.constant 1 : i32
    %dma_start3A_167 = arith.constant 1 : i32
    %dma_start3A_168 = arith.constant 0 : i32
    %dma_start3A_169 = tpu.memref_slice %arg12[%dma_start3A_166, %dma_start3A_168] : memref<2x128xi32, #tpu.memory_space<vmem>> -> memref<1x128xi32, #tpu.memory_space<vmem>>
    %dma_start3A_170 = tpu.memref_squeeze %dma_start3A_169 : memref<1x128xi32, #tpu.memory_space<vmem>> -> memref<128xi32, #tpu.memory_space<vmem>>
    %dma_start3A_171 = arith.constant 0 : i32
    %dma_start3A_172 = arith.constant 0 : i32
    %dma_start3A_173 = tpu.memref_slice %arg4[%dma_start3A_171, %dma_start3A_172] : memref<10240x128xf32, #tpu.memory_space<hbm>> -> memref<10240x128xf32, #tpu.memory_space<hbm>>
    %dma_start3A_174 = tpu.memref_slice %arg19[%dma_start3A_167] : memref<3x!tpu.dma_semaphore, #tpu.memory_space<semaphore_mem>> -> memref<1x!tpu.dma_semaphore, #tpu.memory_space<semaphore_mem>>
    %dma_start3A_175 = tpu.memref_squeeze %dma_start3A_174 : memref<1x!tpu.dma_semaphore, #tpu.memory_space<semaphore_mem>> -> memref<!tpu.dma_semaphore, #tpu.memory_space<semaphore_mem>>
    tpu.enqueue_indirect_dma source(%dma_start3A_173 : memref<10240x128xf32, #tpu.memory_space<hbm>>) target(%arg14 : memref<128x128xf32, #tpu.memory_space<vmem>>) offsets(%dma_start3A_170 : memref<128xi32, #tpu.memory_space<vmem>>) semaphore(%dma_start3A_175 : memref<!tpu.dma_semaphore, #tpu.memory_space<semaphore_mem>>)
    %dma_start3A_176 = arith.constant 1 : i32
    %dma_start3A_177 = arith.constant 2 : i32
    %dma_start3A_178 = arith.constant 0 : i32
    %dma_start3A_179 = tpu.memref_slice %arg12[%dma_start3A_176, %dma_start3A_178] : memref<2x128xi32, #tpu.memory_space<vmem>> -> memref<1x128xi32, #tpu.memory_space<vmem>>
    %dma_start3A_180 = tpu.memref_squeeze %dma_start3A_179 : memref<1x128xi32, #tpu.memory_space<vmem>> -> memref<128xi32, #tpu.memory_space<vmem>>
    %dma_start3A_181 = arith.constant 0 : i32
    %dma_start3A_182 = arith.constant 0 : i32
    %dma_start3A_183 = tpu.memref_slice %arg5[%dma_start3A_181, %dma_start3A_182] : memref<10240x128xf32, #tpu.memory_space<hbm>> -> memref<10240x128xf32, #tpu.memory_space<hbm>>
    %dma_start3A_184 = tpu.memref_slice %arg19[%dma_start3A_177] : memref<3x!tpu.dma_semaphore, #tpu.memory_space<semaphore_mem>> -> memref<1x!tpu.dma_semaphore, #tpu.memory_space<semaphore_mem>>
    %dma_start3A_185 = tpu.memref_squeeze %dma_start3A_184 : memref<1x!tpu.dma_semaphore, #tpu.memory_space<semaphore_mem>> -> memref<!tpu.dma_semaphore, #tpu.memory_space<semaphore_mem>>
    tpu.enqueue_indirect_dma source(%dma_start3A_183 : memref<10240x128xf32, #tpu.memory_space<hbm>>) target(%arg15 : memref<128x128xf32, #tpu.memory_space<vmem>>) offsets(%dma_start3A_180 : memref<128xi32, #tpu.memory_space<vmem>>) semaphore(%dma_start3A_185 : memref<!tpu.dma_semaphore, #tpu.memory_space<semaphore_mem>>)
    %get3A_186 = arith.constant 1 : i32
    %get3A_187 = arith.index_cast %get3A_186 : i32 to index
    %get3A_188 = arith.constant 0 : index
    %get3A_189 = tpu.vector_load %arg12[%get3A_187, %get3A_188] {strides = array<i32>} : memref<2x128xi32, #tpu.memory_space<vmem>>, vector<16xi32>,
    %gather3A_190 = tpu.vector_load_idx %arg16[%get3A_189] : memref<10240xf32, #tpu.memory_space<vmem>>[vector<16xi32>], vector<16xf32>,
    %gather3A_191 = tpu.vector_load_idx %arg17[%get3A_189] : memref<10240xf32, #tpu.memory_space<vmem>>[vector<16xi32>], vector<16xf32>,
    %add3A_192 = arith.addf %gather3A_190, %gather3A_191 : vector<16xf32>
    %swap3A_193 = arith.constant 1 : i32
    %swap3A_194 = arith.index_cast %swap3A_193 : i32 to index
    %swap3A_195 = arith.constant 0 : index
    %swap3A_196 = tpu.vector_load %arg18[%swap3A_194, %swap3A_195] {strides = array<i32>} : memref<2x128xf32, #tpu.memory_space<vmem>>, vector<16xf32>,
    tpu.vector_store %arg18[%swap3A_194, %swap3A_195], %add3A_192 {strides = array<i32>} : memref<2x128xf32, #tpu.memory_space<vmem>>, vector<16xf32>,
    %get3A_197 = arith.constant 1 : i32
    %get3A_198 = arith.index_cast %get3A_197 : i32 to index
    %get3A_199 = arith.constant 16 : index
    %get3A_200 = tpu.vector_load %arg12[%get3A_198, %get3A_199] {strides = array<i32>} : memref<2x128xi32, #tpu.memory_space<vmem>>, vector<16xi32>,
    %gather3A_201 = tpu.vector_load_idx %arg16[%get3A_200] : memref<10240xf32, #tpu.memory_space<vmem>>[vector<16xi32>], vector<16xf32>,
    %gather3A_202 = tpu.vector_load_idx %arg17[%get3A_200] : memref<10240xf32, #tpu.memory_space<vmem>>[vector<16xi32>], vector<16xf32>,
    %add3A_203 = arith.addf %gather3A_201, %gather3A_202 : vector<16xf32>
    %swap3A_204 = arith.constant 1 : i32
    %swap3A_205 = arith.index_cast %swap3A_204 : i32 to index
    %swap3A_206 = arith.constant 16 : index
    %swap3A_207 = tpu.vector_load %arg18[%swap3A_205, %swap3A_206] {strides = array<i32>} : memref<2x128xf32, #tpu.memory_space<vmem>>, vector<16xf32>,
    tpu.vector_store %arg18[%swap3A_205, %swap3A_206], %add3A_203 {strides = array<i32>} : memref<2x128xf32, #tpu.memory_space<vmem>>, vector<16xf32>,
    %get3A_208 = arith.constant 1 : i32
    %get3A_209 = arith.index_cast %get3A_208 : i32 to index
    %get3A_210 = arith.constant 32 : index
    %get3A_211 = tpu.vector_load %arg12[%get3A_209, %get3A_210] {strides = array<i32>} : memref<2x128xi32, #tpu.memory_space<vmem>>, vector<16xi32>,
    %gather3A_212 = tpu.vector_load_idx %arg16[%get3A_211] : memref<10240xf32, #tpu.memory_space<vmem>>[vector<16xi32>], vector<16xf32>,
    %gather3A_213 = tpu.vector_load_idx %arg17[%get3A_211] : memref<10240xf32, #tpu.memory_space<vmem>>[vector<16xi32>], vector<16xf32>,
    %add3A_214 = arith.addf %gather3A_212, %gather3A_213 : vector<16xf32>
    %swap3A_215 = arith.constant 1 : i32
    %swap3A_216 = arith.index_cast %swap3A_215 : i32 to index
    %swap3A_217 = arith.constant 32 : index
    %swap3A_218 = tpu.vector_load %arg18[%swap3A_216, %swap3A_217] {strides = array<i32>} : memref<2x128xf32, #tpu.memory_space<vmem>>, vector<16xf32>,
    tpu.vector_store %arg18[%swap3A_216, %swap3A_217], %add3A_214 {strides = array<i32>} : memref<2x128xf32, #tpu.memory_space<vmem>>, vector<16xf32>,
    %get3A_219 = arith.constant 1 : i32
    %get3A_220 = arith.index_cast %get3A_219 : i32 to index
    %get3A_221 = arith.constant 48 : index
    %get3A_222 = tpu.vector_load %arg12[%get3A_220, %get3A_221] {strides = array<i32>} : memref<2x128xi32, #tpu.memory_space<vmem>>, vector<16xi32>,
    %gather3A_223 = tpu.vector_load_idx %arg16[%get3A_222] : memref<10240xf32, #tpu.memory_space<vmem>>[vector<16xi32>], vector<16xf32>,
    %gather3A_224 = tpu.vector_load_idx %arg17[%get3A_222] : memref<10240xf32, #tpu.memory_space<vmem>>[vector<16xi32>], vector<16xf32>,
    %add3A_225 = arith.addf %gather3A_223, %gather3A_224 : vector<16xf32>
    %swap3A_226 = arith.constant 1 : i32
    %swap3A_227 = arith.index_cast %swap3A_226 : i32 to index
    %swap3A_228 = arith.constant 48 : index
    %swap3A_229 = tpu.vector_load %arg18[%swap3A_227, %swap3A_228] {strides = array<i32>} : memref<2x128xf32, #tpu.memory_space<vmem>>, vector<16xf32>,
    tpu.vector_store %arg18[%swap3A_227, %swap3A_228], %add3A_225 {strides = array<i32>} : memref<2x128xf32, #tpu.memory_space<vmem>>, vector<16xf32>,
    %get3A_230 = arith.constant 1 : i32
    %get3A_231 = arith.index_cast %get3A_230 : i32 to index
    %get3A_232 = arith.constant 64 : index
    %get3A_233 = tpu.vector_load %arg12[%get3A_231, %get3A_232] {strides = array<i32>} : memref<2x128xi32, #tpu.memory_space<vmem>>, vector<16xi32>,
    %gather3A_234 = tpu.vector_load_idx %arg16[%get3A_233] : memref<10240xf32, #tpu.memory_space<vmem>>[vector<16xi32>], vector<16xf32>,
    %gather3A_235 = tpu.vector_load_idx %arg17[%get3A_233] : memref<10240xf32, #tpu.memory_space<vmem>>[vector<16xi32>], vector<16xf32>,
    %add3A_236 = arith.addf %gather3A_234, %gather3A_235 : vector<16xf32>
    %swap3A_237 = arith.constant 1 : i32
    %swap3A_238 = arith.index_cast %swap3A_237 : i32 to index
    %swap3A_239 = arith.constant 64 : index
    %swap3A_240 = tpu.vector_load %arg18[%swap3A_238, %swap3A_239] {strides = array<i32>} : memref<2x128xf32, #tpu.memory_space<vmem>>, vector<16xf32>,
    tpu.vector_store %arg18[%swap3A_238, %swap3A_239], %add3A_236 {strides = array<i32>} : memref<2x128xf32, #tpu.memory_space<vmem>>, vector<16xf32>,
    %get3A_241 = arith.constant 1 : i32
    %get3A_242 = arith.index_cast %get3A_241 : i32 to index
    %get3A_243 = arith.constant 80 : index
    %get3A_244 = tpu.vector_load %arg12[%get3A_242, %get3A_243] {strides = array<i32>} : memref<2x128xi32, #tpu.memory_space<vmem>>, vector<16xi32>,
    %gather3A_245 = tpu.vector_load_idx %arg16[%get3A_244] : memref<10240xf32, #tpu.memory_space<vmem>>[vector<16xi32>], vector<16xf32>,
    %gather3A_246 = tpu.vector_load_idx %arg17[%get3A_244] : memref<10240xf32, #tpu.memory_space<vmem>>[vector<16xi32>], vector<16xf32>,
    %add3A_247 = arith.addf %gather3A_245, %gather3A_246 : vector<16xf32>
    %swap3A_248 = arith.constant 1 : i32
    %swap3A_249 = arith.index_cast %swap3A_248 : i32 to index
    %swap3A_250 = arith.constant 80 : index
    %swap3A_251 = tpu.vector_load %arg18[%swap3A_249, %swap3A_250] {strides = array<i32>} : memref<2x128xf32, #tpu.memory_space<vmem>>, vector<16xf32>,
    tpu.vector_store %arg18[%swap3A_249, %swap3A_250], %add3A_247 {strides = array<i32>} : memref<2x128xf32, #tpu.memory_space<vmem>>, vector<16xf32>,
    %get3A_252 = arith.constant 1 : i32
    %get3A_253 = arith.index_cast %get3A_252 : i32 to index
    %get3A_254 = arith.constant 96 : index
    %get3A_255 = tpu.vector_load %arg12[%get3A_253, %get3A_254] {strides = array<i32>} : memref<2x128xi32, #tpu.memory_space<vmem>>, vector<16xi32>,
    %gather3A_256 = tpu.vector_load_idx %arg16[%get3A_255] : memref<10240xf32, #tpu.memory_space<vmem>>[vector<16xi32>], vector<16xf32>,
    %gather3A_257 = tpu.vector_load_idx %arg17[%get3A_255] : memref<10240xf32, #tpu.memory_space<vmem>>[vector<16xi32>], vector<16xf32>,
    %add3A_258 = arith.addf %gather3A_256, %gather3A_257 : vector<16xf32>
    %swap3A_259 = arith.constant 1 : i32
    %swap3A_260 = arith.index_cast %swap3A_259 : i32 to index
    %swap3A_261 = arith.constant 96 : index
    %swap3A_262 = tpu.vector_load %arg18[%swap3A_260, %swap3A_261] {strides = array<i32>} : memref<2x128xf32, #tpu.memory_space<vmem>>, vector<16xf32>,
    tpu.vector_store %arg18[%swap3A_260, %swap3A_261], %add3A_258 {strides = array<i32>} : memref<2x128xf32, #tpu.memory_space<vmem>>, vector<16xf32>,
    %get3A_263 = arith.constant 1 : i32
    %get3A_264 = arith.index_cast %get3A_263 : i32 to index
    %get3A_265 = arith.constant 112 : index
    %get3A_266 = tpu.vector_load %arg12[%get3A_264, %get3A_265] {strides = array<i32>} : memref<2x128xi32, #tpu.memory_space<vmem>>, vector<16xi32>,
    %gather3A_267 = tpu.vector_load_idx %arg16[%get3A_266] : memref<10240xf32, #tpu.memory_space<vmem>>[vector<16xi32>], vector<16xf32>,
    %gather3A_268 = tpu.vector_load_idx %arg17[%get3A_266] : memref<10240xf32, #tpu.memory_space<vmem>>[vector<16xi32>], vector<16xf32>,
    %add3A_269 = arith.addf %gather3A_267, %gather3A_268 : vector<16xf32>
    %swap3A_270 = arith.constant 1 : i32
    %swap3A_271 = arith.index_cast %swap3A_270 : i32 to index
    %swap3A_272 = arith.constant 112 : index
    %swap3A_273 = tpu.vector_load %arg18[%swap3A_271, %swap3A_272] {strides = array<i32>} : memref<2x128xf32, #tpu.memory_space<vmem>>, vector<16xf32>,
    tpu.vector_store %arg18[%swap3A_271, %swap3A_272], %add3A_269 {strides = array<i32>} : memref<2x128xf32, #tpu.memory_space<vmem>>, vector<16xf32>,
    %dma_wait3A_274 = arith.constant 1 : i32
    %dma_wait3A_275 = arith.constant 0 : i32
    %dma_wait3A_276 = arith.constant 0 : i32
    %dma_wait3A_277 = tpu.memref_slice %arg12[%dma_wait3A_274, %dma_wait3A_276] : memref<2x128xi32, #tpu.memory_space<vmem>> -> memref<1x128xi32, #tpu.memory_space<vmem>>
    %dma_wait3A_278 = tpu.memref_squeeze %dma_wait3A_277 : memref<1x128xi32, #tpu.memory_space<vmem>> -> memref<128xi32, #tpu.memory_space<vmem>>
    %dma_wait3A_279 = arith.constant 0 : i32
    %dma_wait3A_280 = arith.constant 0 : i32
    %dma_wait3A_281 = tpu.memref_slice %arg3[%dma_wait3A_279, %dma_wait3A_280] : memref<10000x128xf32, #tpu.memory_space<hbm>> -> memref<10000x128xf32, #tpu.memory_space<hbm>>
    %dma_wait3A_282 = tpu.memref_slice %arg19[%dma_wait3A_275] : memref<3x!tpu.dma_semaphore, #tpu.memory_space<semaphore_mem>> -> memref<1x!tpu.dma_semaphore, #tpu.memory_space<semaphore_mem>>
    %dma_wait3A_283 = tpu.memref_squeeze %dma_wait3A_282 : memref<1x!tpu.dma_semaphore, #tpu.memory_space<semaphore_mem>> -> memref<!tpu.dma_semaphore, #tpu.memory_space<semaphore_mem>>
    tpu.wait_indirect_dma semaphore(%dma_wait3A_283 : memref<!tpu.dma_semaphore, #tpu.memory_space<semaphore_mem>>) src(%dma_wait3A_281 : memref<10000x128xf32, #tpu.memory_space<hbm>>) dst(%arg13 : memref<128x128xf32, #tpu.memory_space<vmem>>)
    %dma_wait3A_284 = arith.constant 1 : i32
    %dma_wait3A_285 = arith.constant 1 : i32
    %dma_wait3A_286 = arith.constant 0 : i32
    %dma_wait3A_287 = tpu.memref_slice %arg12[%dma_wait3A_284, %dma_wait3A_286] : memref<2x128xi32, #tpu.memory_space<vmem>> -> memref<1x128xi32, #tpu.memory_space<vmem>>
    %dma_wait3A_288 = tpu.memref_squeeze %dma_wait3A_287 : memref<1x128xi32, #tpu.memory_space<vmem>> -> memref<128xi32, #tpu.memory_space<vmem>>
    %dma_wait3A_289 = arith.constant 0 : i32
    %dma_wait3A_290 = arith.constant 0 : i32
    %dma_wait3A_291 = tpu.memref_slice %arg4[%dma_wait3A_289, %dma_wait3A_290] : memref<10240x128xf32, #tpu.memory_space<hbm>> -> memref<10240x128xf32, #tpu.memory_space<hbm>>
    %dma_wait3A_292 = tpu.memref_slice %arg19[%dma_wait3A_285] : memref<3x!tpu.dma_semaphore, #tpu.memory_space<semaphore_mem>> -> memref<1x!tpu.dma_semaphore, #tpu.memory_space<semaphore_mem>>
    %dma_wait3A_293 = tpu.memref_squeeze %dma_wait3A_292 : memref<1x!tpu.dma_semaphore, #tpu.memory_space<semaphore_mem>> -> memref<!tpu.dma_semaphore, #tpu.memory_space<semaphore_mem>>
    tpu.wait_indirect_dma semaphore(%dma_wait3A_293 : memref<!tpu.dma_semaphore, #tpu.memory_space<semaphore_mem>>) src(%dma_wait3A_291 : memref<10240x128xf32, #tpu.memory_space<hbm>>) dst(%arg14 : memref<128x128xf32, #tpu.memory_space<vmem>>)
    %dma_wait3A_294 = arith.constant 1 : i32
    %dma_wait3A_295 = arith.constant 2 : i32
    %dma_wait3A_296 = arith.constant 0 : i32
    %dma_wait3A_297 = tpu.memref_slice %arg12[%dma_wait3A_294, %dma_wait3A_296] : memref<2x128xi32, #tpu.memory_space<vmem>> -> memref<1x128xi32, #tpu.memory_space<vmem>>
    %dma_wait3A_298 = tpu.memref_squeeze %dma_wait3A_297 : memref<1x128xi32, #tpu.memory_space<vmem>> -> memref<128xi32, #tpu.memory_space<vmem>>
    %dma_wait3A_299 = arith.constant 0 : i32
    %dma_wait3A_300 = arith.constant 0 : i32
    %dma_wait3A_301 = tpu.memref_slice %arg5[%dma_wait3A_299, %dma_wait3A_300] : memref<10240x128xf32, #tpu.memory_space<hbm>> -> memref<10240x128xf32, #tpu.memory_space<hbm>>
    %dma_wait3A_302 = tpu.memref_slice %arg19[%dma_wait3A_295] : memref<3x!tpu.dma_semaphore, #tpu.memory_space<semaphore_mem>> -> memref<1x!tpu.dma_semaphore, #tpu.memory_space<semaphore_mem>>
    %dma_wait3A_303 = tpu.memref_squeeze %dma_wait3A_302 : memref<1x!tpu.dma_semaphore, #tpu.memory_space<semaphore_mem>> -> memref<!tpu.dma_semaphore, #tpu.memory_space<semaphore_mem>>
    tpu.wait_indirect_dma semaphore(%dma_wait3A_303 : memref<!tpu.dma_semaphore, #tpu.memory_space<semaphore_mem>>) src(%dma_wait3A_301 : memref<10240x128xf32, #tpu.memory_space<hbm>>) dst(%arg15 : memref<128x128xf32, #tpu.memory_space<vmem>>)
    "tpu.region"() ({
      %run_scoped3A = tpu.sem_alloc : memref<!tpu.dma_semaphore, #tpu.memory_space<semaphore_mem>>
      %dma_start3A_304 = arith.constant 0 : i32
      %dma_start3A_305 = tpu.memref_slice %arg8[%add3A_155, %dma_start3A_304] : memref<8192x128xf32, #tpu.memory_space<hbm>> -> memref<128x128xf32, #tpu.memory_space<hbm>>
      %dma_start3A_306 = arith.constant 0 : i32
      %dma_start3A_307 = tpu.memref_slice %arg8[%add3A_155, %dma_start3A_306] : memref<8192x128xf32, #tpu.memory_space<hbm>> -> memref<128x128xf32, #tpu.memory_space<hbm>>
      tpu.enqueue_dma source(%arg13 : memref<128x128xf32, #tpu.memory_space<vmem>>) target(%dma_start3A_307 : memref<128x128xf32, #tpu.memory_space<hbm>>) target_semaphore(%run_scoped3A : memref<!tpu.dma_semaphore, #tpu.memory_space<semaphore_mem>>)
      %dma_wait3A_308 = arith.constant 0 : i32
      %dma_wait3A_309 = tpu.memref_slice %arg8[%add3A_155, %dma_wait3A_308] : memref<8192x128xf32, #tpu.memory_space<hbm>> -> memref<128x128xf32, #tpu.memory_space<hbm>>
      %dma_wait3A_310 = arith.constant 0 : i32
      %dma_wait3A_311 = tpu.memref_slice %arg8[%add3A_155, %dma_wait3A_310] : memref<8192x128xf32, #tpu.memory_space<hbm>> -> memref<128x128xf32, #tpu.memory_space<hbm>>
      tpu.wait_dma2 semaphore(%run_scoped3A : memref<!tpu.dma_semaphore, #tpu.memory_space<semaphore_mem>>) src(%arg13 : memref<128x128xf32, #tpu.memory_space<vmem>>) dst(%dma_wait3A_311 : memref<128x128xf32, #tpu.memory_space<hbm>>)
      tpu.yield
    }) : () -> ()
    "tpu.region"() ({
      %run_scoped3A = tpu.sem_alloc : memref<!tpu.dma_semaphore, #tpu.memory_space<semaphore_mem>>
      %dma_start3A_304 = arith.constant 0 : i32
      %dma_start3A_305 = tpu.memref_slice %arg9[%add3A_155, %dma_start3A_304] : memref<8192x128xf32, #tpu.memory_space<hbm>> -> memref<128x128xf32, #tpu.memory_space<hbm>>
      %dma_start3A_306 = arith.constant 0 : i32
      %dma_start3A_307 = tpu.memref_slice %arg9[%add3A_155, %dma_start3A_306] : memref<8192x128xf32, #tpu.memory_space<hbm>> -> memref<128x128xf32, #tpu.memory_space<hbm>>
      tpu.enqueue_dma source(%arg14 : memref<128x128xf32, #tpu.memory_space<vmem>>) target(%dma_start3A_307 : memref<128x128xf32, #tpu.memory_space<hbm>>) target_semaphore(%run_scoped3A : memref<!tpu.dma_semaphore, #tpu.memory_space<semaphore_mem>>)
      %dma_wait3A_308 = arith.constant 0 : i32
      %dma_wait3A_309 = tpu.memref_slice %arg9[%add3A_155, %dma_wait3A_308] : memref<8192x128xf32, #tpu.memory_space<hbm>> -> memref<128x128xf32, #tpu.memory_space<hbm>>
      %dma_wait3A_310 = arith.constant 0 : i32
      %dma_wait3A_311 = tpu.memref_slice %arg9[%add3A_155, %dma_wait3A_310] : memref<8192x128xf32, #tpu.memory_space<hbm>> -> memref<128x128xf32, #tpu.memory_space<hbm>>
      tpu.wait_dma2 semaphore(%run_scoped3A : memref<!tpu.dma_semaphore, #tpu.memory_space<semaphore_mem>>) src(%arg14 : memref<128x128xf32, #tpu.memory_space<vmem>>) dst(%dma_wait3A_311 : memref<128x128xf32, #tpu.memory_space<hbm>>)
      tpu.yield
    }) : () -> ()
    "tpu.region"() ({
      %run_scoped3A = tpu.sem_alloc : memref<!tpu.dma_semaphore, #tpu.memory_space<semaphore_mem>>
      %dma_start3A_304 = arith.constant 0 : i32
      %dma_start3A_305 = tpu.memref_slice %arg10[%add3A_155, %dma_start3A_304] : memref<8192x128xf32, #tpu.memory_space<hbm>> -> memref<128x128xf32, #tpu.memory_space<hbm>>
      %dma_start3A_306 = arith.constant 0 : i32
      %dma_start3A_307 = tpu.memref_slice %arg10[%add3A_155, %dma_start3A_306] : memref<8192x128xf32, #tpu.memory_space<hbm>> -> memref<128x128xf32, #tpu.memory_space<hbm>>
      tpu.enqueue_dma source(%arg15 : memref<128x128xf32, #tpu.memory_space<vmem>>) target(%dma_start3A_307 : memref<128x128xf32, #tpu.memory_space<hbm>>) target_semaphore(%run_scoped3A : memref<!tpu.dma_semaphore, #tpu.memory_space<semaphore_mem>>)
      %dma_wait3A_308 = arith.constant 0 : i32
      %dma_wait3A_309 = tpu.memref_slice %arg10[%add3A_155, %dma_wait3A_308] : memref<8192x128xf32, #tpu.memory_space<hbm>> -> memref<128x128xf32, #tpu.memory_space<hbm>>
      %dma_wait3A_310 = arith.constant 0 : i32
      %dma_wait3A_311 = tpu.memref_slice %arg10[%add3A_155, %dma_wait3A_310] : memref<8192x128xf32, #tpu.memory_space<hbm>> -> memref<128x128xf32, #tpu.memory_space<hbm>>
      tpu.wait_dma2 semaphore(%run_scoped3A : memref<!tpu.dma_semaphore, #tpu.memory_space<semaphore_mem>>) src(%arg15 : memref<128x128xf32, #tpu.memory_space<vmem>>) dst(%dma_wait3A_311 : memref<128x128xf32, #tpu.memory_space<hbm>>)
      tpu.yield
    }) : () -> ()
    "tpu.region"() ({
      %run_scoped3A = tpu.sem_alloc : memref<!tpu.dma_semaphore, #tpu.memory_space<semaphore_mem>>
      %dma_start3A_304 = arith.constant 0 : i32
      %dma_start3A_305 = arith.constant 0 : i32
      %dma_start3A_306 = tpu.memref_slice %arg11[%add3A, %dma_start3A_304, %dma_start3A_305] : memref<32x2x128xf32, #tpu.memory_space<hbm>> -> memref<1x2x128xf32, #tpu.memory_space<hbm>>
      %dma_start3A_307 = tpu.memref_squeeze %dma_start3A_306 : memref<1x2x128xf32, #tpu.memory_space<hbm>> -> memref<2x128xf32, #tpu.memory_space<hbm>>
      %dma_start3A_308 = arith.constant 0 : i32
      %dma_start3A_309 = arith.constant 0 : i32
      %dma_start3A_310 = tpu.memref_slice %arg11[%add3A, %dma_start3A_308, %dma_start3A_309] : memref<32x2x128xf32, #tpu.memory_space<hbm>> -> memref<1x2x128xf32, #tpu.memory_space<hbm>>
      %dma_start3A_311 = tpu.memref_squeeze %dma_start3A_310 : memref<1x2x128xf32, #tpu.memory_space<hbm>> -> memref<2x128xf32, #tpu.memory_space<hbm>>
      tpu.enqueue_dma source(%arg18 : memref<2x128xf32, #tpu.memory_space<vmem>>) target(%dma_start3A_311 : memref<2x128xf32, #tpu.memory_space<hbm>>) target_semaphore(%run_scoped3A : memref<!tpu.dma_semaphore, #tpu.memory_space<semaphore_mem>>)
      %dma_wait3A_312 = arith.constant 0 : i32
      %dma_wait3A_313 = arith.constant 0 : i32
      %dma_wait3A_314 = tpu.memref_slice %arg11[%add3A, %dma_wait3A_312, %dma_wait3A_313] : memref<32x2x128xf32, #tpu.memory_space<hbm>> -> memref<1x2x128xf32, #tpu.memory_space<hbm>>
      %dma_wait3A_315 = tpu.memref_squeeze %dma_wait3A_314 : memref<1x2x128xf32, #tpu.memory_space<hbm>> -> memref<2x128xf32, #tpu.memory_space<hbm>>
      %dma_wait3A_316 = arith.constant 0 : i32
      %dma_wait3A_317 = arith.constant 0 : i32
      %dma_wait3A_318 = tpu.memref_slice %arg11[%add3A, %dma_wait3A_316, %dma_wait3A_317] : memref<32x2x128xf32, #tpu.memory_space<hbm>> -> memref<1x2x128xf32, #tpu.memory_space<hbm>>
      %dma_wait3A_319 = tpu.memref_squeeze %dma_wait3A_318 : memref<1x2x128xf32, #tpu.memory_space<hbm>> -> memref<2x128xf32, #tpu.memory_space<hbm>>
      tpu.wait_dma2 semaphore(%run_scoped3A : memref<!tpu.dma_semaphore, #tpu.memory_space<semaphore_mem>>) src(%arg18 : memref<2x128xf32, #tpu.memory_space<vmem>>) dst(%dma_wait3A_319 : memref<2x128xf32, #tpu.memory_space<hbm>>)
      tpu.yield
    }) : () -> ()
    return
  }
}

#map = affine_map<(d0, d1) -> (0, 0, 0)>
#map1 = affine_map<(d0, d1) -> (0, 0)>
#map2 = affine_map<(d0, d1) -> (0)>
module attributes {stable_mosaic.version = 14 : i64} {
  func.func @_agg_body(%arg0: i32, %arg1: i32, %arg2: memref<32x80x128xi32, #tpu.memory_space<hbm>>, %arg3: memref<32x80x128xi32, #tpu.memory_space<hbm>>, %arg4: memref<10000x128xf32, #tpu.memory_space<hbm>>, %arg5: memref<10240x128xf32, #tpu.memory_space<hbm>>, %arg6: memref<10240x128xf32, #tpu.memory_space<hbm>>, %arg7: memref<10240xf32, #tpu.memory_space<hbm>>, %arg8: memref<10240xf32, #tpu.memory_space<hbm>>, %arg9: memref<4x128xi32, #tpu.memory_space<vmem>>, %arg10: memref<4x128xi32, #tpu.memory_space<vmem>>, %arg11: memref<32x128xf32, #tpu.memory_space<vmem>>, %arg12: memref<32x128xf32, #tpu.memory_space<vmem>>, %arg13: memref<32x128xf32, #tpu.memory_space<vmem>>, %arg14: memref<32x128xf32, #tpu.memory_space<vmem>>, %arg15: memref<32x128xf32, #tpu.memory_space<vmem>>, %arg16: memref<32x128xf32, #tpu.memory_space<vmem>>, %arg17: memref<32x128xf32, #tpu.memory_space<vmem>>, %arg18: memref<32x128xf32, #tpu.memory_space<vmem>>, %arg19: memref<128xf32, #tpu.memory_space<vmem>>, %arg20: memref<10240x128xf32, #tpu.memory_space<vmem_shared>>, %arg21: memref<10240xf32, #tpu.memory_space<vmem_shared>>, %arg22: memref<8x!tpu.dma_semaphore, #tpu.memory_space<semaphore_mem>>, %arg23: memref<8x!tpu.dma_semaphore, #tpu.memory_space<semaphore_mem>>, %arg24: memref<!tpu.dma_semaphore, #tpu.memory_space<semaphore_mem>>) attributes {dimension_semantics = [#tpu.dimension_semantics<core_parallel>, #tpu.dimension_semantics<subcore_parallel>], iteration_bounds = array<i64: 2, 16>, scalar_prefetch = 0 : i64, scratch_operands = 16 : i64, tpu.core_type = #tpu.core_type<sc_vector_subcore>, window_params = [{transform_indices = #map}, {transform_indices = #map}, {transform_indices = #map1}, {transform_indices = #map1}, {transform_indices = #map1}, {transform_indices = #map2}, {transform_indices = #map2}]} {
    %mul3A = arith.constant 16 : i32
    %mul3A_0 = arith.muli %arg0, %mul3A : i32
    %add3A = arith.addi %mul3A_0, %arg1 : i32
    %broadcast_in_dim3A = arith.constant 0.000000e+00 : f32
    %broadcast_in_dim3A_1 = vector.broadcast %broadcast_in_dim3A : f32 to vector<16xf32>
    %scan3A = arith.constant 0 : i32
    %scan3A_2 = arith.constant 0 : i32
    %scan3A_3 = arith.constant 32 : i32
    %scan3A_4 = arith.addi %scan3A_2, %scan3A_3 : i32
    %scan3A_5 = arith.constant 1 : i32
    scf.for %scan3A_134 = %scan3A_2 to %scan3A_4 step %scan3A_5  : i32 {
      %swap3A_135 = arith.index_cast %scan3A_134 : i32 to index
      %swap3A_136 = arith.constant 0 : index
      %swap3A_137 = tpu.vector_load %arg11[%swap3A_135, %swap3A_136] {strides = array<i32>} : memref<32x128xf32, #tpu.memory_space<vmem>>, vector<16xf32>,
      tpu.vector_store %arg11[%swap3A_135, %swap3A_136], %broadcast_in_dim3A_1 {strides = array<i32>} : memref<32x128xf32, #tpu.memory_space<vmem>>, vector<16xf32>,
      %swap3A_138 = arith.index_cast %scan3A_134 : i32 to index
      %swap3A_139 = arith.constant 0 : index
      %swap3A_140 = tpu.vector_load %arg12[%swap3A_138, %swap3A_139] {strides = array<i32>} : memref<32x128xf32, #tpu.memory_space<vmem>>, vector<16xf32>,
      tpu.vector_store %arg12[%swap3A_138, %swap3A_139], %broadcast_in_dim3A_1 {strides = array<i32>} : memref<32x128xf32, #tpu.memory_space<vmem>>, vector<16xf32>,
      %swap3A_141 = arith.index_cast %scan3A_134 : i32 to index
      %swap3A_142 = arith.constant 0 : index
      %swap3A_143 = tpu.vector_load %arg13[%swap3A_141, %swap3A_142] {strides = array<i32>} : memref<32x128xf32, #tpu.memory_space<vmem>>, vector<16xf32>,
      tpu.vector_store %arg13[%swap3A_141, %swap3A_142], %broadcast_in_dim3A_1 {strides = array<i32>} : memref<32x128xf32, #tpu.memory_space<vmem>>, vector<16xf32>,
      %swap3A_144 = arith.index_cast %scan3A_134 : i32 to index
      %swap3A_145 = arith.constant 0 : index
      %swap3A_146 = tpu.vector_load %arg14[%swap3A_144, %swap3A_145] {strides = array<i32>} : memref<32x128xf32, #tpu.memory_space<vmem>>, vector<16xf32>,
      tpu.vector_store %arg14[%swap3A_144, %swap3A_145], %broadcast_in_dim3A_1 {strides = array<i32>} : memref<32x128xf32, #tpu.memory_space<vmem>>, vector<16xf32>,
      %swap3A_147 = arith.index_cast %scan3A_134 : i32 to index
      %swap3A_148 = arith.constant 16 : index
      %swap3A_149 = tpu.vector_load %arg11[%swap3A_147, %swap3A_148] {strides = array<i32>} : memref<32x128xf32, #tpu.memory_space<vmem>>, vector<16xf32>,
      tpu.vector_store %arg11[%swap3A_147, %swap3A_148], %broadcast_in_dim3A_1 {strides = array<i32>} : memref<32x128xf32, #tpu.memory_space<vmem>>, vector<16xf32>,
      %swap3A_150 = arith.index_cast %scan3A_134 : i32 to index
      %swap3A_151 = arith.constant 16 : index
      %swap3A_152 = tpu.vector_load %arg12[%swap3A_150, %swap3A_151] {strides = array<i32>} : memref<32x128xf32, #tpu.memory_space<vmem>>, vector<16xf32>,
      tpu.vector_store %arg12[%swap3A_150, %swap3A_151], %broadcast_in_dim3A_1 {strides = array<i32>} : memref<32x128xf32, #tpu.memory_space<vmem>>, vector<16xf32>,
      %swap3A_153 = arith.index_cast %scan3A_134 : i32 to index
      %swap3A_154 = arith.constant 16 : index
      %swap3A_155 = tpu.vector_load %arg13[%swap3A_153, %swap3A_154] {strides = array<i32>} : memref<32x128xf32, #tpu.memory_space<vmem>>, vector<16xf32>,
      tpu.vector_store %arg13[%swap3A_153, %swap3A_154], %broadcast_in_dim3A_1 {strides = array<i32>} : memref<32x128xf32, #tpu.memory_space<vmem>>, vector<16xf32>,
      %swap3A_156 = arith.index_cast %scan3A_134 : i32 to index
      %swap3A_157 = arith.constant 16 : index
      %swap3A_158 = tpu.vector_load %arg14[%swap3A_156, %swap3A_157] {strides = array<i32>} : memref<32x128xf32, #tpu.memory_space<vmem>>, vector<16xf32>,
      tpu.vector_store %arg14[%swap3A_156, %swap3A_157], %broadcast_in_dim3A_1 {strides = array<i32>} : memref<32x128xf32, #tpu.memory_space<vmem>>, vector<16xf32>,
      %swap3A_159 = arith.index_cast %scan3A_134 : i32 to index
      %swap3A_160 = arith.constant 32 : index
      %swap3A_161 = tpu.vector_load %arg11[%swap3A_159, %swap3A_160] {strides = array<i32>} : memref<32x128xf32, #tpu.memory_space<vmem>>, vector<16xf32>,
      tpu.vector_store %arg11[%swap3A_159, %swap3A_160], %broadcast_in_dim3A_1 {strides = array<i32>} : memref<32x128xf32, #tpu.memory_space<vmem>>, vector<16xf32>,
      %swap3A_162 = arith.index_cast %scan3A_134 : i32 to index
      %swap3A_163 = arith.constant 32 : index
      %swap3A_164 = tpu.vector_load %arg12[%swap3A_162, %swap3A_163] {strides = array<i32>} : memref<32x128xf32, #tpu.memory_space<vmem>>, vector<16xf32>,
      tpu.vector_store %arg12[%swap3A_162, %swap3A_163], %broadcast_in_dim3A_1 {strides = array<i32>} : memref<32x128xf32, #tpu.memory_space<vmem>>, vector<16xf32>,
      %swap3A_165 = arith.index_cast %scan3A_134 : i32 to index
      %swap3A_166 = arith.constant 32 : index
      %swap3A_167 = tpu.vector_load %arg13[%swap3A_165, %swap3A_166] {strides = array<i32>} : memref<32x128xf32, #tpu.memory_space<vmem>>, vector<16xf32>,
      tpu.vector_store %arg13[%swap3A_165, %swap3A_166], %broadcast_in_dim3A_1 {strides = array<i32>} : memref<32x128xf32, #tpu.memory_space<vmem>>, vector<16xf32>,
      %swap3A_168 = arith.index_cast %scan3A_134 : i32 to index
      %swap3A_169 = arith.constant 32 : index
      %swap3A_170 = tpu.vector_load %arg14[%swap3A_168, %swap3A_169] {strides = array<i32>} : memref<32x128xf32, #tpu.memory_space<vmem>>, vector<16xf32>,
      tpu.vector_store %arg14[%swap3A_168, %swap3A_169], %broadcast_in_dim3A_1 {strides = array<i32>} : memref<32x128xf32, #tpu.memory_space<vmem>>, vector<16xf32>,
      %swap3A_171 = arith.index_cast %scan3A_134 : i32 to index
      %swap3A_172 = arith.constant 48 : index
      %swap3A_173 = tpu.vector_load %arg11[%swap3A_171, %swap3A_172] {strides = array<i32>} : memref<32x128xf32, #tpu.memory_space<vmem>>, vector<16xf32>,
      tpu.vector_store %arg11[%swap3A_171, %swap3A_172], %broadcast_in_dim3A_1 {strides = array<i32>} : memref<32x128xf32, #tpu.memory_space<vmem>>, vector<16xf32>,
      %swap3A_174 = arith.index_cast %scan3A_134 : i32 to index
      %swap3A_175 = arith.constant 48 : index
      %swap3A_176 = tpu.vector_load %arg12[%swap3A_174, %swap3A_175] {strides = array<i32>} : memref<32x128xf32, #tpu.memory_space<vmem>>, vector<16xf32>,
      tpu.vector_store %arg12[%swap3A_174, %swap3A_175], %broadcast_in_dim3A_1 {strides = array<i32>} : memref<32x128xf32, #tpu.memory_space<vmem>>, vector<16xf32>,
      %swap3A_177 = arith.index_cast %scan3A_134 : i32 to index
      %swap3A_178 = arith.constant 48 : index
      %swap3A_179 = tpu.vector_load %arg13[%swap3A_177, %swap3A_178] {strides = array<i32>} : memref<32x128xf32, #tpu.memory_space<vmem>>, vector<16xf32>,
      tpu.vector_store %arg13[%swap3A_177, %swap3A_178], %broadcast_in_dim3A_1 {strides = array<i32>} : memref<32x128xf32, #tpu.memory_space<vmem>>, vector<16xf32>,
      %swap3A_180 = arith.index_cast %scan3A_134 : i32 to index
      %swap3A_181 = arith.constant 48 : index
      %swap3A_182 = tpu.vector_load %arg14[%swap3A_180, %swap3A_181] {strides = array<i32>} : memref<32x128xf32, #tpu.memory_space<vmem>>, vector<16xf32>,
      tpu.vector_store %arg14[%swap3A_180, %swap3A_181], %broadcast_in_dim3A_1 {strides = array<i32>} : memref<32x128xf32, #tpu.memory_space<vmem>>, vector<16xf32>,
      %swap3A_183 = arith.index_cast %scan3A_134 : i32 to index
      %swap3A_184 = arith.constant 64 : index
      %swap3A_185 = tpu.vector_load %arg11[%swap3A_183, %swap3A_184] {strides = array<i32>} : memref<32x128xf32, #tpu.memory_space<vmem>>, vector<16xf32>,
      tpu.vector_store %arg11[%swap3A_183, %swap3A_184], %broadcast_in_dim3A_1 {strides = array<i32>} : memref<32x128xf32, #tpu.memory_space<vmem>>, vector<16xf32>,
      %swap3A_186 = arith.index_cast %scan3A_134 : i32 to index
      %swap3A_187 = arith.constant 64 : index
      %swap3A_188 = tpu.vector_load %arg12[%swap3A_186, %swap3A_187] {strides = array<i32>} : memref<32x128xf32, #tpu.memory_space<vmem>>, vector<16xf32>,
      tpu.vector_store %arg12[%swap3A_186, %swap3A_187], %broadcast_in_dim3A_1 {strides = array<i32>} : memref<32x128xf32, #tpu.memory_space<vmem>>, vector<16xf32>,
      %swap3A_189 = arith.index_cast %scan3A_134 : i32 to index
      %swap3A_190 = arith.constant 64 : index
      %swap3A_191 = tpu.vector_load %arg13[%swap3A_189, %swap3A_190] {strides = array<i32>} : memref<32x128xf32, #tpu.memory_space<vmem>>, vector<16xf32>,
      tpu.vector_store %arg13[%swap3A_189, %swap3A_190], %broadcast_in_dim3A_1 {strides = array<i32>} : memref<32x128xf32, #tpu.memory_space<vmem>>, vector<16xf32>,
      %swap3A_192 = arith.index_cast %scan3A_134 : i32 to index
      %swap3A_193 = arith.constant 64 : index
      %swap3A_194 = tpu.vector_load %arg14[%swap3A_192, %swap3A_193] {strides = array<i32>} : memref<32x128xf32, #tpu.memory_space<vmem>>, vector<16xf32>,
      tpu.vector_store %arg14[%swap3A_192, %swap3A_193], %broadcast_in_dim3A_1 {strides = array<i32>} : memref<32x128xf32, #tpu.memory_space<vmem>>, vector<16xf32>,
      %swap3A_195 = arith.index_cast %scan3A_134 : i32 to index
      %swap3A_196 = arith.constant 80 : index
      %swap3A_197 = tpu.vector_load %arg11[%swap3A_195, %swap3A_196] {strides = array<i32>} : memref<32x128xf32, #tpu.memory_space<vmem>>, vector<16xf32>,
      tpu.vector_store %arg11[%swap3A_195, %swap3A_196], %broadcast_in_dim3A_1 {strides = array<i32>} : memref<32x128xf32, #tpu.memory_space<vmem>>, vector<16xf32>,
      %swap3A_198 = arith.index_cast %scan3A_134 : i32 to index
      %swap3A_199 = arith.constant 80 : index
      %swap3A_200 = tpu.vector_load %arg12[%swap3A_198, %swap3A_199] {strides = array<i32>} : memref<32x128xf32, #tpu.memory_space<vmem>>, vector<16xf32>,
      tpu.vector_store %arg12[%swap3A_198, %swap3A_199], %broadcast_in_dim3A_1 {strides = array<i32>} : memref<32x128xf32, #tpu.memory_space<vmem>>, vector<16xf32>,
      %swap3A_201 = arith.index_cast %scan3A_134 : i32 to index
      %swap3A_202 = arith.constant 80 : index
      %swap3A_203 = tpu.vector_load %arg13[%swap3A_201, %swap3A_202] {strides = array<i32>} : memref<32x128xf32, #tpu.memory_space<vmem>>, vector<16xf32>,
      tpu.vector_store %arg13[%swap3A_201, %swap3A_202], %broadcast_in_dim3A_1 {strides = array<i32>} : memref<32x128xf32, #tpu.memory_space<vmem>>, vector<16xf32>,
      %swap3A_204 = arith.index_cast %scan3A_134 : i32 to index
      %swap3A_205 = arith.constant 80 : index
      %swap3A_206 = tpu.vector_load %arg14[%swap3A_204, %swap3A_205] {strides = array<i32>} : memref<32x128xf32, #tpu.memory_space<vmem>>, vector<16xf32>,
      tpu.vector_store %arg14[%swap3A_204, %swap3A_205], %broadcast_in_dim3A_1 {strides = array<i32>} : memref<32x128xf32, #tpu.memory_space<vmem>>, vector<16xf32>,
      %swap3A_207 = arith.index_cast %scan3A_134 : i32 to index
      %swap3A_208 = arith.constant 96 : index
      %swap3A_209 = tpu.vector_load %arg11[%swap3A_207, %swap3A_208] {strides = array<i32>} : memref<32x128xf32, #tpu.memory_space<vmem>>, vector<16xf32>,
      tpu.vector_store %arg11[%swap3A_207, %swap3A_208], %broadcast_in_dim3A_1 {strides = array<i32>} : memref<32x128xf32, #tpu.memory_space<vmem>>, vector<16xf32>,
      %swap3A_210 = arith.index_cast %scan3A_134 : i32 to index
      %swap3A_211 = arith.constant 96 : index
      %swap3A_212 = tpu.vector_load %arg12[%swap3A_210, %swap3A_211] {strides = array<i32>} : memref<32x128xf32, #tpu.memory_space<vmem>>, vector<16xf32>,
      tpu.vector_store %arg12[%swap3A_210, %swap3A_211], %broadcast_in_dim3A_1 {strides = array<i32>} : memref<32x128xf32, #tpu.memory_space<vmem>>, vector<16xf32>,
      %swap3A_213 = arith.index_cast %scan3A_134 : i32 to index
      %swap3A_214 = arith.constant 96 : index
      %swap3A_215 = tpu.vector_load %arg13[%swap3A_213, %swap3A_214] {strides = array<i32>} : memref<32x128xf32, #tpu.memory_space<vmem>>, vector<16xf32>,
      tpu.vector_store %arg13[%swap3A_213, %swap3A_214], %broadcast_in_dim3A_1 {strides = array<i32>} : memref<32x128xf32, #tpu.memory_space<vmem>>, vector<16xf32>,
      %swap3A_216 = arith.index_cast %scan3A_134 : i32 to index
      %swap3A_217 = arith.constant 96 : index
      %swap3A_218 = tpu.vector_load %arg14[%swap3A_216, %swap3A_217] {strides = array<i32>} : memref<32x128xf32, #tpu.memory_space<vmem>>, vector<16xf32>,
      tpu.vector_store %arg14[%swap3A_216, %swap3A_217], %broadcast_in_dim3A_1 {strides = array<i32>} : memref<32x128xf32, #tpu.memory_space<vmem>>, vector<16xf32>,
      %swap3A_219 = arith.index_cast %scan3A_134 : i32 to index
      %swap3A_220 = arith.constant 112 : index
      %swap3A_221 = tpu.vector_load %arg11[%swap3A_219, %swap3A_220] {strides = array<i32>} : memref<32x128xf32, #tpu.memory_space<vmem>>, vector<16xf32>,
      tpu.vector_store %arg11[%swap3A_219, %swap3A_220], %broadcast_in_dim3A_1 {strides = array<i32>} : memref<32x128xf32, #tpu.memory_space<vmem>>, vector<16xf32>,
      %swap3A_222 = arith.index_cast %scan3A_134 : i32 to index
      %swap3A_223 = arith.constant 112 : index
      %swap3A_224 = tpu.vector_load %arg12[%swap3A_222, %swap3A_223] {strides = array<i32>} : memref<32x128xf32, #tpu.memory_space<vmem>>, vector<16xf32>,
      tpu.vector_store %arg12[%swap3A_222, %swap3A_223], %broadcast_in_dim3A_1 {strides = array<i32>} : memref<32x128xf32, #tpu.memory_space<vmem>>, vector<16xf32>,
      %swap3A_225 = arith.index_cast %scan3A_134 : i32 to index
      %swap3A_226 = arith.constant 112 : index
      %swap3A_227 = tpu.vector_load %arg13[%swap3A_225, %swap3A_226] {strides = array<i32>} : memref<32x128xf32, #tpu.memory_space<vmem>>, vector<16xf32>,
      tpu.vector_store %arg13[%swap3A_225, %swap3A_226], %broadcast_in_dim3A_1 {strides = array<i32>} : memref<32x128xf32, #tpu.memory_space<vmem>>, vector<16xf32>,
      %swap3A_228 = arith.index_cast %scan3A_134 : i32 to index
      %swap3A_229 = arith.constant 112 : index
      %swap3A_230 = tpu.vector_load %arg14[%swap3A_228, %swap3A_229] {strides = array<i32>} : memref<32x128xf32, #tpu.memory_space<vmem>>, vector<16xf32>,
      tpu.vector_store %arg14[%swap3A_228, %swap3A_229], %broadcast_in_dim3A_1 {strides = array<i32>} : memref<32x128xf32, #tpu.memory_space<vmem>>, vector<16xf32>,
    }
    %scan3A_6 = arith.constant 32 : i32
    %broadcast_in_dim3A_7 = arith.constant 1.000000e+00 : f32
    %broadcast_in_dim3A_8 = vector.broadcast %broadcast_in_dim3A_7 : f32 to vector<16xf32>
    %swap3A = arith.constant 0 : index
    %swap3A_9 = tpu.vector_load %arg19[%swap3A] {strides = array<i32>} : memref<128xf32, #tpu.memory_space<vmem>>, vector<16xf32>,
    tpu.vector_store %arg19[%swap3A], %broadcast_in_dim3A_8 {strides = array<i32>} : memref<128xf32, #tpu.memory_space<vmem>>, vector<16xf32>,
    %swap3A_10 = arith.constant 16 : index
    %swap3A_11 = tpu.vector_load %arg19[%swap3A_10] {strides = array<i32>} : memref<128xf32, #tpu.memory_space<vmem>>, vector<16xf32>,
    tpu.vector_store %arg19[%swap3A_10], %broadcast_in_dim3A_8 {strides = array<i32>} : memref<128xf32, #tpu.memory_space<vmem>>, vector<16xf32>,
    %swap3A_12 = arith.constant 32 : index
    %swap3A_13 = tpu.vector_load %arg19[%swap3A_12] {strides = array<i32>} : memref<128xf32, #tpu.memory_space<vmem>>, vector<16xf32>,
    tpu.vector_store %arg19[%swap3A_12], %broadcast_in_dim3A_8 {strides = array<i32>} : memref<128xf32, #tpu.memory_space<vmem>>, vector<16xf32>,
    %swap3A_14 = arith.constant 48 : index
    %swap3A_15 = tpu.vector_load %arg19[%swap3A_14] {strides = array<i32>} : memref<128xf32, #tpu.memory_space<vmem>>, vector<16xf32>,
    tpu.vector_store %arg19[%swap3A_14], %broadcast_in_dim3A_8 {strides = array<i32>} : memref<128xf32, #tpu.memory_space<vmem>>, vector<16xf32>,
    %swap3A_16 = arith.constant 64 : index
    %swap3A_17 = tpu.vector_load %arg19[%swap3A_16] {strides = array<i32>} : memref<128xf32, #tpu.memory_space<vmem>>, vector<16xf32>,
    tpu.vector_store %arg19[%swap3A_16], %broadcast_in_dim3A_8 {strides = array<i32>} : memref<128xf32, #tpu.memory_space<vmem>>, vector<16xf32>,
    %swap3A_18 = arith.constant 80 : index
    %swap3A_19 = tpu.vector_load %arg19[%swap3A_18] {strides = array<i32>} : memref<128xf32, #tpu.memory_space<vmem>>, vector<16xf32>,
    tpu.vector_store %arg19[%swap3A_18], %broadcast_in_dim3A_8 {strides = array<i32>} : memref<128xf32, #tpu.memory_space<vmem>>, vector<16xf32>,
    %swap3A_20 = arith.constant 96 : index
    %swap3A_21 = tpu.vector_load %arg19[%swap3A_20] {strides = array<i32>} : memref<128xf32, #tpu.memory_space<vmem>>, vector<16xf32>,
    tpu.vector_store %arg19[%swap3A_20], %broadcast_in_dim3A_8 {strides = array<i32>} : memref<128xf32, #tpu.memory_space<vmem>>, vector<16xf32>,
    %swap3A_22 = arith.constant 112 : index
    %swap3A_23 = tpu.vector_load %arg19[%swap3A_22] {strides = array<i32>} : memref<128xf32, #tpu.memory_space<vmem>>, vector<16xf32>,
    tpu.vector_store %arg19[%swap3A_22], %broadcast_in_dim3A_8 {strides = array<i32>} : memref<128xf32, #tpu.memory_space<vmem>>, vector<16xf32>,
    %mul3A_24 = arith.constant 640 : i32
    %mul3A_25 = arith.muli %arg1, %mul3A_24 : i32
    %add3A_26 = arith.constant 0 : i32
    %add3A_27 = arith.addi %mul3A_25, %add3A_26 : i32
    %add3A_28 = arith.constant 0 : i32
    %add3A_29 = arith.addi %add3A_27, %add3A_28 : i32
    "tpu.region"() ({
      %run_scoped3A_134 = tpu.sem_alloc : memref<!tpu.dma_semaphore, #tpu.memory_space<semaphore_mem>>
      %dma_start3A = arith.constant 0 : i32
      %dma_start3A_135 = tpu.memref_slice %arg20[%add3A_29, %dma_start3A] : memref<10240x128xf32, #tpu.memory_space<vmem_shared>> -> memref<32x128xf32, #tpu.memory_space<vmem_shared>>
      %dma_start3A_136 = arith.constant 0 : i32
      %dma_start3A_137 = tpu.memref_slice %arg20[%add3A_29, %dma_start3A_136] : memref<10240x128xf32, #tpu.memory_space<vmem_shared>> -> memref<32x128xf32, #tpu.memory_space<vmem_shared>>
      tpu.enqueue_dma source(%arg11 : memref<32x128xf32, #tpu.memory_space<vmem>>) target(%dma_start3A_137 : memref<32x128xf32, #tpu.memory_space<vmem_shared>>) target_semaphore(%run_scoped3A_134 : memref<!tpu.dma_semaphore, #tpu.memory_space<semaphore_mem>>)
      %dma_wait3A = arith.constant 0 : i32
      %dma_wait3A_138 = tpu.memref_slice %arg20[%add3A_29, %dma_wait3A] : memref<10240x128xf32, #tpu.memory_space<vmem_shared>> -> memref<32x128xf32, #tpu.memory_space<vmem_shared>>
      %dma_wait3A_139 = arith.constant 0 : i32
      %dma_wait3A_140 = tpu.memref_slice %arg20[%add3A_29, %dma_wait3A_139] : memref<10240x128xf32, #tpu.memory_space<vmem_shared>> -> memref<32x128xf32, #tpu.memory_space<vmem_shared>>
      tpu.wait_dma2 semaphore(%run_scoped3A_134 : memref<!tpu.dma_semaphore, #tpu.memory_space<semaphore_mem>>) src(%arg11 : memref<32x128xf32, #tpu.memory_space<vmem>>) dst(%dma_wait3A_140 : memref<32x128xf32, #tpu.memory_space<vmem_shared>>)
      tpu.yield
    }) : () -> ()
    %add3A_30 = arith.constant 0 : i32
    %add3A_31 = arith.addi %mul3A_25, %add3A_30 : i32
    %add3A_32 = arith.constant 32 : i32
    %add3A_33 = arith.addi %add3A_31, %add3A_32 : i32
    "tpu.region"() ({
      %run_scoped3A_134 = tpu.sem_alloc : memref<!tpu.dma_semaphore, #tpu.memory_space<semaphore_mem>>
      %dma_start3A = arith.constant 0 : i32
      %dma_start3A_135 = tpu.memref_slice %arg20[%add3A_33, %dma_start3A] : memref<10240x128xf32, #tpu.memory_space<vmem_shared>> -> memref<32x128xf32, #tpu.memory_space<vmem_shared>>
      %dma_start3A_136 = arith.constant 0 : i32
      %dma_start3A_137 = tpu.memref_slice %arg20[%add3A_33, %dma_start3A_136] : memref<10240x128xf32, #tpu.memory_space<vmem_shared>> -> memref<32x128xf32, #tpu.memory_space<vmem_shared>>
      tpu.enqueue_dma source(%arg12 : memref<32x128xf32, #tpu.memory_space<vmem>>) target(%dma_start3A_137 : memref<32x128xf32, #tpu.memory_space<vmem_shared>>) target_semaphore(%run_scoped3A_134 : memref<!tpu.dma_semaphore, #tpu.memory_space<semaphore_mem>>)
      %dma_wait3A = arith.constant 0 : i32
      %dma_wait3A_138 = tpu.memref_slice %arg20[%add3A_33, %dma_wait3A] : memref<10240x128xf32, #tpu.memory_space<vmem_shared>> -> memref<32x128xf32, #tpu.memory_space<vmem_shared>>
      %dma_wait3A_139 = arith.constant 0 : i32
      %dma_wait3A_140 = tpu.memref_slice %arg20[%add3A_33, %dma_wait3A_139] : memref<10240x128xf32, #tpu.memory_space<vmem_shared>> -> memref<32x128xf32, #tpu.memory_space<vmem_shared>>
      tpu.wait_dma2 semaphore(%run_scoped3A_134 : memref<!tpu.dma_semaphore, #tpu.memory_space<semaphore_mem>>) src(%arg12 : memref<32x128xf32, #tpu.memory_space<vmem>>) dst(%dma_wait3A_140 : memref<32x128xf32, #tpu.memory_space<vmem_shared>>)
      tpu.yield
    }) : () -> ()
    %add3A_34 = arith.constant 0 : i32
    %add3A_35 = arith.addi %mul3A_25, %add3A_34 : i32
    %add3A_36 = arith.constant 64 : i32
    %add3A_37 = arith.addi %add3A_35, %add3A_36 : i32
    "tpu.region"() ({
      %run_scoped3A_134 = tpu.sem_alloc : memref<!tpu.dma_semaphore, #tpu.memory_space<semaphore_mem>>
      %dma_start3A = arith.constant 0 : i32
      %dma_start3A_135 = tpu.memref_slice %arg20[%add3A_37, %dma_start3A] : memref<10240x128xf32, #tpu.memory_space<vmem_shared>> -> memref<32x128xf32, #tpu.memory_space<vmem_shared>>
      %dma_start3A_136 = arith.constant 0 : i32
      %dma_start3A_137 = tpu.memref_slice %arg20[%add3A_37, %dma_start3A_136] : memref<10240x128xf32, #tpu.memory_space<vmem_shared>> -> memref<32x128xf32, #tpu.memory_space<vmem_shared>>
      tpu.enqueue_dma source(%arg13 : memref<32x128xf32, #tpu.memory_space<vmem>>) target(%dma_start3A_137 : memref<32x128xf32, #tpu.memory_space<vmem_shared>>) target_semaphore(%run_scoped3A_134 : memref<!tpu.dma_semaphore, #tpu.memory_space<semaphore_mem>>)
      %dma_wait3A = arith.constant 0 : i32
      %dma_wait3A_138 = tpu.memref_slice %arg20[%add3A_37, %dma_wait3A] : memref<10240x128xf32, #tpu.memory_space<vmem_shared>> -> memref<32x128xf32, #tpu.memory_space<vmem_shared>>
      %dma_wait3A_139 = arith.constant 0 : i32
      %dma_wait3A_140 = tpu.memref_slice %arg20[%add3A_37, %dma_wait3A_139] : memref<10240x128xf32, #tpu.memory_space<vmem_shared>> -> memref<32x128xf32, #tpu.memory_space<vmem_shared>>
      tpu.wait_dma2 semaphore(%run_scoped3A_134 : memref<!tpu.dma_semaphore, #tpu.memory_space<semaphore_mem>>) src(%arg13 : memref<32x128xf32, #tpu.memory_space<vmem>>) dst(%dma_wait3A_140 : memref<32x128xf32, #tpu.memory_space<vmem_shared>>)
      tpu.yield
    }) : () -> ()
    %add3A_38 = arith.constant 0 : i32
    %add3A_39 = arith.addi %mul3A_25, %add3A_38 : i32
    %add3A_40 = arith.constant 96 : i32
    %add3A_41 = arith.addi %add3A_39, %add3A_40 : i32
    "tpu.region"() ({
      %run_scoped3A_134 = tpu.sem_alloc : memref<!tpu.dma_semaphore, #tpu.memory_space<semaphore_mem>>
      %dma_start3A = arith.constant 0 : i32
      %dma_start3A_135 = tpu.memref_slice %arg20[%add3A_41, %dma_start3A] : memref<10240x128xf32, #tpu.memory_space<vmem_shared>> -> memref<32x128xf32, #tpu.memory_space<vmem_shared>>
      %dma_start3A_136 = arith.constant 0 : i32
      %dma_start3A_137 = tpu.memref_slice %arg20[%add3A_41, %dma_start3A_136] : memref<10240x128xf32, #tpu.memory_space<vmem_shared>> -> memref<32x128xf32, #tpu.memory_space<vmem_shared>>
      tpu.enqueue_dma source(%arg14 : memref<32x128xf32, #tpu.memory_space<vmem>>) target(%dma_start3A_137 : memref<32x128xf32, #tpu.memory_space<vmem_shared>>) target_semaphore(%run_scoped3A_134 : memref<!tpu.dma_semaphore, #tpu.memory_space<semaphore_mem>>)
      %dma_wait3A = arith.constant 0 : i32
      %dma_wait3A_138 = tpu.memref_slice %arg20[%add3A_41, %dma_wait3A] : memref<10240x128xf32, #tpu.memory_space<vmem_shared>> -> memref<32x128xf32, #tpu.memory_space<vmem_shared>>
      %dma_wait3A_139 = arith.constant 0 : i32
      %dma_wait3A_140 = tpu.memref_slice %arg20[%add3A_41, %dma_wait3A_139] : memref<10240x128xf32, #tpu.memory_space<vmem_shared>> -> memref<32x128xf32, #tpu.memory_space<vmem_shared>>
      tpu.wait_dma2 semaphore(%run_scoped3A_134 : memref<!tpu.dma_semaphore, #tpu.memory_space<semaphore_mem>>) src(%arg14 : memref<32x128xf32, #tpu.memory_space<vmem>>) dst(%dma_wait3A_140 : memref<32x128xf32, #tpu.memory_space<vmem_shared>>)
      tpu.yield
    }) : () -> ()
    %add3A_42 = arith.constant 0 : i32
    %add3A_43 = arith.addi %mul3A_25, %add3A_42 : i32
    %run_scoped3A = arith.constant 0 : i32
    "tpu.region"() ({
      %run_scoped3A_134 = tpu.sem_alloc : memref<!tpu.dma_semaphore, #tpu.memory_space<semaphore_mem>>
      %dma_start3A = arith.constant 0 : i32
      %dma_start3A_135 = tpu.memref_slice %arg11[%run_scoped3A, %dma_start3A] : memref<32x128xf32, #tpu.memory_space<vmem>> -> memref<1x128xf32, #tpu.memory_space<vmem>>
      %dma_start3A_136 = tpu.memref_squeeze %dma_start3A_135 : memref<1x128xf32, #tpu.memory_space<vmem>> -> memref<128xf32, #tpu.memory_space<vmem>>
      %dma_start3A_137 = tpu.memref_slice %arg21[%add3A_43] : memref<10240xf32, #tpu.memory_space<vmem_shared>> -> memref<128xf32, #tpu.memory_space<vmem_shared>>
      %dma_start3A_138 = tpu.memref_slice %arg21[%add3A_43] : memref<10240xf32, #tpu.memory_space<vmem_shared>> -> memref<128xf32, #tpu.memory_space<vmem_shared>>
      %dma_start3A_139 = arith.constant 0 : i32
      %dma_start3A_140 = tpu.memref_slice %arg11[%run_scoped3A, %dma_start3A_139] : memref<32x128xf32, #tpu.memory_space<vmem>> -> memref<1x128xf32, #tpu.memory_space<vmem>>
      %dma_start3A_141 = tpu.memref_squeeze %dma_start3A_140 : memref<1x128xf32, #tpu.memory_space<vmem>> -> memref<128xf32, #tpu.memory_space<vmem>>
      tpu.enqueue_dma source(%dma_start3A_141 : memref<128xf32, #tpu.memory_space<vmem>>) target(%dma_start3A_138 : memref<128xf32, #tpu.memory_space<vmem_shared>>) target_semaphore(%run_scoped3A_134 : memref<!tpu.dma_semaphore, #tpu.memory_space<semaphore_mem>>)
      %dma_wait3A = arith.constant 0 : i32
      %dma_wait3A_142 = tpu.memref_slice %arg11[%run_scoped3A, %dma_wait3A] : memref<32x128xf32, #tpu.memory_space<vmem>> -> memref<1x128xf32, #tpu.memory_space<vmem>>
      %dma_wait3A_143 = tpu.memref_squeeze %dma_wait3A_142 : memref<1x128xf32, #tpu.memory_space<vmem>> -> memref<128xf32, #tpu.memory_space<vmem>>
      %dma_wait3A_144 = tpu.memref_slice %arg21[%add3A_43] : memref<10240xf32, #tpu.memory_space<vmem_shared>> -> memref<128xf32, #tpu.memory_space<vmem_shared>>
      %dma_wait3A_145 = tpu.memref_slice %arg21[%add3A_43] : memref<10240xf32, #tpu.memory_space<vmem_shared>> -> memref<128xf32, #tpu.memory_space<vmem_shared>>
      %dma_wait3A_146 = arith.constant 0 : i32
      %dma_wait3A_147 = tpu.memref_slice %arg11[%run_scoped3A, %dma_wait3A_146] : memref<32x128xf32, #tpu.memory_space<vmem>> -> memref<1x128xf32, #tpu.memory_space<vmem>>
      %dma_wait3A_148 = tpu.memref_squeeze %dma_wait3A_147 : memref<1x128xf32, #tpu.memory_space<vmem>> -> memref<128xf32, #tpu.memory_space<vmem>>
      tpu.wait_dma2 semaphore(%run_scoped3A_134 : memref<!tpu.dma_semaphore, #tpu.memory_space<semaphore_mem>>) src(%dma_wait3A_148 : memref<128xf32, #tpu.memory_space<vmem>>) dst(%dma_wait3A_145 : memref<128xf32, #tpu.memory_space<vmem_shared>>)
      tpu.yield
    }) : () -> ()
    %add3A_44 = arith.constant 128 : i32
    %add3A_45 = arith.addi %mul3A_25, %add3A_44 : i32
    %add3A_46 = arith.constant 0 : i32
    %add3A_47 = arith.addi %add3A_45, %add3A_46 : i32
    "tpu.region"() ({
      %run_scoped3A_134 = tpu.sem_alloc : memref<!tpu.dma_semaphore, #tpu.memory_space<semaphore_mem>>
      %dma_start3A = arith.constant 0 : i32
      %dma_start3A_135 = tpu.memref_slice %arg20[%add3A_47, %dma_start3A] : memref<10240x128xf32, #tpu.memory_space<vmem_shared>> -> memref<32x128xf32, #tpu.memory_space<vmem_shared>>
      %dma_start3A_136 = arith.constant 0 : i32
      %dma_start3A_137 = tpu.memref_slice %arg20[%add3A_47, %dma_start3A_136] : memref<10240x128xf32, #tpu.memory_space<vmem_shared>> -> memref<32x128xf32, #tpu.memory_space<vmem_shared>>
      tpu.enqueue_dma source(%arg11 : memref<32x128xf32, #tpu.memory_space<vmem>>) target(%dma_start3A_137 : memref<32x128xf32, #tpu.memory_space<vmem_shared>>) target_semaphore(%run_scoped3A_134 : memref<!tpu.dma_semaphore, #tpu.memory_space<semaphore_mem>>)
      %dma_wait3A = arith.constant 0 : i32
      %dma_wait3A_138 = tpu.memref_slice %arg20[%add3A_47, %dma_wait3A] : memref<10240x128xf32, #tpu.memory_space<vmem_shared>> -> memref<32x128xf32, #tpu.memory_space<vmem_shared>>
      %dma_wait3A_139 = arith.constant 0 : i32
      %dma_wait3A_140 = tpu.memref_slice %arg20[%add3A_47, %dma_wait3A_139] : memref<10240x128xf32, #tpu.memory_space<vmem_shared>> -> memref<32x128xf32, #tpu.memory_space<vmem_shared>>
      tpu.wait_dma2 semaphore(%run_scoped3A_134 : memref<!tpu.dma_semaphore, #tpu.memory_space<semaphore_mem>>) src(%arg11 : memref<32x128xf32, #tpu.memory_space<vmem>>) dst(%dma_wait3A_140 : memref<32x128xf32, #tpu.memory_space<vmem_shared>>)
      tpu.yield
    }) : () -> ()
    %add3A_48 = arith.constant 128 : i32
    %add3A_49 = arith.addi %mul3A_25, %add3A_48 : i32
    %add3A_50 = arith.constant 32 : i32
    %add3A_51 = arith.addi %add3A_49, %add3A_50 : i32
    "tpu.region"() ({
      %run_scoped3A_134 = tpu.sem_alloc : memref<!tpu.dma_semaphore, #tpu.memory_space<semaphore_mem>>
      %dma_start3A = arith.constant 0 : i32
      %dma_start3A_135 = tpu.memref_slice %arg20[%add3A_51, %dma_start3A] : memref<10240x128xf32, #tpu.memory_space<vmem_shared>> -> memref<32x128xf32, #tpu.memory_space<vmem_shared>>
      %dma_start3A_136 = arith.constant 0 : i32
      %dma_start3A_137 = tpu.memref_slice %arg20[%add3A_51, %dma_start3A_136] : memref<10240x128xf32, #tpu.memory_space<vmem_shared>> -> memref<32x128xf32, #tpu.memory_space<vmem_shared>>
      tpu.enqueue_dma source(%arg12 : memref<32x128xf32, #tpu.memory_space<vmem>>) target(%dma_start3A_137 : memref<32x128xf32, #tpu.memory_space<vmem_shared>>) target_semaphore(%run_scoped3A_134 : memref<!tpu.dma_semaphore, #tpu.memory_space<semaphore_mem>>)
      %dma_wait3A = arith.constant 0 : i32
      %dma_wait3A_138 = tpu.memref_slice %arg20[%add3A_51, %dma_wait3A] : memref<10240x128xf32, #tpu.memory_space<vmem_shared>> -> memref<32x128xf32, #tpu.memory_space<vmem_shared>>
      %dma_wait3A_139 = arith.constant 0 : i32
      %dma_wait3A_140 = tpu.memref_slice %arg20[%add3A_51, %dma_wait3A_139] : memref<10240x128xf32, #tpu.memory_space<vmem_shared>> -> memref<32x128xf32, #tpu.memory_space<vmem_shared>>
      tpu.wait_dma2 semaphore(%run_scoped3A_134 : memref<!tpu.dma_semaphore, #tpu.memory_space<semaphore_mem>>) src(%arg12 : memref<32x128xf32, #tpu.memory_space<vmem>>) dst(%dma_wait3A_140 : memref<32x128xf32, #tpu.memory_space<vmem_shared>>)
      tpu.yield
    }) : () -> ()
    %add3A_52 = arith.constant 128 : i32
    %add3A_53 = arith.addi %mul3A_25, %add3A_52 : i32
    %add3A_54 = arith.constant 64 : i32
    %add3A_55 = arith.addi %add3A_53, %add3A_54 : i32
    "tpu.region"() ({
      %run_scoped3A_134 = tpu.sem_alloc : memref<!tpu.dma_semaphore, #tpu.memory_space<semaphore_mem>>
      %dma_start3A = arith.constant 0 : i32
      %dma_start3A_135 = tpu.memref_slice %arg20[%add3A_55, %dma_start3A] : memref<10240x128xf32, #tpu.memory_space<vmem_shared>> -> memref<32x128xf32, #tpu.memory_space<vmem_shared>>
      %dma_start3A_136 = arith.constant 0 : i32
      %dma_start3A_137 = tpu.memref_slice %arg20[%add3A_55, %dma_start3A_136] : memref<10240x128xf32, #tpu.memory_space<vmem_shared>> -> memref<32x128xf32, #tpu.memory_space<vmem_shared>>
      tpu.enqueue_dma source(%arg13 : memref<32x128xf32, #tpu.memory_space<vmem>>) target(%dma_start3A_137 : memref<32x128xf32, #tpu.memory_space<vmem_shared>>) target_semaphore(%run_scoped3A_134 : memref<!tpu.dma_semaphore, #tpu.memory_space<semaphore_mem>>)
      %dma_wait3A = arith.constant 0 : i32
      %dma_wait3A_138 = tpu.memref_slice %arg20[%add3A_55, %dma_wait3A] : memref<10240x128xf32, #tpu.memory_space<vmem_shared>> -> memref<32x128xf32, #tpu.memory_space<vmem_shared>>
      %dma_wait3A_139 = arith.constant 0 : i32
      %dma_wait3A_140 = tpu.memref_slice %arg20[%add3A_55, %dma_wait3A_139] : memref<10240x128xf32, #tpu.memory_space<vmem_shared>> -> memref<32x128xf32, #tpu.memory_space<vmem_shared>>
      tpu.wait_dma2 semaphore(%run_scoped3A_134 : memref<!tpu.dma_semaphore, #tpu.memory_space<semaphore_mem>>) src(%arg13 : memref<32x128xf32, #tpu.memory_space<vmem>>) dst(%dma_wait3A_140 : memref<32x128xf32, #tpu.memory_space<vmem_shared>>)
      tpu.yield
    }) : () -> ()
    %add3A_56 = arith.constant 128 : i32
    %add3A_57 = arith.addi %mul3A_25, %add3A_56 : i32
    %add3A_58 = arith.constant 96 : i32
    %add3A_59 = arith.addi %add3A_57, %add3A_58 : i32
    "tpu.region"() ({
      %run_scoped3A_134 = tpu.sem_alloc : memref<!tpu.dma_semaphore, #tpu.memory_space<semaphore_mem>>
      %dma_start3A = arith.constant 0 : i32
      %dma_start3A_135 = tpu.memref_slice %arg20[%add3A_59, %dma_start3A] : memref<10240x128xf32, #tpu.memory_space<vmem_shared>> -> memref<32x128xf32, #tpu.memory_space<vmem_shared>>
      %dma_start3A_136 = arith.constant 0 : i32
      %dma_start3A_137 = tpu.memref_slice %arg20[%add3A_59, %dma_start3A_136] : memref<10240x128xf32, #tpu.memory_space<vmem_shared>> -> memref<32x128xf32, #tpu.memory_space<vmem_shared>>
      tpu.enqueue_dma source(%arg14 : memref<32x128xf32, #tpu.memory_space<vmem>>) target(%dma_start3A_137 : memref<32x128xf32, #tpu.memory_space<vmem_shared>>) target_semaphore(%run_scoped3A_134 : memref<!tpu.dma_semaphore, #tpu.memory_space<semaphore_mem>>)
      %dma_wait3A = arith.constant 0 : i32
      %dma_wait3A_138 = tpu.memref_slice %arg20[%add3A_59, %dma_wait3A] : memref<10240x128xf32, #tpu.memory_space<vmem_shared>> -> memref<32x128xf32, #tpu.memory_space<vmem_shared>>
      %dma_wait3A_139 = arith.constant 0 : i32
      %dma_wait3A_140 = tpu.memref_slice %arg20[%add3A_59, %dma_wait3A_139] : memref<10240x128xf32, #tpu.memory_space<vmem_shared>> -> memref<32x128xf32, #tpu.memory_space<vmem_shared>>
      tpu.wait_dma2 semaphore(%run_scoped3A_134 : memref<!tpu.dma_semaphore, #tpu.memory_space<semaphore_mem>>) src(%arg14 : memref<32x128xf32, #tpu.memory_space<vmem>>) dst(%dma_wait3A_140 : memref<32x128xf32, #tpu.memory_space<vmem_shared>>)
      tpu.yield
    }) : () -> ()
    %add3A_60 = arith.constant 128 : i32
    %add3A_61 = arith.addi %mul3A_25, %add3A_60 : i32
    %run_scoped3A_62 = arith.constant 0 : i32
    "tpu.region"() ({
      %run_scoped3A_134 = tpu.sem_alloc : memref<!tpu.dma_semaphore, #tpu.memory_space<semaphore_mem>>
      %dma_start3A = arith.constant 0 : i32
      %dma_start3A_135 = tpu.memref_slice %arg11[%run_scoped3A_62, %dma_start3A] : memref<32x128xf32, #tpu.memory_space<vmem>> -> memref<1x128xf32, #tpu.memory_space<vmem>>
      %dma_start3A_136 = tpu.memref_squeeze %dma_start3A_135 : memref<1x128xf32, #tpu.memory_space<vmem>> -> memref<128xf32, #tpu.memory_space<vmem>>
      %dma_start3A_137 = tpu.memref_slice %arg21[%add3A_61] : memref<10240xf32, #tpu.memory_space<vmem_shared>> -> memref<128xf32, #tpu.memory_space<vmem_shared>>
      %dma_start3A_138 = tpu.memref_slice %arg21[%add3A_61] : memref<10240xf32, #tpu.memory_space<vmem_shared>> -> memref<128xf32, #tpu.memory_space<vmem_shared>>
      %dma_start3A_139 = arith.constant 0 : i32
      %dma_start3A_140 = tpu.memref_slice %arg11[%run_scoped3A_62, %dma_start3A_139] : memref<32x128xf32, #tpu.memory_space<vmem>> -> memref<1x128xf32, #tpu.memory_space<vmem>>
      %dma_start3A_141 = tpu.memref_squeeze %dma_start3A_140 : memref<1x128xf32, #tpu.memory_space<vmem>> -> memref<128xf32, #tpu.memory_space<vmem>>
      tpu.enqueue_dma source(%dma_start3A_141 : memref<128xf32, #tpu.memory_space<vmem>>) target(%dma_start3A_138 : memref<128xf32, #tpu.memory_space<vmem_shared>>) target_semaphore(%run_scoped3A_134 : memref<!tpu.dma_semaphore, #tpu.memory_space<semaphore_mem>>)
      %dma_wait3A = arith.constant 0 : i32
      %dma_wait3A_142 = tpu.memref_slice %arg11[%run_scoped3A_62, %dma_wait3A] : memref<32x128xf32, #tpu.memory_space<vmem>> -> memref<1x128xf32, #tpu.memory_space<vmem>>
      %dma_wait3A_143 = tpu.memref_squeeze %dma_wait3A_142 : memref<1x128xf32, #tpu.memory_space<vmem>> -> memref<128xf32, #tpu.memory_space<vmem>>
      %dma_wait3A_144 = tpu.memref_slice %arg21[%add3A_61] : memref<10240xf32, #tpu.memory_space<vmem_shared>> -> memref<128xf32, #tpu.memory_space<vmem_shared>>
      %dma_wait3A_145 = tpu.memref_slice %arg21[%add3A_61] : memref<10240xf32, #tpu.memory_space<vmem_shared>> -> memref<128xf32, #tpu.memory_space<vmem_shared>>
      %dma_wait3A_146 = arith.constant 0 : i32
      %dma_wait3A_147 = tpu.memref_slice %arg11[%run_scoped3A_62, %dma_wait3A_146] : memref<32x128xf32, #tpu.memory_space<vmem>> -> memref<1x128xf32, #tpu.memory_space<vmem>>
      %dma_wait3A_148 = tpu.memref_squeeze %dma_wait3A_147 : memref<1x128xf32, #tpu.memory_space<vmem>> -> memref<128xf32, #tpu.memory_space<vmem>>
      tpu.wait_dma2 semaphore(%run_scoped3A_134 : memref<!tpu.dma_semaphore, #tpu.memory_space<semaphore_mem>>) src(%dma_wait3A_148 : memref<128xf32, #tpu.memory_space<vmem>>) dst(%dma_wait3A_145 : memref<128xf32, #tpu.memory_space<vmem_shared>>)
      tpu.yield
    }) : () -> ()
    %add3A_63 = arith.constant 256 : i32
    %add3A_64 = arith.addi %mul3A_25, %add3A_63 : i32
    %add3A_65 = arith.constant 0 : i32
    %add3A_66 = arith.addi %add3A_64, %add3A_65 : i32
    "tpu.region"() ({
      %run_scoped3A_134 = tpu.sem_alloc : memref<!tpu.dma_semaphore, #tpu.memory_space<semaphore_mem>>
      %dma_start3A = arith.constant 0 : i32
      %dma_start3A_135 = tpu.memref_slice %arg20[%add3A_66, %dma_start3A] : memref<10240x128xf32, #tpu.memory_space<vmem_shared>> -> memref<32x128xf32, #tpu.memory_space<vmem_shared>>
      %dma_start3A_136 = arith.constant 0 : i32
      %dma_start3A_137 = tpu.memref_slice %arg20[%add3A_66, %dma_start3A_136] : memref<10240x128xf32, #tpu.memory_space<vmem_shared>> -> memref<32x128xf32, #tpu.memory_space<vmem_shared>>
      tpu.enqueue_dma source(%arg11 : memref<32x128xf32, #tpu.memory_space<vmem>>) target(%dma_start3A_137 : memref<32x128xf32, #tpu.memory_space<vmem_shared>>) target_semaphore(%run_scoped3A_134 : memref<!tpu.dma_semaphore, #tpu.memory_space<semaphore_mem>>)
      %dma_wait3A = arith.constant 0 : i32
      %dma_wait3A_138 = tpu.memref_slice %arg20[%add3A_66, %dma_wait3A] : memref<10240x128xf32, #tpu.memory_space<vmem_shared>> -> memref<32x128xf32, #tpu.memory_space<vmem_shared>>
      %dma_wait3A_139 = arith.constant 0 : i32
      %dma_wait3A_140 = tpu.memref_slice %arg20[%add3A_66, %dma_wait3A_139] : memref<10240x128xf32, #tpu.memory_space<vmem_shared>> -> memref<32x128xf32, #tpu.memory_space<vmem_shared>>
      tpu.wait_dma2 semaphore(%run_scoped3A_134 : memref<!tpu.dma_semaphore, #tpu.memory_space<semaphore_mem>>) src(%arg11 : memref<32x128xf32, #tpu.memory_space<vmem>>) dst(%dma_wait3A_140 : memref<32x128xf32, #tpu.memory_space<vmem_shared>>)
      tpu.yield
    }) : () -> ()
    %add3A_67 = arith.constant 256 : i32
    %add3A_68 = arith.addi %mul3A_25, %add3A_67 : i32
    %add3A_69 = arith.constant 32 : i32
    %add3A_70 = arith.addi %add3A_68, %add3A_69 : i32
    "tpu.region"() ({
      %run_scoped3A_134 = tpu.sem_alloc : memref<!tpu.dma_semaphore, #tpu.memory_space<semaphore_mem>>
      %dma_start3A = arith.constant 0 : i32
      %dma_start3A_135 = tpu.memref_slice %arg20[%add3A_70, %dma_start3A] : memref<10240x128xf32, #tpu.memory_space<vmem_shared>> -> memref<32x128xf32, #tpu.memory_space<vmem_shared>>
      %dma_start3A_136 = arith.constant 0 : i32
      %dma_start3A_137 = tpu.memref_slice %arg20[%add3A_70, %dma_start3A_136] : memref<10240x128xf32, #tpu.memory_space<vmem_shared>> -> memref<32x128xf32, #tpu.memory_space<vmem_shared>>
      tpu.enqueue_dma source(%arg12 : memref<32x128xf32, #tpu.memory_space<vmem>>) target(%dma_start3A_137 : memref<32x128xf32, #tpu.memory_space<vmem_shared>>) target_semaphore(%run_scoped3A_134 : memref<!tpu.dma_semaphore, #tpu.memory_space<semaphore_mem>>)
      %dma_wait3A = arith.constant 0 : i32
      %dma_wait3A_138 = tpu.memref_slice %arg20[%add3A_70, %dma_wait3A] : memref<10240x128xf32, #tpu.memory_space<vmem_shared>> -> memref<32x128xf32, #tpu.memory_space<vmem_shared>>
      %dma_wait3A_139 = arith.constant 0 : i32
      %dma_wait3A_140 = tpu.memref_slice %arg20[%add3A_70, %dma_wait3A_139] : memref<10240x128xf32, #tpu.memory_space<vmem_shared>> -> memref<32x128xf32, #tpu.memory_space<vmem_shared>>
      tpu.wait_dma2 semaphore(%run_scoped3A_134 : memref<!tpu.dma_semaphore, #tpu.memory_space<semaphore_mem>>) src(%arg12 : memref<32x128xf32, #tpu.memory_space<vmem>>) dst(%dma_wait3A_140 : memref<32x128xf32, #tpu.memory_space<vmem_shared>>)
      tpu.yield
    }) : () -> ()
    %add3A_71 = arith.constant 256 : i32
    %add3A_72 = arith.addi %mul3A_25, %add3A_71 : i32
    %add3A_73 = arith.constant 64 : i32
    %add3A_74 = arith.addi %add3A_72, %add3A_73 : i32
    "tpu.region"() ({
      %run_scoped3A_134 = tpu.sem_alloc : memref<!tpu.dma_semaphore, #tpu.memory_space<semaphore_mem>>
      %dma_start3A = arith.constant 0 : i32
      %dma_start3A_135 = tpu.memref_slice %arg20[%add3A_74, %dma_start3A] : memref<10240x128xf32, #tpu.memory_space<vmem_shared>> -> memref<32x128xf32, #tpu.memory_space<vmem_shared>>
      %dma_start3A_136 = arith.constant 0 : i32
      %dma_start3A_137 = tpu.memref_slice %arg20[%add3A_74, %dma_start3A_136] : memref<10240x128xf32, #tpu.memory_space<vmem_shared>> -> memref<32x128xf32, #tpu.memory_space<vmem_shared>>
      tpu.enqueue_dma source(%arg13 : memref<32x128xf32, #tpu.memory_space<vmem>>) target(%dma_start3A_137 : memref<32x128xf32, #tpu.memory_space<vmem_shared>>) target_semaphore(%run_scoped3A_134 : memref<!tpu.dma_semaphore, #tpu.memory_space<semaphore_mem>>)
      %dma_wait3A = arith.constant 0 : i32
      %dma_wait3A_138 = tpu.memref_slice %arg20[%add3A_74, %dma_wait3A] : memref<10240x128xf32, #tpu.memory_space<vmem_shared>> -> memref<32x128xf32, #tpu.memory_space<vmem_shared>>
      %dma_wait3A_139 = arith.constant 0 : i32
      %dma_wait3A_140 = tpu.memref_slice %arg20[%add3A_74, %dma_wait3A_139] : memref<10240x128xf32, #tpu.memory_space<vmem_shared>> -> memref<32x128xf32, #tpu.memory_space<vmem_shared>>
      tpu.wait_dma2 semaphore(%run_scoped3A_134 : memref<!tpu.dma_semaphore, #tpu.memory_space<semaphore_mem>>) src(%arg13 : memref<32x128xf32, #tpu.memory_space<vmem>>) dst(%dma_wait3A_140 : memref<32x128xf32, #tpu.memory_space<vmem_shared>>)
      tpu.yield
    }) : () -> ()
    %add3A_75 = arith.constant 256 : i32
    %add3A_76 = arith.addi %mul3A_25, %add3A_75 : i32
    %add3A_77 = arith.constant 96 : i32
    %add3A_78 = arith.addi %add3A_76, %add3A_77 : i32
    "tpu.region"() ({
      %run_scoped3A_134 = tpu.sem_alloc : memref<!tpu.dma_semaphore, #tpu.memory_space<semaphore_mem>>
      %dma_start3A = arith.constant 0 : i32
      %dma_start3A_135 = tpu.memref_slice %arg20[%add3A_78, %dma_start3A] : memref<10240x128xf32, #tpu.memory_space<vmem_shared>> -> memref<32x128xf32, #tpu.memory_space<vmem_shared>>
      %dma_start3A_136 = arith.constant 0 : i32
      %dma_start3A_137 = tpu.memref_slice %arg20[%add3A_78, %dma_start3A_136] : memref<10240x128xf32, #tpu.memory_space<vmem_shared>> -> memref<32x128xf32, #tpu.memory_space<vmem_shared>>
      tpu.enqueue_dma source(%arg14 : memref<32x128xf32, #tpu.memory_space<vmem>>) target(%dma_start3A_137 : memref<32x128xf32, #tpu.memory_space<vmem_shared>>) target_semaphore(%run_scoped3A_134 : memref<!tpu.dma_semaphore, #tpu.memory_space<semaphore_mem>>)
      %dma_wait3A = arith.constant 0 : i32
      %dma_wait3A_138 = tpu.memref_slice %arg20[%add3A_78, %dma_wait3A] : memref<10240x128xf32, #tpu.memory_space<vmem_shared>> -> memref<32x128xf32, #tpu.memory_space<vmem_shared>>
      %dma_wait3A_139 = arith.constant 0 : i32
      %dma_wait3A_140 = tpu.memref_slice %arg20[%add3A_78, %dma_wait3A_139] : memref<10240x128xf32, #tpu.memory_space<vmem_shared>> -> memref<32x128xf32, #tpu.memory_space<vmem_shared>>
      tpu.wait_dma2 semaphore(%run_scoped3A_134 : memref<!tpu.dma_semaphore, #tpu.memory_space<semaphore_mem>>) src(%arg14 : memref<32x128xf32, #tpu.memory_space<vmem>>) dst(%dma_wait3A_140 : memref<32x128xf32, #tpu.memory_space<vmem_shared>>)
      tpu.yield
    }) : () -> ()
    %add3A_79 = arith.constant 256 : i32
    %add3A_80 = arith.addi %mul3A_25, %add3A_79 : i32
    %run_scoped3A_81 = arith.constant 0 : i32
    "tpu.region"() ({
      %run_scoped3A_134 = tpu.sem_alloc : memref<!tpu.dma_semaphore, #tpu.memory_space<semaphore_mem>>
      %dma_start3A = arith.constant 0 : i32
      %dma_start3A_135 = tpu.memref_slice %arg11[%run_scoped3A_81, %dma_start3A] : memref<32x128xf32, #tpu.memory_space<vmem>> -> memref<1x128xf32, #tpu.memory_space<vmem>>
      %dma_start3A_136 = tpu.memref_squeeze %dma_start3A_135 : memref<1x128xf32, #tpu.memory_space<vmem>> -> memref<128xf32, #tpu.memory_space<vmem>>
      %dma_start3A_137 = tpu.memref_slice %arg21[%add3A_80] : memref<10240xf32, #tpu.memory_space<vmem_shared>> -> memref<128xf32, #tpu.memory_space<vmem_shared>>
      %dma_start3A_138 = tpu.memref_slice %arg21[%add3A_80] : memref<10240xf32, #tpu.memory_space<vmem_shared>> -> memref<128xf32, #tpu.memory_space<vmem_shared>>
      %dma_start3A_139 = arith.constant 0 : i32
      %dma_start3A_140 = tpu.memref_slice %arg11[%run_scoped3A_81, %dma_start3A_139] : memref<32x128xf32, #tpu.memory_space<vmem>> -> memref<1x128xf32, #tpu.memory_space<vmem>>
      %dma_start3A_141 = tpu.memref_squeeze %dma_start3A_140 : memref<1x128xf32, #tpu.memory_space<vmem>> -> memref<128xf32, #tpu.memory_space<vmem>>
      tpu.enqueue_dma source(%dma_start3A_141 : memref<128xf32, #tpu.memory_space<vmem>>) target(%dma_start3A_138 : memref<128xf32, #tpu.memory_space<vmem_shared>>) target_semaphore(%run_scoped3A_134 : memref<!tpu.dma_semaphore, #tpu.memory_space<semaphore_mem>>)
      %dma_wait3A = arith.constant 0 : i32
      %dma_wait3A_142 = tpu.memref_slice %arg11[%run_scoped3A_81, %dma_wait3A] : memref<32x128xf32, #tpu.memory_space<vmem>> -> memref<1x128xf32, #tpu.memory_space<vmem>>
      %dma_wait3A_143 = tpu.memref_squeeze %dma_wait3A_142 : memref<1x128xf32, #tpu.memory_space<vmem>> -> memref<128xf32, #tpu.memory_space<vmem>>
      %dma_wait3A_144 = tpu.memref_slice %arg21[%add3A_80] : memref<10240xf32, #tpu.memory_space<vmem_shared>> -> memref<128xf32, #tpu.memory_space<vmem_shared>>
      %dma_wait3A_145 = tpu.memref_slice %arg21[%add3A_80] : memref<10240xf32, #tpu.memory_space<vmem_shared>> -> memref<128xf32, #tpu.memory_space<vmem_shared>>
      %dma_wait3A_146 = arith.constant 0 : i32
      %dma_wait3A_147 = tpu.memref_slice %arg11[%run_scoped3A_81, %dma_wait3A_146] : memref<32x128xf32, #tpu.memory_space<vmem>> -> memref<1x128xf32, #tpu.memory_space<vmem>>
      %dma_wait3A_148 = tpu.memref_squeeze %dma_wait3A_147 : memref<1x128xf32, #tpu.memory_space<vmem>> -> memref<128xf32, #tpu.memory_space<vmem>>
      tpu.wait_dma2 semaphore(%run_scoped3A_134 : memref<!tpu.dma_semaphore, #tpu.memory_space<semaphore_mem>>) src(%dma_wait3A_148 : memref<128xf32, #tpu.memory_space<vmem>>) dst(%dma_wait3A_145 : memref<128xf32, #tpu.memory_space<vmem_shared>>)
      tpu.yield
    }) : () -> ()
    %add3A_82 = arith.constant 384 : i32
    %add3A_83 = arith.addi %mul3A_25, %add3A_82 : i32
    %add3A_84 = arith.constant 0 : i32
    %add3A_85 = arith.addi %add3A_83, %add3A_84 : i32
    "tpu.region"() ({
      %run_scoped3A_134 = tpu.sem_alloc : memref<!tpu.dma_semaphore, #tpu.memory_space<semaphore_mem>>
      %dma_start3A = arith.constant 0 : i32
      %dma_start3A_135 = tpu.memref_slice %arg20[%add3A_85, %dma_start3A] : memref<10240x128xf32, #tpu.memory_space<vmem_shared>> -> memref<32x128xf32, #tpu.memory_space<vmem_shared>>
      %dma_start3A_136 = arith.constant 0 : i32
      %dma_start3A_137 = tpu.memref_slice %arg20[%add3A_85, %dma_start3A_136] : memref<10240x128xf32, #tpu.memory_space<vmem_shared>> -> memref<32x128xf32, #tpu.memory_space<vmem_shared>>
      tpu.enqueue_dma source(%arg11 : memref<32x128xf32, #tpu.memory_space<vmem>>) target(%dma_start3A_137 : memref<32x128xf32, #tpu.memory_space<vmem_shared>>) target_semaphore(%run_scoped3A_134 : memref<!tpu.dma_semaphore, #tpu.memory_space<semaphore_mem>>)
      %dma_wait3A = arith.constant 0 : i32
      %dma_wait3A_138 = tpu.memref_slice %arg20[%add3A_85, %dma_wait3A] : memref<10240x128xf32, #tpu.memory_space<vmem_shared>> -> memref<32x128xf32, #tpu.memory_space<vmem_shared>>
      %dma_wait3A_139 = arith.constant 0 : i32
      %dma_wait3A_140 = tpu.memref_slice %arg20[%add3A_85, %dma_wait3A_139] : memref<10240x128xf32, #tpu.memory_space<vmem_shared>> -> memref<32x128xf32, #tpu.memory_space<vmem_shared>>
      tpu.wait_dma2 semaphore(%run_scoped3A_134 : memref<!tpu.dma_semaphore, #tpu.memory_space<semaphore_mem>>) src(%arg11 : memref<32x128xf32, #tpu.memory_space<vmem>>) dst(%dma_wait3A_140 : memref<32x128xf32, #tpu.memory_space<vmem_shared>>)
      tpu.yield
    }) : () -> ()
    %add3A_86 = arith.constant 384 : i32
    %add3A_87 = arith.addi %mul3A_25, %add3A_86 : i32
    %add3A_88 = arith.constant 32 : i32
    %add3A_89 = arith.addi %add3A_87, %add3A_88 : i32
    "tpu.region"() ({
      %run_scoped3A_134 = tpu.sem_alloc : memref<!tpu.dma_semaphore, #tpu.memory_space<semaphore_mem>>
      %dma_start3A = arith.constant 0 : i32
      %dma_start3A_135 = tpu.memref_slice %arg20[%add3A_89, %dma_start3A] : memref<10240x128xf32, #tpu.memory_space<vmem_shared>> -> memref<32x128xf32, #tpu.memory_space<vmem_shared>>
      %dma_start3A_136 = arith.constant 0 : i32
      %dma_start3A_137 = tpu.memref_slice %arg20[%add3A_89, %dma_start3A_136] : memref<10240x128xf32, #tpu.memory_space<vmem_shared>> -> memref<32x128xf32, #tpu.memory_space<vmem_shared>>
      tpu.enqueue_dma source(%arg12 : memref<32x128xf32, #tpu.memory_space<vmem>>) target(%dma_start3A_137 : memref<32x128xf32, #tpu.memory_space<vmem_shared>>) target_semaphore(%run_scoped3A_134 : memref<!tpu.dma_semaphore, #tpu.memory_space<semaphore_mem>>)
      %dma_wait3A = arith.constant 0 : i32
      %dma_wait3A_138 = tpu.memref_slice %arg20[%add3A_89, %dma_wait3A] : memref<10240x128xf32, #tpu.memory_space<vmem_shared>> -> memref<32x128xf32, #tpu.memory_space<vmem_shared>>
      %dma_wait3A_139 = arith.constant 0 : i32
      %dma_wait3A_140 = tpu.memref_slice %arg20[%add3A_89, %dma_wait3A_139] : memref<10240x128xf32, #tpu.memory_space<vmem_shared>> -> memref<32x128xf32, #tpu.memory_space<vmem_shared>>
      tpu.wait_dma2 semaphore(%run_scoped3A_134 : memref<!tpu.dma_semaphore, #tpu.memory_space<semaphore_mem>>) src(%arg12 : memref<32x128xf32, #tpu.memory_space<vmem>>) dst(%dma_wait3A_140 : memref<32x128xf32, #tpu.memory_space<vmem_shared>>)
      tpu.yield
    }) : () -> ()
    %add3A_90 = arith.constant 384 : i32
    %add3A_91 = arith.addi %mul3A_25, %add3A_90 : i32
    %add3A_92 = arith.constant 64 : i32
    %add3A_93 = arith.addi %add3A_91, %add3A_92 : i32
    "tpu.region"() ({
      %run_scoped3A_134 = tpu.sem_alloc : memref<!tpu.dma_semaphore, #tpu.memory_space<semaphore_mem>>
      %dma_start3A = arith.constant 0 : i32
      %dma_start3A_135 = tpu.memref_slice %arg20[%add3A_93, %dma_start3A] : memref<10240x128xf32, #tpu.memory_space<vmem_shared>> -> memref<32x128xf32, #tpu.memory_space<vmem_shared>>
      %dma_start3A_136 = arith.constant 0 : i32
      %dma_start3A_137 = tpu.memref_slice %arg20[%add3A_93, %dma_start3A_136] : memref<10240x128xf32, #tpu.memory_space<vmem_shared>> -> memref<32x128xf32, #tpu.memory_space<vmem_shared>>
      tpu.enqueue_dma source(%arg13 : memref<32x128xf32, #tpu.memory_space<vmem>>) target(%dma_start3A_137 : memref<32x128xf32, #tpu.memory_space<vmem_shared>>) target_semaphore(%run_scoped3A_134 : memref<!tpu.dma_semaphore, #tpu.memory_space<semaphore_mem>>)
      %dma_wait3A = arith.constant 0 : i32
      %dma_wait3A_138 = tpu.memref_slice %arg20[%add3A_93, %dma_wait3A] : memref<10240x128xf32, #tpu.memory_space<vmem_shared>> -> memref<32x128xf32, #tpu.memory_space<vmem_shared>>
      %dma_wait3A_139 = arith.constant 0 : i32
      %dma_wait3A_140 = tpu.memref_slice %arg20[%add3A_93, %dma_wait3A_139] : memref<10240x128xf32, #tpu.memory_space<vmem_shared>> -> memref<32x128xf32, #tpu.memory_space<vmem_shared>>
      tpu.wait_dma2 semaphore(%run_scoped3A_134 : memref<!tpu.dma_semaphore, #tpu.memory_space<semaphore_mem>>) src(%arg13 : memref<32x128xf32, #tpu.memory_space<vmem>>) dst(%dma_wait3A_140 : memref<32x128xf32, #tpu.memory_space<vmem_shared>>)
      tpu.yield
    }) : () -> ()
    %add3A_94 = arith.constant 384 : i32
    %add3A_95 = arith.addi %mul3A_25, %add3A_94 : i32
    %add3A_96 = arith.constant 96 : i32
    %add3A_97 = arith.addi %add3A_95, %add3A_96 : i32
    "tpu.region"() ({
      %run_scoped3A_134 = tpu.sem_alloc : memref<!tpu.dma_semaphore, #tpu.memory_space<semaphore_mem>>
      %dma_start3A = arith.constant 0 : i32
      %dma_start3A_135 = tpu.memref_slice %arg20[%add3A_97, %dma_start3A] : memref<10240x128xf32, #tpu.memory_space<vmem_shared>> -> memref<32x128xf32, #tpu.memory_space<vmem_shared>>
      %dma_start3A_136 = arith.constant 0 : i32
      %dma_start3A_137 = tpu.memref_slice %arg20[%add3A_97, %dma_start3A_136] : memref<10240x128xf32, #tpu.memory_space<vmem_shared>> -> memref<32x128xf32, #tpu.memory_space<vmem_shared>>
      tpu.enqueue_dma source(%arg14 : memref<32x128xf32, #tpu.memory_space<vmem>>) target(%dma_start3A_137 : memref<32x128xf32, #tpu.memory_space<vmem_shared>>) target_semaphore(%run_scoped3A_134 : memref<!tpu.dma_semaphore, #tpu.memory_space<semaphore_mem>>)
      %dma_wait3A = arith.constant 0 : i32
      %dma_wait3A_138 = tpu.memref_slice %arg20[%add3A_97, %dma_wait3A] : memref<10240x128xf32, #tpu.memory_space<vmem_shared>> -> memref<32x128xf32, #tpu.memory_space<vmem_shared>>
      %dma_wait3A_139 = arith.constant 0 : i32
      %dma_wait3A_140 = tpu.memref_slice %arg20[%add3A_97, %dma_wait3A_139] : memref<10240x128xf32, #tpu.memory_space<vmem_shared>> -> memref<32x128xf32, #tpu.memory_space<vmem_shared>>
      tpu.wait_dma2 semaphore(%run_scoped3A_134 : memref<!tpu.dma_semaphore, #tpu.memory_space<semaphore_mem>>) src(%arg14 : memref<32x128xf32, #tpu.memory_space<vmem>>) dst(%dma_wait3A_140 : memref<32x128xf32, #tpu.memory_space<vmem_shared>>)
      tpu.yield
    }) : () -> ()
    %add3A_98 = arith.constant 384 : i32
    %add3A_99 = arith.addi %mul3A_25, %add3A_98 : i32
    %run_scoped3A_100 = arith.constant 0 : i32
    "tpu.region"() ({
      %run_scoped3A_134 = tpu.sem_alloc : memref<!tpu.dma_semaphore, #tpu.memory_space<semaphore_mem>>
      %dma_start3A = arith.constant 0 : i32
      %dma_start3A_135 = tpu.memref_slice %arg11[%run_scoped3A_100, %dma_start3A] : memref<32x128xf32, #tpu.memory_space<vmem>> -> memref<1x128xf32, #tpu.memory_space<vmem>>
      %dma_start3A_136 = tpu.memref_squeeze %dma_start3A_135 : memref<1x128xf32, #tpu.memory_space<vmem>> -> memref<128xf32, #tpu.memory_space<vmem>>
      %dma_start3A_137 = tpu.memref_slice %arg21[%add3A_99] : memref<10240xf32, #tpu.memory_space<vmem_shared>> -> memref<128xf32, #tpu.memory_space<vmem_shared>>
      %dma_start3A_138 = tpu.memref_slice %arg21[%add3A_99] : memref<10240xf32, #tpu.memory_space<vmem_shared>> -> memref<128xf32, #tpu.memory_space<vmem_shared>>
      %dma_start3A_139 = arith.constant 0 : i32
      %dma_start3A_140 = tpu.memref_slice %arg11[%run_scoped3A_100, %dma_start3A_139] : memref<32x128xf32, #tpu.memory_space<vmem>> -> memref<1x128xf32, #tpu.memory_space<vmem>>
      %dma_start3A_141 = tpu.memref_squeeze %dma_start3A_140 : memref<1x128xf32, #tpu.memory_space<vmem>> -> memref<128xf32, #tpu.memory_space<vmem>>
      tpu.enqueue_dma source(%dma_start3A_141 : memref<128xf32, #tpu.memory_space<vmem>>) target(%dma_start3A_138 : memref<128xf32, #tpu.memory_space<vmem_shared>>) target_semaphore(%run_scoped3A_134 : memref<!tpu.dma_semaphore, #tpu.memory_space<semaphore_mem>>)
      %dma_wait3A = arith.constant 0 : i32
      %dma_wait3A_142 = tpu.memref_slice %arg11[%run_scoped3A_100, %dma_wait3A] : memref<32x128xf32, #tpu.memory_space<vmem>> -> memref<1x128xf32, #tpu.memory_space<vmem>>
      %dma_wait3A_143 = tpu.memref_squeeze %dma_wait3A_142 : memref<1x128xf32, #tpu.memory_space<vmem>> -> memref<128xf32, #tpu.memory_space<vmem>>
      %dma_wait3A_144 = tpu.memref_slice %arg21[%add3A_99] : memref<10240xf32, #tpu.memory_space<vmem_shared>> -> memref<128xf32, #tpu.memory_space<vmem_shared>>
      %dma_wait3A_145 = tpu.memref_slice %arg21[%add3A_99] : memref<10240xf32, #tpu.memory_space<vmem_shared>> -> memref<128xf32, #tpu.memory_space<vmem_shared>>
      %dma_wait3A_146 = arith.constant 0 : i32
      %dma_wait3A_147 = tpu.memref_slice %arg11[%run_scoped3A_100, %dma_wait3A_146] : memref<32x128xf32, #tpu.memory_space<vmem>> -> memref<1x128xf32, #tpu.memory_space<vmem>>
      %dma_wait3A_148 = tpu.memref_squeeze %dma_wait3A_147 : memref<1x128xf32, #tpu.memory_space<vmem>> -> memref<128xf32, #tpu.memory_space<vmem>>
      tpu.wait_dma2 semaphore(%run_scoped3A_134 : memref<!tpu.dma_semaphore, #tpu.memory_space<semaphore_mem>>) src(%dma_wait3A_148 : memref<128xf32, #tpu.memory_space<vmem>>) dst(%dma_wait3A_145 : memref<128xf32, #tpu.memory_space<vmem_shared>>)
      tpu.yield
    }) : () -> ()
    %add3A_101 = arith.constant 512 : i32
    %add3A_102 = arith.addi %mul3A_25, %add3A_101 : i32
    %add3A_103 = arith.constant 0 : i32
    %add3A_104 = arith.addi %add3A_102, %add3A_103 : i32
    "tpu.region"() ({
      %run_scoped3A_134 = tpu.sem_alloc : memref<!tpu.dma_semaphore, #tpu.memory_space<semaphore_mem>>
      %dma_start3A = arith.constant 0 : i32
      %dma_start3A_135 = tpu.memref_slice %arg20[%add3A_104, %dma_start3A] : memref<10240x128xf32, #tpu.memory_space<vmem_shared>> -> memref<32x128xf32, #tpu.memory_space<vmem_shared>>
      %dma_start3A_136 = arith.constant 0 : i32
      %dma_start3A_137 = tpu.memref_slice %arg20[%add3A_104, %dma_start3A_136] : memref<10240x128xf32, #tpu.memory_space<vmem_shared>> -> memref<32x128xf32, #tpu.memory_space<vmem_shared>>
      tpu.enqueue_dma source(%arg11 : memref<32x128xf32, #tpu.memory_space<vmem>>) target(%dma_start3A_137 : memref<32x128xf32, #tpu.memory_space<vmem_shared>>) target_semaphore(%run_scoped3A_134 : memref<!tpu.dma_semaphore, #tpu.memory_space<semaphore_mem>>)
      %dma_wait3A = arith.constant 0 : i32
      %dma_wait3A_138 = tpu.memref_slice %arg20[%add3A_104, %dma_wait3A] : memref<10240x128xf32, #tpu.memory_space<vmem_shared>> -> memref<32x128xf32, #tpu.memory_space<vmem_shared>>
      %dma_wait3A_139 = arith.constant 0 : i32
      %dma_wait3A_140 = tpu.memref_slice %arg20[%add3A_104, %dma_wait3A_139] : memref<10240x128xf32, #tpu.memory_space<vmem_shared>> -> memref<32x128xf32, #tpu.memory_space<vmem_shared>>
      tpu.wait_dma2 semaphore(%run_scoped3A_134 : memref<!tpu.dma_semaphore, #tpu.memory_space<semaphore_mem>>) src(%arg11 : memref<32x128xf32, #tpu.memory_space<vmem>>) dst(%dma_wait3A_140 : memref<32x128xf32, #tpu.memory_space<vmem_shared>>)
      tpu.yield
    }) : () -> ()
    %add3A_105 = arith.constant 512 : i32
    %add3A_106 = arith.addi %mul3A_25, %add3A_105 : i32
    %add3A_107 = arith.constant 32 : i32
    %add3A_108 = arith.addi %add3A_106, %add3A_107 : i32
    "tpu.region"() ({
      %run_scoped3A_134 = tpu.sem_alloc : memref<!tpu.dma_semaphore, #tpu.memory_space<semaphore_mem>>
      %dma_start3A = arith.constant 0 : i32
      %dma_start3A_135 = tpu.memref_slice %arg20[%add3A_108, %dma_start3A] : memref<10240x128xf32, #tpu.memory_space<vmem_shared>> -> memref<32x128xf32, #tpu.memory_space<vmem_shared>>
      %dma_start3A_136 = arith.constant 0 : i32
      %dma_start3A_137 = tpu.memref_slice %arg20[%add3A_108, %dma_start3A_136] : memref<10240x128xf32, #tpu.memory_space<vmem_shared>> -> memref<32x128xf32, #tpu.memory_space<vmem_shared>>
      tpu.enqueue_dma source(%arg12 : memref<32x128xf32, #tpu.memory_space<vmem>>) target(%dma_start3A_137 : memref<32x128xf32, #tpu.memory_space<vmem_shared>>) target_semaphore(%run_scoped3A_134 : memref<!tpu.dma_semaphore, #tpu.memory_space<semaphore_mem>>)
      %dma_wait3A = arith.constant 0 : i32
      %dma_wait3A_138 = tpu.memref_slice %arg20[%add3A_108, %dma_wait3A] : memref<10240x128xf32, #tpu.memory_space<vmem_shared>> -> memref<32x128xf32, #tpu.memory_space<vmem_shared>>
      %dma_wait3A_139 = arith.constant 0 : i32
      %dma_wait3A_140 = tpu.memref_slice %arg20[%add3A_108, %dma_wait3A_139] : memref<10240x128xf32, #tpu.memory_space<vmem_shared>> -> memref<32x128xf32, #tpu.memory_space<vmem_shared>>
      tpu.wait_dma2 semaphore(%run_scoped3A_134 : memref<!tpu.dma_semaphore, #tpu.memory_space<semaphore_mem>>) src(%arg12 : memref<32x128xf32, #tpu.memory_space<vmem>>) dst(%dma_wait3A_140 : memref<32x128xf32, #tpu.memory_space<vmem_shared>>)
      tpu.yield
    }) : () -> ()
    %add3A_109 = arith.constant 512 : i32
    %add3A_110 = arith.addi %mul3A_25, %add3A_109 : i32
    %add3A_111 = arith.constant 64 : i32
    %add3A_112 = arith.addi %add3A_110, %add3A_111 : i32
    "tpu.region"() ({
      %run_scoped3A_134 = tpu.sem_alloc : memref<!tpu.dma_semaphore, #tpu.memory_space<semaphore_mem>>
      %dma_start3A = arith.constant 0 : i32
      %dma_start3A_135 = tpu.memref_slice %arg20[%add3A_112, %dma_start3A] : memref<10240x128xf32, #tpu.memory_space<vmem_shared>> -> memref<32x128xf32, #tpu.memory_space<vmem_shared>>
      %dma_start3A_136 = arith.constant 0 : i32
      %dma_start3A_137 = tpu.memref_slice %arg20[%add3A_112, %dma_start3A_136] : memref<10240x128xf32, #tpu.memory_space<vmem_shared>> -> memref<32x128xf32, #tpu.memory_space<vmem_shared>>
      tpu.enqueue_dma source(%arg13 : memref<32x128xf32, #tpu.memory_space<vmem>>) target(%dma_start3A_137 : memref<32x128xf32, #tpu.memory_space<vmem_shared>>) target_semaphore(%run_scoped3A_134 : memref<!tpu.dma_semaphore, #tpu.memory_space<semaphore_mem>>)
      %dma_wait3A = arith.constant 0 : i32
      %dma_wait3A_138 = tpu.memref_slice %arg20[%add3A_112, %dma_wait3A] : memref<10240x128xf32, #tpu.memory_space<vmem_shared>> -> memref<32x128xf32, #tpu.memory_space<vmem_shared>>
      %dma_wait3A_139 = arith.constant 0 : i32
      %dma_wait3A_140 = tpu.memref_slice %arg20[%add3A_112, %dma_wait3A_139] : memref<10240x128xf32, #tpu.memory_space<vmem_shared>> -> memref<32x128xf32, #tpu.memory_space<vmem_shared>>
      tpu.wait_dma2 semaphore(%run_scoped3A_134 : memref<!tpu.dma_semaphore, #tpu.memory_space<semaphore_mem>>) src(%arg13 : memref<32x128xf32, #tpu.memory_space<vmem>>) dst(%dma_wait3A_140 : memref<32x128xf32, #tpu.memory_space<vmem_shared>>)
      tpu.yield
    }) : () -> ()
    %add3A_113 = arith.constant 512 : i32
    %add3A_114 = arith.addi %mul3A_25, %add3A_113 : i32
    %add3A_115 = arith.constant 96 : i32
    %add3A_116 = arith.addi %add3A_114, %add3A_115 : i32
    "tpu.region"() ({
      %run_scoped3A_134 = tpu.sem_alloc : memref<!tpu.dma_semaphore, #tpu.memory_space<semaphore_mem>>
      %dma_start3A = arith.constant 0 : i32
      %dma_start3A_135 = tpu.memref_slice %arg20[%add3A_116, %dma_start3A] : memref<10240x128xf32, #tpu.memory_space<vmem_shared>> -> memref<32x128xf32, #tpu.memory_space<vmem_shared>>
      %dma_start3A_136 = arith.constant 0 : i32
      %dma_start3A_137 = tpu.memref_slice %arg20[%add3A_116, %dma_start3A_136] : memref<10240x128xf32, #tpu.memory_space<vmem_shared>> -> memref<32x128xf32, #tpu.memory_space<vmem_shared>>
      tpu.enqueue_dma source(%arg14 : memref<32x128xf32, #tpu.memory_space<vmem>>) target(%dma_start3A_137 : memref<32x128xf32, #tpu.memory_space<vmem_shared>>) target_semaphore(%run_scoped3A_134 : memref<!tpu.dma_semaphore, #tpu.memory_space<semaphore_mem>>)
      %dma_wait3A = arith.constant 0 : i32
      %dma_wait3A_138 = tpu.memref_slice %arg20[%add3A_116, %dma_wait3A] : memref<10240x128xf32, #tpu.memory_space<vmem_shared>> -> memref<32x128xf32, #tpu.memory_space<vmem_shared>>
      %dma_wait3A_139 = arith.constant 0 : i32
      %dma_wait3A_140 = tpu.memref_slice %arg20[%add3A_116, %dma_wait3A_139] : memref<10240x128xf32, #tpu.memory_space<vmem_shared>> -> memref<32x128xf32, #tpu.memory_space<vmem_shared>>
      tpu.wait_dma2 semaphore(%run_scoped3A_134 : memref<!tpu.dma_semaphore, #tpu.memory_space<semaphore_mem>>) src(%arg14 : memref<32x128xf32, #tpu.memory_space<vmem>>) dst(%dma_wait3A_140 : memref<32x128xf32, #tpu.memory_space<vmem_shared>>)
      tpu.yield
    }) : () -> ()
    %add3A_117 = arith.constant 512 : i32
    %add3A_118 = arith.addi %mul3A_25, %add3A_117 : i32
    %run_scoped3A_119 = arith.constant 0 : i32
    "tpu.region"() ({
      %run_scoped3A_134 = tpu.sem_alloc : memref<!tpu.dma_semaphore, #tpu.memory_space<semaphore_mem>>
      %dma_start3A = arith.constant 0 : i32
      %dma_start3A_135 = tpu.memref_slice %arg11[%run_scoped3A_119, %dma_start3A] : memref<32x128xf32, #tpu.memory_space<vmem>> -> memref<1x128xf32, #tpu.memory_space<vmem>>
      %dma_start3A_136 = tpu.memref_squeeze %dma_start3A_135 : memref<1x128xf32, #tpu.memory_space<vmem>> -> memref<128xf32, #tpu.memory_space<vmem>>
      %dma_start3A_137 = tpu.memref_slice %arg21[%add3A_118] : memref<10240xf32, #tpu.memory_space<vmem_shared>> -> memref<128xf32, #tpu.memory_space<vmem_shared>>
      %dma_start3A_138 = tpu.memref_slice %arg21[%add3A_118] : memref<10240xf32, #tpu.memory_space<vmem_shared>> -> memref<128xf32, #tpu.memory_space<vmem_shared>>
      %dma_start3A_139 = arith.constant 0 : i32
      %dma_start3A_140 = tpu.memref_slice %arg11[%run_scoped3A_119, %dma_start3A_139] : memref<32x128xf32, #tpu.memory_space<vmem>> -> memref<1x128xf32, #tpu.memory_space<vmem>>
      %dma_start3A_141 = tpu.memref_squeeze %dma_start3A_140 : memref<1x128xf32, #tpu.memory_space<vmem>> -> memref<128xf32, #tpu.memory_space<vmem>>
      tpu.enqueue_dma source(%dma_start3A_141 : memref<128xf32, #tpu.memory_space<vmem>>) target(%dma_start3A_138 : memref<128xf32, #tpu.memory_space<vmem_shared>>) target_semaphore(%run_scoped3A_134 : memref<!tpu.dma_semaphore, #tpu.memory_space<semaphore_mem>>)
      %dma_wait3A = arith.constant 0 : i32
      %dma_wait3A_142 = tpu.memref_slice %arg11[%run_scoped3A_119, %dma_wait3A] : memref<32x128xf32, #tpu.memory_space<vmem>> -> memref<1x128xf32, #tpu.memory_space<vmem>>
      %dma_wait3A_143 = tpu.memref_squeeze %dma_wait3A_142 : memref<1x128xf32, #tpu.memory_space<vmem>> -> memref<128xf32, #tpu.memory_space<vmem>>
      %dma_wait3A_144 = tpu.memref_slice %arg21[%add3A_118] : memref<10240xf32, #tpu.memory_space<vmem_shared>> -> memref<128xf32, #tpu.memory_space<vmem_shared>>
      %dma_wait3A_145 = tpu.memref_slice %arg21[%add3A_118] : memref<10240xf32, #tpu.memory_space<vmem_shared>> -> memref<128xf32, #tpu.memory_space<vmem_shared>>
      %dma_wait3A_146 = arith.constant 0 : i32
      %dma_wait3A_147 = tpu.memref_slice %arg11[%run_scoped3A_119, %dma_wait3A_146] : memref<32x128xf32, #tpu.memory_space<vmem>> -> memref<1x128xf32, #tpu.memory_space<vmem>>
      %dma_wait3A_148 = tpu.memref_squeeze %dma_wait3A_147 : memref<1x128xf32, #tpu.memory_space<vmem>> -> memref<128xf32, #tpu.memory_space<vmem>>
      tpu.wait_dma2 semaphore(%run_scoped3A_134 : memref<!tpu.dma_semaphore, #tpu.memory_space<semaphore_mem>>) src(%dma_wait3A_148 : memref<128xf32, #tpu.memory_space<vmem>>) dst(%dma_wait3A_145 : memref<128xf32, #tpu.memory_space<vmem_shared>>)
      tpu.yield
    }) : () -> ()
    %barrier3A = arith.constant 0 : index
    tpu.barrier barrier_id(%barrier3A)
    %scan3A_120 = arith.constant 0 : i32
    %scan3A_121 = arith.constant 0 : i32
    %scan3A_122 = arith.constant 20 : i32
    %scan3A_123 = arith.addi %scan3A_121, %scan3A_122 : i32
    %scan3A_124 = arith.constant 1 : i32
    scf.for %scan3A_134 = %scan3A_121 to %scan3A_123 step %scan3A_124  : i32 {
      %mul3A_135 = arith.constant 4 : i32
      %mul3A_136 = arith.muli %scan3A_134, %mul3A_135 : i32
      "tpu.region"() ({
        %run_scoped3A_953 = tpu.sem_alloc : memref<!tpu.dma_semaphore, #tpu.memory_space<semaphore_mem>>
        %dma_start3A_954 = arith.constant 0 : i32
        %dma_start3A_955 = arith.constant 0 : i32
        %dma_start3A_956 = tpu.memref_slice %arg2[%add3A, %dma_start3A_954, %dma_start3A_955] : memref<32x80x128xi32, #tpu.memory_space<hbm>> -> memref<1x80x128xi32, #tpu.memory_space<hbm>>
        %dma_start3A_957 = tpu.memref_squeeze %dma_start3A_956 : memref<1x80x128xi32, #tpu.memory_space<hbm>> -> memref<80x128xi32, #tpu.memory_space<hbm>>
        %dma_start3A_958 = arith.constant 0 : i32
        %dma_start3A_959 = tpu.memref_slice %dma_start3A_957[%mul3A_136, %dma_start3A_958] : memref<80x128xi32, #tpu.memory_space<hbm>> -> memref<4x128xi32, #tpu.memory_space<hbm>>
        %dma_start3A_960 = arith.constant 0 : i32
        %dma_start3A_961 = arith.constant 0 : i32
        %dma_start3A_962 = tpu.memref_slice %arg2[%add3A, %dma_start3A_960, %dma_start3A_961] : memref<32x80x128xi32, #tpu.memory_space<hbm>> -> memref<1x80x128xi32, #tpu.memory_space<hbm>>
        %dma_start3A_963 = tpu.memref_squeeze %dma_start3A_962 : memref<1x80x128xi32, #tpu.memory_space<hbm>> -> memref<80x128xi32, #tpu.memory_space<hbm>>
        %dma_start3A_964 = arith.constant 0 : i32
        %dma_start3A_965 = tpu.memref_slice %dma_start3A_963[%mul3A_136, %dma_start3A_964] : memref<80x128xi32, #tpu.memory_space<hbm>> -> memref<4x128xi32, #tpu.memory_space<hbm>>
        tpu.enqueue_dma source(%dma_start3A_965 : memref<4x128xi32, #tpu.memory_space<hbm>>) target(%arg9 : memref<4x128xi32, #tpu.memory_space<vmem>>) target_semaphore(%run_scoped3A_953 : memref<!tpu.dma_semaphore, #tpu.memory_space<semaphore_mem>>)
        %dma_wait3A_966 = arith.constant 0 : i32
        %dma_wait3A_967 = arith.constant 0 : i32
        %dma_wait3A_968 = tpu.memref_slice %arg2[%add3A, %dma_wait3A_966, %dma_wait3A_967] : memref<32x80x128xi32, #tpu.memory_space<hbm>> -> memref<1x80x128xi32, #tpu.memory_space<hbm>>
        %dma_wait3A_969 = tpu.memref_squeeze %dma_wait3A_968 : memref<1x80x128xi32, #tpu.memory_space<hbm>> -> memref<80x128xi32, #tpu.memory_space<hbm>>
        %dma_wait3A_970 = arith.constant 0 : i32
        %dma_wait3A_971 = tpu.memref_slice %dma_wait3A_969[%mul3A_136, %dma_wait3A_970] : memref<80x128xi32, #tpu.memory_space<hbm>> -> memref<4x128xi32, #tpu.memory_space<hbm>>
        %dma_wait3A_972 = arith.constant 0 : i32
        %dma_wait3A_973 = arith.constant 0 : i32
        %dma_wait3A_974 = tpu.memref_slice %arg2[%add3A, %dma_wait3A_972, %dma_wait3A_973] : memref<32x80x128xi32, #tpu.memory_space<hbm>> -> memref<1x80x128xi32, #tpu.memory_space<hbm>>
        %dma_wait3A_975 = tpu.memref_squeeze %dma_wait3A_974 : memref<1x80x128xi32, #tpu.memory_space<hbm>> -> memref<80x128xi32, #tpu.memory_space<hbm>>
        %dma_wait3A_976 = arith.constant 0 : i32
        %dma_wait3A_977 = tpu.memref_slice %dma_wait3A_975[%mul3A_136, %dma_wait3A_976] : memref<80x128xi32, #tpu.memory_space<hbm>> -> memref<4x128xi32, #tpu.memory_space<hbm>>
        tpu.wait_dma2 semaphore(%run_scoped3A_953 : memref<!tpu.dma_semaphore, #tpu.memory_space<semaphore_mem>>) src(%dma_wait3A_977 : memref<4x128xi32, #tpu.memory_space<hbm>>) dst(%arg9 : memref<4x128xi32, #tpu.memory_space<vmem>>)
        tpu.yield
      }) : () -> ()
      %mul3A_137 = arith.constant 4 : i32
      %mul3A_138 = arith.muli %scan3A_134, %mul3A_137 : i32
      "tpu.region"() ({
        %run_scoped3A_953 = tpu.sem_alloc : memref<!tpu.dma_semaphore, #tpu.memory_space<semaphore_mem>>
        %dma_start3A_954 = arith.constant 0 : i32
        %dma_start3A_955 = arith.constant 0 : i32
        %dma_start3A_956 = tpu.memref_slice %arg3[%add3A, %dma_start3A_954, %dma_start3A_955] : memref<32x80x128xi32, #tpu.memory_space<hbm>> -> memref<1x80x128xi32, #tpu.memory_space<hbm>>
        %dma_start3A_957 = tpu.memref_squeeze %dma_start3A_956 : memref<1x80x128xi32, #tpu.memory_space<hbm>> -> memref<80x128xi32, #tpu.memory_space<hbm>>
        %dma_start3A_958 = arith.constant 0 : i32
        %dma_start3A_959 = tpu.memref_slice %dma_start3A_957[%mul3A_138, %dma_start3A_958] : memref<80x128xi32, #tpu.memory_space<hbm>> -> memref<4x128xi32, #tpu.memory_space<hbm>>
        %dma_start3A_960 = arith.constant 0 : i32
        %dma_start3A_961 = arith.constant 0 : i32
        %dma_start3A_962 = tpu.memref_slice %arg3[%add3A, %dma_start3A_960, %dma_start3A_961] : memref<32x80x128xi32, #tpu.memory_space<hbm>> -> memref<1x80x128xi32, #tpu.memory_space<hbm>>
        %dma_start3A_963 = tpu.memref_squeeze %dma_start3A_962 : memref<1x80x128xi32, #tpu.memory_space<hbm>> -> memref<80x128xi32, #tpu.memory_space<hbm>>
        %dma_start3A_964 = arith.constant 0 : i32
        %dma_start3A_965 = tpu.memref_slice %dma_start3A_963[%mul3A_138, %dma_start3A_964] : memref<80x128xi32, #tpu.memory_space<hbm>> -> memref<4x128xi32, #tpu.memory_space<hbm>>
        tpu.enqueue_dma source(%dma_start3A_965 : memref<4x128xi32, #tpu.memory_space<hbm>>) target(%arg10 : memref<4x128xi32, #tpu.memory_space<vmem>>) target_semaphore(%run_scoped3A_953 : memref<!tpu.dma_semaphore, #tpu.memory_space<semaphore_mem>>)
        %dma_wait3A_966 = arith.constant 0 : i32
        %dma_wait3A_967 = arith.constant 0 : i32
        %dma_wait3A_968 = tpu.memref_slice %arg3[%add3A, %dma_wait3A_966, %dma_wait3A_967] : memref<32x80x128xi32, #tpu.memory_space<hbm>> -> memref<1x80x128xi32, #tpu.memory_space<hbm>>
        %dma_wait3A_969 = tpu.memref_squeeze %dma_wait3A_968 : memref<1x80x128xi32, #tpu.memory_space<hbm>> -> memref<80x128xi32, #tpu.memory_space<hbm>>
        %dma_wait3A_970 = arith.constant 0 : i32
        %dma_wait3A_971 = tpu.memref_slice %dma_wait3A_969[%mul3A_138, %dma_wait3A_970] : memref<80x128xi32, #tpu.memory_space<hbm>> -> memref<4x128xi32, #tpu.memory_space<hbm>>
        %dma_wait3A_972 = arith.constant 0 : i32
        %dma_wait3A_973 = arith.constant 0 : i32
        %dma_wait3A_974 = tpu.memref_slice %arg3[%add3A, %dma_wait3A_972, %dma_wait3A_973] : memref<32x80x128xi32, #tpu.memory_space<hbm>> -> memref<1x80x128xi32, #tpu.memory_space<hbm>>
        %dma_wait3A_975 = tpu.memref_squeeze %dma_wait3A_974 : memref<1x80x128xi32, #tpu.memory_space<hbm>> -> memref<80x128xi32, #tpu.memory_space<hbm>>
        %dma_wait3A_976 = arith.constant 0 : i32
        %dma_wait3A_977 = tpu.memref_slice %dma_wait3A_975[%mul3A_138, %dma_wait3A_976] : memref<80x128xi32, #tpu.memory_space<hbm>> -> memref<4x128xi32, #tpu.memory_space<hbm>>
        tpu.wait_dma2 semaphore(%run_scoped3A_953 : memref<!tpu.dma_semaphore, #tpu.memory_space<semaphore_mem>>) src(%dma_wait3A_977 : memref<4x128xi32, #tpu.memory_space<hbm>>) dst(%arg10 : memref<4x128xi32, #tpu.memory_space<vmem>>)
        tpu.yield
      }) : () -> ()
      %dma_start3A = arith.constant 0 : i32
      %dma_start3A_139 = arith.constant 0 : i32
      %dma_start3A_140 = arith.constant 0 : i32
      %dma_start3A_141 = tpu.memref_slice %arg9[%dma_start3A, %dma_start3A_140] : memref<4x128xi32, #tpu.memory_space<vmem>> -> memref<1x128xi32, #tpu.memory_space<vmem>>
      %dma_start3A_142 = tpu.memref_squeeze %dma_start3A_141 : memref<1x128xi32, #tpu.memory_space<vmem>> -> memref<128xi32, #tpu.memory_space<vmem>>
      %dma_start3A_143 = arith.constant 0 : i32
      %dma_start3A_144 = tpu.memref_slice %dma_start3A_142[%dma_start3A_143] : memref<128xi32, #tpu.memory_space<vmem>> -> memref<32xi32, #tpu.memory_space<vmem>>
      %dma_start3A_145 = arith.constant 0 : i32
      %dma_start3A_146 = arith.constant 0 : i32
      %dma_start3A_147 = tpu.memref_slice %arg4[%dma_start3A_145, %dma_start3A_146] : memref<10000x128xf32, #tpu.memory_space<hbm>> -> memref<10000x128xf32, #tpu.memory_space<hbm>>
      %dma_start3A_148 = tpu.memref_slice %arg22[%dma_start3A_139] : memref<8x!tpu.dma_semaphore, #tpu.memory_space<semaphore_mem>> -> memref<1x!tpu.dma_semaphore, #tpu.memory_space<semaphore_mem>>
      %dma_start3A_149 = tpu.memref_squeeze %dma_start3A_148 : memref<1x!tpu.dma_semaphore, #tpu.memory_space<semaphore_mem>> -> memref<!tpu.dma_semaphore, #tpu.memory_space<semaphore_mem>>
      tpu.enqueue_indirect_dma source(%dma_start3A_147 : memref<10000x128xf32, #tpu.memory_space<hbm>>) target(%arg11 : memref<32x128xf32, #tpu.memory_space<vmem>>) offsets(%dma_start3A_144 : memref<32xi32, #tpu.memory_space<vmem>>) semaphore(%dma_start3A_149 : memref<!tpu.dma_semaphore, #tpu.memory_space<semaphore_mem>>)
      %dma_start3A_150 = arith.constant 0 : i32
      %dma_start3A_151 = arith.constant 1 : i32
      %dma_start3A_152 = arith.constant 0 : i32
      %dma_start3A_153 = tpu.memref_slice %arg9[%dma_start3A_150, %dma_start3A_152] : memref<4x128xi32, #tpu.memory_space<vmem>> -> memref<1x128xi32, #tpu.memory_space<vmem>>
      %dma_start3A_154 = tpu.memref_squeeze %dma_start3A_153 : memref<1x128xi32, #tpu.memory_space<vmem>> -> memref<128xi32, #tpu.memory_space<vmem>>
      %dma_start3A_155 = arith.constant 32 : i32
      %dma_start3A_156 = tpu.memref_slice %dma_start3A_154[%dma_start3A_155] : memref<128xi32, #tpu.memory_space<vmem>> -> memref<32xi32, #tpu.memory_space<vmem>>
      %dma_start3A_157 = arith.constant 0 : i32
      %dma_start3A_158 = arith.constant 0 : i32
      %dma_start3A_159 = tpu.memref_slice %arg4[%dma_start3A_157, %dma_start3A_158] : memref<10000x128xf32, #tpu.memory_space<hbm>> -> memref<10000x128xf32, #tpu.memory_space<hbm>>
      %dma_start3A_160 = tpu.memref_slice %arg22[%dma_start3A_151] : memref<8x!tpu.dma_semaphore, #tpu.memory_space<semaphore_mem>> -> memref<1x!tpu.dma_semaphore, #tpu.memory_space<semaphore_mem>>
      %dma_start3A_161 = tpu.memref_squeeze %dma_start3A_160 : memref<1x!tpu.dma_semaphore, #tpu.memory_space<semaphore_mem>> -> memref<!tpu.dma_semaphore, #tpu.memory_space<semaphore_mem>>
      tpu.enqueue_indirect_dma source(%dma_start3A_159 : memref<10000x128xf32, #tpu.memory_space<hbm>>) target(%arg12 : memref<32x128xf32, #tpu.memory_space<vmem>>) offsets(%dma_start3A_156 : memref<32xi32, #tpu.memory_space<vmem>>) semaphore(%dma_start3A_161 : memref<!tpu.dma_semaphore, #tpu.memory_space<semaphore_mem>>)
      %dma_start3A_162 = arith.constant 0 : i32
      %dma_start3A_163 = arith.constant 2 : i32
      %dma_start3A_164 = arith.constant 0 : i32
      %dma_start3A_165 = tpu.memref_slice %arg9[%dma_start3A_162, %dma_start3A_164] : memref<4x128xi32, #tpu.memory_space<vmem>> -> memref<1x128xi32, #tpu.memory_space<vmem>>
      %dma_start3A_166 = tpu.memref_squeeze %dma_start3A_165 : memref<1x128xi32, #tpu.memory_space<vmem>> -> memref<128xi32, #tpu.memory_space<vmem>>
      %dma_start3A_167 = arith.constant 64 : i32
      %dma_start3A_168 = tpu.memref_slice %dma_start3A_166[%dma_start3A_167] : memref<128xi32, #tpu.memory_space<vmem>> -> memref<32xi32, #tpu.memory_space<vmem>>
      %dma_start3A_169 = arith.constant 0 : i32
      %dma_start3A_170 = arith.constant 0 : i32
      %dma_start3A_171 = tpu.memref_slice %arg4[%dma_start3A_169, %dma_start3A_170] : memref<10000x128xf32, #tpu.memory_space<hbm>> -> memref<10000x128xf32, #tpu.memory_space<hbm>>
      %dma_start3A_172 = tpu.memref_slice %arg22[%dma_start3A_163] : memref<8x!tpu.dma_semaphore, #tpu.memory_space<semaphore_mem>> -> memref<1x!tpu.dma_semaphore, #tpu.memory_space<semaphore_mem>>
      %dma_start3A_173 = tpu.memref_squeeze %dma_start3A_172 : memref<1x!tpu.dma_semaphore, #tpu.memory_space<semaphore_mem>> -> memref<!tpu.dma_semaphore, #tpu.memory_space<semaphore_mem>>
      tpu.enqueue_indirect_dma source(%dma_start3A_171 : memref<10000x128xf32, #tpu.memory_space<hbm>>) target(%arg13 : memref<32x128xf32, #tpu.memory_space<vmem>>) offsets(%dma_start3A_168 : memref<32xi32, #tpu.memory_space<vmem>>) semaphore(%dma_start3A_173 : memref<!tpu.dma_semaphore, #tpu.memory_space<semaphore_mem>>)
      %dma_start3A_174 = arith.constant 0 : i32
      %dma_start3A_175 = arith.constant 3 : i32
      %dma_start3A_176 = arith.constant 0 : i32
      %dma_start3A_177 = tpu.memref_slice %arg9[%dma_start3A_174, %dma_start3A_176] : memref<4x128xi32, #tpu.memory_space<vmem>> -> memref<1x128xi32, #tpu.memory_space<vmem>>
      %dma_start3A_178 = tpu.memref_squeeze %dma_start3A_177 : memref<1x128xi32, #tpu.memory_space<vmem>> -> memref<128xi32, #tpu.memory_space<vmem>>
      %dma_start3A_179 = arith.constant 96 : i32
      %dma_start3A_180 = tpu.memref_slice %dma_start3A_178[%dma_start3A_179] : memref<128xi32, #tpu.memory_space<vmem>> -> memref<32xi32, #tpu.memory_space<vmem>>
      %dma_start3A_181 = arith.constant 0 : i32
      %dma_start3A_182 = arith.constant 0 : i32
      %dma_start3A_183 = tpu.memref_slice %arg4[%dma_start3A_181, %dma_start3A_182] : memref<10000x128xf32, #tpu.memory_space<hbm>> -> memref<10000x128xf32, #tpu.memory_space<hbm>>
      %dma_start3A_184 = tpu.memref_slice %arg22[%dma_start3A_175] : memref<8x!tpu.dma_semaphore, #tpu.memory_space<semaphore_mem>> -> memref<1x!tpu.dma_semaphore, #tpu.memory_space<semaphore_mem>>
      %dma_start3A_185 = tpu.memref_squeeze %dma_start3A_184 : memref<1x!tpu.dma_semaphore, #tpu.memory_space<semaphore_mem>> -> memref<!tpu.dma_semaphore, #tpu.memory_space<semaphore_mem>>
      tpu.enqueue_indirect_dma source(%dma_start3A_183 : memref<10000x128xf32, #tpu.memory_space<hbm>>) target(%arg14 : memref<32x128xf32, #tpu.memory_space<vmem>>) offsets(%dma_start3A_180 : memref<32xi32, #tpu.memory_space<vmem>>) semaphore(%dma_start3A_185 : memref<!tpu.dma_semaphore, #tpu.memory_space<semaphore_mem>>)
      %dma_start3A_186 = arith.constant 1 : i32
      %dma_start3A_187 = arith.constant 4 : i32
      %dma_start3A_188 = arith.constant 0 : i32
      %dma_start3A_189 = tpu.memref_slice %arg9[%dma_start3A_186, %dma_start3A_188] : memref<4x128xi32, #tpu.memory_space<vmem>> -> memref<1x128xi32, #tpu.memory_space<vmem>>
      %dma_start3A_190 = tpu.memref_squeeze %dma_start3A_189 : memref<1x128xi32, #tpu.memory_space<vmem>> -> memref<128xi32, #tpu.memory_space<vmem>>
      %dma_start3A_191 = arith.constant 0 : i32
      %dma_start3A_192 = tpu.memref_slice %dma_start3A_190[%dma_start3A_191] : memref<128xi32, #tpu.memory_space<vmem>> -> memref<32xi32, #tpu.memory_space<vmem>>
      %dma_start3A_193 = arith.constant 0 : i32
      %dma_start3A_194 = arith.constant 0 : i32
      %dma_start3A_195 = tpu.memref_slice %arg4[%dma_start3A_193, %dma_start3A_194] : memref<10000x128xf32, #tpu.memory_space<hbm>> -> memref<10000x128xf32, #tpu.memory_space<hbm>>
      %dma_start3A_196 = tpu.memref_slice %arg22[%dma_start3A_187] : memref<8x!tpu.dma_semaphore, #tpu.memory_space<semaphore_mem>> -> memref<1x!tpu.dma_semaphore, #tpu.memory_space<semaphore_mem>>
      %dma_start3A_197 = tpu.memref_squeeze %dma_start3A_196 : memref<1x!tpu.dma_semaphore, #tpu.memory_space<semaphore_mem>> -> memref<!tpu.dma_semaphore, #tpu.memory_space<semaphore_mem>>
      tpu.enqueue_indirect_dma source(%dma_start3A_195 : memref<10000x128xf32, #tpu.memory_space<hbm>>) target(%arg15 : memref<32x128xf32, #tpu.memory_space<vmem>>) offsets(%dma_start3A_192 : memref<32xi32, #tpu.memory_space<vmem>>) semaphore(%dma_start3A_197 : memref<!tpu.dma_semaphore, #tpu.memory_space<semaphore_mem>>)
      %dma_start3A_198 = arith.constant 1 : i32
      %dma_start3A_199 = arith.constant 5 : i32
      %dma_start3A_200 = arith.constant 0 : i32
      %dma_start3A_201 = tpu.memref_slice %arg9[%dma_start3A_198, %dma_start3A_200] : memref<4x128xi32, #tpu.memory_space<vmem>> -> memref<1x128xi32, #tpu.memory_space<vmem>>
      %dma_start3A_202 = tpu.memref_squeeze %dma_start3A_201 : memref<1x128xi32, #tpu.memory_space<vmem>> -> memref<128xi32, #tpu.memory_space<vmem>>
      %dma_start3A_203 = arith.constant 32 : i32
      %dma_start3A_204 = tpu.memref_slice %dma_start3A_202[%dma_start3A_203] : memref<128xi32, #tpu.memory_space<vmem>> -> memref<32xi32, #tpu.memory_space<vmem>>
      %dma_start3A_205 = arith.constant 0 : i32
      %dma_start3A_206 = arith.constant 0 : i32
      %dma_start3A_207 = tpu.memref_slice %arg4[%dma_start3A_205, %dma_start3A_206] : memref<10000x128xf32, #tpu.memory_space<hbm>> -> memref<10000x128xf32, #tpu.memory_space<hbm>>
      %dma_start3A_208 = tpu.memref_slice %arg22[%dma_start3A_199] : memref<8x!tpu.dma_semaphore, #tpu.memory_space<semaphore_mem>> -> memref<1x!tpu.dma_semaphore, #tpu.memory_space<semaphore_mem>>
      %dma_start3A_209 = tpu.memref_squeeze %dma_start3A_208 : memref<1x!tpu.dma_semaphore, #tpu.memory_space<semaphore_mem>> -> memref<!tpu.dma_semaphore, #tpu.memory_space<semaphore_mem>>
      tpu.enqueue_indirect_dma source(%dma_start3A_207 : memref<10000x128xf32, #tpu.memory_space<hbm>>) target(%arg16 : memref<32x128xf32, #tpu.memory_space<vmem>>) offsets(%dma_start3A_204 : memref<32xi32, #tpu.memory_space<vmem>>) semaphore(%dma_start3A_209 : memref<!tpu.dma_semaphore, #tpu.memory_space<semaphore_mem>>)
      %dma_wait3A = arith.constant 0 : i32
      %dma_wait3A_210 = arith.constant 0 : i32
      %dma_wait3A_211 = arith.constant 0 : i32
      %dma_wait3A_212 = tpu.memref_slice %arg9[%dma_wait3A, %dma_wait3A_211] : memref<4x128xi32, #tpu.memory_space<vmem>> -> memref<1x128xi32, #tpu.memory_space<vmem>>
      %dma_wait3A_213 = tpu.memref_squeeze %dma_wait3A_212 : memref<1x128xi32, #tpu.memory_space<vmem>> -> memref<128xi32, #tpu.memory_space<vmem>>
      %dma_wait3A_214 = arith.constant 0 : i32
      %dma_wait3A_215 = tpu.memref_slice %dma_wait3A_213[%dma_wait3A_214] : memref<128xi32, #tpu.memory_space<vmem>> -> memref<32xi32, #tpu.memory_space<vmem>>
      %dma_wait3A_216 = arith.constant 0 : i32
      %dma_wait3A_217 = arith.constant 0 : i32
      %dma_wait3A_218 = tpu.memref_slice %arg4[%dma_wait3A_216, %dma_wait3A_217] : memref<10000x128xf32, #tpu.memory_space<hbm>> -> memref<10000x128xf32, #tpu.memory_space<hbm>>
      %dma_wait3A_219 = tpu.memref_slice %arg22[%dma_wait3A_210] : memref<8x!tpu.dma_semaphore, #tpu.memory_space<semaphore_mem>> -> memref<1x!tpu.dma_semaphore, #tpu.memory_space<semaphore_mem>>
      %dma_wait3A_220 = tpu.memref_squeeze %dma_wait3A_219 : memref<1x!tpu.dma_semaphore, #tpu.memory_space<semaphore_mem>> -> memref<!tpu.dma_semaphore, #tpu.memory_space<semaphore_mem>>
      tpu.wait_indirect_dma semaphore(%dma_wait3A_220 : memref<!tpu.dma_semaphore, #tpu.memory_space<semaphore_mem>>) src(%dma_wait3A_218 : memref<10000x128xf32, #tpu.memory_space<hbm>>) dst(%arg11 : memref<32x128xf32, #tpu.memory_space<vmem>>)
      %dma_start3A_221 = arith.constant 0 : i32
      %dma_start3A_222 = arith.constant 0 : i32
      %dma_start3A_223 = arith.constant 0 : i32
      %dma_start3A_224 = tpu.memref_slice %arg10[%dma_start3A_221, %dma_start3A_223] : memref<4x128xi32, #tpu.memory_space<vmem>> -> memref<1x128xi32, #tpu.memory_space<vmem>>
      %dma_start3A_225 = tpu.memref_squeeze %dma_start3A_224 : memref<1x128xi32, #tpu.memory_space<vmem>> -> memref<128xi32, #tpu.memory_space<vmem>>
      %dma_start3A_226 = arith.constant 0 : i32
      %dma_start3A_227 = tpu.memref_slice %dma_start3A_225[%dma_start3A_226] : memref<128xi32, #tpu.memory_space<vmem>> -> memref<32xi32, #tpu.memory_space<vmem>>
      %dma_start3A_228 = arith.constant 0 : i32
      %dma_start3A_229 = arith.constant 0 : i32
      %dma_start3A_230 = tpu.memref_slice %arg20[%dma_start3A_228, %dma_start3A_229] : memref<10240x128xf32, #tpu.memory_space<vmem_shared>> -> memref<10240x128xf32, #tpu.memory_space<vmem_shared>>
      %dma_start3A_231 = tpu.memref_slice %arg23[%dma_start3A_222] : memref<8x!tpu.dma_semaphore, #tpu.memory_space<semaphore_mem>> -> memref<1x!tpu.dma_semaphore, #tpu.memory_space<semaphore_mem>>
      %dma_start3A_232 = tpu.memref_squeeze %dma_start3A_231 : memref<1x!tpu.dma_semaphore, #tpu.memory_space<semaphore_mem>> -> memref<!tpu.dma_semaphore, #tpu.memory_space<semaphore_mem>>
      tpu.enqueue_indirect_dma source(%arg11 : memref<32x128xf32, #tpu.memory_space<vmem>>) target(%dma_start3A_230 : memref<10240x128xf32, #tpu.memory_space<vmem_shared>>) offsets(%dma_start3A_227 : memref<32xi32, #tpu.memory_space<vmem>>) semaphore(%dma_start3A_232 : memref<!tpu.dma_semaphore, #tpu.memory_space<semaphore_mem>>) {add = true}
      %dma_start3A_233 = arith.constant 0 : i32
      %dma_start3A_234 = arith.constant 0 : i32
      %dma_start3A_235 = tpu.memref_slice %arg10[%dma_start3A_233, %dma_start3A_234] : memref<4x128xi32, #tpu.memory_space<vmem>> -> memref<1x128xi32, #tpu.memory_space<vmem>>
      %dma_start3A_236 = tpu.memref_squeeze %dma_start3A_235 : memref<1x128xi32, #tpu.memory_space<vmem>> -> memref<128xi32, #tpu.memory_space<vmem>>
      %dma_start3A_237 = arith.constant 0 : i32
      %dma_start3A_238 = tpu.memref_slice %arg21[%dma_start3A_237] : memref<10240xf32, #tpu.memory_space<vmem_shared>> -> memref<10240xf32, #tpu.memory_space<vmem_shared>>
      tpu.enqueue_indirect_dma source(%arg19 : memref<128xf32, #tpu.memory_space<vmem>>) target(%dma_start3A_238 : memref<10240xf32, #tpu.memory_space<vmem_shared>>) offsets(%dma_start3A_236 : memref<128xi32, #tpu.memory_space<vmem>>) semaphore(%arg24 : memref<!tpu.dma_semaphore, #tpu.memory_space<semaphore_mem>>) {add = true}
      %dma_start3A_239 = arith.constant 1 : i32
      %dma_start3A_240 = arith.constant 6 : i32
      %dma_start3A_241 = arith.constant 0 : i32
      %dma_start3A_242 = tpu.memref_slice %arg9[%dma_start3A_239, %dma_start3A_241] : memref<4x128xi32, #tpu.memory_space<vmem>> -> memref<1x128xi32, #tpu.memory_space<vmem>>
      %dma_start3A_243 = tpu.memref_squeeze %dma_start3A_242 : memref<1x128xi32, #tpu.memory_space<vmem>> -> memref<128xi32, #tpu.memory_space<vmem>>
      %dma_start3A_244 = arith.constant 64 : i32
      %dma_start3A_245 = tpu.memref_slice %dma_start3A_243[%dma_start3A_244] : memref<128xi32, #tpu.memory_space<vmem>> -> memref<32xi32, #tpu.memory_space<vmem>>
      %dma_start3A_246 = arith.constant 0 : i32
      %dma_start3A_247 = arith.constant 0 : i32
      %dma_start3A_248 = tpu.memref_slice %arg4[%dma_start3A_246, %dma_start3A_247] : memref<10000x128xf32, #tpu.memory_space<hbm>> -> memref<10000x128xf32, #tpu.memory_space<hbm>>
      %dma_start3A_249 = tpu.memref_slice %arg22[%dma_start3A_240] : memref<8x!tpu.dma_semaphore, #tpu.memory_space<semaphore_mem>> -> memref<1x!tpu.dma_semaphore, #tpu.memory_space<semaphore_mem>>
      %dma_start3A_250 = tpu.memref_squeeze %dma_start3A_249 : memref<1x!tpu.dma_semaphore, #tpu.memory_space<semaphore_mem>> -> memref<!tpu.dma_semaphore, #tpu.memory_space<semaphore_mem>>
      tpu.enqueue_indirect_dma source(%dma_start3A_248 : memref<10000x128xf32, #tpu.memory_space<hbm>>) target(%arg17 : memref<32x128xf32, #tpu.memory_space<vmem>>) offsets(%dma_start3A_245 : memref<32xi32, #tpu.memory_space<vmem>>) semaphore(%dma_start3A_250 : memref<!tpu.dma_semaphore, #tpu.memory_space<semaphore_mem>>)
      %dma_wait3A_251 = arith.constant 0 : i32
      %dma_wait3A_252 = arith.constant 1 : i32
      %dma_wait3A_253 = arith.constant 0 : i32
      %dma_wait3A_254 = tpu.memref_slice %arg9[%dma_wait3A_251, %dma_wait3A_253] : memref<4x128xi32, #tpu.memory_space<vmem>> -> memref<1x128xi32, #tpu.memory_space<vmem>>
      %dma_wait3A_255 = tpu.memref_squeeze %dma_wait3A_254 : memref<1x128xi32, #tpu.memory_space<vmem>> -> memref<128xi32, #tpu.memory_space<vmem>>
      %dma_wait3A_256 = arith.constant 32 : i32
      %dma_wait3A_257 = tpu.memref_slice %dma_wait3A_255[%dma_wait3A_256] : memref<128xi32, #tpu.memory_space<vmem>> -> memref<32xi32, #tpu.memory_space<vmem>>
      %dma_wait3A_258 = arith.constant 0 : i32
      %dma_wait3A_259 = arith.constant 0 : i32
      %dma_wait3A_260 = tpu.memref_slice %arg4[%dma_wait3A_258, %dma_wait3A_259] : memref<10000x128xf32, #tpu.memory_space<hbm>> -> memref<10000x128xf32, #tpu.memory_space<hbm>>
      %dma_wait3A_261 = tpu.memref_slice %arg22[%dma_wait3A_252] : memref<8x!tpu.dma_semaphore, #tpu.memory_space<semaphore_mem>> -> memref<1x!tpu.dma_semaphore, #tpu.memory_space<semaphore_mem>>
      %dma_wait3A_262 = tpu.memref_squeeze %dma_wait3A_261 : memref<1x!tpu.dma_semaphore, #tpu.memory_space<semaphore_mem>> -> memref<!tpu.dma_semaphore, #tpu.memory_space<semaphore_mem>>
      tpu.wait_indirect_dma semaphore(%dma_wait3A_262 : memref<!tpu.dma_semaphore, #tpu.memory_space<semaphore_mem>>) src(%dma_wait3A_260 : memref<10000x128xf32, #tpu.memory_space<hbm>>) dst(%arg12 : memref<32x128xf32, #tpu.memory_space<vmem>>)
      %dma_start3A_263 = arith.constant 0 : i32
      %dma_start3A_264 = arith.constant 1 : i32
      %dma_start3A_265 = arith.constant 0 : i32
      %dma_start3A_266 = tpu.memref_slice %arg10[%dma_start3A_263, %dma_start3A_265] : memref<4x128xi32, #tpu.memory_space<vmem>> -> memref<1x128xi32, #tpu.memory_space<vmem>>
      %dma_start3A_267 = tpu.memref_squeeze %dma_start3A_266 : memref<1x128xi32, #tpu.memory_space<vmem>> -> memref<128xi32, #tpu.memory_space<vmem>>
      %dma_start3A_268 = arith.constant 32 : i32
      %dma_start3A_269 = tpu.memref_slice %dma_start3A_267[%dma_start3A_268] : memref<128xi32, #tpu.memory_space<vmem>> -> memref<32xi32, #tpu.memory_space<vmem>>
      %dma_start3A_270 = arith.constant 0 : i32
      %dma_start3A_271 = arith.constant 0 : i32
      %dma_start3A_272 = tpu.memref_slice %arg20[%dma_start3A_270, %dma_start3A_271] : memref<10240x128xf32, #tpu.memory_space<vmem_shared>> -> memref<10240x128xf32, #tpu.memory_space<vmem_shared>>
      %dma_start3A_273 = tpu.memref_slice %arg23[%dma_start3A_264] : memref<8x!tpu.dma_semaphore, #tpu.memory_space<semaphore_mem>> -> memref<1x!tpu.dma_semaphore, #tpu.memory_space<semaphore_mem>>
      %dma_start3A_274 = tpu.memref_squeeze %dma_start3A_273 : memref<1x!tpu.dma_semaphore, #tpu.memory_space<semaphore_mem>> -> memref<!tpu.dma_semaphore, #tpu.memory_space<semaphore_mem>>
      tpu.enqueue_indirect_dma source(%arg12 : memref<32x128xf32, #tpu.memory_space<vmem>>) target(%dma_start3A_272 : memref<10240x128xf32, #tpu.memory_space<vmem_shared>>) offsets(%dma_start3A_269 : memref<32xi32, #tpu.memory_space<vmem>>) semaphore(%dma_start3A_274 : memref<!tpu.dma_semaphore, #tpu.memory_space<semaphore_mem>>) {add = true}
      %dma_start3A_275 = arith.constant 1 : i32
      %dma_start3A_276 = arith.constant 7 : i32
      %dma_start3A_277 = arith.constant 0 : i32
      %dma_start3A_278 = tpu.memref_slice %arg9[%dma_start3A_275, %dma_start3A_277] : memref<4x128xi32, #tpu.memory_space<vmem>> -> memref<1x128xi32, #tpu.memory_space<vmem>>
      %dma_start3A_279 = tpu.memref_squeeze %dma_start3A_278 : memref<1x128xi32, #tpu.memory_space<vmem>> -> memref<128xi32, #tpu.memory_space<vmem>>
      %dma_start3A_280 = arith.constant 96 : i32
      %dma_start3A_281 = tpu.memref_slice %dma_start3A_279[%dma_start3A_280] : memref<128xi32, #tpu.memory_space<vmem>> -> memref<32xi32, #tpu.memory_space<vmem>>
      %dma_start3A_282 = arith.constant 0 : i32
      %dma_start3A_283 = arith.constant 0 : i32
      %dma_start3A_284 = tpu.memref_slice %arg4[%dma_start3A_282, %dma_start3A_283] : memref<10000x128xf32, #tpu.memory_space<hbm>> -> memref<10000x128xf32, #tpu.memory_space<hbm>>
      %dma_start3A_285 = tpu.memref_slice %arg22[%dma_start3A_276] : memref<8x!tpu.dma_semaphore, #tpu.memory_space<semaphore_mem>> -> memref<1x!tpu.dma_semaphore, #tpu.memory_space<semaphore_mem>>
      %dma_start3A_286 = tpu.memref_squeeze %dma_start3A_285 : memref<1x!tpu.dma_semaphore, #tpu.memory_space<semaphore_mem>> -> memref<!tpu.dma_semaphore, #tpu.memory_space<semaphore_mem>>
      tpu.enqueue_indirect_dma source(%dma_start3A_284 : memref<10000x128xf32, #tpu.memory_space<hbm>>) target(%arg18 : memref<32x128xf32, #tpu.memory_space<vmem>>) offsets(%dma_start3A_281 : memref<32xi32, #tpu.memory_space<vmem>>) semaphore(%dma_start3A_286 : memref<!tpu.dma_semaphore, #tpu.memory_space<semaphore_mem>>)
      %dma_wait3A_287 = arith.constant 0 : i32
      %dma_wait3A_288 = arith.constant 2 : i32
      %dma_wait3A_289 = arith.constant 0 : i32
      %dma_wait3A_290 = tpu.memref_slice %arg9[%dma_wait3A_287, %dma_wait3A_289] : memref<4x128xi32, #tpu.memory_space<vmem>> -> memref<1x128xi32, #tpu.memory_space<vmem>>
      %dma_wait3A_291 = tpu.memref_squeeze %dma_wait3A_290 : memref<1x128xi32, #tpu.memory_space<vmem>> -> memref<128xi32, #tpu.memory_space<vmem>>
      %dma_wait3A_292 = arith.constant 64 : i32
      %dma_wait3A_293 = tpu.memref_slice %dma_wait3A_291[%dma_wait3A_292] : memref<128xi32, #tpu.memory_space<vmem>> -> memref<32xi32, #tpu.memory_space<vmem>>
      %dma_wait3A_294 = arith.constant 0 : i32
      %dma_wait3A_295 = arith.constant 0 : i32
      %dma_wait3A_296 = tpu.memref_slice %arg4[%dma_wait3A_294, %dma_wait3A_295] : memref<10000x128xf32, #tpu.memory_space<hbm>> -> memref<10000x128xf32, #tpu.memory_space<hbm>>
      %dma_wait3A_297 = tpu.memref_slice %arg22[%dma_wait3A_288] : memref<8x!tpu.dma_semaphore, #tpu.memory_space<semaphore_mem>> -> memref<1x!tpu.dma_semaphore, #tpu.memory_space<semaphore_mem>>
      %dma_wait3A_298 = tpu.memref_squeeze %dma_wait3A_297 : memref<1x!tpu.dma_semaphore, #tpu.memory_space<semaphore_mem>> -> memref<!tpu.dma_semaphore, #tpu.memory_space<semaphore_mem>>
      tpu.wait_indirect_dma semaphore(%dma_wait3A_298 : memref<!tpu.dma_semaphore, #tpu.memory_space<semaphore_mem>>) src(%dma_wait3A_296 : memref<10000x128xf32, #tpu.memory_space<hbm>>) dst(%arg13 : memref<32x128xf32, #tpu.memory_space<vmem>>)
      %dma_start3A_299 = arith.constant 0 : i32
      %dma_start3A_300 = arith.constant 2 : i32
      %dma_start3A_301 = arith.constant 0 : i32
      %dma_start3A_302 = tpu.memref_slice %arg10[%dma_start3A_299, %dma_start3A_301] : memref<4x128xi32, #tpu.memory_space<vmem>> -> memref<1x128xi32, #tpu.memory_space<vmem>>
      %dma_start3A_303 = tpu.memref_squeeze %dma_start3A_302 : memref<1x128xi32, #tpu.memory_space<vmem>> -> memref<128xi32, #tpu.memory_space<vmem>>
      %dma_start3A_304 = arith.constant 64 : i32
      %dma_start3A_305 = tpu.memref_slice %dma_start3A_303[%dma_start3A_304] : memref<128xi32, #tpu.memory_space<vmem>> -> memref<32xi32, #tpu.memory_space<vmem>>
      %dma_start3A_306 = arith.constant 0 : i32
      %dma_start3A_307 = arith.constant 0 : i32
      %dma_start3A_308 = tpu.memref_slice %arg20[%dma_start3A_306, %dma_start3A_307] : memref<10240x128xf32, #tpu.memory_space<vmem_shared>> -> memref<10240x128xf32, #tpu.memory_space<vmem_shared>>
      %dma_start3A_309 = tpu.memref_slice %arg23[%dma_start3A_300] : memref<8x!tpu.dma_semaphore, #tpu.memory_space<semaphore_mem>> -> memref<1x!tpu.dma_semaphore, #tpu.memory_space<semaphore_mem>>
      %dma_start3A_310 = tpu.memref_squeeze %dma_start3A_309 : memref<1x!tpu.dma_semaphore, #tpu.memory_space<semaphore_mem>> -> memref<!tpu.dma_semaphore, #tpu.memory_space<semaphore_mem>>
      tpu.enqueue_indirect_dma source(%arg13 : memref<32x128xf32, #tpu.memory_space<vmem>>) target(%dma_start3A_308 : memref<10240x128xf32, #tpu.memory_space<vmem_shared>>) offsets(%dma_start3A_305 : memref<32xi32, #tpu.memory_space<vmem>>) semaphore(%dma_start3A_310 : memref<!tpu.dma_semaphore, #tpu.memory_space<semaphore_mem>>) {add = true}
      %dma_wait3A_311 = arith.constant 0 : i32
      %dma_wait3A_312 = arith.constant 0 : i32
      %dma_wait3A_313 = arith.constant 0 : i32
      %dma_wait3A_314 = tpu.memref_slice %arg10[%dma_wait3A_311, %dma_wait3A_313] : memref<4x128xi32, #tpu.memory_space<vmem>> -> memref<1x128xi32, #tpu.memory_space<vmem>>
      %dma_wait3A_315 = tpu.memref_squeeze %dma_wait3A_314 : memref<1x128xi32, #tpu.memory_space<vmem>> -> memref<128xi32, #tpu.memory_space<vmem>>
      %dma_wait3A_316 = arith.constant 0 : i32
      %dma_wait3A_317 = tpu.memref_slice %dma_wait3A_315[%dma_wait3A_316] : memref<128xi32, #tpu.memory_space<vmem>> -> memref<32xi32, #tpu.memory_space<vmem>>
      %dma_wait3A_318 = arith.constant 0 : i32
      %dma_wait3A_319 = arith.constant 0 : i32
      %dma_wait3A_320 = tpu.memref_slice %arg20[%dma_wait3A_318, %dma_wait3A_319] : memref<10240x128xf32, #tpu.memory_space<vmem_shared>> -> memref<10240x128xf32, #tpu.memory_space<vmem_shared>>
      %dma_wait3A_321 = tpu.memref_slice %arg23[%dma_wait3A_312] : memref<8x!tpu.dma_semaphore, #tpu.memory_space<semaphore_mem>> -> memref<1x!tpu.dma_semaphore, #tpu.memory_space<semaphore_mem>>
      %dma_wait3A_322 = tpu.memref_squeeze %dma_wait3A_321 : memref<1x!tpu.dma_semaphore, #tpu.memory_space<semaphore_mem>> -> memref<!tpu.dma_semaphore, #tpu.memory_space<semaphore_mem>>
      tpu.wait_indirect_dma semaphore(%dma_wait3A_322 : memref<!tpu.dma_semaphore, #tpu.memory_space<semaphore_mem>>) src(%arg11 : memref<32x128xf32, #tpu.memory_space<vmem>>) dst(%dma_wait3A_320 : memref<10240x128xf32, #tpu.memory_space<vmem_shared>>)
      %dma_start3A_323 = arith.constant 2 : i32
      %dma_start3A_324 = arith.constant 0 : i32
      %dma_start3A_325 = arith.constant 0 : i32
      %dma_start3A_326 = tpu.memref_slice %arg9[%dma_start3A_323, %dma_start3A_325] : memref<4x128xi32, #tpu.memory_space<vmem>> -> memref<1x128xi32, #tpu.memory_space<vmem>>
      %dma_start3A_327 = tpu.memref_squeeze %dma_start3A_326 : memref<1x128xi32, #tpu.memory_space<vmem>> -> memref<128xi32, #tpu.memory_space<vmem>>
      %dma_start3A_328 = arith.constant 0 : i32
      %dma_start3A_329 = tpu.memref_slice %dma_start3A_327[%dma_start3A_328] : memref<128xi32, #tpu.memory_space<vmem>> -> memref<32xi32, #tpu.memory_space<vmem>>
      %dma_start3A_330 = arith.constant 0 : i32
      %dma_start3A_331 = arith.constant 0 : i32
      %dma_start3A_332 = tpu.memref_slice %arg4[%dma_start3A_330, %dma_start3A_331] : memref<10000x128xf32, #tpu.memory_space<hbm>> -> memref<10000x128xf32, #tpu.memory_space<hbm>>
      %dma_start3A_333 = tpu.memref_slice %arg22[%dma_start3A_324] : memref<8x!tpu.dma_semaphore, #tpu.memory_space<semaphore_mem>> -> memref<1x!tpu.dma_semaphore, #tpu.memory_space<semaphore_mem>>
      %dma_start3A_334 = tpu.memref_squeeze %dma_start3A_333 : memref<1x!tpu.dma_semaphore, #tpu.memory_space<semaphore_mem>> -> memref<!tpu.dma_semaphore, #tpu.memory_space<semaphore_mem>>
      tpu.enqueue_indirect_dma source(%dma_start3A_332 : memref<10000x128xf32, #tpu.memory_space<hbm>>) target(%arg11 : memref<32x128xf32, #tpu.memory_space<vmem>>) offsets(%dma_start3A_329 : memref<32xi32, #tpu.memory_space<vmem>>) semaphore(%dma_start3A_334 : memref<!tpu.dma_semaphore, #tpu.memory_space<semaphore_mem>>)
      %dma_wait3A_335 = arith.constant 0 : i32
      %dma_wait3A_336 = arith.constant 3 : i32
      %dma_wait3A_337 = arith.constant 0 : i32
      %dma_wait3A_338 = tpu.memref_slice %arg9[%dma_wait3A_335, %dma_wait3A_337] : memref<4x128xi32, #tpu.memory_space<vmem>> -> memref<1x128xi32, #tpu.memory_space<vmem>>
      %dma_wait3A_339 = tpu.memref_squeeze %dma_wait3A_338 : memref<1x128xi32, #tpu.memory_space<vmem>> -> memref<128xi32, #tpu.memory_space<vmem>>
      %dma_wait3A_340 = arith.constant 96 : i32
      %dma_wait3A_341 = tpu.memref_slice %dma_wait3A_339[%dma_wait3A_340] : memref<128xi32, #tpu.memory_space<vmem>> -> memref<32xi32, #tpu.memory_space<vmem>>
      %dma_wait3A_342 = arith.constant 0 : i32
      %dma_wait3A_343 = arith.constant 0 : i32
      %dma_wait3A_344 = tpu.memref_slice %arg4[%dma_wait3A_342, %dma_wait3A_343] : memref<10000x128xf32, #tpu.memory_space<hbm>> -> memref<10000x128xf32, #tpu.memory_space<hbm>>
      %dma_wait3A_345 = tpu.memref_slice %arg22[%dma_wait3A_336] : memref<8x!tpu.dma_semaphore, #tpu.memory_space<semaphore_mem>> -> memref<1x!tpu.dma_semaphore, #tpu.memory_space<semaphore_mem>>
      %dma_wait3A_346 = tpu.memref_squeeze %dma_wait3A_345 : memref<1x!tpu.dma_semaphore, #tpu.memory_space<semaphore_mem>> -> memref<!tpu.dma_semaphore, #tpu.memory_space<semaphore_mem>>
      tpu.wait_indirect_dma semaphore(%dma_wait3A_346 : memref<!tpu.dma_semaphore, #tpu.memory_space<semaphore_mem>>) src(%dma_wait3A_344 : memref<10000x128xf32, #tpu.memory_space<hbm>>) dst(%arg14 : memref<32x128xf32, #tpu.memory_space<vmem>>)
      %dma_start3A_347 = arith.constant 0 : i32
      %dma_start3A_348 = arith.constant 3 : i32
      %dma_start3A_349 = arith.constant 0 : i32
      %dma_start3A_350 = tpu.memref_slice %arg10[%dma_start3A_347, %dma_start3A_349] : memref<4x128xi32, #tpu.memory_space<vmem>> -> memref<1x128xi32, #tpu.memory_space<vmem>>
      %dma_start3A_351 = tpu.memref_squeeze %dma_start3A_350 : memref<1x128xi32, #tpu.memory_space<vmem>> -> memref<128xi32, #tpu.memory_space<vmem>>
      %dma_start3A_352 = arith.constant 96 : i32
      %dma_start3A_353 = tpu.memref_slice %dma_start3A_351[%dma_start3A_352] : memref<128xi32, #tpu.memory_space<vmem>> -> memref<32xi32, #tpu.memory_space<vmem>>
      %dma_start3A_354 = arith.constant 0 : i32
      %dma_start3A_355 = arith.constant 0 : i32
      %dma_start3A_356 = tpu.memref_slice %arg20[%dma_start3A_354, %dma_start3A_355] : memref<10240x128xf32, #tpu.memory_space<vmem_shared>> -> memref<10240x128xf32, #tpu.memory_space<vmem_shared>>
      %dma_start3A_357 = tpu.memref_slice %arg23[%dma_start3A_348] : memref<8x!tpu.dma_semaphore, #tpu.memory_space<semaphore_mem>> -> memref<1x!tpu.dma_semaphore, #tpu.memory_space<semaphore_mem>>
      %dma_start3A_358 = tpu.memref_squeeze %dma_start3A_357 : memref<1x!tpu.dma_semaphore, #tpu.memory_space<semaphore_mem>> -> memref<!tpu.dma_semaphore, #tpu.memory_space<semaphore_mem>>
      tpu.enqueue_indirect_dma source(%arg14 : memref<32x128xf32, #tpu.memory_space<vmem>>) target(%dma_start3A_356 : memref<10240x128xf32, #tpu.memory_space<vmem_shared>>) offsets(%dma_start3A_353 : memref<32xi32, #tpu.memory_space<vmem>>) semaphore(%dma_start3A_358 : memref<!tpu.dma_semaphore, #tpu.memory_space<semaphore_mem>>) {add = true}
      %dma_wait3A_359 = arith.constant 0 : i32
      %dma_wait3A_360 = arith.constant 1 : i32
      %dma_wait3A_361 = arith.constant 0 : i32
      %dma_wait3A_362 = tpu.memref_slice %arg10[%dma_wait3A_359, %dma_wait3A_361] : memref<4x128xi32, #tpu.memory_space<vmem>> -> memref<1x128xi32, #tpu.memory_space<vmem>>
      %dma_wait3A_363 = tpu.memref_squeeze %dma_wait3A_362 : memref<1x128xi32, #tpu.memory_space<vmem>> -> memref<128xi32, #tpu.memory_space<vmem>>
      %dma_wait3A_364 = arith.constant 32 : i32
      %dma_wait3A_365 = tpu.memref_slice %dma_wait3A_363[%dma_wait3A_364] : memref<128xi32, #tpu.memory_space<vmem>> -> memref<32xi32, #tpu.memory_space<vmem>>
      %dma_wait3A_366 = arith.constant 0 : i32
      %dma_wait3A_367 = arith.constant 0 : i32
      %dma_wait3A_368 = tpu.memref_slice %arg20[%dma_wait3A_366, %dma_wait3A_367] : memref<10240x128xf32, #tpu.memory_space<vmem_shared>> -> memref<10240x128xf32, #tpu.memory_space<vmem_shared>>
      %dma_wait3A_369 = tpu.memref_slice %arg23[%dma_wait3A_360] : memref<8x!tpu.dma_semaphore, #tpu.memory_space<semaphore_mem>> -> memref<1x!tpu.dma_semaphore, #tpu.memory_space<semaphore_mem>>
      %dma_wait3A_370 = tpu.memref_squeeze %dma_wait3A_369 : memref<1x!tpu.dma_semaphore, #tpu.memory_space<semaphore_mem>> -> memref<!tpu.dma_semaphore, #tpu.memory_space<semaphore_mem>>
      tpu.wait_indirect_dma semaphore(%dma_wait3A_370 : memref<!tpu.dma_semaphore, #tpu.memory_space<semaphore_mem>>) src(%arg12 : memref<32x128xf32, #tpu.memory_space<vmem>>) dst(%dma_wait3A_368 : memref<10240x128xf32, #tpu.memory_space<vmem_shared>>)
      %dma_start3A_371 = arith.constant 2 : i32
      %dma_start3A_372 = arith.constant 1 : i32
      %dma_start3A_373 = arith.constant 0 : i32
      %dma_start3A_374 = tpu.memref_slice %arg9[%dma_start3A_371, %dma_start3A_373] : memref<4x128xi32, #tpu.memory_space<vmem>> -> memref<1x128xi32, #tpu.memory_space<vmem>>
      %dma_start3A_375 = tpu.memref_squeeze %dma_start3A_374 : memref<1x128xi32, #tpu.memory_space<vmem>> -> memref<128xi32, #tpu.memory_space<vmem>>
      %dma_start3A_376 = arith.constant 32 : i32
      %dma_start3A_377 = tpu.memref_slice %dma_start3A_375[%dma_start3A_376] : memref<128xi32, #tpu.memory_space<vmem>> -> memref<32xi32, #tpu.memory_space<vmem>>
      %dma_start3A_378 = arith.constant 0 : i32
      %dma_start3A_379 = arith.constant 0 : i32
      %dma_start3A_380 = tpu.memref_slice %arg4[%dma_start3A_378, %dma_start3A_379] : memref<10000x128xf32, #tpu.memory_space<hbm>> -> memref<10000x128xf32, #tpu.memory_space<hbm>>
      %dma_start3A_381 = tpu.memref_slice %arg22[%dma_start3A_372] : memref<8x!tpu.dma_semaphore, #tpu.memory_space<semaphore_mem>> -> memref<1x!tpu.dma_semaphore, #tpu.memory_space<semaphore_mem>>
      %dma_start3A_382 = tpu.memref_squeeze %dma_start3A_381 : memref<1x!tpu.dma_semaphore, #tpu.memory_space<semaphore_mem>> -> memref<!tpu.dma_semaphore, #tpu.memory_space<semaphore_mem>>
      tpu.enqueue_indirect_dma source(%dma_start3A_380 : memref<10000x128xf32, #tpu.memory_space<hbm>>) target(%arg12 : memref<32x128xf32, #tpu.memory_space<vmem>>) offsets(%dma_start3A_377 : memref<32xi32, #tpu.memory_space<vmem>>) semaphore(%dma_start3A_382 : memref<!tpu.dma_semaphore, #tpu.memory_space<semaphore_mem>>)
      %dma_wait3A_383 = arith.constant 1 : i32
      %dma_wait3A_384 = arith.constant 4 : i32
      %dma_wait3A_385 = arith.constant 0 : i32
      %dma_wait3A_386 = tpu.memref_slice %arg9[%dma_wait3A_383, %dma_wait3A_385] : memref<4x128xi32, #tpu.memory_space<vmem>> -> memref<1x128xi32, #tpu.memory_space<vmem>>
      %dma_wait3A_387 = tpu.memref_squeeze %dma_wait3A_386 : memref<1x128xi32, #tpu.memory_space<vmem>> -> memref<128xi32, #tpu.memory_space<vmem>>
      %dma_wait3A_388 = arith.constant 0 : i32
      %dma_wait3A_389 = tpu.memref_slice %dma_wait3A_387[%dma_wait3A_388] : memref<128xi32, #tpu.memory_space<vmem>> -> memref<32xi32, #tpu.memory_space<vmem>>
      %dma_wait3A_390 = arith.constant 0 : i32
      %dma_wait3A_391 = arith.constant 0 : i32
      %dma_wait3A_392 = tpu.memref_slice %arg4[%dma_wait3A_390, %dma_wait3A_391] : memref<10000x128xf32, #tpu.memory_space<hbm>> -> memref<10000x128xf32, #tpu.memory_space<hbm>>
      %dma_wait3A_393 = tpu.memref_slice %arg22[%dma_wait3A_384] : memref<8x!tpu.dma_semaphore, #tpu.memory_space<semaphore_mem>> -> memref<1x!tpu.dma_semaphore, #tpu.memory_space<semaphore_mem>>
      %dma_wait3A_394 = tpu.memref_squeeze %dma_wait3A_393 : memref<1x!tpu.dma_semaphore, #tpu.memory_space<semaphore_mem>> -> memref<!tpu.dma_semaphore, #tpu.memory_space<semaphore_mem>>
      tpu.wait_indirect_dma semaphore(%dma_wait3A_394 : memref<!tpu.dma_semaphore, #tpu.memory_space<semaphore_mem>>) src(%dma_wait3A_392 : memref<10000x128xf32, #tpu.memory_space<hbm>>) dst(%arg15 : memref<32x128xf32, #tpu.memory_space<vmem>>)
      %dma_start3A_395 = arith.constant 1 : i32
      %dma_start3A_396 = arith.constant 4 : i32
      %dma_start3A_397 = arith.constant 0 : i32
      %dma_start3A_398 = tpu.memref_slice %arg10[%dma_start3A_395, %dma_start3A_397] : memref<4x128xi32, #tpu.memory_space<vmem>> -> memref<1x128xi32, #tpu.memory_space<vmem>>
      %dma_start3A_399 = tpu.memref_squeeze %dma_start3A_398 : memref<1x128xi32, #tpu.memory_space<vmem>> -> memref<128xi32, #tpu.memory_space<vmem>>
      %dma_start3A_400 = arith.constant 0 : i32
      %dma_start3A_401 = tpu.memref_slice %dma_start3A_399[%dma_start3A_400] : memref<128xi32, #tpu.memory_space<vmem>> -> memref<32xi32, #tpu.memory_space<vmem>>
      %dma_start3A_402 = arith.constant 0 : i32
      %dma_start3A_403 = arith.constant 0 : i32
      %dma_start3A_404 = tpu.memref_slice %arg20[%dma_start3A_402, %dma_start3A_403] : memref<10240x128xf32, #tpu.memory_space<vmem_shared>> -> memref<10240x128xf32, #tpu.memory_space<vmem_shared>>
      %dma_start3A_405 = tpu.memref_slice %arg23[%dma_start3A_396] : memref<8x!tpu.dma_semaphore, #tpu.memory_space<semaphore_mem>> -> memref<1x!tpu.dma_semaphore, #tpu.memory_space<semaphore_mem>>
      %dma_start3A_406 = tpu.memref_squeeze %dma_start3A_405 : memref<1x!tpu.dma_semaphore, #tpu.memory_space<semaphore_mem>> -> memref<!tpu.dma_semaphore, #tpu.memory_space<semaphore_mem>>
      tpu.enqueue_indirect_dma source(%arg15 : memref<32x128xf32, #tpu.memory_space<vmem>>) target(%dma_start3A_404 : memref<10240x128xf32, #tpu.memory_space<vmem_shared>>) offsets(%dma_start3A_401 : memref<32xi32, #tpu.memory_space<vmem>>) semaphore(%dma_start3A_406 : memref<!tpu.dma_semaphore, #tpu.memory_space<semaphore_mem>>) {add = true}
      %dma_start3A_407 = arith.constant 1 : i32
      %dma_start3A_408 = arith.constant 0 : i32
      %dma_start3A_409 = tpu.memref_slice %arg10[%dma_start3A_407, %dma_start3A_408] : memref<4x128xi32, #tpu.memory_space<vmem>> -> memref<1x128xi32, #tpu.memory_space<vmem>>
      %dma_start3A_410 = tpu.memref_squeeze %dma_start3A_409 : memref<1x128xi32, #tpu.memory_space<vmem>> -> memref<128xi32, #tpu.memory_space<vmem>>
      %dma_start3A_411 = arith.constant 0 : i32
      %dma_start3A_412 = tpu.memref_slice %arg21[%dma_start3A_411] : memref<10240xf32, #tpu.memory_space<vmem_shared>> -> memref<10240xf32, #tpu.memory_space<vmem_shared>>
      tpu.enqueue_indirect_dma source(%arg19 : memref<128xf32, #tpu.memory_space<vmem>>) target(%dma_start3A_412 : memref<10240xf32, #tpu.memory_space<vmem_shared>>) offsets(%dma_start3A_410 : memref<128xi32, #tpu.memory_space<vmem>>) semaphore(%arg24 : memref<!tpu.dma_semaphore, #tpu.memory_space<semaphore_mem>>) {add = true}
      %dma_wait3A_413 = arith.constant 0 : i32
      %dma_wait3A_414 = arith.constant 2 : i32
      %dma_wait3A_415 = arith.constant 0 : i32
      %dma_wait3A_416 = tpu.memref_slice %arg10[%dma_wait3A_413, %dma_wait3A_415] : memref<4x128xi32, #tpu.memory_space<vmem>> -> memref<1x128xi32, #tpu.memory_space<vmem>>
      %dma_wait3A_417 = tpu.memref_squeeze %dma_wait3A_416 : memref<1x128xi32, #tpu.memory_space<vmem>> -> memref<128xi32, #tpu.memory_space<vmem>>
      %dma_wait3A_418 = arith.constant 64 : i32
      %dma_wait3A_419 = tpu.memref_slice %dma_wait3A_417[%dma_wait3A_418] : memref<128xi32, #tpu.memory_space<vmem>> -> memref<32xi32, #tpu.memory_space<vmem>>
      %dma_wait3A_420 = arith.constant 0 : i32
      %dma_wait3A_421 = arith.constant 0 : i32
      %dma_wait3A_422 = tpu.memref_slice %arg20[%dma_wait3A_420, %dma_wait3A_421] : memref<10240x128xf32, #tpu.memory_space<vmem_shared>> -> memref<10240x128xf32, #tpu.memory_space<vmem_shared>>
      %dma_wait3A_423 = tpu.memref_slice %arg23[%dma_wait3A_414] : memref<8x!tpu.dma_semaphore, #tpu.memory_space<semaphore_mem>> -> memref<1x!tpu.dma_semaphore, #tpu.memory_space<semaphore_mem>>
      %dma_wait3A_424 = tpu.memref_squeeze %dma_wait3A_423 : memref<1x!tpu.dma_semaphore, #tpu.memory_space<semaphore_mem>> -> memref<!tpu.dma_semaphore, #tpu.memory_space<semaphore_mem>>
      tpu.wait_indirect_dma semaphore(%dma_wait3A_424 : memref<!tpu.dma_semaphore, #tpu.memory_space<semaphore_mem>>) src(%arg13 : memref<32x128xf32, #tpu.memory_space<vmem>>) dst(%dma_wait3A_422 : memref<10240x128xf32, #tpu.memory_space<vmem_shared>>)
      %dma_start3A_425 = arith.constant 2 : i32
      %dma_start3A_426 = arith.constant 2 : i32
      %dma_start3A_427 = arith.constant 0 : i32
      %dma_start3A_428 = tpu.memref_slice %arg9[%dma_start3A_425, %dma_start3A_427] : memref<4x128xi32, #tpu.memory_space<vmem>> -> memref<1x128xi32, #tpu.memory_space<vmem>>
      %dma_start3A_429 = tpu.memref_squeeze %dma_start3A_428 : memref<1x128xi32, #tpu.memory_space<vmem>> -> memref<128xi32, #tpu.memory_space<vmem>>
      %dma_start3A_430 = arith.constant 64 : i32
      %dma_start3A_431 = tpu.memref_slice %dma_start3A_429[%dma_start3A_430] : memref<128xi32, #tpu.memory_space<vmem>> -> memref<32xi32, #tpu.memory_space<vmem>>
      %dma_start3A_432 = arith.constant 0 : i32
      %dma_start3A_433 = arith.constant 0 : i32
      %dma_start3A_434 = tpu.memref_slice %arg4[%dma_start3A_432, %dma_start3A_433] : memref<10000x128xf32, #tpu.memory_space<hbm>> -> memref<10000x128xf32, #tpu.memory_space<hbm>>
      %dma_start3A_435 = tpu.memref_slice %arg22[%dma_start3A_426] : memref<8x!tpu.dma_semaphore, #tpu.memory_space<semaphore_mem>> -> memref<1x!tpu.dma_semaphore, #tpu.memory_space<semaphore_mem>>
      %dma_start3A_436 = tpu.memref_squeeze %dma_start3A_435 : memref<1x!tpu.dma_semaphore, #tpu.memory_space<semaphore_mem>> -> memref<!tpu.dma_semaphore, #tpu.memory_space<semaphore_mem>>
      tpu.enqueue_indirect_dma source(%dma_start3A_434 : memref<10000x128xf32, #tpu.memory_space<hbm>>) target(%arg13 : memref<32x128xf32, #tpu.memory_space<vmem>>) offsets(%dma_start3A_431 : memref<32xi32, #tpu.memory_space<vmem>>) semaphore(%dma_start3A_436 : memref<!tpu.dma_semaphore, #tpu.memory_space<semaphore_mem>>)
      %dma_wait3A_437 = arith.constant 1 : i32
      %dma_wait3A_438 = arith.constant 5 : i32
      %dma_wait3A_439 = arith.constant 0 : i32
      %dma_wait3A_440 = tpu.memref_slice %arg9[%dma_wait3A_437, %dma_wait3A_439] : memref<4x128xi32, #tpu.memory_space<vmem>> -> memref<1x128xi32, #tpu.memory_space<vmem>>
      %dma_wait3A_441 = tpu.memref_squeeze %dma_wait3A_440 : memref<1x128xi32, #tpu.memory_space<vmem>> -> memref<128xi32, #tpu.memory_space<vmem>>
      %dma_wait3A_442 = arith.constant 32 : i32
      %dma_wait3A_443 = tpu.memref_slice %dma_wait3A_441[%dma_wait3A_442] : memref<128xi32, #tpu.memory_space<vmem>> -> memref<32xi32, #tpu.memory_space<vmem>>
      %dma_wait3A_444 = arith.constant 0 : i32
      %dma_wait3A_445 = arith.constant 0 : i32
      %dma_wait3A_446 = tpu.memref_slice %arg4[%dma_wait3A_444, %dma_wait3A_445] : memref<10000x128xf32, #tpu.memory_space<hbm>> -> memref<10000x128xf32, #tpu.memory_space<hbm>>
      %dma_wait3A_447 = tpu.memref_slice %arg22[%dma_wait3A_438] : memref<8x!tpu.dma_semaphore, #tpu.memory_space<semaphore_mem>> -> memref<1x!tpu.dma_semaphore, #tpu.memory_space<semaphore_mem>>
      %dma_wait3A_448 = tpu.memref_squeeze %dma_wait3A_447 : memref<1x!tpu.dma_semaphore, #tpu.memory_space<semaphore_mem>> -> memref<!tpu.dma_semaphore, #tpu.memory_space<semaphore_mem>>
      tpu.wait_indirect_dma semaphore(%dma_wait3A_448 : memref<!tpu.dma_semaphore, #tpu.memory_space<semaphore_mem>>) src(%dma_wait3A_446 : memref<10000x128xf32, #tpu.memory_space<hbm>>) dst(%arg16 : memref<32x128xf32, #tpu.memory_space<vmem>>)
      %dma_start3A_449 = arith.constant 1 : i32
      %dma_start3A_450 = arith.constant 5 : i32
      %dma_start3A_451 = arith.constant 0 : i32
      %dma_start3A_452 = tpu.memref_slice %arg10[%dma_start3A_449, %dma_start3A_451] : memref<4x128xi32, #tpu.memory_space<vmem>> -> memref<1x128xi32, #tpu.memory_space<vmem>>
      %dma_start3A_453 = tpu.memref_squeeze %dma_start3A_452 : memref<1x128xi32, #tpu.memory_space<vmem>> -> memref<128xi32, #tpu.memory_space<vmem>>
      %dma_start3A_454 = arith.constant 32 : i32
      %dma_start3A_455 = tpu.memref_slice %dma_start3A_453[%dma_start3A_454] : memref<128xi32, #tpu.memory_space<vmem>> -> memref<32xi32, #tpu.memory_space<vmem>>
      %dma_start3A_456 = arith.constant 0 : i32
      %dma_start3A_457 = arith.constant 0 : i32
      %dma_start3A_458 = tpu.memref_slice %arg20[%dma_start3A_456, %dma_start3A_457] : memref<10240x128xf32, #tpu.memory_space<vmem_shared>> -> memref<10240x128xf32, #tpu.memory_space<vmem_shared>>
      %dma_start3A_459 = tpu.memref_slice %arg23[%dma_start3A_450] : memref<8x!tpu.dma_semaphore, #tpu.memory_space<semaphore_mem>> -> memref<1x!tpu.dma_semaphore, #tpu.memory_space<semaphore_mem>>
      %dma_start3A_460 = tpu.memref_squeeze %dma_start3A_459 : memref<1x!tpu.dma_semaphore, #tpu.memory_space<semaphore_mem>> -> memref<!tpu.dma_semaphore, #tpu.memory_space<semaphore_mem>>
      tpu.enqueue_indirect_dma source(%arg16 : memref<32x128xf32, #tpu.memory_space<vmem>>) target(%dma_start3A_458 : memref<10240x128xf32, #tpu.memory_space<vmem_shared>>) offsets(%dma_start3A_455 : memref<32xi32, #tpu.memory_space<vmem>>) semaphore(%dma_start3A_460 : memref<!tpu.dma_semaphore, #tpu.memory_space<semaphore_mem>>) {add = true}
      %dma_wait3A_461 = arith.constant 0 : i32
      %dma_wait3A_462 = arith.constant 3 : i32
      %dma_wait3A_463 = arith.constant 0 : i32
      %dma_wait3A_464 = tpu.memref_slice %arg10[%dma_wait3A_461, %dma_wait3A_463] : memref<4x128xi32, #tpu.memory_space<vmem>> -> memref<1x128xi32, #tpu.memory_space<vmem>>
      %dma_wait3A_465 = tpu.memref_squeeze %dma_wait3A_464 : memref<1x128xi32, #tpu.memory_space<vmem>> -> memref<128xi32, #tpu.memory_space<vmem>>
      %dma_wait3A_466 = arith.constant 96 : i32
      %dma_wait3A_467 = tpu.memref_slice %dma_wait3A_465[%dma_wait3A_466] : memref<128xi32, #tpu.memory_space<vmem>> -> memref<32xi32, #tpu.memory_space<vmem>>
      %dma_wait3A_468 = arith.constant 0 : i32
      %dma_wait3A_469 = arith.constant 0 : i32
      %dma_wait3A_470 = tpu.memref_slice %arg20[%dma_wait3A_468, %dma_wait3A_469] : memref<10240x128xf32, #tpu.memory_space<vmem_shared>> -> memref<10240x128xf32, #tpu.memory_space<vmem_shared>>
      %dma_wait3A_471 = tpu.memref_slice %arg23[%dma_wait3A_462] : memref<8x!tpu.dma_semaphore, #tpu.memory_space<semaphore_mem>> -> memref<1x!tpu.dma_semaphore, #tpu.memory_space<semaphore_mem>>
      %dma_wait3A_472 = tpu.memref_squeeze %dma_wait3A_471 : memref<1x!tpu.dma_semaphore, #tpu.memory_space<semaphore_mem>> -> memref<!tpu.dma_semaphore, #tpu.memory_space<semaphore_mem>>
      tpu.wait_indirect_dma semaphore(%dma_wait3A_472 : memref<!tpu.dma_semaphore, #tpu.memory_space<semaphore_mem>>) src(%arg14 : memref<32x128xf32, #tpu.memory_space<vmem>>) dst(%dma_wait3A_470 : memref<10240x128xf32, #tpu.memory_space<vmem_shared>>)
      %dma_start3A_473 = arith.constant 2 : i32
      %dma_start3A_474 = arith.constant 3 : i32
      %dma_start3A_475 = arith.constant 0 : i32
      %dma_start3A_476 = tpu.memref_slice %arg9[%dma_start3A_473, %dma_start3A_475] : memref<4x128xi32, #tpu.memory_space<vmem>> -> memref<1x128xi32, #tpu.memory_space<vmem>>
      %dma_start3A_477 = tpu.memref_squeeze %dma_start3A_476 : memref<1x128xi32, #tpu.memory_space<vmem>> -> memref<128xi32, #tpu.memory_space<vmem>>
      %dma_start3A_478 = arith.constant 96 : i32
      %dma_start3A_479 = tpu.memref_slice %dma_start3A_477[%dma_start3A_478] : memref<128xi32, #tpu.memory_space<vmem>> -> memref<32xi32, #tpu.memory_space<vmem>>
      %dma_start3A_480 = arith.constant 0 : i32
      %dma_start3A_481 = arith.constant 0 : i32
      %dma_start3A_482 = tpu.memref_slice %arg4[%dma_start3A_480, %dma_start3A_481] : memref<10000x128xf32, #tpu.memory_space<hbm>> -> memref<10000x128xf32, #tpu.memory_space<hbm>>
      %dma_start3A_483 = tpu.memref_slice %arg22[%dma_start3A_474] : memref<8x!tpu.dma_semaphore, #tpu.memory_space<semaphore_mem>> -> memref<1x!tpu.dma_semaphore, #tpu.memory_space<semaphore_mem>>
      %dma_start3A_484 = tpu.memref_squeeze %dma_start3A_483 : memref<1x!tpu.dma_semaphore, #tpu.memory_space<semaphore_mem>> -> memref<!tpu.dma_semaphore, #tpu.memory_space<semaphore_mem>>
      tpu.enqueue_indirect_dma source(%dma_start3A_482 : memref<10000x128xf32, #tpu.memory_space<hbm>>) target(%arg14 : memref<32x128xf32, #tpu.memory_space<vmem>>) offsets(%dma_start3A_479 : memref<32xi32, #tpu.memory_space<vmem>>) semaphore(%dma_start3A_484 : memref<!tpu.dma_semaphore, #tpu.memory_space<semaphore_mem>>)
      %dma_wait3A_485 = arith.constant 1 : i32
      %dma_wait3A_486 = arith.constant 6 : i32
      %dma_wait3A_487 = arith.constant 0 : i32
      %dma_wait3A_488 = tpu.memref_slice %arg9[%dma_wait3A_485, %dma_wait3A_487] : memref<4x128xi32, #tpu.memory_space<vmem>> -> memref<1x128xi32, #tpu.memory_space<vmem>>
      %dma_wait3A_489 = tpu.memref_squeeze %dma_wait3A_488 : memref<1x128xi32, #tpu.memory_space<vmem>> -> memref<128xi32, #tpu.memory_space<vmem>>
      %dma_wait3A_490 = arith.constant 64 : i32
      %dma_wait3A_491 = tpu.memref_slice %dma_wait3A_489[%dma_wait3A_490] : memref<128xi32, #tpu.memory_space<vmem>> -> memref<32xi32, #tpu.memory_space<vmem>>
      %dma_wait3A_492 = arith.constant 0 : i32
      %dma_wait3A_493 = arith.constant 0 : i32
      %dma_wait3A_494 = tpu.memref_slice %arg4[%dma_wait3A_492, %dma_wait3A_493] : memref<10000x128xf32, #tpu.memory_space<hbm>> -> memref<10000x128xf32, #tpu.memory_space<hbm>>
      %dma_wait3A_495 = tpu.memref_slice %arg22[%dma_wait3A_486] : memref<8x!tpu.dma_semaphore, #tpu.memory_space<semaphore_mem>> -> memref<1x!tpu.dma_semaphore, #tpu.memory_space<semaphore_mem>>
      %dma_wait3A_496 = tpu.memref_squeeze %dma_wait3A_495 : memref<1x!tpu.dma_semaphore, #tpu.memory_space<semaphore_mem>> -> memref<!tpu.dma_semaphore, #tpu.memory_space<semaphore_mem>>
      tpu.wait_indirect_dma semaphore(%dma_wait3A_496 : memref<!tpu.dma_semaphore, #tpu.memory_space<semaphore_mem>>) src(%dma_wait3A_494 : memref<10000x128xf32, #tpu.memory_space<hbm>>) dst(%arg17 : memref<32x128xf32, #tpu.memory_space<vmem>>)
      %dma_start3A_497 = arith.constant 1 : i32
      %dma_start3A_498 = arith.constant 6 : i32
      %dma_start3A_499 = arith.constant 0 : i32
      %dma_start3A_500 = tpu.memref_slice %arg10[%dma_start3A_497, %dma_start3A_499] : memref<4x128xi32, #tpu.memory_space<vmem>> -> memref<1x128xi32, #tpu.memory_space<vmem>>
      %dma_start3A_501 = tpu.memref_squeeze %dma_start3A_500 : memref<1x128xi32, #tpu.memory_space<vmem>> -> memref<128xi32, #tpu.memory_space<vmem>>
      %dma_start3A_502 = arith.constant 64 : i32
      %dma_start3A_503 = tpu.memref_slice %dma_start3A_501[%dma_start3A_502] : memref<128xi32, #tpu.memory_space<vmem>> -> memref<32xi32, #tpu.memory_space<vmem>>
      %dma_start3A_504 = arith.constant 0 : i32
      %dma_start3A_505 = arith.constant 0 : i32
      %dma_start3A_506 = tpu.memref_slice %arg20[%dma_start3A_504, %dma_start3A_505] : memref<10240x128xf32, #tpu.memory_space<vmem_shared>> -> memref<10240x128xf32, #tpu.memory_space<vmem_shared>>
      %dma_start3A_507 = tpu.memref_slice %arg23[%dma_start3A_498] : memref<8x!tpu.dma_semaphore, #tpu.memory_space<semaphore_mem>> -> memref<1x!tpu.dma_semaphore, #tpu.memory_space<semaphore_mem>>
      %dma_start3A_508 = tpu.memref_squeeze %dma_start3A_507 : memref<1x!tpu.dma_semaphore, #tpu.memory_space<semaphore_mem>> -> memref<!tpu.dma_semaphore, #tpu.memory_space<semaphore_mem>>
      tpu.enqueue_indirect_dma source(%arg17 : memref<32x128xf32, #tpu.memory_space<vmem>>) target(%dma_start3A_506 : memref<10240x128xf32, #tpu.memory_space<vmem_shared>>) offsets(%dma_start3A_503 : memref<32xi32, #tpu.memory_space<vmem>>) semaphore(%dma_start3A_508 : memref<!tpu.dma_semaphore, #tpu.memory_space<semaphore_mem>>) {add = true}
      %dma_wait3A_509 = arith.constant 1 : i32
      %dma_wait3A_510 = arith.constant 4 : i32
      %dma_wait3A_511 = arith.constant 0 : i32
      %dma_wait3A_512 = tpu.memref_slice %arg10[%dma_wait3A_509, %dma_wait3A_511] : memref<4x128xi32, #tpu.memory_space<vmem>> -> memref<1x128xi32, #tpu.memory_space<vmem>>
      %dma_wait3A_513 = tpu.memref_squeeze %dma_wait3A_512 : memref<1x128xi32, #tpu.memory_space<vmem>> -> memref<128xi32, #tpu.memory_space<vmem>>
      %dma_wait3A_514 = arith.constant 0 : i32
      %dma_wait3A_515 = tpu.memref_slice %dma_wait3A_513[%dma_wait3A_514] : memref<128xi32, #tpu.memory_space<vmem>> -> memref<32xi32, #tpu.memory_space<vmem>>
      %dma_wait3A_516 = arith.constant 0 : i32
      %dma_wait3A_517 = arith.constant 0 : i32
      %dma_wait3A_518 = tpu.memref_slice %arg20[%dma_wait3A_516, %dma_wait3A_517] : memref<10240x128xf32, #tpu.memory_space<vmem_shared>> -> memref<10240x128xf32, #tpu.memory_space<vmem_shared>>
      %dma_wait3A_519 = tpu.memref_slice %arg23[%dma_wait3A_510] : memref<8x!tpu.dma_semaphore, #tpu.memory_space<semaphore_mem>> -> memref<1x!tpu.dma_semaphore, #tpu.memory_space<semaphore_mem>>
      %dma_wait3A_520 = tpu.memref_squeeze %dma_wait3A_519 : memref<1x!tpu.dma_semaphore, #tpu.memory_space<semaphore_mem>> -> memref<!tpu.dma_semaphore, #tpu.memory_space<semaphore_mem>>
      tpu.wait_indirect_dma semaphore(%dma_wait3A_520 : memref<!tpu.dma_semaphore, #tpu.memory_space<semaphore_mem>>) src(%arg15 : memref<32x128xf32, #tpu.memory_space<vmem>>) dst(%dma_wait3A_518 : memref<10240x128xf32, #tpu.memory_space<vmem_shared>>)
      %dma_start3A_521 = arith.constant 3 : i32
      %dma_start3A_522 = arith.constant 4 : i32
      %dma_start3A_523 = arith.constant 0 : i32
      %dma_start3A_524 = tpu.memref_slice %arg9[%dma_start3A_521, %dma_start3A_523] : memref<4x128xi32, #tpu.memory_space<vmem>> -> memref<1x128xi32, #tpu.memory_space<vmem>>
      %dma_start3A_525 = tpu.memref_squeeze %dma_start3A_524 : memref<1x128xi32, #tpu.memory_space<vmem>> -> memref<128xi32, #tpu.memory_space<vmem>>
      %dma_start3A_526 = arith.constant 0 : i32
      %dma_start3A_527 = tpu.memref_slice %dma_start3A_525[%dma_start3A_526] : memref<128xi32, #tpu.memory_space<vmem>> -> memref<32xi32, #tpu.memory_space<vmem>>
      %dma_start3A_528 = arith.constant 0 : i32
      %dma_start3A_529 = arith.constant 0 : i32
      %dma_start3A_530 = tpu.memref_slice %arg4[%dma_start3A_528, %dma_start3A_529] : memref<10000x128xf32, #tpu.memory_space<hbm>> -> memref<10000x128xf32, #tpu.memory_space<hbm>>
      %dma_start3A_531 = tpu.memref_slice %arg22[%dma_start3A_522] : memref<8x!tpu.dma_semaphore, #tpu.memory_space<semaphore_mem>> -> memref<1x!tpu.dma_semaphore, #tpu.memory_space<semaphore_mem>>
      %dma_start3A_532 = tpu.memref_squeeze %dma_start3A_531 : memref<1x!tpu.dma_semaphore, #tpu.memory_space<semaphore_mem>> -> memref<!tpu.dma_semaphore, #tpu.memory_space<semaphore_mem>>
      tpu.enqueue_indirect_dma source(%dma_start3A_530 : memref<10000x128xf32, #tpu.memory_space<hbm>>) target(%arg15 : memref<32x128xf32, #tpu.memory_space<vmem>>) offsets(%dma_start3A_527 : memref<32xi32, #tpu.memory_space<vmem>>) semaphore(%dma_start3A_532 : memref<!tpu.dma_semaphore, #tpu.memory_space<semaphore_mem>>)
      %dma_wait3A_533 = arith.constant 1 : i32
      %dma_wait3A_534 = arith.constant 7 : i32
      %dma_wait3A_535 = arith.constant 0 : i32
      %dma_wait3A_536 = tpu.memref_slice %arg9[%dma_wait3A_533, %dma_wait3A_535] : memref<4x128xi32, #tpu.memory_space<vmem>> -> memref<1x128xi32, #tpu.memory_space<vmem>>
      %dma_wait3A_537 = tpu.memref_squeeze %dma_wait3A_536 : memref<1x128xi32, #tpu.memory_space<vmem>> -> memref<128xi32, #tpu.memory_space<vmem>>
      %dma_wait3A_538 = arith.constant 96 : i32
      %dma_wait3A_539 = tpu.memref_slice %dma_wait3A_537[%dma_wait3A_538] : memref<128xi32, #tpu.memory_space<vmem>> -> memref<32xi32, #tpu.memory_space<vmem>>
      %dma_wait3A_540 = arith.constant 0 : i32
      %dma_wait3A_541 = arith.constant 0 : i32
      %dma_wait3A_542 = tpu.memref_slice %arg4[%dma_wait3A_540, %dma_wait3A_541] : memref<10000x128xf32, #tpu.memory_space<hbm>> -> memref<10000x128xf32, #tpu.memory_space<hbm>>
      %dma_wait3A_543 = tpu.memref_slice %arg22[%dma_wait3A_534] : memref<8x!tpu.dma_semaphore, #tpu.memory_space<semaphore_mem>> -> memref<1x!tpu.dma_semaphore, #tpu.memory_space<semaphore_mem>>
      %dma_wait3A_544 = tpu.memref_squeeze %dma_wait3A_543 : memref<1x!tpu.dma_semaphore, #tpu.memory_space<semaphore_mem>> -> memref<!tpu.dma_semaphore, #tpu.memory_space<semaphore_mem>>
      tpu.wait_indirect_dma semaphore(%dma_wait3A_544 : memref<!tpu.dma_semaphore, #tpu.memory_space<semaphore_mem>>) src(%dma_wait3A_542 : memref<10000x128xf32, #tpu.memory_space<hbm>>) dst(%arg18 : memref<32x128xf32, #tpu.memory_space<vmem>>)
      %dma_start3A_545 = arith.constant 1 : i32
      %dma_start3A_546 = arith.constant 7 : i32
      %dma_start3A_547 = arith.constant 0 : i32
      %dma_start3A_548 = tpu.memref_slice %arg10[%dma_start3A_545, %dma_start3A_547] : memref<4x128xi32, #tpu.memory_space<vmem>> -> memref<1x128xi32, #tpu.memory_space<vmem>>
      %dma_start3A_549 = tpu.memref_squeeze %dma_start3A_548 : memref<1x128xi32, #tpu.memory_space<vmem>> -> memref<128xi32, #tpu.memory_space<vmem>>
      %dma_start3A_550 = arith.constant 96 : i32
      %dma_start3A_551 = tpu.memref_slice %dma_start3A_549[%dma_start3A_550] : memref<128xi32, #tpu.memory_space<vmem>> -> memref<32xi32, #tpu.memory_space<vmem>>
      %dma_start3A_552 = arith.constant 0 : i32
      %dma_start3A_553 = arith.constant 0 : i32
      %dma_start3A_554 = tpu.memref_slice %arg20[%dma_start3A_552, %dma_start3A_553] : memref<10240x128xf32, #tpu.memory_space<vmem_shared>> -> memref<10240x128xf32, #tpu.memory_space<vmem_shared>>
      %dma_start3A_555 = tpu.memref_slice %arg23[%dma_start3A_546] : memref<8x!tpu.dma_semaphore, #tpu.memory_space<semaphore_mem>> -> memref<1x!tpu.dma_semaphore, #tpu.memory_space<semaphore_mem>>
      %dma_start3A_556 = tpu.memref_squeeze %dma_start3A_555 : memref<1x!tpu.dma_semaphore, #tpu.memory_space<semaphore_mem>> -> memref<!tpu.dma_semaphore, #tpu.memory_space<semaphore_mem>>
      tpu.enqueue_indirect_dma source(%arg18 : memref<32x128xf32, #tpu.memory_space<vmem>>) target(%dma_start3A_554 : memref<10240x128xf32, #tpu.memory_space<vmem_shared>>) offsets(%dma_start3A_551 : memref<32xi32, #tpu.memory_space<vmem>>) semaphore(%dma_start3A_556 : memref<!tpu.dma_semaphore, #tpu.memory_space<semaphore_mem>>) {add = true}
      %dma_wait3A_557 = arith.constant 1 : i32
      %dma_wait3A_558 = arith.constant 5 : i32
      %dma_wait3A_559 = arith.constant 0 : i32
      %dma_wait3A_560 = tpu.memref_slice %arg10[%dma_wait3A_557, %dma_wait3A_559] : memref<4x128xi32, #tpu.memory_space<vmem>> -> memref<1x128xi32, #tpu.memory_space<vmem>>
      %dma_wait3A_561 = tpu.memref_squeeze %dma_wait3A_560 : memref<1x128xi32, #tpu.memory_space<vmem>> -> memref<128xi32, #tpu.memory_space<vmem>>
      %dma_wait3A_562 = arith.constant 32 : i32
      %dma_wait3A_563 = tpu.memref_slice %dma_wait3A_561[%dma_wait3A_562] : memref<128xi32, #tpu.memory_space<vmem>> -> memref<32xi32, #tpu.memory_space<vmem>>
      %dma_wait3A_564 = arith.constant 0 : i32
      %dma_wait3A_565 = arith.constant 0 : i32
      %dma_wait3A_566 = tpu.memref_slice %arg20[%dma_wait3A_564, %dma_wait3A_565] : memref<10240x128xf32, #tpu.memory_space<vmem_shared>> -> memref<10240x128xf32, #tpu.memory_space<vmem_shared>>
      %dma_wait3A_567 = tpu.memref_slice %arg23[%dma_wait3A_558] : memref<8x!tpu.dma_semaphore, #tpu.memory_space<semaphore_mem>> -> memref<1x!tpu.dma_semaphore, #tpu.memory_space<semaphore_mem>>
      %dma_wait3A_568 = tpu.memref_squeeze %dma_wait3A_567 : memref<1x!tpu.dma_semaphore, #tpu.memory_space<semaphore_mem>> -> memref<!tpu.dma_semaphore, #tpu.memory_space<semaphore_mem>>
      tpu.wait_indirect_dma semaphore(%dma_wait3A_568 : memref<!tpu.dma_semaphore, #tpu.memory_space<semaphore_mem>>) src(%arg16 : memref<32x128xf32, #tpu.memory_space<vmem>>) dst(%dma_wait3A_566 : memref<10240x128xf32, #tpu.memory_space<vmem_shared>>)
      %dma_start3A_569 = arith.constant 3 : i32
      %dma_start3A_570 = arith.constant 5 : i32
      %dma_start3A_571 = arith.constant 0 : i32
      %dma_start3A_572 = tpu.memref_slice %arg9[%dma_start3A_569, %dma_start3A_571] : memref<4x128xi32, #tpu.memory_space<vmem>> -> memref<1x128xi32, #tpu.memory_space<vmem>>
      %dma_start3A_573 = tpu.memref_squeeze %dma_start3A_572 : memref<1x128xi32, #tpu.memory_space<vmem>> -> memref<128xi32, #tpu.memory_space<vmem>>
      %dma_start3A_574 = arith.constant 32 : i32
      %dma_start3A_575 = tpu.memref_slice %dma_start3A_573[%dma_start3A_574] : memref<128xi32, #tpu.memory_space<vmem>> -> memref<32xi32, #tpu.memory_space<vmem>>
      %dma_start3A_576 = arith.constant 0 : i32
      %dma_start3A_577 = arith.constant 0 : i32
      %dma_start3A_578 = tpu.memref_slice %arg4[%dma_start3A_576, %dma_start3A_577] : memref<10000x128xf32, #tpu.memory_space<hbm>> -> memref<10000x128xf32, #tpu.memory_space<hbm>>
      %dma_start3A_579 = tpu.memref_slice %arg22[%dma_start3A_570] : memref<8x!tpu.dma_semaphore, #tpu.memory_space<semaphore_mem>> -> memref<1x!tpu.dma_semaphore, #tpu.memory_space<semaphore_mem>>
      %dma_start3A_580 = tpu.memref_squeeze %dma_start3A_579 : memref<1x!tpu.dma_semaphore, #tpu.memory_space<semaphore_mem>> -> memref<!tpu.dma_semaphore, #tpu.memory_space<semaphore_mem>>
      tpu.enqueue_indirect_dma source(%dma_start3A_578 : memref<10000x128xf32, #tpu.memory_space<hbm>>) target(%arg16 : memref<32x128xf32, #tpu.memory_space<vmem>>) offsets(%dma_start3A_575 : memref<32xi32, #tpu.memory_space<vmem>>) semaphore(%dma_start3A_580 : memref<!tpu.dma_semaphore, #tpu.memory_space<semaphore_mem>>)
      %dma_wait3A_581 = arith.constant 2 : i32
      %dma_wait3A_582 = arith.constant 0 : i32
      %dma_wait3A_583 = arith.constant 0 : i32
      %dma_wait3A_584 = tpu.memref_slice %arg9[%dma_wait3A_581, %dma_wait3A_583] : memref<4x128xi32, #tpu.memory_space<vmem>> -> memref<1x128xi32, #tpu.memory_space<vmem>>
      %dma_wait3A_585 = tpu.memref_squeeze %dma_wait3A_584 : memref<1x128xi32, #tpu.memory_space<vmem>> -> memref<128xi32, #tpu.memory_space<vmem>>
      %dma_wait3A_586 = arith.constant 0 : i32
      %dma_wait3A_587 = tpu.memref_slice %dma_wait3A_585[%dma_wait3A_586] : memref<128xi32, #tpu.memory_space<vmem>> -> memref<32xi32, #tpu.memory_space<vmem>>
      %dma_wait3A_588 = arith.constant 0 : i32
      %dma_wait3A_589 = arith.constant 0 : i32
      %dma_wait3A_590 = tpu.memref_slice %arg4[%dma_wait3A_588, %dma_wait3A_589] : memref<10000x128xf32, #tpu.memory_space<hbm>> -> memref<10000x128xf32, #tpu.memory_space<hbm>>
      %dma_wait3A_591 = tpu.memref_slice %arg22[%dma_wait3A_582] : memref<8x!tpu.dma_semaphore, #tpu.memory_space<semaphore_mem>> -> memref<1x!tpu.dma_semaphore, #tpu.memory_space<semaphore_mem>>
      %dma_wait3A_592 = tpu.memref_squeeze %dma_wait3A_591 : memref<1x!tpu.dma_semaphore, #tpu.memory_space<semaphore_mem>> -> memref<!tpu.dma_semaphore, #tpu.memory_space<semaphore_mem>>
      tpu.wait_indirect_dma semaphore(%dma_wait3A_592 : memref<!tpu.dma_semaphore, #tpu.memory_space<semaphore_mem>>) src(%dma_wait3A_590 : memref<10000x128xf32, #tpu.memory_space<hbm>>) dst(%arg11 : memref<32x128xf32, #tpu.memory_space<vmem>>)
      %dma_start3A_593 = arith.constant 2 : i32
      %dma_start3A_594 = arith.constant 0 : i32
      %dma_start3A_595 = arith.constant 0 : i32
      %dma_start3A_596 = tpu.memref_slice %arg10[%dma_start3A_593, %dma_start3A_595] : memref<4x128xi32, #tpu.memory_space<vmem>> -> memref<1x128xi32, #tpu.memory_space<vmem>>
      %dma_start3A_597 = tpu.memref_squeeze %dma_start3A_596 : memref<1x128xi32, #tpu.memory_space<vmem>> -> memref<128xi32, #tpu.memory_space<vmem>>
      %dma_start3A_598 = arith.constant 0 : i32
      %dma_start3A_599 = tpu.memref_slice %dma_start3A_597[%dma_start3A_598] : memref<128xi32, #tpu.memory_space<vmem>> -> memref<32xi32, #tpu.memory_space<vmem>>
      %dma_start3A_600 = arith.constant 0 : i32
      %dma_start3A_601 = arith.constant 0 : i32
      %dma_start3A_602 = tpu.memref_slice %arg20[%dma_start3A_600, %dma_start3A_601] : memref<10240x128xf32, #tpu.memory_space<vmem_shared>> -> memref<10240x128xf32, #tpu.memory_space<vmem_shared>>
      %dma_start3A_603 = tpu.memref_slice %arg23[%dma_start3A_594] : memref<8x!tpu.dma_semaphore, #tpu.memory_space<semaphore_mem>> -> memref<1x!tpu.dma_semaphore, #tpu.memory_space<semaphore_mem>>
      %dma_start3A_604 = tpu.memref_squeeze %dma_start3A_603 : memref<1x!tpu.dma_semaphore, #tpu.memory_space<semaphore_mem>> -> memref<!tpu.dma_semaphore, #tpu.memory_space<semaphore_mem>>
      tpu.enqueue_indirect_dma source(%arg11 : memref<32x128xf32, #tpu.memory_space<vmem>>) target(%dma_start3A_602 : memref<10240x128xf32, #tpu.memory_space<vmem_shared>>) offsets(%dma_start3A_599 : memref<32xi32, #tpu.memory_space<vmem>>) semaphore(%dma_start3A_604 : memref<!tpu.dma_semaphore, #tpu.memory_space<semaphore_mem>>) {add = true}
      %dma_start3A_605 = arith.constant 2 : i32
      %dma_start3A_606 = arith.constant 0 : i32
      %dma_start3A_607 = tpu.memref_slice %arg10[%dma_start3A_605, %dma_start3A_606] : memref<4x128xi32, #tpu.memory_space<vmem>> -> memref<1x128xi32, #tpu.memory_space<vmem>>
      %dma_start3A_608 = tpu.memref_squeeze %dma_start3A_607 : memref<1x128xi32, #tpu.memory_space<vmem>> -> memref<128xi32, #tpu.memory_space<vmem>>
      %dma_start3A_609 = arith.constant 0 : i32
      %dma_start3A_610 = tpu.memref_slice %arg21[%dma_start3A_609] : memref<10240xf32, #tpu.memory_space<vmem_shared>> -> memref<10240xf32, #tpu.memory_space<vmem_shared>>
      tpu.enqueue_indirect_dma source(%arg19 : memref<128xf32, #tpu.memory_space<vmem>>) target(%dma_start3A_610 : memref<10240xf32, #tpu.memory_space<vmem_shared>>) offsets(%dma_start3A_608 : memref<128xi32, #tpu.memory_space<vmem>>) semaphore(%arg24 : memref<!tpu.dma_semaphore, #tpu.memory_space<semaphore_mem>>) {add = true}
      %dma_wait3A_611 = arith.constant 1 : i32
      %dma_wait3A_612 = arith.constant 6 : i32
      %dma_wait3A_613 = arith.constant 0 : i32
      %dma_wait3A_614 = tpu.memref_slice %arg10[%dma_wait3A_611, %dma_wait3A_613] : memref<4x128xi32, #tpu.memory_space<vmem>> -> memref<1x128xi32, #tpu.memory_space<vmem>>
      %dma_wait3A_615 = tpu.memref_squeeze %dma_wait3A_614 : memref<1x128xi32, #tpu.memory_space<vmem>> -> memref<128xi32, #tpu.memory_space<vmem>>
      %dma_wait3A_616 = arith.constant 64 : i32
      %dma_wait3A_617 = tpu.memref_slice %dma_wait3A_615[%dma_wait3A_616] : memref<128xi32, #tpu.memory_space<vmem>> -> memref<32xi32, #tpu.memory_space<vmem>>
      %dma_wait3A_618 = arith.constant 0 : i32
      %dma_wait3A_619 = arith.constant 0 : i32
      %dma_wait3A_620 = tpu.memref_slice %arg20[%dma_wait3A_618, %dma_wait3A_619] : memref<10240x128xf32, #tpu.memory_space<vmem_shared>> -> memref<10240x128xf32, #tpu.memory_space<vmem_shared>>
      %dma_wait3A_621 = tpu.memref_slice %arg23[%dma_wait3A_612] : memref<8x!tpu.dma_semaphore, #tpu.memory_space<semaphore_mem>> -> memref<1x!tpu.dma_semaphore, #tpu.memory_space<semaphore_mem>>
      %dma_wait3A_622 = tpu.memref_squeeze %dma_wait3A_621 : memref<1x!tpu.dma_semaphore, #tpu.memory_space<semaphore_mem>> -> memref<!tpu.dma_semaphore, #tpu.memory_space<semaphore_mem>>
      tpu.wait_indirect_dma semaphore(%dma_wait3A_622 : memref<!tpu.dma_semaphore, #tpu.memory_space<semaphore_mem>>) src(%arg17 : memref<32x128xf32, #tpu.memory_space<vmem>>) dst(%dma_wait3A_620 : memref<10240x128xf32, #tpu.memory_space<vmem_shared>>)
      %dma_start3A_623 = arith.constant 3 : i32
      %dma_start3A_624 = arith.constant 6 : i32
      %dma_start3A_625 = arith.constant 0 : i32
      %dma_start3A_626 = tpu.memref_slice %arg9[%dma_start3A_623, %dma_start3A_625] : memref<4x128xi32, #tpu.memory_space<vmem>> -> memref<1x128xi32, #tpu.memory_space<vmem>>
      %dma_start3A_627 = tpu.memref_squeeze %dma_start3A_626 : memref<1x128xi32, #tpu.memory_space<vmem>> -> memref<128xi32, #tpu.memory_space<vmem>>
      %dma_start3A_628 = arith.constant 64 : i32
      %dma_start3A_629 = tpu.memref_slice %dma_start3A_627[%dma_start3A_628] : memref<128xi32, #tpu.memory_space<vmem>> -> memref<32xi32, #tpu.memory_space<vmem>>
      %dma_start3A_630 = arith.constant 0 : i32
      %dma_start3A_631 = arith.constant 0 : i32
      %dma_start3A_632 = tpu.memref_slice %arg4[%dma_start3A_630, %dma_start3A_631] : memref<10000x128xf32, #tpu.memory_space<hbm>> -> memref<10000x128xf32, #tpu.memory_space<hbm>>
      %dma_start3A_633 = tpu.memref_slice %arg22[%dma_start3A_624] : memref<8x!tpu.dma_semaphore, #tpu.memory_space<semaphore_mem>> -> memref<1x!tpu.dma_semaphore, #tpu.memory_space<semaphore_mem>>
      %dma_start3A_634 = tpu.memref_squeeze %dma_start3A_633 : memref<1x!tpu.dma_semaphore, #tpu.memory_space<semaphore_mem>> -> memref<!tpu.dma_semaphore, #tpu.memory_space<semaphore_mem>>
      tpu.enqueue_indirect_dma source(%dma_start3A_632 : memref<10000x128xf32, #tpu.memory_space<hbm>>) target(%arg17 : memref<32x128xf32, #tpu.memory_space<vmem>>) offsets(%dma_start3A_629 : memref<32xi32, #tpu.memory_space<vmem>>) semaphore(%dma_start3A_634 : memref<!tpu.dma_semaphore, #tpu.memory_space<semaphore_mem>>)
      %dma_wait3A_635 = arith.constant 2 : i32
      %dma_wait3A_636 = arith.constant 1 : i32
      %dma_wait3A_637 = arith.constant 0 : i32
      %dma_wait3A_638 = tpu.memref_slice %arg9[%dma_wait3A_635, %dma_wait3A_637] : memref<4x128xi32, #tpu.memory_space<vmem>> -> memref<1x128xi32, #tpu.memory_space<vmem>>
      %dma_wait3A_639 = tpu.memref_squeeze %dma_wait3A_638 : memref<1x128xi32, #tpu.memory_space<vmem>> -> memref<128xi32, #tpu.memory_space<vmem>>
      %dma_wait3A_640 = arith.constant 32 : i32
      %dma_wait3A_641 = tpu.memref_slice %dma_wait3A_639[%dma_wait3A_640] : memref<128xi32, #tpu.memory_space<vmem>> -> memref<32xi32, #tpu.memory_space<vmem>>
      %dma_wait3A_642 = arith.constant 0 : i32
      %dma_wait3A_643 = arith.constant 0 : i32
      %dma_wait3A_644 = tpu.memref_slice %arg4[%dma_wait3A_642, %dma_wait3A_643] : memref<10000x128xf32, #tpu.memory_space<hbm>> -> memref<10000x128xf32, #tpu.memory_space<hbm>>
      %dma_wait3A_645 = tpu.memref_slice %arg22[%dma_wait3A_636] : memref<8x!tpu.dma_semaphore, #tpu.memory_space<semaphore_mem>> -> memref<1x!tpu.dma_semaphore, #tpu.memory_space<semaphore_mem>>
      %dma_wait3A_646 = tpu.memref_squeeze %dma_wait3A_645 : memref<1x!tpu.dma_semaphore, #tpu.memory_space<semaphore_mem>> -> memref<!tpu.dma_semaphore, #tpu.memory_space<semaphore_mem>>
      tpu.wait_indirect_dma semaphore(%dma_wait3A_646 : memref<!tpu.dma_semaphore, #tpu.memory_space<semaphore_mem>>) src(%dma_wait3A_644 : memref<10000x128xf32, #tpu.memory_space<hbm>>) dst(%arg12 : memref<32x128xf32, #tpu.memory_space<vmem>>)
      %dma_start3A_647 = arith.constant 2 : i32
      %dma_start3A_648 = arith.constant 1 : i32
      %dma_start3A_649 = arith.constant 0 : i32
      %dma_start3A_650 = tpu.memref_slice %arg10[%dma_start3A_647, %dma_start3A_649] : memref<4x128xi32, #tpu.memory_space<vmem>> -> memref<1x128xi32, #tpu.memory_space<vmem>>
      %dma_start3A_651 = tpu.memref_squeeze %dma_start3A_650 : memref<1x128xi32, #tpu.memory_space<vmem>> -> memref<128xi32, #tpu.memory_space<vmem>>
      %dma_start3A_652 = arith.constant 32 : i32
      %dma_start3A_653 = tpu.memref_slice %dma_start3A_651[%dma_start3A_652] : memref<128xi32, #tpu.memory_space<vmem>> -> memref<32xi32, #tpu.memory_space<vmem>>
      %dma_start3A_654 = arith.constant 0 : i32
      %dma_start3A_655 = arith.constant 0 : i32
      %dma_start3A_656 = tpu.memref_slice %arg20[%dma_start3A_654, %dma_start3A_655] : memref<10240x128xf32, #tpu.memory_space<vmem_shared>> -> memref<10240x128xf32, #tpu.memory_space<vmem_shared>>
      %dma_start3A_657 = tpu.memref_slice %arg23[%dma_start3A_648] : memref<8x!tpu.dma_semaphore, #tpu.memory_space<semaphore_mem>> -> memref<1x!tpu.dma_semaphore, #tpu.memory_space<semaphore_mem>>
      %dma_start3A_658 = tpu.memref_squeeze %dma_start3A_657 : memref<1x!tpu.dma_semaphore, #tpu.memory_space<semaphore_mem>> -> memref<!tpu.dma_semaphore, #tpu.memory_space<semaphore_mem>>
      tpu.enqueue_indirect_dma source(%arg12 : memref<32x128xf32, #tpu.memory_space<vmem>>) target(%dma_start3A_656 : memref<10240x128xf32, #tpu.memory_space<vmem_shared>>) offsets(%dma_start3A_653 : memref<32xi32, #tpu.memory_space<vmem>>) semaphore(%dma_start3A_658 : memref<!tpu.dma_semaphore, #tpu.memory_space<semaphore_mem>>) {add = true}
      %dma_wait3A_659 = arith.constant 1 : i32
      %dma_wait3A_660 = arith.constant 7 : i32
      %dma_wait3A_661 = arith.constant 0 : i32
      %dma_wait3A_662 = tpu.memref_slice %arg10[%dma_wait3A_659, %dma_wait3A_661] : memref<4x128xi32, #tpu.memory_space<vmem>> -> memref<1x128xi32, #tpu.memory_space<vmem>>
      %dma_wait3A_663 = tpu.memref_squeeze %dma_wait3A_662 : memref<1x128xi32, #tpu.memory_space<vmem>> -> memref<128xi32, #tpu.memory_space<vmem>>
      %dma_wait3A_664 = arith.constant 96 : i32
      %dma_wait3A_665 = tpu.memref_slice %dma_wait3A_663[%dma_wait3A_664] : memref<128xi32, #tpu.memory_space<vmem>> -> memref<32xi32, #tpu.memory_space<vmem>>
      %dma_wait3A_666 = arith.constant 0 : i32
      %dma_wait3A_667 = arith.constant 0 : i32
      %dma_wait3A_668 = tpu.memref_slice %arg20[%dma_wait3A_666, %dma_wait3A_667] : memref<10240x128xf32, #tpu.memory_space<vmem_shared>> -> memref<10240x128xf32, #tpu.memory_space<vmem_shared>>
      %dma_wait3A_669 = tpu.memref_slice %arg23[%dma_wait3A_660] : memref<8x!tpu.dma_semaphore, #tpu.memory_space<semaphore_mem>> -> memref<1x!tpu.dma_semaphore, #tpu.memory_space<semaphore_mem>>
      %dma_wait3A_670 = tpu.memref_squeeze %dma_wait3A_669 : memref<1x!tpu.dma_semaphore, #tpu.memory_space<semaphore_mem>> -> memref<!tpu.dma_semaphore, #tpu.memory_space<semaphore_mem>>
      tpu.wait_indirect_dma semaphore(%dma_wait3A_670 : memref<!tpu.dma_semaphore, #tpu.memory_space<semaphore_mem>>) src(%arg18 : memref<32x128xf32, #tpu.memory_space<vmem>>) dst(%dma_wait3A_668 : memref<10240x128xf32, #tpu.memory_space<vmem_shared>>)
      %dma_start3A_671 = arith.constant 3 : i32
      %dma_start3A_672 = arith.constant 7 : i32
      %dma_start3A_673 = arith.constant 0 : i32
      %dma_start3A_674 = tpu.memref_slice %arg9[%dma_start3A_671, %dma_start3A_673] : memref<4x128xi32, #tpu.memory_space<vmem>> -> memref<1x128xi32, #tpu.memory_space<vmem>>
      %dma_start3A_675 = tpu.memref_squeeze %dma_start3A_674 : memref<1x128xi32, #tpu.memory_space<vmem>> -> memref<128xi32, #tpu.memory_space<vmem>>
      %dma_start3A_676 = arith.constant 96 : i32
      %dma_start3A_677 = tpu.memref_slice %dma_start3A_675[%dma_start3A_676] : memref<128xi32, #tpu.memory_space<vmem>> -> memref<32xi32, #tpu.memory_space<vmem>>
      %dma_start3A_678 = arith.constant 0 : i32
      %dma_start3A_679 = arith.constant 0 : i32
      %dma_start3A_680 = tpu.memref_slice %arg4[%dma_start3A_678, %dma_start3A_679] : memref<10000x128xf32, #tpu.memory_space<hbm>> -> memref<10000x128xf32, #tpu.memory_space<hbm>>
      %dma_start3A_681 = tpu.memref_slice %arg22[%dma_start3A_672] : memref<8x!tpu.dma_semaphore, #tpu.memory_space<semaphore_mem>> -> memref<1x!tpu.dma_semaphore, #tpu.memory_space<semaphore_mem>>
      %dma_start3A_682 = tpu.memref_squeeze %dma_start3A_681 : memref<1x!tpu.dma_semaphore, #tpu.memory_space<semaphore_mem>> -> memref<!tpu.dma_semaphore, #tpu.memory_space<semaphore_mem>>
      tpu.enqueue_indirect_dma source(%dma_start3A_680 : memref<10000x128xf32, #tpu.memory_space<hbm>>) target(%arg18 : memref<32x128xf32, #tpu.memory_space<vmem>>) offsets(%dma_start3A_677 : memref<32xi32, #tpu.memory_space<vmem>>) semaphore(%dma_start3A_682 : memref<!tpu.dma_semaphore, #tpu.memory_space<semaphore_mem>>)
      %dma_wait3A_683 = arith.constant 2 : i32
      %dma_wait3A_684 = arith.constant 2 : i32
      %dma_wait3A_685 = arith.constant 0 : i32
      %dma_wait3A_686 = tpu.memref_slice %arg9[%dma_wait3A_683, %dma_wait3A_685] : memref<4x128xi32, #tpu.memory_space<vmem>> -> memref<1x128xi32, #tpu.memory_space<vmem>>
      %dma_wait3A_687 = tpu.memref_squeeze %dma_wait3A_686 : memref<1x128xi32, #tpu.memory_space<vmem>> -> memref<128xi32, #tpu.memory_space<vmem>>
      %dma_wait3A_688 = arith.constant 64 : i32
      %dma_wait3A_689 = tpu.memref_slice %dma_wait3A_687[%dma_wait3A_688] : memref<128xi32, #tpu.memory_space<vmem>> -> memref<32xi32, #tpu.memory_space<vmem>>
      %dma_wait3A_690 = arith.constant 0 : i32
      %dma_wait3A_691 = arith.constant 0 : i32
      %dma_wait3A_692 = tpu.memref_slice %arg4[%dma_wait3A_690, %dma_wait3A_691] : memref<10000x128xf32, #tpu.memory_space<hbm>> -> memref<10000x128xf32, #tpu.memory_space<hbm>>
      %dma_wait3A_693 = tpu.memref_slice %arg22[%dma_wait3A_684] : memref<8x!tpu.dma_semaphore, #tpu.memory_space<semaphore_mem>> -> memref<1x!tpu.dma_semaphore, #tpu.memory_space<semaphore_mem>>
      %dma_wait3A_694 = tpu.memref_squeeze %dma_wait3A_693 : memref<1x!tpu.dma_semaphore, #tpu.memory_space<semaphore_mem>> -> memref<!tpu.dma_semaphore, #tpu.memory_space<semaphore_mem>>
      tpu.wait_indirect_dma semaphore(%dma_wait3A_694 : memref<!tpu.dma_semaphore, #tpu.memory_space<semaphore_mem>>) src(%dma_wait3A_692 : memref<10000x128xf32, #tpu.memory_space<hbm>>) dst(%arg13 : memref<32x128xf32, #tpu.memory_space<vmem>>)
      %dma_start3A_695 = arith.constant 2 : i32
      %dma_start3A_696 = arith.constant 2 : i32
      %dma_start3A_697 = arith.constant 0 : i32
      %dma_start3A_698 = tpu.memref_slice %arg10[%dma_start3A_695, %dma_start3A_697] : memref<4x128xi32, #tpu.memory_space<vmem>> -> memref<1x128xi32, #tpu.memory_space<vmem>>
      %dma_start3A_699 = tpu.memref_squeeze %dma_start3A_698 : memref<1x128xi32, #tpu.memory_space<vmem>> -> memref<128xi32, #tpu.memory_space<vmem>>
      %dma_start3A_700 = arith.constant 64 : i32
      %dma_start3A_701 = tpu.memref_slice %dma_start3A_699[%dma_start3A_700] : memref<128xi32, #tpu.memory_space<vmem>> -> memref<32xi32, #tpu.memory_space<vmem>>
      %dma_start3A_702 = arith.constant 0 : i32
      %dma_start3A_703 = arith.constant 0 : i32
      %dma_start3A_704 = tpu.memref_slice %arg20[%dma_start3A_702, %dma_start3A_703] : memref<10240x128xf32, #tpu.memory_space<vmem_shared>> -> memref<10240x128xf32, #tpu.memory_space<vmem_shared>>
      %dma_start3A_705 = tpu.memref_slice %arg23[%dma_start3A_696] : memref<8x!tpu.dma_semaphore, #tpu.memory_space<semaphore_mem>> -> memref<1x!tpu.dma_semaphore, #tpu.memory_space<semaphore_mem>>
      %dma_start3A_706 = tpu.memref_squeeze %dma_start3A_705 : memref<1x!tpu.dma_semaphore, #tpu.memory_space<semaphore_mem>> -> memref<!tpu.dma_semaphore, #tpu.memory_space<semaphore_mem>>
      tpu.enqueue_indirect_dma source(%arg13 : memref<32x128xf32, #tpu.memory_space<vmem>>) target(%dma_start3A_704 : memref<10240x128xf32, #tpu.memory_space<vmem_shared>>) offsets(%dma_start3A_701 : memref<32xi32, #tpu.memory_space<vmem>>) semaphore(%dma_start3A_706 : memref<!tpu.dma_semaphore, #tpu.memory_space<semaphore_mem>>) {add = true}
      %dma_wait3A_707 = arith.constant 2 : i32
      %dma_wait3A_708 = arith.constant 3 : i32
      %dma_wait3A_709 = arith.constant 0 : i32
      %dma_wait3A_710 = tpu.memref_slice %arg9[%dma_wait3A_707, %dma_wait3A_709] : memref<4x128xi32, #tpu.memory_space<vmem>> -> memref<1x128xi32, #tpu.memory_space<vmem>>
      %dma_wait3A_711 = tpu.memref_squeeze %dma_wait3A_710 : memref<1x128xi32, #tpu.memory_space<vmem>> -> memref<128xi32, #tpu.memory_space<vmem>>
      %dma_wait3A_712 = arith.constant 96 : i32
      %dma_wait3A_713 = tpu.memref_slice %dma_wait3A_711[%dma_wait3A_712] : memref<128xi32, #tpu.memory_space<vmem>> -> memref<32xi32, #tpu.memory_space<vmem>>
      %dma_wait3A_714 = arith.constant 0 : i32
      %dma_wait3A_715 = arith.constant 0 : i32
      %dma_wait3A_716 = tpu.memref_slice %arg4[%dma_wait3A_714, %dma_wait3A_715] : memref<10000x128xf32, #tpu.memory_space<hbm>> -> memref<10000x128xf32, #tpu.memory_space<hbm>>
      %dma_wait3A_717 = tpu.memref_slice %arg22[%dma_wait3A_708] : memref<8x!tpu.dma_semaphore, #tpu.memory_space<semaphore_mem>> -> memref<1x!tpu.dma_semaphore, #tpu.memory_space<semaphore_mem>>
      %dma_wait3A_718 = tpu.memref_squeeze %dma_wait3A_717 : memref<1x!tpu.dma_semaphore, #tpu.memory_space<semaphore_mem>> -> memref<!tpu.dma_semaphore, #tpu.memory_space<semaphore_mem>>
      tpu.wait_indirect_dma semaphore(%dma_wait3A_718 : memref<!tpu.dma_semaphore, #tpu.memory_space<semaphore_mem>>) src(%dma_wait3A_716 : memref<10000x128xf32, #tpu.memory_space<hbm>>) dst(%arg14 : memref<32x128xf32, #tpu.memory_space<vmem>>)
      %dma_start3A_719 = arith.constant 2 : i32
      %dma_start3A_720 = arith.constant 3 : i32
      %dma_start3A_721 = arith.constant 0 : i32
      %dma_start3A_722 = tpu.memref_slice %arg10[%dma_start3A_719, %dma_start3A_721] : memref<4x128xi32, #tpu.memory_space<vmem>> -> memref<1x128xi32, #tpu.memory_space<vmem>>
      %dma_start3A_723 = tpu.memref_squeeze %dma_start3A_722 : memref<1x128xi32, #tpu.memory_space<vmem>> -> memref<128xi32, #tpu.memory_space<vmem>>
      %dma_start3A_724 = arith.constant 96 : i32
      %dma_start3A_725 = tpu.memref_slice %dma_start3A_723[%dma_start3A_724] : memref<128xi32, #tpu.memory_space<vmem>> -> memref<32xi32, #tpu.memory_space<vmem>>
      %dma_start3A_726 = arith.constant 0 : i32
      %dma_start3A_727 = arith.constant 0 : i32
      %dma_start3A_728 = tpu.memref_slice %arg20[%dma_start3A_726, %dma_start3A_727] : memref<10240x128xf32, #tpu.memory_space<vmem_shared>> -> memref<10240x128xf32, #tpu.memory_space<vmem_shared>>
      %dma_start3A_729 = tpu.memref_slice %arg23[%dma_start3A_720] : memref<8x!tpu.dma_semaphore, #tpu.memory_space<semaphore_mem>> -> memref<1x!tpu.dma_semaphore, #tpu.memory_space<semaphore_mem>>
      %dma_start3A_730 = tpu.memref_squeeze %dma_start3A_729 : memref<1x!tpu.dma_semaphore, #tpu.memory_space<semaphore_mem>> -> memref<!tpu.dma_semaphore, #tpu.memory_space<semaphore_mem>>
      tpu.enqueue_indirect_dma source(%arg14 : memref<32x128xf32, #tpu.memory_space<vmem>>) target(%dma_start3A_728 : memref<10240x128xf32, #tpu.memory_space<vmem_shared>>) offsets(%dma_start3A_725 : memref<32xi32, #tpu.memory_space<vmem>>) semaphore(%dma_start3A_730 : memref<!tpu.dma_semaphore, #tpu.memory_space<semaphore_mem>>) {add = true}
      %dma_wait3A_731 = arith.constant 3 : i32
      %dma_wait3A_732 = arith.constant 4 : i32
      %dma_wait3A_733 = arith.constant 0 : i32
      %dma_wait3A_734 = tpu.memref_slice %arg9[%dma_wait3A_731, %dma_wait3A_733] : memref<4x128xi32, #tpu.memory_space<vmem>> -> memref<1x128xi32, #tpu.memory_space<vmem>>
      %dma_wait3A_735 = tpu.memref_squeeze %dma_wait3A_734 : memref<1x128xi32, #tpu.memory_space<vmem>> -> memref<128xi32, #tpu.memory_space<vmem>>
      %dma_wait3A_736 = arith.constant 0 : i32
      %dma_wait3A_737 = tpu.memref_slice %dma_wait3A_735[%dma_wait3A_736] : memref<128xi32, #tpu.memory_space<vmem>> -> memref<32xi32, #tpu.memory_space<vmem>>
      %dma_wait3A_738 = arith.constant 0 : i32
      %dma_wait3A_739 = arith.constant 0 : i32
      %dma_wait3A_740 = tpu.memref_slice %arg4[%dma_wait3A_738, %dma_wait3A_739] : memref<10000x128xf32, #tpu.memory_space<hbm>> -> memref<10000x128xf32, #tpu.memory_space<hbm>>
      %dma_wait3A_741 = tpu.memref_slice %arg22[%dma_wait3A_732] : memref<8x!tpu.dma_semaphore, #tpu.memory_space<semaphore_mem>> -> memref<1x!tpu.dma_semaphore, #tpu.memory_space<semaphore_mem>>
      %dma_wait3A_742 = tpu.memref_squeeze %dma_wait3A_741 : memref<1x!tpu.dma_semaphore, #tpu.memory_space<semaphore_mem>> -> memref<!tpu.dma_semaphore, #tpu.memory_space<semaphore_mem>>
      tpu.wait_indirect_dma semaphore(%dma_wait3A_742 : memref<!tpu.dma_semaphore, #tpu.memory_space<semaphore_mem>>) src(%dma_wait3A_740 : memref<10000x128xf32, #tpu.memory_space<hbm>>) dst(%arg15 : memref<32x128xf32, #tpu.memory_space<vmem>>)
      %dma_start3A_743 = arith.constant 3 : i32
      %dma_start3A_744 = arith.constant 4 : i32
      %dma_start3A_745 = arith.constant 0 : i32
      %dma_start3A_746 = tpu.memref_slice %arg10[%dma_start3A_743, %dma_start3A_745] : memref<4x128xi32, #tpu.memory_space<vmem>> -> memref<1x128xi32, #tpu.memory_space<vmem>>
      %dma_start3A_747 = tpu.memref_squeeze %dma_start3A_746 : memref<1x128xi32, #tpu.memory_space<vmem>> -> memref<128xi32, #tpu.memory_space<vmem>>
      %dma_start3A_748 = arith.constant 0 : i32
      %dma_start3A_749 = tpu.memref_slice %dma_start3A_747[%dma_start3A_748] : memref<128xi32, #tpu.memory_space<vmem>> -> memref<32xi32, #tpu.memory_space<vmem>>
      %dma_start3A_750 = arith.constant 0 : i32
      %dma_start3A_751 = arith.constant 0 : i32
      %dma_start3A_752 = tpu.memref_slice %arg20[%dma_start3A_750, %dma_start3A_751] : memref<10240x128xf32, #tpu.memory_space<vmem_shared>> -> memref<10240x128xf32, #tpu.memory_space<vmem_shared>>
      %dma_start3A_753 = tpu.memref_slice %arg23[%dma_start3A_744] : memref<8x!tpu.dma_semaphore, #tpu.memory_space<semaphore_mem>> -> memref<1x!tpu.dma_semaphore, #tpu.memory_space<semaphore_mem>>
      %dma_start3A_754 = tpu.memref_squeeze %dma_start3A_753 : memref<1x!tpu.dma_semaphore, #tpu.memory_space<semaphore_mem>> -> memref<!tpu.dma_semaphore, #tpu.memory_space<semaphore_mem>>
      tpu.enqueue_indirect_dma source(%arg15 : memref<32x128xf32, #tpu.memory_space<vmem>>) target(%dma_start3A_752 : memref<10240x128xf32, #tpu.memory_space<vmem_shared>>) offsets(%dma_start3A_749 : memref<32xi32, #tpu.memory_space<vmem>>) semaphore(%dma_start3A_754 : memref<!tpu.dma_semaphore, #tpu.memory_space<semaphore_mem>>) {add = true}
      %dma_start3A_755 = arith.constant 3 : i32
      %dma_start3A_756 = arith.constant 0 : i32
      %dma_start3A_757 = tpu.memref_slice %arg10[%dma_start3A_755, %dma_start3A_756] : memref<4x128xi32, #tpu.memory_space<vmem>> -> memref<1x128xi32, #tpu.memory_space<vmem>>
      %dma_start3A_758 = tpu.memref_squeeze %dma_start3A_757 : memref<1x128xi32, #tpu.memory_space<vmem>> -> memref<128xi32, #tpu.memory_space<vmem>>
      %dma_start3A_759 = arith.constant 0 : i32
      %dma_start3A_760 = tpu.memref_slice %arg21[%dma_start3A_759] : memref<10240xf32, #tpu.memory_space<vmem_shared>> -> memref<10240xf32, #tpu.memory_space<vmem_shared>>
      tpu.enqueue_indirect_dma source(%arg19 : memref<128xf32, #tpu.memory_space<vmem>>) target(%dma_start3A_760 : memref<10240xf32, #tpu.memory_space<vmem_shared>>) offsets(%dma_start3A_758 : memref<128xi32, #tpu.memory_space<vmem>>) semaphore(%arg24 : memref<!tpu.dma_semaphore, #tpu.memory_space<semaphore_mem>>) {add = true}
      %dma_wait3A_761 = arith.constant 3 : i32
      %dma_wait3A_762 = arith.constant 5 : i32
      %dma_wait3A_763 = arith.constant 0 : i32
      %dma_wait3A_764 = tpu.memref_slice %arg9[%dma_wait3A_761, %dma_wait3A_763] : memref<4x128xi32, #tpu.memory_space<vmem>> -> memref<1x128xi32, #tpu.memory_space<vmem>>
      %dma_wait3A_765 = tpu.memref_squeeze %dma_wait3A_764 : memref<1x128xi32, #tpu.memory_space<vmem>> -> memref<128xi32, #tpu.memory_space<vmem>>
      %dma_wait3A_766 = arith.constant 32 : i32
      %dma_wait3A_767 = tpu.memref_slice %dma_wait3A_765[%dma_wait3A_766] : memref<128xi32, #tpu.memory_space<vmem>> -> memref<32xi32, #tpu.memory_space<vmem>>
      %dma_wait3A_768 = arith.constant 0 : i32
      %dma_wait3A_769 = arith.constant 0 : i32
      %dma_wait3A_770 = tpu.memref_slice %arg4[%dma_wait3A_768, %dma_wait3A_769] : memref<10000x128xf32, #tpu.memory_space<hbm>> -> memref<10000x128xf32, #tpu.memory_space<hbm>>
      %dma_wait3A_771 = tpu.memref_slice %arg22[%dma_wait3A_762] : memref<8x!tpu.dma_semaphore, #tpu.memory_space<semaphore_mem>> -> memref<1x!tpu.dma_semaphore, #tpu.memory_space<semaphore_mem>>
      %dma_wait3A_772 = tpu.memref_squeeze %dma_wait3A_771 : memref<1x!tpu.dma_semaphore, #tpu.memory_space<semaphore_mem>> -> memref<!tpu.dma_semaphore, #tpu.memory_space<semaphore_mem>>
      tpu.wait_indirect_dma semaphore(%dma_wait3A_772 : memref<!tpu.dma_semaphore, #tpu.memory_space<semaphore_mem>>) src(%dma_wait3A_770 : memref<10000x128xf32, #tpu.memory_space<hbm>>) dst(%arg16 : memref<32x128xf32, #tpu.memory_space<vmem>>)
      %dma_start3A_773 = arith.constant 3 : i32
      %dma_start3A_774 = arith.constant 5 : i32
      %dma_start3A_775 = arith.constant 0 : i32
      %dma_start3A_776 = tpu.memref_slice %arg10[%dma_start3A_773, %dma_start3A_775] : memref<4x128xi32, #tpu.memory_space<vmem>> -> memref<1x128xi32, #tpu.memory_space<vmem>>
      %dma_start3A_777 = tpu.memref_squeeze %dma_start3A_776 : memref<1x128xi32, #tpu.memory_space<vmem>> -> memref<128xi32, #tpu.memory_space<vmem>>
      %dma_start3A_778 = arith.constant 32 : i32
      %dma_start3A_779 = tpu.memref_slice %dma_start3A_777[%dma_start3A_778] : memref<128xi32, #tpu.memory_space<vmem>> -> memref<32xi32, #tpu.memory_space<vmem>>
      %dma_start3A_780 = arith.constant 0 : i32
      %dma_start3A_781 = arith.constant 0 : i32
      %dma_start3A_782 = tpu.memref_slice %arg20[%dma_start3A_780, %dma_start3A_781] : memref<10240x128xf32, #tpu.memory_space<vmem_shared>> -> memref<10240x128xf32, #tpu.memory_space<vmem_shared>>
      %dma_start3A_783 = tpu.memref_slice %arg23[%dma_start3A_774] : memref<8x!tpu.dma_semaphore, #tpu.memory_space<semaphore_mem>> -> memref<1x!tpu.dma_semaphore, #tpu.memory_space<semaphore_mem>>
      %dma_start3A_784 = tpu.memref_squeeze %dma_start3A_783 : memref<1x!tpu.dma_semaphore, #tpu.memory_space<semaphore_mem>> -> memref<!tpu.dma_semaphore, #tpu.memory_space<semaphore_mem>>
      tpu.enqueue_indirect_dma source(%arg16 : memref<32x128xf32, #tpu.memory_space<vmem>>) target(%dma_start3A_782 : memref<10240x128xf32, #tpu.memory_space<vmem_shared>>) offsets(%dma_start3A_779 : memref<32xi32, #tpu.memory_space<vmem>>) semaphore(%dma_start3A_784 : memref<!tpu.dma_semaphore, #tpu.memory_space<semaphore_mem>>) {add = true}
      %dma_wait3A_785 = arith.constant 3 : i32
      %dma_wait3A_786 = arith.constant 6 : i32
      %dma_wait3A_787 = arith.constant 0 : i32
      %dma_wait3A_788 = tpu.memref_slice %arg9[%dma_wait3A_785, %dma_wait3A_787] : memref<4x128xi32, #tpu.memory_space<vmem>> -> memref<1x128xi32, #tpu.memory_space<vmem>>
      %dma_wait3A_789 = tpu.memref_squeeze %dma_wait3A_788 : memref<1x128xi32, #tpu.memory_space<vmem>> -> memref<128xi32, #tpu.memory_space<vmem>>
      %dma_wait3A_790 = arith.constant 64 : i32
      %dma_wait3A_791 = tpu.memref_slice %dma_wait3A_789[%dma_wait3A_790] : memref<128xi32, #tpu.memory_space<vmem>> -> memref<32xi32, #tpu.memory_space<vmem>>
      %dma_wait3A_792 = arith.constant 0 : i32
      %dma_wait3A_793 = arith.constant 0 : i32
      %dma_wait3A_794 = tpu.memref_slice %arg4[%dma_wait3A_792, %dma_wait3A_793] : memref<10000x128xf32, #tpu.memory_space<hbm>> -> memref<10000x128xf32, #tpu.memory_space<hbm>>
      %dma_wait3A_795 = tpu.memref_slice %arg22[%dma_wait3A_786] : memref<8x!tpu.dma_semaphore, #tpu.memory_space<semaphore_mem>> -> memref<1x!tpu.dma_semaphore, #tpu.memory_space<semaphore_mem>>
      %dma_wait3A_796 = tpu.memref_squeeze %dma_wait3A_795 : memref<1x!tpu.dma_semaphore, #tpu.memory_space<semaphore_mem>> -> memref<!tpu.dma_semaphore, #tpu.memory_space<semaphore_mem>>
      tpu.wait_indirect_dma semaphore(%dma_wait3A_796 : memref<!tpu.dma_semaphore, #tpu.memory_space<semaphore_mem>>) src(%dma_wait3A_794 : memref<10000x128xf32, #tpu.memory_space<hbm>>) dst(%arg17 : memref<32x128xf32, #tpu.memory_space<vmem>>)
      %dma_start3A_797 = arith.constant 3 : i32
      %dma_start3A_798 = arith.constant 6 : i32
      %dma_start3A_799 = arith.constant 0 : i32
      %dma_start3A_800 = tpu.memref_slice %arg10[%dma_start3A_797, %dma_start3A_799] : memref<4x128xi32, #tpu.memory_space<vmem>> -> memref<1x128xi32, #tpu.memory_space<vmem>>
      %dma_start3A_801 = tpu.memref_squeeze %dma_start3A_800 : memref<1x128xi32, #tpu.memory_space<vmem>> -> memref<128xi32, #tpu.memory_space<vmem>>
      %dma_start3A_802 = arith.constant 64 : i32
      %dma_start3A_803 = tpu.memref_slice %dma_start3A_801[%dma_start3A_802] : memref<128xi32, #tpu.memory_space<vmem>> -> memref<32xi32, #tpu.memory_space<vmem>>
      %dma_start3A_804 = arith.constant 0 : i32
      %dma_start3A_805 = arith.constant 0 : i32
      %dma_start3A_806 = tpu.memref_slice %arg20[%dma_start3A_804, %dma_start3A_805] : memref<10240x128xf32, #tpu.memory_space<vmem_shared>> -> memref<10240x128xf32, #tpu.memory_space<vmem_shared>>
      %dma_start3A_807 = tpu.memref_slice %arg23[%dma_start3A_798] : memref<8x!tpu.dma_semaphore, #tpu.memory_space<semaphore_mem>> -> memref<1x!tpu.dma_semaphore, #tpu.memory_space<semaphore_mem>>
      %dma_start3A_808 = tpu.memref_squeeze %dma_start3A_807 : memref<1x!tpu.dma_semaphore, #tpu.memory_space<semaphore_mem>> -> memref<!tpu.dma_semaphore, #tpu.memory_space<semaphore_mem>>
      tpu.enqueue_indirect_dma source(%arg17 : memref<32x128xf32, #tpu.memory_space<vmem>>) target(%dma_start3A_806 : memref<10240x128xf32, #tpu.memory_space<vmem_shared>>) offsets(%dma_start3A_803 : memref<32xi32, #tpu.memory_space<vmem>>) semaphore(%dma_start3A_808 : memref<!tpu.dma_semaphore, #tpu.memory_space<semaphore_mem>>) {add = true}
      %dma_wait3A_809 = arith.constant 3 : i32
      %dma_wait3A_810 = arith.constant 7 : i32
      %dma_wait3A_811 = arith.constant 0 : i32
      %dma_wait3A_812 = tpu.memref_slice %arg9[%dma_wait3A_809, %dma_wait3A_811] : memref<4x128xi32, #tpu.memory_space<vmem>> -> memref<1x128xi32, #tpu.memory_space<vmem>>
      %dma_wait3A_813 = tpu.memref_squeeze %dma_wait3A_812 : memref<1x128xi32, #tpu.memory_space<vmem>> -> memref<128xi32, #tpu.memory_space<vmem>>
      %dma_wait3A_814 = arith.constant 96 : i32
      %dma_wait3A_815 = tpu.memref_slice %dma_wait3A_813[%dma_wait3A_814] : memref<128xi32, #tpu.memory_space<vmem>> -> memref<32xi32, #tpu.memory_space<vmem>>
      %dma_wait3A_816 = arith.constant 0 : i32
      %dma_wait3A_817 = arith.constant 0 : i32
      %dma_wait3A_818 = tpu.memref_slice %arg4[%dma_wait3A_816, %dma_wait3A_817] : memref<10000x128xf32, #tpu.memory_space<hbm>> -> memref<10000x128xf32, #tpu.memory_space<hbm>>
      %dma_wait3A_819 = tpu.memref_slice %arg22[%dma_wait3A_810] : memref<8x!tpu.dma_semaphore, #tpu.memory_space<semaphore_mem>> -> memref<1x!tpu.dma_semaphore, #tpu.memory_space<semaphore_mem>>
      %dma_wait3A_820 = tpu.memref_squeeze %dma_wait3A_819 : memref<1x!tpu.dma_semaphore, #tpu.memory_space<semaphore_mem>> -> memref<!tpu.dma_semaphore, #tpu.memory_space<semaphore_mem>>
      tpu.wait_indirect_dma semaphore(%dma_wait3A_820 : memref<!tpu.dma_semaphore, #tpu.memory_space<semaphore_mem>>) src(%dma_wait3A_818 : memref<10000x128xf32, #tpu.memory_space<hbm>>) dst(%arg18 : memref<32x128xf32, #tpu.memory_space<vmem>>)
      %dma_start3A_821 = arith.constant 3 : i32
      %dma_start3A_822 = arith.constant 7 : i32
      %dma_start3A_823 = arith.constant 0 : i32
      %dma_start3A_824 = tpu.memref_slice %arg10[%dma_start3A_821, %dma_start3A_823] : memref<4x128xi32, #tpu.memory_space<vmem>> -> memref<1x128xi32, #tpu.memory_space<vmem>>
      %dma_start3A_825 = tpu.memref_squeeze %dma_start3A_824 : memref<1x128xi32, #tpu.memory_space<vmem>> -> memref<128xi32, #tpu.memory_space<vmem>>
      %dma_start3A_826 = arith.constant 96 : i32
      %dma_start3A_827 = tpu.memref_slice %dma_start3A_825[%dma_start3A_826] : memref<128xi32, #tpu.memory_space<vmem>> -> memref<32xi32, #tpu.memory_space<vmem>>
      %dma_start3A_828 = arith.constant 0 : i32
      %dma_start3A_829 = arith.constant 0 : i32
      %dma_start3A_830 = tpu.memref_slice %arg20[%dma_start3A_828, %dma_start3A_829] : memref<10240x128xf32, #tpu.memory_space<vmem_shared>> -> memref<10240x128xf32, #tpu.memory_space<vmem_shared>>
      %dma_start3A_831 = tpu.memref_slice %arg23[%dma_start3A_822] : memref<8x!tpu.dma_semaphore, #tpu.memory_space<semaphore_mem>> -> memref<1x!tpu.dma_semaphore, #tpu.memory_space<semaphore_mem>>
      %dma_start3A_832 = tpu.memref_squeeze %dma_start3A_831 : memref<1x!tpu.dma_semaphore, #tpu.memory_space<semaphore_mem>> -> memref<!tpu.dma_semaphore, #tpu.memory_space<semaphore_mem>>
      tpu.enqueue_indirect_dma source(%arg18 : memref<32x128xf32, #tpu.memory_space<vmem>>) target(%dma_start3A_830 : memref<10240x128xf32, #tpu.memory_space<vmem_shared>>) offsets(%dma_start3A_827 : memref<32xi32, #tpu.memory_space<vmem>>) semaphore(%dma_start3A_832 : memref<!tpu.dma_semaphore, #tpu.memory_space<semaphore_mem>>) {add = true}
      %dma_wait3A_833 = arith.constant 2 : i32
      %dma_wait3A_834 = arith.constant 0 : i32
      %dma_wait3A_835 = arith.constant 0 : i32
      %dma_wait3A_836 = tpu.memref_slice %arg10[%dma_wait3A_833, %dma_wait3A_835] : memref<4x128xi32, #tpu.memory_space<vmem>> -> memref<1x128xi32, #tpu.memory_space<vmem>>
      %dma_wait3A_837 = tpu.memref_squeeze %dma_wait3A_836 : memref<1x128xi32, #tpu.memory_space<vmem>> -> memref<128xi32, #tpu.memory_space<vmem>>
      %dma_wait3A_838 = arith.constant 0 : i32
      %dma_wait3A_839 = tpu.memref_slice %dma_wait3A_837[%dma_wait3A_838] : memref<128xi32, #tpu.memory_space<vmem>> -> memref<32xi32, #tpu.memory_space<vmem>>
      %dma_wait3A_840 = arith.constant 0 : i32
      %dma_wait3A_841 = arith.constant 0 : i32
      %dma_wait3A_842 = tpu.memref_slice %arg20[%dma_wait3A_840, %dma_wait3A_841] : memref<10240x128xf32, #tpu.memory_space<vmem_shared>> -> memref<10240x128xf32, #tpu.memory_space<vmem_shared>>
      %dma_wait3A_843 = tpu.memref_slice %arg23[%dma_wait3A_834] : memref<8x!tpu.dma_semaphore, #tpu.memory_space<semaphore_mem>> -> memref<1x!tpu.dma_semaphore, #tpu.memory_space<semaphore_mem>>
      %dma_wait3A_844 = tpu.memref_squeeze %dma_wait3A_843 : memref<1x!tpu.dma_semaphore, #tpu.memory_space<semaphore_mem>> -> memref<!tpu.dma_semaphore, #tpu.memory_space<semaphore_mem>>
      tpu.wait_indirect_dma semaphore(%dma_wait3A_844 : memref<!tpu.dma_semaphore, #tpu.memory_space<semaphore_mem>>) src(%arg11 : memref<32x128xf32, #tpu.memory_space<vmem>>) dst(%dma_wait3A_842 : memref<10240x128xf32, #tpu.memory_space<vmem_shared>>)
      %dma_wait3A_845 = arith.constant 2 : i32
      %dma_wait3A_846 = arith.constant 1 : i32
      %dma_wait3A_847 = arith.constant 0 : i32
      %dma_wait3A_848 = tpu.memref_slice %arg10[%dma_wait3A_845, %dma_wait3A_847] : memref<4x128xi32, #tpu.memory_space<vmem>> -> memref<1x128xi32, #tpu.memory_space<vmem>>
      %dma_wait3A_849 = tpu.memref_squeeze %dma_wait3A_848 : memref<1x128xi32, #tpu.memory_space<vmem>> -> memref<128xi32, #tpu.memory_space<vmem>>
      %dma_wait3A_850 = arith.constant 32 : i32
      %dma_wait3A_851 = tpu.memref_slice %dma_wait3A_849[%dma_wait3A_850] : memref<128xi32, #tpu.memory_space<vmem>> -> memref<32xi32, #tpu.memory_space<vmem>>
      %dma_wait3A_852 = arith.constant 0 : i32
      %dma_wait3A_853 = arith.constant 0 : i32
      %dma_wait3A_854 = tpu.memref_slice %arg20[%dma_wait3A_852, %dma_wait3A_853] : memref<10240x128xf32, #tpu.memory_space<vmem_shared>> -> memref<10240x128xf32, #tpu.memory_space<vmem_shared>>
      %dma_wait3A_855 = tpu.memref_slice %arg23[%dma_wait3A_846] : memref<8x!tpu.dma_semaphore, #tpu.memory_space<semaphore_mem>> -> memref<1x!tpu.dma_semaphore, #tpu.memory_space<semaphore_mem>>
      %dma_wait3A_856 = tpu.memref_squeeze %dma_wait3A_855 : memref<1x!tpu.dma_semaphore, #tpu.memory_space<semaphore_mem>> -> memref<!tpu.dma_semaphore, #tpu.memory_space<semaphore_mem>>
      tpu.wait_indirect_dma semaphore(%dma_wait3A_856 : memref<!tpu.dma_semaphore, #tpu.memory_space<semaphore_mem>>) src(%arg12 : memref<32x128xf32, #tpu.memory_space<vmem>>) dst(%dma_wait3A_854 : memref<10240x128xf32, #tpu.memory_space<vmem_shared>>)
      %dma_wait3A_857 = arith.constant 2 : i32
      %dma_wait3A_858 = arith.constant 2 : i32
      %dma_wait3A_859 = arith.constant 0 : i32
      %dma_wait3A_860 = tpu.memref_slice %arg10[%dma_wait3A_857, %dma_wait3A_859] : memref<4x128xi32, #tpu.memory_space<vmem>> -> memref<1x128xi32, #tpu.memory_space<vmem>>
      %dma_wait3A_861 = tpu.memref_squeeze %dma_wait3A_860 : memref<1x128xi32, #tpu.memory_space<vmem>> -> memref<128xi32, #tpu.memory_space<vmem>>
      %dma_wait3A_862 = arith.constant 64 : i32
      %dma_wait3A_863 = tpu.memref_slice %dma_wait3A_861[%dma_wait3A_862] : memref<128xi32, #tpu.memory_space<vmem>> -> memref<32xi32, #tpu.memory_space<vmem>>
      %dma_wait3A_864 = arith.constant 0 : i32
      %dma_wait3A_865 = arith.constant 0 : i32
      %dma_wait3A_866 = tpu.memref_slice %arg20[%dma_wait3A_864, %dma_wait3A_865] : memref<10240x128xf32, #tpu.memory_space<vmem_shared>> -> memref<10240x128xf32, #tpu.memory_space<vmem_shared>>
      %dma_wait3A_867 = tpu.memref_slice %arg23[%dma_wait3A_858] : memref<8x!tpu.dma_semaphore, #tpu.memory_space<semaphore_mem>> -> memref<1x!tpu.dma_semaphore, #tpu.memory_space<semaphore_mem>>
      %dma_wait3A_868 = tpu.memref_squeeze %dma_wait3A_867 : memref<1x!tpu.dma_semaphore, #tpu.memory_space<semaphore_mem>> -> memref<!tpu.dma_semaphore, #tpu.memory_space<semaphore_mem>>
      tpu.wait_indirect_dma semaphore(%dma_wait3A_868 : memref<!tpu.dma_semaphore, #tpu.memory_space<semaphore_mem>>) src(%arg13 : memref<32x128xf32, #tpu.memory_space<vmem>>) dst(%dma_wait3A_866 : memref<10240x128xf32, #tpu.memory_space<vmem_shared>>)
      %dma_wait3A_869 = arith.constant 2 : i32
      %dma_wait3A_870 = arith.constant 3 : i32
      %dma_wait3A_871 = arith.constant 0 : i32
      %dma_wait3A_872 = tpu.memref_slice %arg10[%dma_wait3A_869, %dma_wait3A_871] : memref<4x128xi32, #tpu.memory_space<vmem>> -> memref<1x128xi32, #tpu.memory_space<vmem>>
      %dma_wait3A_873 = tpu.memref_squeeze %dma_wait3A_872 : memref<1x128xi32, #tpu.memory_space<vmem>> -> memref<128xi32, #tpu.memory_space<vmem>>
      %dma_wait3A_874 = arith.constant 96 : i32
      %dma_wait3A_875 = tpu.memref_slice %dma_wait3A_873[%dma_wait3A_874] : memref<128xi32, #tpu.memory_space<vmem>> -> memref<32xi32, #tpu.memory_space<vmem>>
      %dma_wait3A_876 = arith.constant 0 : i32
      %dma_wait3A_877 = arith.constant 0 : i32
      %dma_wait3A_878 = tpu.memref_slice %arg20[%dma_wait3A_876, %dma_wait3A_877] : memref<10240x128xf32, #tpu.memory_space<vmem_shared>> -> memref<10240x128xf32, #tpu.memory_space<vmem_shared>>
      %dma_wait3A_879 = tpu.memref_slice %arg23[%dma_wait3A_870] : memref<8x!tpu.dma_semaphore, #tpu.memory_space<semaphore_mem>> -> memref<1x!tpu.dma_semaphore, #tpu.memory_space<semaphore_mem>>
      %dma_wait3A_880 = tpu.memref_squeeze %dma_wait3A_879 : memref<1x!tpu.dma_semaphore, #tpu.memory_space<semaphore_mem>> -> memref<!tpu.dma_semaphore, #tpu.memory_space<semaphore_mem>>
      tpu.wait_indirect_dma semaphore(%dma_wait3A_880 : memref<!tpu.dma_semaphore, #tpu.memory_space<semaphore_mem>>) src(%arg14 : memref<32x128xf32, #tpu.memory_space<vmem>>) dst(%dma_wait3A_878 : memref<10240x128xf32, #tpu.memory_space<vmem_shared>>)
      %dma_wait3A_881 = arith.constant 3 : i32
      %dma_wait3A_882 = arith.constant 4 : i32
      %dma_wait3A_883 = arith.constant 0 : i32
      %dma_wait3A_884 = tpu.memref_slice %arg10[%dma_wait3A_881, %dma_wait3A_883] : memref<4x128xi32, #tpu.memory_space<vmem>> -> memref<1x128xi32, #tpu.memory_space<vmem>>
      %dma_wait3A_885 = tpu.memref_squeeze %dma_wait3A_884 : memref<1x128xi32, #tpu.memory_space<vmem>> -> memref<128xi32, #tpu.memory_space<vmem>>
      %dma_wait3A_886 = arith.constant 0 : i32
      %dma_wait3A_887 = tpu.memref_slice %dma_wait3A_885[%dma_wait3A_886] : memref<128xi32, #tpu.memory_space<vmem>> -> memref<32xi32, #tpu.memory_space<vmem>>
      %dma_wait3A_888 = arith.constant 0 : i32
      %dma_wait3A_889 = arith.constant 0 : i32
      %dma_wait3A_890 = tpu.memref_slice %arg20[%dma_wait3A_888, %dma_wait3A_889] : memref<10240x128xf32, #tpu.memory_space<vmem_shared>> -> memref<10240x128xf32, #tpu.memory_space<vmem_shared>>
      %dma_wait3A_891 = tpu.memref_slice %arg23[%dma_wait3A_882] : memref<8x!tpu.dma_semaphore, #tpu.memory_space<semaphore_mem>> -> memref<1x!tpu.dma_semaphore, #tpu.memory_space<semaphore_mem>>
      %dma_wait3A_892 = tpu.memref_squeeze %dma_wait3A_891 : memref<1x!tpu.dma_semaphore, #tpu.memory_space<semaphore_mem>> -> memref<!tpu.dma_semaphore, #tpu.memory_space<semaphore_mem>>
      tpu.wait_indirect_dma semaphore(%dma_wait3A_892 : memref<!tpu.dma_semaphore, #tpu.memory_space<semaphore_mem>>) src(%arg15 : memref<32x128xf32, #tpu.memory_space<vmem>>) dst(%dma_wait3A_890 : memref<10240x128xf32, #tpu.memory_space<vmem_shared>>)
      %dma_wait3A_893 = arith.constant 3 : i32
      %dma_wait3A_894 = arith.constant 5 : i32
      %dma_wait3A_895 = arith.constant 0 : i32
      %dma_wait3A_896 = tpu.memref_slice %arg10[%dma_wait3A_893, %dma_wait3A_895] : memref<4x128xi32, #tpu.memory_space<vmem>> -> memref<1x128xi32, #tpu.memory_space<vmem>>
      %dma_wait3A_897 = tpu.memref_squeeze %dma_wait3A_896 : memref<1x128xi32, #tpu.memory_space<vmem>> -> memref<128xi32, #tpu.memory_space<vmem>>
      %dma_wait3A_898 = arith.constant 32 : i32
      %dma_wait3A_899 = tpu.memref_slice %dma_wait3A_897[%dma_wait3A_898] : memref<128xi32, #tpu.memory_space<vmem>> -> memref<32xi32, #tpu.memory_space<vmem>>
      %dma_wait3A_900 = arith.constant 0 : i32
      %dma_wait3A_901 = arith.constant 0 : i32
      %dma_wait3A_902 = tpu.memref_slice %arg20[%dma_wait3A_900, %dma_wait3A_901] : memref<10240x128xf32, #tpu.memory_space<vmem_shared>> -> memref<10240x128xf32, #tpu.memory_space<vmem_shared>>
      %dma_wait3A_903 = tpu.memref_slice %arg23[%dma_wait3A_894] : memref<8x!tpu.dma_semaphore, #tpu.memory_space<semaphore_mem>> -> memref<1x!tpu.dma_semaphore, #tpu.memory_space<semaphore_mem>>
      %dma_wait3A_904 = tpu.memref_squeeze %dma_wait3A_903 : memref<1x!tpu.dma_semaphore, #tpu.memory_space<semaphore_mem>> -> memref<!tpu.dma_semaphore, #tpu.memory_space<semaphore_mem>>
      tpu.wait_indirect_dma semaphore(%dma_wait3A_904 : memref<!tpu.dma_semaphore, #tpu.memory_space<semaphore_mem>>) src(%arg16 : memref<32x128xf32, #tpu.memory_space<vmem>>) dst(%dma_wait3A_902 : memref<10240x128xf32, #tpu.memory_space<vmem_shared>>)
      %dma_wait3A_905 = arith.constant 3 : i32
      %dma_wait3A_906 = arith.constant 6 : i32
      %dma_wait3A_907 = arith.constant 0 : i32
      %dma_wait3A_908 = tpu.memref_slice %arg10[%dma_wait3A_905, %dma_wait3A_907] : memref<4x128xi32, #tpu.memory_space<vmem>> -> memref<1x128xi32, #tpu.memory_space<vmem>>
      %dma_wait3A_909 = tpu.memref_squeeze %dma_wait3A_908 : memref<1x128xi32, #tpu.memory_space<vmem>> -> memref<128xi32, #tpu.memory_space<vmem>>
      %dma_wait3A_910 = arith.constant 64 : i32
      %dma_wait3A_911 = tpu.memref_slice %dma_wait3A_909[%dma_wait3A_910] : memref<128xi32, #tpu.memory_space<vmem>> -> memref<32xi32, #tpu.memory_space<vmem>>
      %dma_wait3A_912 = arith.constant 0 : i32
      %dma_wait3A_913 = arith.constant 0 : i32
      %dma_wait3A_914 = tpu.memref_slice %arg20[%dma_wait3A_912, %dma_wait3A_913] : memref<10240x128xf32, #tpu.memory_space<vmem_shared>> -> memref<10240x128xf32, #tpu.memory_space<vmem_shared>>
      %dma_wait3A_915 = tpu.memref_slice %arg23[%dma_wait3A_906] : memref<8x!tpu.dma_semaphore, #tpu.memory_space<semaphore_mem>> -> memref<1x!tpu.dma_semaphore, #tpu.memory_space<semaphore_mem>>
      %dma_wait3A_916 = tpu.memref_squeeze %dma_wait3A_915 : memref<1x!tpu.dma_semaphore, #tpu.memory_space<semaphore_mem>> -> memref<!tpu.dma_semaphore, #tpu.memory_space<semaphore_mem>>
      tpu.wait_indirect_dma semaphore(%dma_wait3A_916 : memref<!tpu.dma_semaphore, #tpu.memory_space<semaphore_mem>>) src(%arg17 : memref<32x128xf32, #tpu.memory_space<vmem>>) dst(%dma_wait3A_914 : memref<10240x128xf32, #tpu.memory_space<vmem_shared>>)
      %dma_wait3A_917 = arith.constant 3 : i32
      %dma_wait3A_918 = arith.constant 7 : i32
      %dma_wait3A_919 = arith.constant 0 : i32
      %dma_wait3A_920 = tpu.memref_slice %arg10[%dma_wait3A_917, %dma_wait3A_919] : memref<4x128xi32, #tpu.memory_space<vmem>> -> memref<1x128xi32, #tpu.memory_space<vmem>>
      %dma_wait3A_921 = tpu.memref_squeeze %dma_wait3A_920 : memref<1x128xi32, #tpu.memory_space<vmem>> -> memref<128xi32, #tpu.memory_space<vmem>>
      %dma_wait3A_922 = arith.constant 96 : i32
      %dma_wait3A_923 = tpu.memref_slice %dma_wait3A_921[%dma_wait3A_922] : memref<128xi32, #tpu.memory_space<vmem>> -> memref<32xi32, #tpu.memory_space<vmem>>
      %dma_wait3A_924 = arith.constant 0 : i32
      %dma_wait3A_925 = arith.constant 0 : i32
      %dma_wait3A_926 = tpu.memref_slice %arg20[%dma_wait3A_924, %dma_wait3A_925] : memref<10240x128xf32, #tpu.memory_space<vmem_shared>> -> memref<10240x128xf32, #tpu.memory_space<vmem_shared>>
      %dma_wait3A_927 = tpu.memref_slice %arg23[%dma_wait3A_918] : memref<8x!tpu.dma_semaphore, #tpu.memory_space<semaphore_mem>> -> memref<1x!tpu.dma_semaphore, #tpu.memory_space<semaphore_mem>>
      %dma_wait3A_928 = tpu.memref_squeeze %dma_wait3A_927 : memref<1x!tpu.dma_semaphore, #tpu.memory_space<semaphore_mem>> -> memref<!tpu.dma_semaphore, #tpu.memory_space<semaphore_mem>>
      tpu.wait_indirect_dma semaphore(%dma_wait3A_928 : memref<!tpu.dma_semaphore, #tpu.memory_space<semaphore_mem>>) src(%arg18 : memref<32x128xf32, #tpu.memory_space<vmem>>) dst(%dma_wait3A_926 : memref<10240x128xf32, #tpu.memory_space<vmem_shared>>)
      %dma_wait3A_929 = arith.constant 0 : i32
      %dma_wait3A_930 = arith.constant 0 : i32
      %dma_wait3A_931 = tpu.memref_slice %arg10[%dma_wait3A_929, %dma_wait3A_930] : memref<4x128xi32, #tpu.memory_space<vmem>> -> memref<1x128xi32, #tpu.memory_space<vmem>>
      %dma_wait3A_932 = tpu.memref_squeeze %dma_wait3A_931 : memref<1x128xi32, #tpu.memory_space<vmem>> -> memref<128xi32, #tpu.memory_space<vmem>>
      %dma_wait3A_933 = arith.constant 0 : i32
      %dma_wait3A_934 = tpu.memref_slice %arg21[%dma_wait3A_933] : memref<10240xf32, #tpu.memory_space<vmem_shared>> -> memref<10240xf32, #tpu.memory_space<vmem_shared>>
      tpu.wait_indirect_dma semaphore(%arg24 : memref<!tpu.dma_semaphore, #tpu.memory_space<semaphore_mem>>) src(%arg19 : memref<128xf32, #tpu.memory_space<vmem>>) dst(%dma_wait3A_934 : memref<10240xf32, #tpu.memory_space<vmem_shared>>)
      %dma_wait3A_935 = arith.constant 1 : i32
      %dma_wait3A_936 = arith.constant 0 : i32
      %dma_wait3A_937 = tpu.memref_slice %arg10[%dma_wait3A_935, %dma_wait3A_936] : memref<4x128xi32, #tpu.memory_space<vmem>> -> memref<1x128xi32, #tpu.memory_space<vmem>>
      %dma_wait3A_938 = tpu.memref_squeeze %dma_wait3A_937 : memref<1x128xi32, #tpu.memory_space<vmem>> -> memref<128xi32, #tpu.memory_space<vmem>>
      %dma_wait3A_939 = arith.constant 0 : i32
      %dma_wait3A_940 = tpu.memref_slice %arg21[%dma_wait3A_939] : memref<10240xf32, #tpu.memory_space<vmem_shared>> -> memref<10240xf32, #tpu.memory_space<vmem_shared>>
      tpu.wait_indirect_dma semaphore(%arg24 : memref<!tpu.dma_semaphore, #tpu.memory_space<semaphore_mem>>) src(%arg19 : memref<128xf32, #tpu.memory_space<vmem>>) dst(%dma_wait3A_940 : memref<10240xf32, #tpu.memory_space<vmem_shared>>)
      %dma_wait3A_941 = arith.constant 2 : i32
      %dma_wait3A_942 = arith.constant 0 : i32
      %dma_wait3A_943 = tpu.memref_slice %arg10[%dma_wait3A_941, %dma_wait3A_942] : memref<4x128xi32, #tpu.memory_space<vmem>> -> memref<1x128xi32, #tpu.memory_space<vmem>>
      %dma_wait3A_944 = tpu.memref_squeeze %dma_wait3A_943 : memref<1x128xi32, #tpu.memory_space<vmem>> -> memref<128xi32, #tpu.memory_space<vmem>>
      %dma_wait3A_945 = arith.constant 0 : i32
      %dma_wait3A_946 = tpu.memref_slice %arg21[%dma_wait3A_945] : memref<10240xf32, #tpu.memory_space<vmem_shared>> -> memref<10240xf32, #tpu.memory_space<vmem_shared>>
      tpu.wait_indirect_dma semaphore(%arg24 : memref<!tpu.dma_semaphore, #tpu.memory_space<semaphore_mem>>) src(%arg19 : memref<128xf32, #tpu.memory_space<vmem>>) dst(%dma_wait3A_946 : memref<10240xf32, #tpu.memory_space<vmem_shared>>)
      %dma_wait3A_947 = arith.constant 3 : i32
      %dma_wait3A_948 = arith.constant 0 : i32
      %dma_wait3A_949 = tpu.memref_slice %arg10[%dma_wait3A_947, %dma_wait3A_948] : memref<4x128xi32, #tpu.memory_space<vmem>> -> memref<1x128xi32, #tpu.memory_space<vmem>>
      %dma_wait3A_950 = tpu.memref_squeeze %dma_wait3A_949 : memref<1x128xi32, #tpu.memory_space<vmem>> -> memref<128xi32, #tpu.memory_space<vmem>>
      %dma_wait3A_951 = arith.constant 0 : i32
      %dma_wait3A_952 = tpu.memref_slice %arg21[%dma_wait3A_951] : memref<10240xf32, #tpu.memory_space<vmem_shared>> -> memref<10240xf32, #tpu.memory_space<vmem_shared>>
      tpu.wait_indirect_dma semaphore(%arg24 : memref<!tpu.dma_semaphore, #tpu.memory_space<semaphore_mem>>) src(%arg19 : memref<128xf32, #tpu.memory_space<vmem>>) dst(%dma_wait3A_952 : memref<10240xf32, #tpu.memory_space<vmem_shared>>)
    }
    %scan3A_125 = arith.constant 20 : i32
    %barrier3A_126 = arith.constant 0 : index
    tpu.barrier barrier_id(%barrier3A_126)
    %eq3A = arith.constant 0 : i32
    %eq3A_127 = arith.cmpi eq, %arg0, %eq3A : i32
    %convert_element_type3A = arith.extui %eq3A_127 : i1 to i32
    %cond3A = arith.constant 0 : i32
    %cond3A_128 = arith.cmpi ne, %convert_element_type3A, %cond3A : i32
    scf.if %cond3A_128 {
      "tpu.region"() ({
        %run_scoped3A_134 = tpu.sem_alloc : memref<!tpu.dma_semaphore, #tpu.memory_space<semaphore_mem>>
        %dma_start3A = arith.constant 0 : i32
        %dma_start3A_135 = tpu.memref_slice %arg5[%mul3A_25, %dma_start3A] : memref<10240x128xf32, #tpu.memory_space<hbm>> -> memref<640x128xf32, #tpu.memory_space<hbm>>
        %dma_start3A_136 = arith.constant 0 : i32
        %dma_start3A_137 = tpu.memref_slice %arg20[%mul3A_25, %dma_start3A_136] : memref<10240x128xf32, #tpu.memory_space<vmem_shared>> -> memref<640x128xf32, #tpu.memory_space<vmem_shared>>
        tpu.enqueue_dma source(%dma_start3A_137 : memref<640x128xf32, #tpu.memory_space<vmem_shared>>) target(%dma_start3A_135 : memref<640x128xf32, #tpu.memory_space<hbm>>) target_semaphore(%run_scoped3A_134 : memref<!tpu.dma_semaphore, #tpu.memory_space<semaphore_mem>>)
        %dma_wait3A = arith.constant 0 : i32
        %dma_wait3A_138 = tpu.memref_slice %arg5[%mul3A_25, %dma_wait3A] : memref<10240x128xf32, #tpu.memory_space<hbm>> -> memref<640x128xf32, #tpu.memory_space<hbm>>
        %dma_wait3A_139 = arith.constant 0 : i32
        %dma_wait3A_140 = tpu.memref_slice %arg20[%mul3A_25, %dma_wait3A_139] : memref<10240x128xf32, #tpu.memory_space<vmem_shared>> -> memref<640x128xf32, #tpu.memory_space<vmem_shared>>
        tpu.wait_dma2 semaphore(%run_scoped3A_134 : memref<!tpu.dma_semaphore, #tpu.memory_space<semaphore_mem>>) src(%dma_wait3A_140 : memref<640x128xf32, #tpu.memory_space<vmem_shared>>) dst(%dma_wait3A_138 : memref<640x128xf32, #tpu.memory_space<hbm>>)
        tpu.yield
      }) : () -> ()
      "tpu.region"() ({
        %run_scoped3A_134 = tpu.sem_alloc : memref<!tpu.dma_semaphore, #tpu.memory_space<semaphore_mem>>
        %dma_start3A = tpu.memref_slice %arg7[%mul3A_25] : memref<10240xf32, #tpu.memory_space<hbm>> -> memref<640xf32, #tpu.memory_space<hbm>>
        %dma_start3A_135 = tpu.memref_slice %arg21[%mul3A_25] : memref<10240xf32, #tpu.memory_space<vmem_shared>> -> memref<640xf32, #tpu.memory_space<vmem_shared>>
        tpu.enqueue_dma source(%dma_start3A_135 : memref<640xf32, #tpu.memory_space<vmem_shared>>) target(%dma_start3A : memref<640xf32, #tpu.memory_space<hbm>>) target_semaphore(%run_scoped3A_134 : memref<!tpu.dma_semaphore, #tpu.memory_space<semaphore_mem>>)
        %dma_wait3A = tpu.memref_slice %arg7[%mul3A_25] : memref<10240xf32, #tpu.memory_space<hbm>> -> memref<640xf32, #tpu.memory_space<hbm>>
        %dma_wait3A_136 = tpu.memref_slice %arg21[%mul3A_25] : memref<10240xf32, #tpu.memory_space<vmem_shared>> -> memref<640xf32, #tpu.memory_space<vmem_shared>>
        tpu.wait_dma2 semaphore(%run_scoped3A_134 : memref<!tpu.dma_semaphore, #tpu.memory_space<semaphore_mem>>) src(%dma_wait3A_136 : memref<640xf32, #tpu.memory_space<vmem_shared>>) dst(%dma_wait3A : memref<640xf32, #tpu.memory_space<hbm>>)
        tpu.yield
      }) : () -> ()
    } else {
    }
    %eq3A_129 = arith.constant 1 : i32
    %eq3A_130 = arith.cmpi eq, %arg0, %eq3A_129 : i32
    %convert_element_type3A_131 = arith.extui %eq3A_130 : i1 to i32
    %cond3A_132 = arith.constant 0 : i32
    %cond3A_133 = arith.cmpi ne, %convert_element_type3A_131, %cond3A_132 : i32
    scf.if %cond3A_133 {
      "tpu.region"() ({
        %run_scoped3A_134 = tpu.sem_alloc : memref<!tpu.dma_semaphore, #tpu.memory_space<semaphore_mem>>
        %dma_start3A = arith.constant 0 : i32
        %dma_start3A_135 = tpu.memref_slice %arg6[%mul3A_25, %dma_start3A] : memref<10240x128xf32, #tpu.memory_space<hbm>> -> memref<640x128xf32, #tpu.memory_space<hbm>>
        %dma_start3A_136 = arith.constant 0 : i32
        %dma_start3A_137 = tpu.memref_slice %arg20[%mul3A_25, %dma_start3A_136] : memref<10240x128xf32, #tpu.memory_space<vmem_shared>> -> memref<640x128xf32, #tpu.memory_space<vmem_shared>>
        tpu.enqueue_dma source(%dma_start3A_137 : memref<640x128xf32, #tpu.memory_space<vmem_shared>>) target(%dma_start3A_135 : memref<640x128xf32, #tpu.memory_space<hbm>>) target_semaphore(%run_scoped3A_134 : memref<!tpu.dma_semaphore, #tpu.memory_space<semaphore_mem>>)
        %dma_wait3A = arith.constant 0 : i32
        %dma_wait3A_138 = tpu.memref_slice %arg6[%mul3A_25, %dma_wait3A] : memref<10240x128xf32, #tpu.memory_space<hbm>> -> memref<640x128xf32, #tpu.memory_space<hbm>>
        %dma_wait3A_139 = arith.constant 0 : i32
        %dma_wait3A_140 = tpu.memref_slice %arg20[%mul3A_25, %dma_wait3A_139] : memref<10240x128xf32, #tpu.memory_space<vmem_shared>> -> memref<640x128xf32, #tpu.memory_space<vmem_shared>>
        tpu.wait_dma2 semaphore(%run_scoped3A_134 : memref<!tpu.dma_semaphore, #tpu.memory_space<semaphore_mem>>) src(%dma_wait3A_140 : memref<640x128xf32, #tpu.memory_space<vmem_shared>>) dst(%dma_wait3A_138 : memref<640x128xf32, #tpu.memory_space<hbm>>)
        tpu.yield
      }) : () -> ()
      "tpu.region"() ({
        %run_scoped3A_134 = tpu.sem_alloc : memref<!tpu.dma_semaphore, #tpu.memory_space<semaphore_mem>>
        %dma_start3A = tpu.memref_slice %arg8[%mul3A_25] : memref<10240xf32, #tpu.memory_space<hbm>> -> memref<640xf32, #tpu.memory_space<hbm>>
        %dma_start3A_135 = tpu.memref_slice %arg21[%mul3A_25] : memref<10240xf32, #tpu.memory_space<vmem_shared>> -> memref<640xf32, #tpu.memory_space<vmem_shared>>
        tpu.enqueue_dma source(%dma_start3A_135 : memref<640xf32, #tpu.memory_space<vmem_shared>>) target(%dma_start3A : memref<640xf32, #tpu.memory_space<hbm>>) target_semaphore(%run_scoped3A_134 : memref<!tpu.dma_semaphore, #tpu.memory_space<semaphore_mem>>)
        %dma_wait3A = tpu.memref_slice %arg8[%mul3A_25] : memref<10240xf32, #tpu.memory_space<hbm>> -> memref<640xf32, #tpu.memory_space<hbm>>
        %dma_wait3A_136 = tpu.memref_slice %arg21[%mul3A_25] : memref<10240xf32, #tpu.memory_space<vmem_shared>> -> memref<640xf32, #tpu.memory_space<vmem_shared>>
        tpu.wait_dma2 semaphore(%run_scoped3A_134 : memref<!tpu.dma_semaphore, #tpu.memory_space<semaphore_mem>>) src(%dma_wait3A_136 : memref<640xf32, #tpu.memory_space<vmem_shared>>) dst(%dma_wait3A : memref<640xf32, #tpu.memory_space<hbm>>)
        tpu.yield
      }) : () -> ()
    } else {
    }
    return
  }
}

module attributes {stable_mosaic.version = 14 : i64} {
  func.func @_dense_body(%arg0: memref<8192x128xf32, #tpu.memory_space<vmem>>, %arg1: memref<8192x128xf32, #tpu.memory_space<vmem>>, %arg2: memref<8192x128xf32, #tpu.memory_space<vmem>>, %arg3: memref<8192x1xf32, #tpu.memory_space<vmem>>, %arg4: memref<128x128xf32, #tpu.memory_space<vmem>>, %arg5: memref<128x128xf32, #tpu.memory_space<vmem>>, %arg6: memref<128x128xf32, #tpu.memory_space<vmem>>, %arg7: memref<128x128xf32, #tpu.memory_space<vmem>>, %arg8: memref<1x128xf32, #tpu.memory_space<vmem>>, %arg9: memref<128x1xf32, #tpu.memory_space<vmem>>, %arg10: memref<1x1xf32, #tpu.memory_space<vmem>>, %arg11: memref<8192x1xf32, #tpu.memory_space<vmem>>) attributes {dimension_semantics = [], scalar_prefetch = 0 : i64, scratch_operands = 0 : i64, tpu.core_type = #tpu.core_type<tc>} {
    %get3A = arith.constant 0 : index
    %get3A_0 = arith.constant 0 : index
    %get3A_1 = vector.load %arg0[%get3A, %get3A_0] : memref<8192x128xf32, #tpu.memory_space<vmem>>, vector<8192x128xf32>
    %get3A_2 = arith.constant 0 : index
    %get3A_3 = arith.constant 0 : index
    %get3A_4 = vector.load %arg1[%get3A_2, %get3A_3] : memref<8192x128xf32, #tpu.memory_space<vmem>>, vector<8192x128xf32>
    %get3A_5 = arith.constant 0 : index
    %get3A_6 = arith.constant 0 : index
    %get3A_7 = vector.load %arg2[%get3A_5, %get3A_6] : memref<8192x128xf32, #tpu.memory_space<vmem>>, vector<8192x128xf32>
    %add3A = arith.addf %get3A_4, %get3A_7 : vector<8192x128xf32>
    %get3A_8 = arith.constant 0 : index
    %get3A_9 = arith.constant 0 : index
    %get3A_10 = vector.load %arg3[%get3A_8, %get3A_9] : memref<8192x1xf32, #tpu.memory_space<vmem>>, vector<8192x1xf32>
    %max3A = arith.constant 1.000000e+00 : f32
    %max3A_11 = vector.broadcast %max3A : f32 to vector<8192x1xf32>
    %max3A_12 = arith.maximumf %get3A_10, %max3A_11 : vector<8192x1xf32>
    %div3A = vector.broadcast %max3A_12 : vector<8192x1xf32> to vector<8192x128xf32>
    %div3A_13 = arith.divf %add3A, %div3A : vector<8192x128xf32>
    %get3A_14 = arith.constant 0 : index
    %get3A_15 = arith.constant 0 : index
    %get3A_16 = vector.load %arg4[%get3A_14, %get3A_15] : memref<128x128xf32, #tpu.memory_space<vmem>>, vector<128x128xf32>
    %dot_general3A = arith.constant dense<0.000000e+00> : vector<8192x128xf32>
    %dot_general3A_17 = tpu.matmul %get3A_1, %get3A_16, %dot_general3A {dimension_numbers = #tpu.dot_dimension_numbers<[1], [0], [0], [1], [0, 0, 1, 1], [], []>, transpose_lhs_hint = false} : vector<8192x128xf32>, vector<128x128xf32>, vector<8192x128xf32> -> vector<8192x128xf32>
    %get3A_18 = arith.constant 0 : index
    %get3A_19 = arith.constant 0 : index
    %get3A_20 = vector.load %arg5[%get3A_18, %get3A_19] : memref<128x128xf32, #tpu.memory_space<vmem>>, vector<128x128xf32>
    %dot_general3A_21 = arith.constant dense<0.000000e+00> : vector<8192x128xf32>
    %dot_general3A_22 = tpu.matmul %div3A_13, %get3A_20, %dot_general3A_21 {dimension_numbers = #tpu.dot_dimension_numbers<[1], [0], [0], [1], [0, 0, 1, 1], [], []>, transpose_lhs_hint = false} : vector<8192x128xf32>, vector<128x128xf32>, vector<8192x128xf32> -> vector<8192x128xf32>
    %add3A_23 = arith.addf %dot_general3A_17, %dot_general3A_22 : vector<8192x128xf32>
    %max3A_24 = arith.constant 0.000000e+00 : f32
    %max3A_25 = vector.broadcast %max3A_24 : f32 to vector<8192x128xf32>
    %max3A_26 = arith.maximumf %add3A_23, %max3A_25 : vector<8192x128xf32>
    %get3A_27 = arith.constant 0 : index
    %get3A_28 = arith.constant 0 : index
    %get3A_29 = vector.load %arg6[%get3A_27, %get3A_28] : memref<128x128xf32, #tpu.memory_space<vmem>>, vector<128x128xf32>
    %dot_general3A_30 = arith.constant dense<0.000000e+00> : vector<8192x128xf32>
    %dot_general3A_31 = tpu.matmul %get3A_1, %get3A_29, %dot_general3A_30 {dimension_numbers = #tpu.dot_dimension_numbers<[1], [0], [0], [1], [0, 0, 1, 1], [], []>, transpose_lhs_hint = false} : vector<8192x128xf32>, vector<128x128xf32>, vector<8192x128xf32> -> vector<8192x128xf32>
    %get3A_32 = arith.constant 0 : index
    %get3A_33 = arith.constant 0 : index
    %get3A_34 = vector.load %arg7[%get3A_32, %get3A_33] : memref<128x128xf32, #tpu.memory_space<vmem>>, vector<128x128xf32>
    %dot_general3A_35 = arith.constant dense<0.000000e+00> : vector<8192x128xf32>
    %dot_general3A_36 = tpu.matmul %div3A_13, %get3A_34, %dot_general3A_35 {dimension_numbers = #tpu.dot_dimension_numbers<[1], [0], [0], [1], [0, 0, 1, 1], [], []>, transpose_lhs_hint = false} : vector<8192x128xf32>, vector<128x128xf32>, vector<8192x128xf32> -> vector<8192x128xf32>
    %add3A_37 = arith.addf %dot_general3A_31, %dot_general3A_36 : vector<8192x128xf32>
    %max3A_38 = arith.constant 0.000000e+00 : f32
    %max3A_39 = vector.broadcast %max3A_38 : f32 to vector<8192x128xf32>
    %max3A_40 = arith.maximumf %add3A_37, %max3A_39 : vector<8192x128xf32>
    %get3A_41 = arith.constant 0 : index
    %get3A_42 = arith.constant 0 : index
    %get3A_43 = vector.load %arg8[%get3A_41, %get3A_42] : memref<1x128xf32, #tpu.memory_space<vmem>>, vector<1x128xf32>
    %mul3A = arith.mulf %max3A_26, %max3A_26 : vector<8192x128xf32>
    %mul3A_44 = vector.broadcast %get3A_43 : vector<1x128xf32> to vector<8192x128xf32>
    %mul3A_45 = arith.mulf %mul3A, %mul3A_44 : vector<8192x128xf32>
    %reduce_sum3A = arith.constant dense<0.000000e+00> : vector<8192xf32>
    %reduce_sum3A_46 = vector.multi_reduction <add>, %mul3A_45, %reduce_sum3A [1] : vector<8192x128xf32> to vector<8192xf32>
    %broadcast_in_dim3A = vector.shape_cast %reduce_sum3A_46 : vector<8192xf32> to vector<8192x1xf32>
    %mul3A_47 = arith.mulf %max3A_26, %max3A_40 : vector<8192x128xf32>
    %mul3A_48 = vector.broadcast %get3A_43 : vector<1x128xf32> to vector<8192x128xf32>
    %mul3A_49 = arith.mulf %mul3A_47, %mul3A_48 : vector<8192x128xf32>
    %reduce_sum3A_50 = arith.constant dense<0.000000e+00> : vector<8192xf32>
    %reduce_sum3A_51 = vector.multi_reduction <add>, %mul3A_49, %reduce_sum3A_50 [1] : vector<8192x128xf32> to vector<8192xf32>
    %broadcast_in_dim3A_52 = vector.shape_cast %reduce_sum3A_51 : vector<8192xf32> to vector<8192x1xf32>
    %ge3A = arith.constant 0.000000e+00 : f32
    %ge3A_53 = vector.broadcast %ge3A : f32 to vector<8192x1xf32>
    %ge3A_54 = arith.cmpf oge, %broadcast_in_dim3A, %ge3A_53 : vector<8192x1xf32>
    %mul3A_55 = arith.constant 5.000000e-01 : f32
    %mul3A_56 = vector.broadcast %mul3A_55 : f32 to vector<8192x1xf32>
    %mul3A_57 = arith.mulf %mul3A_56, %broadcast_in_dim3A : vector<8192x1xf32>
    %select_n3A = arith.select %ge3A_54, %broadcast_in_dim3A, %mul3A_57 : vector<8192x1xi1>, vector<8192x1xf32>
    %ge3A_58 = arith.constant 0.000000e+00 : f32
    %ge3A_59 = vector.broadcast %ge3A_58 : f32 to vector<8192x1xf32>
    %ge3A_60 = arith.cmpf oge, %broadcast_in_dim3A_52, %ge3A_59 : vector<8192x1xf32>
    %mul3A_61 = arith.constant 5.000000e-01 : f32
    %mul3A_62 = vector.broadcast %mul3A_61 : f32 to vector<8192x1xf32>
    %mul3A_63 = arith.mulf %mul3A_62, %broadcast_in_dim3A_52 : vector<8192x1xf32>
    %select_n3A_64 = arith.select %ge3A_60, %broadcast_in_dim3A_52, %mul3A_63 : vector<8192x1xi1>, vector<8192x1xf32>
    %max3A_65 = arith.maximumf %select_n3A, %select_n3A_64 : vector<8192x1xf32>
    %sub3A = arith.subf %select_n3A, %max3A_65 : vector<8192x1xf32>
    %exp3A = math.exp %sub3A : vector<8192x1xf32>
    %sub3A_66 = arith.subf %select_n3A_64, %max3A_65 : vector<8192x1xf32>
    %exp3A_67 = math.exp %sub3A_66 : vector<8192x1xf32>
    %add3A_68 = arith.addf %exp3A, %exp3A_67 : vector<8192x1xf32>
    %div3A_69 = arith.constant 1.000000e+00 : f32
    %div3A_70 = vector.broadcast %div3A_69 : f32 to vector<8192x1xf32>
    %div3A_71 = arith.divf %div3A_70, %add3A_68 : vector<8192x1xf32>
    %mul3A_72 = arith.mulf %exp3A, %div3A_71 : vector<8192x1xf32>
    %mul3A_73 = vector.broadcast %mul3A_72 : vector<8192x1xf32> to vector<8192x128xf32>
    %mul3A_74 = arith.mulf %mul3A_73, %max3A_26 : vector<8192x128xf32>
    %mul3A_75 = arith.mulf %exp3A_67, %div3A_71 : vector<8192x1xf32>
    %mul3A_76 = vector.broadcast %mul3A_75 : vector<8192x1xf32> to vector<8192x128xf32>
    %mul3A_77 = arith.mulf %mul3A_76, %max3A_40 : vector<8192x128xf32>
    %add3A_78 = arith.addf %mul3A_74, %mul3A_77 : vector<8192x128xf32>
    %get3A_79 = arith.constant 0 : index
    %get3A_80 = arith.constant 0 : index
    %get3A_81 = vector.load %arg9[%get3A_79, %get3A_80] : memref<128x1xf32, #tpu.memory_space<vmem>>, vector<128x1xf32>
    %dot_general3A_82 = arith.constant dense<0.000000e+00> : vector<8192x1xf32>
    %dot_general3A_83 = tpu.matmul %add3A_78, %get3A_81, %dot_general3A_82 {dimension_numbers = #tpu.dot_dimension_numbers<[1], [0], [0], [1], [0, 0, 1, 1], [], []>, transpose_lhs_hint = false} : vector<8192x128xf32>, vector<128x1xf32>, vector<8192x1xf32> -> vector<8192x1xf32>
    %get3A_84 = arith.constant 0 : index
    %get3A_85 = arith.constant 0 : index
    %get3A_86 = vector.load %arg10[%get3A_84, %get3A_85] : memref<1x1xf32, #tpu.memory_space<vmem>>, vector<1x1xf32>
    %add3A_87 = vector.broadcast %get3A_86 : vector<1x1xf32> to vector<8192x1xf32>
    %add3A_88 = arith.addf %dot_general3A_83, %add3A_87 : vector<8192x1xf32>
    %neg3A = arith.constant 0.000000e+00 : f32
    %neg3A_89 = vector.broadcast %neg3A : f32 to vector<8192x1xf32>
    %neg3A_90 = arith.subf %neg3A_89, %add3A_88 : vector<8192x1xf32>
    %exp3A_91 = math.exp %neg3A_90 : vector<8192x1xf32>
    %add3A_92 = arith.constant 1.000000e+00 : f32
    %add3A_93 = vector.broadcast %add3A_92 : f32 to vector<8192x1xf32>
    %add3A_94 = arith.addf %add3A_93, %exp3A_91 : vector<8192x1xf32>
    %div3A_95 = arith.constant 1.000000e+00 : f32
    %div3A_96 = vector.broadcast %div3A_95 : f32 to vector<8192x1xf32>
    %div3A_97 = arith.divf %div3A_96, %add3A_94 : vector<8192x1xf32>
    %swap3A = arith.constant 0 : index
    %swap3A_98 = arith.constant 0 : index
    %swap3A_99 = vector.load %arg11[%swap3A, %swap3A_98] : memref<8192x1xf32, #tpu.memory_space<vmem>>, vector<8192x1xf32>
    tpu.vector_store %arg11[%swap3A, %swap3A_98], %div3A_97 {strides = array<i32>} : memref<8192x1xf32, #tpu.memory_space<vmem>>, vector<8192x1xf32>,
    return
  }
}

</mosaic_0001>

<sc_bundles>
// kernel: kernel.5.cloned.1.call-start
scs
__scs_entry_jumppad:
0x0: {  	(pc) =	sbr.rel $0x88, $3  }
0x1: {  	(tag) =	ssettag $0x0;
	lr =	simm.s32 $0x1  }
0x2: {  	[smem:$0x3F99] =	sst lr;
	_ =	strace $0xD0000000  }
0x3: {  	_ = 	snop  }
0x4: {  	_ = 	snop  }
0x5: {  	_ = 	snop  }
0x6: {  	_ = 	snop  }
0x7: {  	_ = 	snop  }
__scs_overlays_trampoline_lowered:
0x8: {  	[smem:$0x3FA8] =	sst s0  }
0x9: {  	[smem:$0x3FA9] =	sst s1  }
0xa: {  	[smem:$0x3FAA] =	sst s2  }
0xb: {  	[smem:$0x3FAB] =	sst s3  }
0xc: {  	[smem:$0x3FAC] =	sst s4  }
0xd: {  	[smem:$0x3FAD] =	sst s5  }
0xe: {  	[smem:$0x3FAE] =	sst s6  }
0xf: {  	[smem:$0x3FAF] =	sst s7  }
0x10: {  	[smem:$0x3FB0] =	sst s8  }
0x11: {  	[smem:$0x3FB1] =	sst s9;
	s0 =	simm.s32 @!p0 $0x0  }
0x12: {  	s1 =	sld [smem:$0x3F97];
	s0 =	simm.s32 @p0 $0x1  }
0x13: {  	[smem:$0x3FB2] =	sst s0;
	s0 =	simm.s32 @!p1 $0x0  }
0x14: {  	s2 =	sld [smem:$0x3F96];
	s0 =	simm.s32 @p1 $0x1  }
0x15: {  	[smem:$0x3FB3] =	sst s0;
	s0 =	simm.s32 @!p2 $0x0  }
0x16: {  	s3 =	sld [smem:$0x3FDB];
	s0 =	simm.s32 @p2 $0x1  }
0x17: {  	s4 =	simm.s32 $0x1BF5;
	[smem:$0x3FB5] =	sst s0  }
0x18: {  	s0 =	sld [smem:$0x3F98];
	_ =	swait.ge [sflag:s4], $0x0  }
0x19: {  	s7 =	sld [smem:$0x3F99]  }
0x1a: {  	s8 =	sadd.s32 $0xFFFFE003, lr  }
0x1b: {  	s9 =	sadd.s32 $0xFFFFFEF7, lr;
	s5 =	simm.s32 $0xFFFFFFFF;
	p2 =	slt.u32 s8, $0xFFFFF086  }
0x1c: {  	p1 =	slt.u32 s9, $0xF7A;
	s5 =	simm.s32 @!p2 $0x0  }
0x1d: {  	s5 =	simm.s32 @p1 $0x1;
	p0 =	seq.s32 s7, s2  }
0x1e: {  	s7 =	smul.u32 @!p0 $0xF7A, s2;
	p2 =	seq.s32 @!p0 s5, $0x0  }
0x1f: {  	s9 =	smul.u32 $0xF7A, s1;
	s8 =	simm.s32 @!p0 $0x1BF5;
	p2 =	por !p2, p0  }
0x20: {  	[sflag:s8] =	ssyncset.s32 @!p0 $0xFFFFF086;
	s6 =	sadd.s32 @!p0 s3, s7;
	s7 =	simm.s32 @!p0 $0x108  }
0x21: {  	s3 =	sadd.s32 s3, s9;
	s6 =	sadd.s32 @!p0 $0x88, s6;
	s7 =	simm.s32 @p2 $0x1082  }
0x22: {  	[simem:s7], [sflag:s8] =	dma.local @!p0 [hbm:s6], $0xF7A  }
0x23: {  	s9 =	sor.u32 $0xD0000000, s2;
	s6 =	simm.s32 $0x108;
	_ =	swait.ge @!p0 [sflag:s8], $0x0  }
0x24: {  	s3 =	sadd.s32 $0x88, s3;
	s6 =	simm.s32 @!p1 $0x1082;
	[sflag:s4] =	ssyncset.s32 $0xFFFFF086  }
0x25: {  	[simem:s6], [sflag:s4] =	dma.local [hbm:s3], $0xF7A  }
0x26: {  	[smem:$0x3F99] =	sst s1;
	(tag) =	ssettag s2;
	_ =	strace s9  }
0x27: {  	s1 =	sld [smem:$0x3FA9]  }
0x28: {  	s2 =	sld [smem:$0x3FAA]  }
0x29: {  	s4 =	sld [smem:$0x3FAC]  }
0x2a: {  	p0 =	seq.s32 s5, $0x0;
	s5 =	sld [smem:$0x3FAD]  }
0x2b: {  	s6 =	sld [smem:$0x3FAE]  }
0x2c: {  	s7 =	sld [smem:$0x3FAF]  }
0x2d: {  	s3 =	simm.s32 $0x108;
	s8 =	sld [smem:$0x3FB0]  }
0x2e: {  	s3 =	simm.s32 @!p0 $0x1082;
	s9 =	sld [smem:$0x3FB1]  }
0x2f: {  	lr =	sadd.s32 s0, s3;
	s0 =	sld [smem:$0x3FA8]  }
0x30: {  	s3 =	sld [smem:$0x3FAB]  }
0x31: {  	[smem:$0x3FB4] =	sst s10  }
0x32: {  	s10 =	sld [smem:$0x3FB2];
	_ =	sdelay $0x3  }
0x33: {  	p0 =	seq.s32 s10, $0x1;
	s10 =	sld [smem:$0x3FB4];
	_ =	sdelay $0x3  }
0x34: {  	[smem:$0x3FB4] =	sst s10  }
0x35: {  	s10 =	sld [smem:$0x3FB3];
	_ =	sdelay $0x3  }
0x36: {  	p1 =	seq.s32 s10, $0x1;
	s10 =	sld [smem:$0x3FB4];
	_ =	sdelay $0x3  }
0x37: {  	[smem:$0x3FB4] =	sst s10  }
0x38: {  	s10 =	sld [smem:$0x3FB5]  }
0x39: {  	_ = 	snop;
	(pc) =	sbr.ind lr, $3  }
0x3a: {  	_ = 	snop  }
0x3b: {  	_ = 	snop  }
0x3c: {  	p2 =	seq.s32 s10, $0x1;
	s10 =	sld [smem:$0x3FB4]  }
0x3d: {  	_ =	shalt  }
0x3e: {  	_ =	shalt  }
0x3f: {  	_ =	shalt  }
0x40: {  	_ =	shalt  }
0x41: {  	_ =	shalt  }
0x42: {  	_ =	shalt  }
0x43: {  	_ =	shalt  }
0x44: {  	_ =	shalt  }
0x45: {  	_ =	shalt  }
0x46: {  	_ =	shalt  }
0x47: {  	_ =	shalt  }
0x48: {  	_ =	shalt  }
0x49: {  	_ =	shalt  }
0x4a: {  	_ =	shalt  }
0x4b: {  	_ =	shalt  }
0x4c: {  	_ =	shalt  }
0x4d: {  	_ =	shalt  }
0x4e: {  	_ =	shalt  }
0x4f: {  	_ =	shalt  }
0x50: {  	_ =	shalt  }
0x51: {  	_ =	shalt  }
0x52: {  	_ =	shalt  }
0x53: {  	_ =	shalt  }
0x54: {  	_ =	shalt  }
0x55: {  	_ =	shalt  }
0x56: {  	_ =	shalt  }
0x57: {  	_ =	shalt  }
0x58: {  	_ =	shalt  }
0x59: {  	_ =	shalt  }
0x5a: {  	_ =	shalt  }
0x5b: {  	_ =	shalt  }
0x5c: {  	_ =	shalt  }
0x5d: {  	_ =	shalt  }
0x5e: {  	_ =	shalt  }
0x5f: {  	_ =	shalt  }
0x60: {  	_ =	shalt  }
0x61: {  	_ =	shalt  }
0x62: {  	_ =	shalt  }
0x63: {  	_ =	shalt  }
0x64: {  	_ =	shalt  }
0x65: {  	_ =	shalt  }
0x66: {  	_ =	shalt  }
0x67: {  	_ =	shalt  }
0x68: {  	_ =	shalt  }
0x69: {  	_ =	shalt  }
0x6a: {  	_ =	shalt  }
0x6b: {  	_ =	shalt  }
0x6c: {  	_ =	shalt  }
0x6d: {  	_ =	shalt  }
0x6e: {  	_ =	shalt  }
0x6f: {  	_ =	shalt  }
0x70: {  	_ =	shalt  }
0x71: {  	_ =	shalt  }
0x72: {  	_ =	shalt  }
0x73: {  	_ =	shalt  }
0x74: {  	_ =	shalt  }
0x75: {  	_ =	shalt  }
0x76: {  	_ =	shalt  }
0x77: {  	_ =	shalt  }
0x78: {  	_ =	shalt  }
0x79: {  	_ =	shalt  }
0x7a: {  	_ =	shalt  }
0x7b: {  	_ =	shalt  }
0x7c: {  	_ =	shalt  }
0x7d: {  	_ =	shalt  }
0x7e: {  	_ =	shalt  }
0x7f: {  	_ =	shalt  }
0x80: {  	_ =	shalt  }
0x81: {  	_ =	shalt  }
0x82: {  	_ =	shalt  }
0x83: {  	_ =	shalt  }
0x84: {  	_ =	shalt  }
0x85: {  	_ =	shalt  }
0x86: {  	_ =	shalt  }
0x87: {  	_ =	shalt  }
.Lfunc_end0:
.L_simem_size_0:
called_computation_lowered:
.L_overlay_start_0:
0x88: {  	s2 =	sld [smem:$0x3FD9]  }
0x89: {  	s3 =	sld [smem:$0x3FFE];
	_ =	sdelay $0x1  }
0x8a: {  	s1 =	srdreg.scid  }
0x8b: {  	s0 =	sand.u32 $0x1, s1  }
0x8c: {  	s17 =	sshll.u32 s0, $0xA;
	s2 =	sadd.s32 s3, s2  }
0x8d: {  	s2 =	sadd.s32 s2, s17  }
0x8e: {  	[smem:$0x3FC0] =	sst s2  }
0x8f: {  	_ = 	snop  }
0x90: {  	s2 =	sld [smem:$0x3FC7];
	(tm) =	ssettm $0x1  }
0x91: {  	s18 =	sld [smem:$0x3FFB];
	_ =	sdelay $0x3  }
0x92: {  	_ =	strace s18  }
0x93: {  	s3 =	sld [smem:$0x3FFC];
	_ =	sdelay $0x3  }
0x94: {  	_ =	strace s3  }
0x95: {  	s3 =	sld [smem:$0x3FFD];
	_ =	sdelay $0x3  }
0x96: {  	_ =	strace s3  }
0x97: {  	_ =	strace $0x8FFFFFFF  }
0x98: {  	s19 =	sld [smem:$0x3FDB];
	_ =	sdelay $0x1  }
0x99: {  	s4 =	simm.s32 $_scs_section_size  }
0x9a: {  	s5 =	simm.s32 $_size__tile_overlayer_lowered;
	s6 =	simm.s32 $_tile_overlayer_lowered  }
0x9b: {  	s22 =	simm.s32 $0x1BFF;
	s21 =	sshll.u32 s6, $0x1;
	s3 =	sadd.s32 s4, s19  }
0x9c: {  	s7 =	simm.s32 $0x0;
	s20 =	sshll.u32 s5, $0x1;
	s5 =	sadd.s32 s21, s3  }
0x9d: {  	[timem:s7], [sflag:s22] =	dma.local [hbm:s5], s20  }
0x9e: {  	_ =	swait.ge [sflag:s22], s20  }
0x9f: {  	s4 =	ssub.s32 $0x0, s20;
	[sflag:s22] =	ssyncset.done $0x0  }
0xa0: {  	[sflag:s22] =	ssyncadd.s32 s4;
	_ =	sdelay $0x1  }
0xa1: {  	s23 =	simm.s32 $0x1B8B  }
0xa2: {  	_ =	swait.ge [sflag:s23], $0x1  }
0xa3: {  	[sflag:s23] =	ssyncset.done $0x0  }
0xa4: {  	s25 =	simm.s32 $0x1B8E;
	s24 =	sld [smem:$0x3FFE];
	[sflag:s23] =	ssyncadd.s32 $0xFFFFFFFF  }
0xa5: {  	s26 =	simm.s32 $execute0_lowered;
	[smem:$0x3FD2] =	sst s25  }
0xa6: {  	s5 =	sshll.u32 s26, $0x1;
	_ =	strace $0x80000046;
	[dreg:$0x1] =	wrdreg $0xFFFFFFFF  }
0xa7: {  	s28 =	simm.s32 $_size_execute0_lowered;
	s3 =	sadd.s32 s3, s5;
	[dreg:$0x0] =	wrdreg $0x0  }
0xa8: {  	s5 =	sshll.u32 s28, $0x1;
	[dreg:$0x2] =	wrdreg s3  }
0xa9: {  	[dreg:$0x3] =	wrdreg s5  }
0xaa: {  	[dreg:$0x4] =	wrdreg $0xC0  }
0xab: {  	_ =	task [dreg:s7], $0x5FFFF  }
0xac: {  	[dreg:$0x1] =	wrdreg $0xFFFFFFFF  }
0xad: {  	[dreg:$0x0] =	wrdreg $0x60  }
0xae: {  	[dreg:$0x2] =	wrdreg s24  }
0xaf: {  	[dreg:$0x3] =	wrdreg s2  }
0xb0: {  	[dreg:$0x4] =	wrdreg $0x84800  }
0xb1: {  	[dreg:$0x5] =	wrdreg $0x1C4800  }
0xb2: {  	[dreg:$0x6] =	wrdreg $0x9  }
0xb3: {  	_ =	task.clear_ibuf [dreg:s7], $0x7FFFF;
	_ =	strace $0x90000046  }
0xb4: {  	s29 =	simm.s32 $0x9;
	_ =	strace $0x80000048  }
0xb5: {  	_ =	swait.ge [sflag:s29], $0x1  }
0xb6: {  	[sflag:s29] =	ssyncadd.s32 $0xFFFFFFFF  }
0xb7: {  	_ =	strace $0x90000048  }
0xb8: {  	_ =	sfence  }
0xb9: {  	s30 =	sld [smem:$0x0];
	_ =	sdelay $0x2  }
0xba: {  	s31 =	sshll.u32 s1, $0xD;
	s1 =	sshrl.u32 s1, $0x2  }
0xbb: {  	s3 =	sand.u32 $0x4000, s31;
	s1 =	sadd.s32 s1, s30  }
0xbc: {  	s0 =	sor.u32 s3, s0;
	s1 =	sshll.u32 s1, $0x11  }
0xbd: {  	s0 =	sor.u32 s1, s0  }
0xbe: {  	s0 =	sadd.s32 $0x8F2B, s0  }
0xbf: {  	[sflag:s0] =	ssyncadd.remote.s32 $0x1  }
0xc0: {  	_ =	sfence.sel $0xFFFF  }
0xc1: {  	[dreg:$0x0] =	wrdreg $0xFFFFFFFF;
	(pc) =	sbr.abs _section_cstart, $3  }
0xc2: {  	[dreg:$0x1] =	wrdreg $0xFFFFFFFF  }
0xc3: {  	_ =	task.clear_ibuf [dreg:s7], $0x2FFFF;
	_ =	strace $0x9FFFFFFF  }
0xc4: {  	(tm) =	ssettm $0x7FFFFFFF  }
0xc5: {  	_ =	shalt  }
tec
execute0_lowered:
.L_overlay_start_1:
0x0: {  	(tag) =	ssettag $0x1  }
0x1: {  	s0 =	rddreg [dreg:$0x0]  }
0x2: {  	s1 =	rddreg [dreg:$0x1]  }
0x3: {  	s2 =	srdreg.scid;
	s3 =	rddreg [dreg:$0x2]  }
0x4: {  	s12 =	stileid.u32;
	s16 =	rddreg [dreg:$0x3]  }
0x5: {  	s22 =	simm.s32 $0x0;
	s31 =	simm.s32 $0x40;
	s13 =	simm.s32 $0x60  }
0x6: {  	s15 =	simm.s32 $0xA0;
	s19 =	simm.s32 $0xC0;
	[smem:$0x7FF] =	sst s22  }
0x7: {  	s20 =	simm.s32 $0x220;
	_ =	strace $0x80000047;
	[dreg:$0x7] =	wrdreg s31  }
0x8: {  	s23 =	simm.s32 $0xE0;
	s7 =	sand.u32 $0x1, s2;
	[dreg:$0x8] =	wrdreg s13  }
0x9: {  	s24 =	smul.u32 $0x50000, s12;
	s6 =	sadd.s32 $0x15800, s0;
	[dreg:$0x9] =	wrdreg s15  }
0xa: {  	s9 =	sadd.s32 $0x3D800, s0;
	s4 =	sadd.s32 $0x65800, s0;
	[dreg:$0xa] =	wrdreg s19  }
0xb: {  	s5 =	sadd.s32 $0x65E00, s0;
	s2 =	sshll.u32 s7, $0x4;
	[dreg:$0xb] =	wrdreg s20  }
0xc: {  	s10 =	ssub.s32 $0x2, s7;
	[dreg:$0xc] =	wrdreg s23;
	s13 =	simm.s32 $0x120  }
0xd: {  	s15 =	simm.s32 $0x140;
	p0 =	seq.s32 s7, $0x1;
	[dreg:$0x10] =	wrdreg s13  }
0xe: {  	s19 =	simm.s32 $0x160;
	s2 =	sor.u32 s12, s2;
	[dreg:$0x11] =	wrdreg s15  }
0xf: {  	s23 =	simm.s32 $0x180;
	[dreg:$0x13] =	wrdreg s19;
	s2 =	smul.u32 $0x500, s2  }
0x10: {  	s6 =	smov.u32 @p0 s9;
	[dreg:$0x15] =	wrdreg s23;
	s9 =	simm.s32 $0x1E0  }
0x11: {  	s15 =	simm.s32 $0x3C0;
	[dreg:$0x1a] =	wrdreg s9;
	s8 =	sadd.s32 s2, s0  }
0x12: {  	s11 =	sshrl.u32 s10, $0x1;
	[dreg:$0x1e] =	wrdreg s15;
	s26 =	sadd.s32 $0xB800, s8  }
0x13: {  	s0 =	ssub.s32 s10, s11;
	s8 =	sadd.s32 $0x1800, s8;
	[dreg:$0x5] =	wrdreg s26  }
0x14: {  	s2 =	sshrl.u32 s24, $0x2;
	s0 =	smax.u32 s0, $0x1;
	[dreg:$0x6] =	wrdreg s8  }
0x15: {  	s18 =	sadd.s32 s2, s3;
	[smem:$0x7F4] =	sst s0  }
0x16: {  	s25 =	sadd.s32 $0x1000, s18;
	[smem:$0x7FD] =	sst s18  }
0x17: {  	s29 =	sadd.s32 $0x2000, s18;
	[smem:$0x7E2] =	sst s25  }
0x18: {  	s30 =	sadd.s32 $0x3000, s18;
	[smem:$0x7E3] =	sst s29  }
0x19: {  	s21 =	sadd.s32 $0x5000, s18;
	[smem:$0x7E4] =	sst s30  }
0x1a: {  	s24 =	sadd.s32 $0x6000, s18;
	[smem:$0x7E7] =	sst s21  }
0x1b: {  	s26 =	sadd.s32 $0x7000, s18;
	[smem:$0x7E8] =	sst s24  }
0x1c: {  	s20 =	sadd.s32 $0x9000, s18;
	[smem:$0x7E9] =	sst s26  }
0x1d: {  	s2 =	smul.u32 $0x280, s12;
	s8 =	simm.s32 $0x320;
	[smem:$0x7EC] =	sst s20  }
0x1e: {  	s23 =	sadd.s32 $0xB000, s18;
	[dreg:$0x19] =	wrdreg s8  }
0x1f: {  	s11 =	sadd.s32 s2, s16;
	[smem:$0x7F6] =	sst s23  }
0x20: {  	s25 =	simm.s32 $0x240;
	[smem:$0x7E5] =	sst s11  }
0x21: {  	s29 =	simm.s32 $0x100;
	[dreg:$0xd] =	wrdreg s25  }
0x22: {  	s30 =	simm.s32 $0x260;
	[dreg:$0xe] =	wrdreg s29  }
0x23: {  	s14 =	sadd.s32 $0x80, s2;
	s21 =	simm.s32 $0x2C0;
	[dreg:$0xf] =	wrdreg s30  }
0x24: {  	s24 =	smul.u32 $0x2800, s12;
	s12 =	simm.s32 $0x360;
	[dreg:$0x14] =	wrdreg s21  }
0x25: {  	s31 =	sadd.s32 $0x100, s2;
	s10 =	sadd.s32 s14, s16;
	[dreg:$0x1c] =	wrdreg s12  }
0x26: {  	s28 =	simm.s32 $0x10;
	s26 =	sadd.s32 s31, s16;
	[smem:$0x7EA] =	sst s10  }
0x27: {  	s7 =	simm.s32 $0xC;
	s25 =	simm.s32 $0x2E0;
	[smem:$0x7ED] =	sst s26  }
0x28: {  	s4 =	smov.u32 @p0 s5;
	s29 =	simm.s32 $0x1A0;
	[dreg:$0x16] =	wrdreg s25  }
0x29: {  	s15 =	simm.s32 $0x20;
	s30 =	simm.s32 $0x1C0;
	[dreg:$0x17] =	wrdreg s29  }
0x2a: {  	s17 =	sshll.u32 s14, $0x7;
	s21 =	sadd.s32 $0xA000, s18;
	[dreg:$0x18] =	wrdreg s30  }
0x2b: {  	s9 =	simm.s32 $0x2;
	s11 =	sadd.s32 s17, s3;
	[smem:$0x7F5] =	sst s21  }
0x2c: {  	s14 =	sshll.u32 s31, $0x7;
	s17 =	simm.s32 $0x2A0;
	[smem:$0x7E6] =	sst s11  }
0x2d: {  	s31 =	sadd.s32 $0x180, s2;
	s6 =	sadd.s32 s6, s24;
	[dreg:$0x12] =	wrdreg s17  }
0x2e: {  	s23 =	simm.s32 $0x12;
	s19 =	sadd.s32 s31, s16;
	[smem:$0x7EE] =	sst s6  }
0x2f: {  	s10 =	sshrl.u32 s2, $0x3;
	s24 =	sadd.s32 $0xD000, s18;
	[smem:$0x7F1] =	sst s19  }
0x30: {  	s13 =	sshll.u32 s31, $0x7;
	s25 =	sadd.s32 $0xE000, s18;
	[smem:$0x7F7] =	sst s24  }
0x31: {  	s2 =	sadd.s32 $0x200, s2;
	s26 =	sadd.s32 $0xF000, s18;
	[smem:$0x7F8] =	sst s25  }
0x32: {  	s29 =	sadd.s32 $0x11000, s18;
	s30 =	sadd.s32 $0x12000, s18;
	[smem:$0x7F9] =	sst s26  }
0x33: {  	s31 =	sadd.s32 $0x13000, s18;
	s21 =	simm.s32 $0x2400;
	[smem:$0x7FA] =	sst s29  }
0x34: {  	s11 =	sadd.s32 s14, s3;
	s4 =	sadd.s32 s4, s10;
	[smem:$0x7FB] =	sst s30  }
0x35: {  	s14 =	simm.s32 $0x3A0;
	s5 =	sadd.s32 s13, s3;
	[smem:$0x7FC] =	sst s31  }
0x36: {  	s17 =	simm.s32 $0x3E0;
	s20 =	sshll.u32 s2, $0x7;
	[smem:$0x7EB] =	sst s11  }
0x37: {  	s2 =	sadd.s32 s2, s16;
	s19 =	simm.s32 $0x1;
	[smem:$0x7EF] =	sst s4  }
0x38: {  	s24 =	simm.s32 $0x3;
	s25 =	simm.s32 $0x9;
	[smem:$0x7F0] =	sst s5  }
0x39: {  	s26 =	simm.s32 $0xA;
	s6 =	simm.s32 $0xD;
	[dreg:$0x1d] =	wrdreg s14  }
0x3a: {  	s11 =	simm.s32 $0x340;
	[dreg:$0x1f] =	wrdreg s17;
	s4 =	sadd.s32 s20, s3  }
0x3b: {  	[smem:$0x7F3] =	sst s2;
	s20 =	simm.s32 $0x1400;
	s2 =	simm.s32 $0xB  }
0x3c: {  	s5 =	simm.s32 $0xE;
	s14 =	simm.s32 $0xF;
	[dreg:$0x1b] =	wrdreg s11  }
0x3d: {  	v0 =	vimm.f32 $0.0e+00;
	v1 =	vimm.f32 $1.000000000e+00;
	[smem:$0x7F2] =	sst s4;
	s4 =	simm.s32 $0x11;
	s11 =	simm.s32 $0x0  }
.LBB2_1:
0x3e: {  	[smem:$0x7E1] =	sst s11;
	s8 =	simm.s32 $0x0;
	s11 =	simm.s32 $0x200  }
.LBB2_2:
0x3f: {  	p0 =	sne.s32 s11, $0x3E00;
	[tilespmem:s8+$0x3470] =	vst v0  }
0x40: {  	[tilespmem:s8+$0x400] =	vst v0  }
0x41: {  	[tilespmem:s8+$0x1400] =	vst v0  }
0x42: {  	[tilespmem:s8+$0x2400] =	vst v0  }
0x43: {  	[tilespmem:s8+$0x3400] =	vst v0  }
0x44: {  	[tilespmem:s8+$0x410] =	vst v0  }
0x45: {  	[tilespmem:s8+$0x1410] =	vst v0  }
0x46: {  	[tilespmem:s8+$0x2410] =	vst v0  }
0x47: {  	[tilespmem:s8+$0x3410] =	vst v0  }
0x48: {  	[tilespmem:s8+$0x420] =	vst v0  }
0x49: {  	[tilespmem:s8+$0x1420] =	vst v0  }
0x4a: {  	[tilespmem:s8+$0x2420] =	vst v0  }
0x4b: {  	[tilespmem:s8+$0x3420] =	vst v0  }
0x4c: {  	[tilespmem:s8+$0x430] =	vst v0  }
0x4d: {  	[tilespmem:s8+$0x1430] =	vst v0  }
0x4e: {  	[tilespmem:s8+$0x2430] =	vst v0  }
0x4f: {  	[tilespmem:s8+$0x3430] =	vst v0  }
0x50: {  	[tilespmem:s8+$0x440] =	vst v0  }
0x51: {  	[tilespmem:s8+$0x1440] =	vst v0  }
0x52: {  	[tilespmem:s8+$0x2440] =	vst v0  }
0x53: {  	[tilespmem:s8+$0x3440] =	vst v0  }
0x54: {  	[tilespmem:s8+$0x450] =	vst v0  }
0x55: {  	[tilespmem:s8+$0x1450] =	vst v0  }
0x56: {  	[tilespmem:s8+$0x2450] =	vst v0  }
0x57: {  	[tilespmem:s8+$0x3450] =	vst v0  }
0x58: {  	[tilespmem:s8+$0x460] =	vst v0  }
0x59: {  	[tilespmem:s8+$0x1460] =	vst v0  }
.Ltmp0:
0x5a: {  	[tilespmem:s8+$0x2460] =	vst v0;
	(pc) =	sbr.rel @p0 .LBB2_2-.Ltmp0, $4  }
0x5b: {  	[tilespmem:s8+$0x3460] =	vst v0  }
0x5c: {  	[tilespmem:s8+$0x470] =	vst v0  }
0x5d: {  	[tilespmem:s8+$0x1470] =	vst v0  }
0x5e: {  	[tilespmem:s8+$0x2470] =	vst v0;
	s8 =	sshra.s32 s11, $0x2;
	s11 =	sadd.s32 $0x200, s11  }
0x5f: {  	[tilespmem:s8+$0x3470] =	vst v0  }
0x60: {  	[tilespmem:s8+$0x400] =	vst v0  }
0x61: {  	[tilespmem:s8+$0x1400] =	vst v0  }
0x62: {  	[tilespmem:s8+$0x2400] =	vst v0  }
0x63: {  	[tilespmem:s8+$0x3400] =	vst v0  }
0x64: {  	[tilespmem:s8+$0x410] =	vst v0  }
0x65: {  	[tilespmem:s8+$0x1410] =	vst v0  }
0x66: {  	[tilespmem:s8+$0x2410] =	vst v0  }
0x67: {  	[tilespmem:s8+$0x3410] =	vst v0  }
0x68: {  	[tilespmem:s8+$0x420] =	vst v0  }
0x69: {  	[tilespmem:s8+$0x1420] =	vst v0  }
0x6a: {  	[tilespmem:s8+$0x2420] =	vst v0  }
0x6b: {  	[tilespmem:s8+$0x3420] =	vst v0  }
0x6c: {  	[tilespmem:s8+$0x430] =	vst v0  }
0x6d: {  	[tilespmem:s8+$0x1430] =	vst v0  }
0x6e: {  	[tilespmem:s8+$0x2430] =	vst v0  }
0x6f: {  	[tilespmem:s8+$0x3430] =	vst v0  }
0x70: {  	[tilespmem:s8+$0x440] =	vst v0  }
0x71: {  	[tilespmem:s8+$0x1440] =	vst v0  }
0x72: {  	[tilespmem:s8+$0x2440] =	vst v0  }
0x73: {  	[tilespmem:s8+$0x3440] =	vst v0  }
0x74: {  	[tilespmem:s8+$0x450] =	vst v0  }
0x75: {  	[tilespmem:s8+$0x1450] =	vst v0  }
0x76: {  	[tilespmem:s8+$0x2450] =	vst v0  }
0x77: {  	[tilespmem:s8+$0x3450] =	vst v0  }
0x78: {  	[tilespmem:s8+$0x460] =	vst v0  }
0x79: {  	[tilespmem:s8+$0x1460] =	vst v0  }
0x7a: {  	[tilespmem:s8+$0x2460] =	vst v0  }
0x7b: {  	[tilespmem:s8+$0x3460] =	vst v0  }
0x7c: {  	[tilespmem:s8+$0x470] =	vst v0  }
0x7d: {  	[tilespmem:s8+$0x1470] =	vst v0  }
0x7e: {  	[tilespmem:s8+$0x2470] =	vst v0  }
0x7f: {  	[tilespmem:$0x8400] =	vst v1  }
0x80: {  	[tilespmem:$0x8410] =	vst v1  }
0x81: {  	[tilespmem:$0x8420] =	vst v1  }
0x82: {  	[tilespmem:$0x8430] =	vst v1  }
0x83: {  	[tilespmem:$0x8440] =	vst v1  }
0x84: {  	[tilespmem:$0x8450] =	vst v1  }
0x85: {  	[tilespmem:$0x8460] =	vst v1  }
0x86: {  	s11 =	simm.s32 $0x400;
	[tilespmem:$0x8470] =	vst v1  }
0x87: {  	[spmem:s18] =	stream.linear.scatter [tilespmem:s11], [sflag:$0x12], $0x1000, $0x38;
	[tilespmem:$0x1C700] =	vst v63  }
0x88: {  	_ =	swait.ge [sflag:s23], $0x1000  }
0x89: {  	s0 =	sld [smem:$0x7E2]  }
0x8a: {  	[sflag:s23] =	ssyncset.done $0x0  }
0x8b: {  	[sflag:s23] =	ssyncadd.s32 $0xFFFFF000  }
0x8c: {  	[spmem:s0] =	stream.linear.scatter [tilespmem:s20], [sflag:$0x12], $0x1000, $0x38;
	[tilespmem:$0x1C700] =	vst v63  }
0x8d: {  	_ =	swait.ge [sflag:s23], $0x1000  }
0x8e: {  	s10 =	sld [smem:$0x7E3]  }
0x8f: {  	[sflag:s23] =	ssyncset.done $0x0  }
0x90: {  	[sflag:s23] =	ssyncadd.s32 $0xFFFFF000  }
0x91: {  	[spmem:s10] =	stream.linear.scatter [tilespmem:s21], [sflag:$0x12], $0x1000, $0x38;
	[tilespmem:$0x1C700] =	vst v63  }
0x92: {  	_ =	swait.ge [sflag:s23], $0x1000  }
0x93: {  	s12 =	sld [smem:$0x7E4]  }
0x94: {  	[sflag:s23] =	ssyncset.done $0x0  }
0x95: {  	s18 =	simm.s32 $0x3400;
	[sflag:s23] =	ssyncadd.s32 $0xFFFFF000  }
0x96: {  	[spmem:s12] =	stream.linear.scatter [tilespmem:s18], [sflag:$0x12], $0x1000, $0x38;
	[tilespmem:$0x1C700] =	vst v63  }
0x97: {  	_ =	swait.ge [sflag:s23], $0x1000  }
0x98: {  	s13 =	sld [smem:$0x7E5]  }
0x99: {  	[sflag:s23] =	ssyncset.done $0x0  }
0x9a: {  	[sflag:s23] =	ssyncadd.s32 $0xFFFFF000  }
0x9b: {  	[spmem:s13] =	stream.linear.scatter [tilespmem:s11], [sflag:$0x12], $0x80, $0x38;
	[tilespmem:$0x1C700] =	vst v63  }
0x9c: {  	_ =	swait.ge [sflag:s23], $0x80  }
0x9d: {  	s17 =	sld [smem:$0x7E6]  }
0x9e: {  	[sflag:s23] =	ssyncset.done $0x0  }
0x9f: {  	[sflag:s23] =	ssyncadd.s32 $0xFFFFFF80  }
0xa0: {  	[spmem:s17] =	stream.linear.scatter [tilespmem:s11], [sflag:$0x12], $0x1000, $0x38;
	[tilespmem:$0x1C700] =	vst v63  }
0xa1: {  	_ =	swait.ge [sflag:s23], $0x1000  }
0xa2: {  	s29 =	sld [smem:$0x7E7]  }
0xa3: {  	[sflag:s23] =	ssyncset.done $0x0  }
0xa4: {  	[sflag:s23] =	ssyncadd.s32 $0xFFFFF000  }
0xa5: {  	[spmem:s29] =	stream.linear.scatter [tilespmem:s20], [sflag:$0x12], $0x1000, $0x38;
	[tilespmem:$0x1C700] =	vst v63  }
0xa6: {  	_ =	swait.ge [sflag:s23], $0x1000  }
0xa7: {  	s30 =	sld [smem:$0x7E8]  }
0xa8: {  	[sflag:s23] =	ssyncset.done $0x0  }
0xa9: {  	[sflag:s23] =	ssyncadd.s32 $0xFFFFF000  }
0xaa: {  	[spmem:s30] =	stream.linear.scatter [tilespmem:s21], [sflag:$0x12], $0x1000, $0x38;
	[tilespmem:$0x1C700] =	vst v63  }
0xab: {  	_ =	swait.ge [sflag:s23], $0x1000  }
0xac: {  	s31 =	sld [smem:$0x7E9]  }
0xad: {  	[sflag:s23] =	ssyncset.done $0x0  }
0xae: {  	[sflag:s23] =	ssyncadd.s32 $0xFFFFF000  }
0xaf: {  	[spmem:s31] =	stream.linear.scatter [tilespmem:s18], [sflag:$0x12], $0x1000, $0x38;
	[tilespmem:$0x1C700] =	vst v63  }
0xb0: {  	_ =	swait.ge [sflag:s23], $0x1000  }
0xb1: {  	s0 =	sld [smem:$0x7EA]  }
0xb2: {  	[sflag:s23] =	ssyncset.done $0x0  }
0xb3: {  	[sflag:s23] =	ssyncadd.s32 $0xFFFFF000  }
0xb4: {  	[spmem:s0] =	stream.linear.scatter [tilespmem:s11], [sflag:$0x12], $0x80, $0x38;
	[tilespmem:$0x1C700] =	vst v63  }
0xb5: {  	_ =	swait.ge [sflag:s23], $0x80  }
0xb6: {  	s10 =	sld [smem:$0x7EB]  }
0xb7: {  	[sflag:s23] =	ssyncset.done $0x0  }
0xb8: {  	[sflag:s23] =	ssyncadd.s32 $0xFFFFFF80  }
0xb9: {  	[spmem:s10] =	stream.linear.scatter [tilespmem:s11], [sflag:$0x12], $0x1000, $0x38;
	[tilespmem:$0x1C700] =	vst v63  }
0xba: {  	_ =	swait.ge [sflag:s23], $0x1000  }
0xbb: {  	s12 =	sld [smem:$0x7EC]  }
0xbc: {  	[sflag:s23] =	ssyncset.done $0x0  }
0xbd: {  	[sflag:s23] =	ssyncadd.s32 $0xFFFFF000  }
0xbe: {  	[spmem:s12] =	stream.linear.scatter [tilespmem:s20], [sflag:$0x12], $0x1000, $0x38;
	[tilespmem:$0x1C700] =	vst v63  }
0xbf: {  	_ =	swait.ge [sflag:s23], $0x1000  }
0xc0: {  	s13 =	sld [smem:$0x7F5]  }
0xc1: {  	[sflag:s23] =	ssyncset.done $0x0  }
0xc2: {  	[sflag:s23] =	ssyncadd.s32 $0xFFFFF000  }
0xc3: {  	[spmem:s13] =	stream.linear.scatter [tilespmem:s21], [sflag:$0x12], $0x1000, $0x38;
	[tilespmem:$0x1C700] =	vst v63  }
0xc4: {  	_ =	swait.ge [sflag:s23], $0x1000  }
0xc5: {  	s17 =	sld [smem:$0x7F6]  }
0xc6: {  	[sflag:s23] =	ssyncset.done $0x0  }
0xc7: {  	[sflag:s23] =	ssyncadd.s32 $0xFFFFF000  }
0xc8: {  	[spmem:s17] =	stream.linear.scatter [tilespmem:s18], [sflag:$0x12], $0x1000, $0x38;
	[tilespmem:$0x1C700] =	vst v63  }
0xc9: {  	_ =	swait.ge [sflag:s23], $0x1000  }
0xca: {  	s29 =	sld [smem:$0x7ED]  }
0xcb: {  	[sflag:s23] =	ssyncset.done $0x0  }
0xcc: {  	[sflag:s23] =	ssyncadd.s32 $0xFFFFF000  }
0xcd: {  	[spmem:s29] =	stream.linear.scatter [tilespmem:s11], [sflag:$0x12], $0x80, $0x38;
	[tilespmem:$0x1C700] =	vst v63  }
0xce: {  	_ =	swait.ge [sflag:s23], $0x80  }
0xcf: {  	s30 =	sld [smem:$0x7F0]  }
0xd0: {  	[sflag:s23] =	ssyncset.done $0x0  }
0xd1: {  	[sflag:s23] =	ssyncadd.s32 $0xFFFFFF80  }
0xd2: {  	[spmem:s30] =	stream.linear.scatter [tilespmem:s11], [sflag:$0x12], $0x1000, $0x38;
	[tilespmem:$0x1C700] =	vst v63  }
0xd3: {  	_ =	swait.ge [sflag:s23], $0x1000  }
0xd4: {  	s31 =	sld [smem:$0x7F7]  }
0xd5: {  	[sflag:s23] =	ssyncset.done $0x0  }
0xd6: {  	[sflag:s23] =	ssyncadd.s32 $0xFFFFF000  }
0xd7: {  	[spmem:s31] =	stream.linear.scatter [tilespmem:s20], [sflag:$0x12], $0x1000, $0x38;
	[tilespmem:$0x1C700] =	vst v63  }
0xd8: {  	_ =	swait.ge [sflag:s23], $0x1000  }
0xd9: {  	s0 =	sld [smem:$0x7F8]  }
0xda: {  	[sflag:s23] =	ssyncset.done $0x0  }
0xdb: {  	[sflag:s23] =	ssyncadd.s32 $0xFFFFF000  }
0xdc: {  	[spmem:s0] =	stream.linear.scatter [tilespmem:s21], [sflag:$0x12], $0x1000, $0x38;
	[tilespmem:$0x1C700] =	vst v63  }
0xdd: {  	_ =	swait.ge [sflag:s23], $0x1000  }
0xde: {  	s10 =	sld [smem:$0x7F9]  }
0xdf: {  	[sflag:s23] =	ssyncset.done $0x0  }
0xe0: {  	[sflag:s23] =	ssyncadd.s32 $0xFFFFF000  }
0xe1: {  	[spmem:s10] =	stream.linear.scatter [tilespmem:s18], [sflag:$0x12], $0x1000, $0x38;
	[tilespmem:$0x1C700] =	vst v63  }
0xe2: {  	_ =	swait.ge [sflag:s23], $0x1000  }
0xe3: {  	s12 =	sld [smem:$0x7F1]  }
0xe4: {  	[sflag:s23] =	ssyncset.done $0x0  }
0xe5: {  	[sflag:s23] =	ssyncadd.s32 $0xFFFFF000  }
0xe6: {  	[spmem:s12] =	stream.linear.scatter [tilespmem:s11], [sflag:$0x12], $0x80, $0x38;
	[tilespmem:$0x1C700] =	vst v63  }
0xe7: {  	_ =	swait.ge [sflag:s23], $0x80  }
0xe8: {  	s13 =	sld [smem:$0x7F2]  }
0xe9: {  	[sflag:s23] =	ssyncset.done $0x0  }
0xea: {  	[sflag:s23] =	ssyncadd.s32 $0xFFFFFF80  }
0xeb: {  	[spmem:s13] =	stream.linear.scatter [tilespmem:s11], [sflag:$0x12], $0x1000, $0x38;
	[tilespmem:$0x1C700] =	vst v63  }
0xec: {  	_ =	swait.ge [sflag:s23], $0x1000  }
0xed: {  	s17 =	sld [smem:$0x7FA]  }
0xee: {  	[sflag:s23] =	ssyncset.done $0x0  }
0xef: {  	[sflag:s23] =	ssyncadd.s32 $0xFFFFF000  }
0xf0: {  	[spmem:s17] =	stream.linear.scatter [tilespmem:s20], [sflag:$0x12], $0x1000, $0x38;
	[tilespmem:$0x1C700] =	vst v63  }
0xf1: {  	_ =	swait.ge [sflag:s23], $0x1000  }
0xf2: {  	s29 =	sld [smem:$0x7FB]  }
0xf3: {  	[sflag:s23] =	ssyncset.done $0x0  }
0xf4: {  	[sflag:s23] =	ssyncadd.s32 $0xFFFFF000  }
0xf5: {  	[spmem:s29] =	stream.linear.scatter [tilespmem:s21], [sflag:$0x12], $0x1000, $0x38;
	[tilespmem:$0x1C700] =	vst v63  }
0xf6: {  	_ =	swait.ge [sflag:s23], $0x1000  }
0xf7: {  	s30 =	sld [smem:$0x7FC]  }
0xf8: {  	[sflag:s23] =	ssyncset.done $0x0  }
0xf9: {  	[sflag:s23] =	ssyncadd.s32 $0xFFFFF000  }
0xfa: {  	[spmem:s30] =	stream.linear.scatter [tilespmem:s18], [sflag:$0x12], $0x1000, $0x38;
	[tilespmem:$0x1C700] =	vst v63  }
0xfb: {  	_ =	swait.ge [sflag:s23], $0x1000  }
0xfc: {  	s31 =	sld [smem:$0x7F3]  }
0xfd: {  	[sflag:s23] =	ssyncset.done $0x0  }
0xfe: {  	[sflag:s23] =	ssyncadd.s32 $0xFFFFF000  }
0xff: {  	[spmem:s31] =	stream.linear.scatter [tilespmem:s11], [sflag:$0x12], $0x80, $0x38;
	[tilespmem:$0x1C700] =	vst v63  }
0x100: {  	_ =	swait.ge [sflag:s23], $0x80  }
0x101: {  	[sflag:s23] =	ssyncset.done $0x0  }
0x102: {  	[sflag:s23] =	ssyncadd.s32 $0xFFFFFF80  }
0x103: {  	[bflag:$0x0] =	sbarrier.arrive $0xFFFF  }
0x104: {  	s0 =	rddreg [dreg:$0x5]  }
0x105: {  	s8 =	sadd.s32 $0x0, s0  }
0x106: {  	[tilespmem:s22], [sflag:$0x12] =	stream.linear.gather [hbm4b:s8+s22], $0x200, $0x38;
	[tilespmem:$0x1C700] =	vst v63  }
0x107: {  	_ =	swait.ge [sflag:s23], $0x200  }
0x108: {  	s10 =	rddreg [dreg:$0x6];
	[sflag:s23] =	ssyncset.done $0x0  }
0x109: {  	s0 =	simm.s32 $0x200;
	[sflag:s23] =	ssyncadd.s32 $0xFFFFFE00;
	s8 =	sadd.s32 $0x0, s10  }
0x10a: {  	[tilespmem:s0], [sflag:$0x12] =	stream.linear.gather [hbm4b:s8+s22], $0x200, $0x38;
	[tilespmem:$0x1C700] =	vst v63  }
0x10b: {  	_ =	swait.ge [sflag:s23], $0x200  }
0x10c: {  	[sflag:s23] =	ssyncset.done $0x0  }
0x10d: {  	[sflag:s23] =	ssyncadd.s32 $0xFFFFFE00  }
0x10e: {  	[tilespmem:s11], [sflag:$0x1] =	stream.indirect.gather [hbm4b:s1+s15], $0x80, s22, s15, $0xb8;
	[tilespmem:$0x1C700] =	vst v63  }
0x10f: {  	_ = 	snop  }
0x110: {  	[tilespmem:s20], [sflag:$0x2] =	stream.indirect.gather [hbm4b:s1+s15], $0x80, s15, s15, $0xb8;
	[tilespmem:$0x1C700] =	vst v63  }
0x111: {  	s12 =	rddreg [dreg:$0x7]  }
0x112: {  	[tilespmem:s21], [sflag:$0x3] =	stream.indirect.gather [hbm4b:s1+s15], $0x80, s12, s15, $0xb8;
	[tilespmem:$0x1C700] =	vst v63  }
0x113: {  	s13 =	rddreg [dreg:$0x8]  }
0x114: {  	[tilespmem:s18], [sflag:$0x4] =	stream.indirect.gather [hbm4b:s1+s15], $0x80, s13, s15, $0xb8;
	[tilespmem:$0x1C700] =	vst v63  }
0x115: {  	s29 =	simm.s32 $0x80;
	s10 =	simm.s32 $0x4400  }
0x116: {  	[tilespmem:s10], [sflag:$0x5] =	stream.indirect.gather [hbm4b:s1+s15], $0x80, s29, s15, $0xb8;
	[tilespmem:$0x1C700] =	vst v63  }
0x117: {  	s17 =	rddreg [dreg:$0x9];
	s22 =	simm.s32 $0x5400  }
0x118: {  	[tilespmem:s22], [sflag:$0x6] =	stream.indirect.gather [hbm4b:s1+s15], $0x80, s17, s15, $0xb8;
	[tilespmem:$0x1C700] =	vst v63  }
0x119: {  	_ =	swait.ge [sflag:s19], $0x1000  }
0x11a: {  	[sflag:s19] =	ssyncset.done $0x0  }
0x11b: {  	s10 =	simm.s32 $0x400;
	[sflag:s19] =	ssyncadd.s32 $0xFFFFF000  }
0x11c: {  	[spmem:s3] =	stream.indirect.scatter.add.f32 [tilespmem:s10], [sflag:$0x9], $0x80, s0, s15, $0xb8;
	[tilespmem:$0x1C700] =	vst v63  }
0x11d: {  	s22 =	simm.s32 $0x8400  }
0x11e: {  	[spmem:s16] =	stream.indirect.scatter.add.f32 [tilespmem:s22], [sflag:$0x11], $0x1, s0, s29, $0xb8;
	[tilespmem:$0x1C700] =	vst v63  }
0x11f: {  	s31 =	simm.s32 $0x6400;
	s30 =	rddreg [dreg:$0xa]  }
0x120: {  	[tilespmem:s31], [sflag:$0x7] =	stream.indirect.gather [hbm4b:s1+s15], $0x80, s30, s15, $0xb8;
	[tilespmem:$0x1C700] =	vst v63  }
0x121: {  	_ =	swait.ge [sflag:s9], $0x1000  }
0x122: {  	[sflag:s9] =	ssyncset.done $0x0  }
0x123: {  	s11 =	rddreg [dreg:$0xb];
	[sflag:s9] =	ssyncadd.s32 $0xFFFFF000  }
0x124: {  	[spmem:s3] =	stream.indirect.scatter.add.f32 [tilespmem:s20], [sflag:$0xA], $0x80, s11, s15, $0xb8;
	[tilespmem:$0x1C700] =	vst v63  }
0x125: {  	s30 =	simm.s32 $0x7400;
	s13 =	rddreg [dreg:$0xc]  }
0x126: {  	[tilespmem:s30], [sflag:$0x8] =	stream.indirect.gather [hbm4b:s1+s15], $0x80, s13, s15, $0xb8;
	[tilespmem:$0x1C700] =	vst v63  }
0x127: {  	_ =	swait.ge [sflag:s24], $0x1000  }
0x128: {  	[sflag:s24] =	ssyncset.done $0x0  }
0x129: {  	s31 =	rddreg [dreg:$0xd];
	[sflag:s24] =	ssyncadd.s32 $0xFFFFF000  }
0x12a: {  	[spmem:s3] =	stream.indirect.scatter.add.f32 [tilespmem:s21], [sflag:$0xB], $0x80, s31, s15, $0xb8;
	[tilespmem:$0x1C700] =	vst v63  }
0x12b: {  	_ =	swait.ge [sflag:s25], $0x1000  }
0x12c: {  	[sflag:s25] =	ssyncset.done $0x0  }
0x12d: {  	s0 =	rddreg [dreg:$0xe];
	[sflag:s25] =	ssyncadd.s32 $0xFFFFF000  }
0x12e: {  	[tilespmem:s10], [sflag:$0x1] =	stream.indirect.gather [hbm4b:s1+s15], $0x80, s0, s15, $0xb8;
	[tilespmem:$0x1C700] =	vst v63  }
0x12f: {  	s10 =	simm.s32 $0x4  }
0x130: {  	_ =	swait.ge [sflag:s10], $0x1000  }
0x131: {  	[sflag:s10] =	ssyncset.done $0x0  }
0x132: {  	s11 =	rddreg [dreg:$0xf];
	[sflag:s10] =	ssyncadd.s32 $0xFFFFF000  }
0x133: {  	[spmem:s3] =	stream.indirect.scatter.add.f32 [tilespmem:s18], [sflag:$0xC], $0x80, s11, s15, $0xb8;
	[tilespmem:$0x1C700] =	vst v63  }
0x134: {  	_ =	swait.ge [sflag:s26], $0x1000  }
0x135: {  	[sflag:s26] =	ssyncset.done $0x0  }
0x136: {  	s11 =	simm.s32 $0x5;
	s13 =	rddreg [dreg:$0x10];
	[sflag:s26] =	ssyncadd.s32 $0xFFFFF000  }
0x137: {  	[tilespmem:s20], [sflag:$0x2] =	stream.indirect.gather [hbm4b:s1+s15], $0x80, s13, s15, $0xb8;
	[tilespmem:$0x1C700] =	vst v63  }
0x138: {  	_ =	swait.ge [sflag:s11], $0x1000  }
0x139: {  	[sflag:s11] =	ssyncset.done $0x0  }
0x13a: {  	s12 =	simm.s32 $0x4400;
	s30 =	simm.s32 $0x280;
	[sflag:s11] =	ssyncadd.s32 $0xFFFFF000  }
0x13b: {  	[spmem:s3] =	stream.indirect.scatter.add.f32 [tilespmem:s12], [sflag:$0xD], $0x80, s30, s15, $0xb8;
	[tilespmem:$0x1C700] =	vst v63  }
0x13c: {  	_ = 	snop  }
0x13d: {  	[spmem:s16] =	stream.indirect.scatter.add.f32 [tilespmem:s22], [sflag:$0x11], $0x1, s30, s29, $0xb8;
	[tilespmem:$0x1C700] =	vst v63  }
0x13e: {  	_ =	swait.ge [sflag:s2], $0x1000  }
0x13f: {  	[sflag:s2] =	ssyncset.done $0x0  }
0x140: {  	s30 =	simm.s32 $0x6;
	s0 =	rddreg [dreg:$0x11];
	[sflag:s2] =	ssyncadd.s32 $0xFFFFF000  }
0x141: {  	[tilespmem:s21], [sflag:$0x3] =	stream.indirect.gather [hbm4b:s1+s15], $0x80, s0, s15, $0xb8;
	[tilespmem:$0x1C700] =	vst v63  }
0x142: {  	_ =	swait.ge [sflag:s30], $0x1000  }
0x143: {  	[sflag:s30] =	ssyncset.done $0x0  }
0x144: {  	s17 =	simm.s32 $0x5400;
	s12 =	rddreg [dreg:$0x12];
	[sflag:s30] =	ssyncadd.s32 $0xFFFFF000  }
0x145: {  	[spmem:s3] =	stream.indirect.scatter.add.f32 [tilespmem:s17], [sflag:$0xE], $0x80, s12, s15, $0xb8;
	[tilespmem:$0x1C700] =	vst v63  }
0x146: {  	_ =	swait.ge [sflag:s7], $0x1000  }
0x147: {  	[sflag:s7] =	ssyncset.done $0x0  }
0x148: {  	s0 =	simm.s32 $0x7;
	s13 =	rddreg [dreg:$0x13];
	[sflag:s7] =	ssyncadd.s32 $0xFFFFF000  }
0x149: {  	[tilespmem:s18], [sflag:$0x4] =	stream.indirect.gather [hbm4b:s1+s15], $0x80, s13, s15, $0xb8;
	[tilespmem:$0x1C700] =	vst v63  }
0x14a: {  	_ =	swait.ge [sflag:s0], $0x1000  }
0x14b: {  	[sflag:s0] =	ssyncset.done $0x0  }
0x14c: {  	s13 =	simm.s32 $0x6400;
	s17 =	rddreg [dreg:$0x14];
	[sflag:s0] =	ssyncadd.s32 $0xFFFFF000  }
0x14d: {  	[spmem:s3] =	stream.indirect.scatter.add.f32 [tilespmem:s13], [sflag:$0xF], $0x80, s17, s15, $0xb8;
	[tilespmem:$0x1C700] =	vst v63  }
0x14e: {  	_ =	swait.ge [sflag:s6], $0x1000  }
0x14f: {  	[sflag:s6] =	ssyncset.done $0x0  }
0x150: {  	s31 =	simm.s32 $0x4400;
	s17 =	rddreg [dreg:$0x15];
	[sflag:s6] =	ssyncadd.s32 $0xFFFFF000  }
0x151: {  	[tilespmem:s31], [sflag:$0x5] =	stream.indirect.gather [hbm4b:s1+s15], $0x80, s17, s15, $0xb8;
	[tilespmem:$0x1C700] =	vst v63  }
0x152: {  	s17 =	smov.u32 s16;
	s16 =	simm.s32 $0x8  }
0x153: {  	_ =	swait.ge [sflag:s16], $0x1000  }
0x154: {  	[sflag:s16] =	ssyncset.done $0x0  }
0x155: {  	s31 =	simm.s32 $0x7400;
	s8 =	rddreg [dreg:$0x16];
	[sflag:s16] =	ssyncadd.s32 $0xFFFFF000  }
0x156: {  	[spmem:s3] =	stream.indirect.scatter.add.f32 [tilespmem:s31], [sflag:$0x10], $0x80, s8, s15, $0xb8;
	[tilespmem:$0x1C700] =	vst v63  }
0x157: {  	_ =	swait.ge [sflag:s5], $0x1000  }
0x158: {  	[sflag:s5] =	ssyncset.done $0x0  }
0x159: {  	s12 =	simm.s32 $0x5400;
	s31 =	rddreg [dreg:$0x17];
	[sflag:s5] =	ssyncadd.s32 $0xFFFFF000  }
0x15a: {  	[tilespmem:s12], [sflag:$0x6] =	stream.indirect.gather [hbm4b:s1+s15], $0x80, s31, s15, $0xb8;
	[tilespmem:$0x1C700] =	vst v63  }
0x15b: {  	_ =	swait.ge [sflag:s19], $0x1000  }
0x15c: {  	[sflag:s19] =	ssyncset.done $0x0  }
0x15d: {  	s8 =	simm.s32 $0x300;
	s31 =	simm.s32 $0x400;
	[sflag:s19] =	ssyncadd.s32 $0xFFFFF000  }
0x15e: {  	[spmem:s3] =	stream.indirect.scatter.add.f32 [tilespmem:s31], [sflag:$0x9], $0x80, s8, s15, $0xb8;
	[tilespmem:$0x1C700] =	vst v63  }
0x15f: {  	_ = 	snop  }
0x160: {  	[spmem:s17] =	stream.indirect.scatter.add.f32 [tilespmem:s22], [sflag:$0x11], $0x1, s8, s29, $0xb8;
	[tilespmem:$0x1C700] =	vst v63  }
0x161: {  	_ =	swait.ge [sflag:s14], $0x1000  }
0x162: {  	[sflag:s14] =	ssyncset.done $0x0  }
0x163: {  	s31 =	rddreg [dreg:$0x18];
	[sflag:s14] =	ssyncadd.s32 $0xFFFFF000  }
0x164: {  	[tilespmem:s13], [sflag:$0x7] =	stream.indirect.gather [hbm4b:s1+s15], $0x80, s31, s15, $0xb8;
	[tilespmem:$0x1C700] =	vst v63  }
0x165: {  	_ =	swait.ge [sflag:s9], $0x1000  }
0x166: {  	[sflag:s9] =	ssyncset.done $0x0  }
0x167: {  	s19 =	rddreg [dreg:$0x19];
	[sflag:s9] =	ssyncadd.s32 $0xFFFFF000  }
0x168: {  	[spmem:s3] =	stream.indirect.scatter.add.f32 [tilespmem:s20], [sflag:$0xA], $0x80, s19, s15, $0xb8;
	[tilespmem:$0x1C700] =	vst v63  }
0x169: {  	_ =	swait.ge [sflag:s28], $0x1000  }
0x16a: {  	[sflag:s28] =	ssyncset.done $0x0  }
0x16b: {  	s9 =	simm.s32 $0x7400;
	s31 =	rddreg [dreg:$0x1a];
	[sflag:s28] =	ssyncadd.s32 $0xFFFFF000  }
0x16c: {  	[tilespmem:s9], [sflag:$0x8] =	stream.indirect.gather [hbm4b:s1+s15], $0x80, s31, s15, $0xb8;
	[tilespmem:$0x1C700] =	vst v63  }
0x16d: {  	_ =	swait.ge [sflag:s24], $0x1000  }
0x16e: {  	[sflag:s24] =	ssyncset.done $0x0  }
0x16f: {  	s19 =	rddreg [dreg:$0x1b];
	[sflag:s24] =	ssyncadd.s32 $0xFFFFF000  }
0x170: {  	[spmem:s3] =	stream.indirect.scatter.add.f32 [tilespmem:s21], [sflag:$0xB], $0x80, s19, s15, $0xb8;
	[tilespmem:$0x1C700] =	vst v63  }
0x171: {  	_ =	swait.ge [sflag:s10], $0x1000  }
0x172: {  	[sflag:s10] =	ssyncset.done $0x0  }
0x173: {  	s20 =	rddreg [dreg:$0x1c];
	[sflag:s10] =	ssyncadd.s32 $0xFFFFF000  }
0x174: {  	[spmem:s3] =	stream.indirect.scatter.add.f32 [tilespmem:s18], [sflag:$0xC], $0x80, s20, s15, $0xb8;
	[tilespmem:$0x1C700] =	vst v63  }
0x175: {  	_ =	swait.ge [sflag:s11], $0x1000  }
0x176: {  	[sflag:s11] =	ssyncset.done $0x0  }
0x177: {  	s24 =	simm.s32 $0x4400;
	s21 =	simm.s32 $0x380;
	[sflag:s11] =	ssyncadd.s32 $0xFFFFF000  }
0x178: {  	[spmem:s3] =	stream.indirect.scatter.add.f32 [tilespmem:s24], [sflag:$0xD], $0x80, s21, s15, $0xb8;
	[tilespmem:$0x1C700] =	vst v63  }
0x179: {  	_ = 	snop  }
0x17a: {  	[spmem:s17] =	stream.indirect.scatter.add.f32 [tilespmem:s22], [sflag:$0x11], $0x1, s21, s29, $0xb8;
	[tilespmem:$0x1C700] =	vst v63  }
0x17b: {  	_ =	swait.ge [sflag:s30], $0x1000  }
0x17c: {  	[sflag:s30] =	ssyncset.done $0x0  }
0x17d: {  	s12 =	simm.s32 $0x5400;
	s29 =	rddreg [dreg:$0x1d];
	[sflag:s30] =	ssyncadd.s32 $0xFFFFF000  }
0x17e: {  	[spmem:s3] =	stream.indirect.scatter.add.f32 [tilespmem:s12], [sflag:$0xE], $0x80, s29, s15, $0xb8;
	[tilespmem:$0x1C700] =	vst v63  }
0x17f: {  	_ =	swait.ge [sflag:s0], $0x1000  }
0x180: {  	[sflag:s0] =	ssyncset.done $0x0  }
0x181: {  	s13 =	simm.s32 $0x6400;
	s30 =	rddreg [dreg:$0x1e];
	[sflag:s0] =	ssyncadd.s32 $0xFFFFF000  }
0x182: {  	[spmem:s3] =	stream.indirect.scatter.add.f32 [tilespmem:s13], [sflag:$0xF], $0x80, s30, s15, $0xb8;
	[tilespmem:$0x1C700] =	vst v63  }
0x183: {  	_ =	swait.ge [sflag:s16], $0x1000  }
0x184: {  	[sflag:s16] =	ssyncset.done $0x0  }
0x185: {  	s31 =	rddreg [dreg:$0x1f];
	[sflag:s16] =	ssyncadd.s32 $0xFFFFF000  }
0x186: {  	[spmem:s3] =	stream.indirect.scatter.add.f32 [tilespmem:s9], [sflag:$0x10], $0x80, s31, s15, $0xb8;
	[tilespmem:$0x1C700] =	vst v63  }
0x187: {  	_ =	swait.ge [sflag:s25], $0x1000  }
0x188: {  	[sflag:s25] =	ssyncset.done $0x0  }
0x189: {  	[sflag:s25] =	ssyncadd.s32 $0xFFFFF000  }
0x18a: {  	_ =	swait.ge [sflag:s26], $0x1000  }
0x18b: {  	[sflag:s26] =	ssyncset.done $0x0  }
0x18c: {  	[sflag:s26] =	ssyncadd.s32 $0xFFFFF000  }
0x18d: {  	_ =	swait.ge [sflag:s2], $0x1000  }
0x18e: {  	[sflag:s2] =	ssyncset.done $0x0  }
0x18f: {  	[sflag:s2] =	ssyncadd.s32 $0xFFFFF000  }
0x190: {  	_ =	swait.ge [sflag:s7], $0x1000  }
0x191: {  	[sflag:s7] =	ssyncset.done $0x0  }
0x192: {  	[sflag:s7] =	ssyncadd.s32 $0xFFFFF000  }
0x193: {  	_ =	swait.ge [sflag:s6], $0x1000  }
0x194: {  	[sflag:s6] =	ssyncset.done $0x0  }
0x195: {  	[sflag:s6] =	ssyncadd.s32 $0xFFFFF000  }
0x196: {  	_ =	swait.ge [sflag:s5], $0x1000  }
0x197: {  	[sflag:s5] =	ssyncset.done $0x0  }
0x198: {  	[sflag:s5] =	ssyncadd.s32 $0xFFFFF000  }
0x199: {  	_ =	swait.ge [sflag:s14], $0x1000  }
0x19a: {  	[sflag:s14] =	ssyncset.done $0x0  }
0x19b: {  	[sflag:s14] =	ssyncadd.s32 $0xFFFFF000  }
0x19c: {  	_ =	swait.ge [sflag:s28], $0x1000  }
0x19d: {  	[sflag:s28] =	ssyncset.done $0x0  }
0x19e: {  	[sflag:s28] =	ssyncadd.s32 $0xFFFFF000  }
0x19f: {  	_ =	swait.ge [sflag:s4], $0x80  }
0x1a0: {  	[sflag:s4] =	ssyncset.done $0x0  }
0x1a1: {  	[sflag:s4] =	ssyncadd.s32 $0xFFFFFF80  }
0x1a2: {  	_ =	swait.ge [sflag:s4], $0x80  }
0x1a3: {  	[sflag:s4] =	ssyncset.done $0x0  }
0x1a4: {  	[sflag:s4] =	ssyncadd.s32 $0xFFFFFF80  }
0x1a5: {  	_ =	swait.ge [sflag:s4], $0x80  }
0x1a6: {  	[sflag:s4] =	ssyncset.done $0x0  }
0x1a7: {  	[sflag:s4] =	ssyncadd.s32 $0xFFFFFF80  }
0x1a8: {  	s8 =	simm.s32 $0x40;
	s11 =	simm.s32 $0x80;
	_ =	swait.ge [sflag:s4], $0x80  }
0x1a9: {  	s22 =	simm.s32 $0x1;
	s12 =	rddreg [dreg:$0x5];
	[sflag:s4] =	ssyncset.done $0x0  }
.LBB2_4:
0x1aa: {  	[sflag:s4] =	ssyncadd.s32 $0xFFFFFF80;
	s12 =	sadd.s32 s8, s12;
	s0 =	simm.s32 $0x0  }
0x1ab: {  	[tilespmem:s0], [sflag:$0x12] =	stream.linear.gather [hbm4b:s12+s0], $0x200, $0x38;
	[tilespmem:$0x1C700] =	vst v63  }
0x1ac: {  	_ =	swait.ge [sflag:s23], $0x200  }
0x1ad: {  	s7 =	rddreg [dreg:$0x6];
	[sflag:s23] =	ssyncset.done $0x0  }
0x1ae: {  	s5 =	simm.s32 $0x200;
	[sflag:s23] =	ssyncadd.s32 $0xFFFFFE00;
	s12 =	sadd.s32 s8, s7  }
0x1af: {  	[tilespmem:s5], [sflag:$0x12] =	stream.linear.gather [hbm4b:s12+s0], $0x200, $0x38;
	[tilespmem:$0x1C700] =	vst v63  }
0x1b0: {  	_ =	swait.ge [sflag:s23], $0x200  }
0x1b1: {  	[sflag:s23] =	ssyncset.done $0x0  }
0x1b2: {  	s20 =	simm.s32 $0x400;
	[sflag:s23] =	ssyncadd.s32 $0xFFFFFE00  }
0x1b3: {  	[tilespmem:s20], [sflag:$0x1] =	stream.indirect.gather [hbm4b:s1+s15], $0x80, s0, s15, $0xb8;
	[tilespmem:$0x1C700] =	vst v63  }
0x1b4: {  	s21 =	simm.s32 $0x1400  }
0x1b5: {  	[tilespmem:s21], [sflag:$0x2] =	stream.indirect.gather [hbm4b:s1+s15], $0x80, s15, s15, $0xb8;
	[tilespmem:$0x1C700] =	vst v63  }
0x1b6: {  	s9 =	rddreg [dreg:$0x7];
	s21 =	simm.s32 $0x2400  }
0x1b7: {  	[tilespmem:s21], [sflag:$0x3] =	stream.indirect.gather [hbm4b:s1+s15], $0x80, s9, s15, $0xb8;
	[tilespmem:$0x1C700] =	vst v63  }
0x1b8: {  	s10 =	rddreg [dreg:$0x8];
	s23 =	simm.s32 $0x3400  }
0x1b9: {  	[tilespmem:s23], [sflag:$0x4] =	stream.indirect.gather [hbm4b:s1+s15], $0x80, s10, s15, $0xb8;
	[tilespmem:$0x1C700] =	vst v63  }
0x1ba: {  	s18 =	simm.s32 $0x80;
	s31 =	simm.s32 $0x4400  }
0x1bb: {  	[tilespmem:s31], [sflag:$0x5] =	stream.indirect.gather [hbm4b:s1+s15], $0x80, s18, s15, $0xb8;
	[tilespmem:$0x1C700] =	vst v63  }
0x1bc: {  	s19 =	simm.s32 $0x5400;
	s14 =	rddreg [dreg:$0x9]  }
0x1bd: {  	[tilespmem:s19], [sflag:$0x6] =	stream.indirect.gather [hbm4b:s1+s15], $0x80, s14, s15, $0xb8;
	[tilespmem:$0x1C700] =	vst v63  }
0x1be: {  	_ =	swait.ge [sflag:s22], $0x1000  }
0x1bf: {  	[sflag:s22] =	ssyncset.done $0x0  }
0x1c0: {  	[sflag:s22] =	ssyncadd.s32 $0xFFFFF000  }
0x1c1: {  	[spmem:s3] =	stream.indirect.scatter.add.f32 [tilespmem:s20], [sflag:$0x9], $0x80, s5, s15, $0xb8;
	[tilespmem:$0x1C700] =	vst v63  }
0x1c2: {  	s0 =	simm.s32 $0x8400  }
0x1c3: {  	[spmem:s17] =	stream.indirect.scatter.add.f32 [tilespmem:s0], [sflag:$0x11], $0x1, s5, s18, $0xb8;
	[tilespmem:$0x1C700] =	vst v63  }
0x1c4: {  	s24 =	simm.s32 $0x6400;
	s6 =	simm.s32 $0x2;
	s16 =	rddreg [dreg:$0xa]  }
0x1c5: {  	[tilespmem:s24], [sflag:$0x7] =	stream.indirect.gather [hbm4b:s1+s15], $0x80, s16, s15, $0xb8;
	[tilespmem:$0x1C700] =	vst v63  }
0x1c6: {  	_ =	swait.ge [sflag:s6], $0x1000  }
0x1c7: {  	[sflag:s6] =	ssyncset.done $0x0  }
0x1c8: {  	s20 =	simm.s32 $0x1400;
	s25 =	rddreg [dreg:$0xb];
	[sflag:s6] =	ssyncadd.s32 $0xFFFFF000  }
0x1c9: {  	[spmem:s3] =	stream.indirect.scatter.add.f32 [tilespmem:s20], [sflag:$0xA], $0x80, s25, s15, $0xb8;
	[tilespmem:$0x1C700] =	vst v63  }
0x1ca: {  	s28 =	simm.s32 $0x7400;
	s4 =	simm.s32 $0x3;
	s26 =	rddreg [dreg:$0xc]  }
0x1cb: {  	[tilespmem:s28], [sflag:$0x8] =	stream.indirect.gather [hbm4b:s1+s15], $0x80, s26, s15, $0xb8;
	[tilespmem:$0x1C700] =	vst v63  }
0x1cc: {  	s13 =	smov.u32 s11;
	_ =	swait.ge [sflag:s4], $0x1000  }
0x1cd: {  	s8 =	smov.u32 s13;
	[sflag:s4] =	ssyncset.done $0x0  }
0x1ce: {  	s13 =	simm.s32 $0x9;
	s29 =	rddreg [dreg:$0xd];
	[sflag:s4] =	ssyncadd.s32 $0xFFFFF000  }
0x1cf: {  	[spmem:s3] =	stream.indirect.scatter.add.f32 [tilespmem:s21], [sflag:$0xB], $0x80, s29, s15, $0xb8;
	[tilespmem:$0x1C700] =	vst v63  }
0x1d0: {  	_ =	swait.ge [sflag:s13], $0x1000  }
0x1d1: {  	s7 =	simm.s32 $0x400;
	[sflag:s13] =	ssyncset.done $0x0  }
0x1d2: {  	s10 =	simm.s32 $0x4;
	s30 =	rddreg [dreg:$0xe];
	[sflag:s13] =	ssyncadd.s32 $0xFFFFF000  }
0x1d3: {  	[tilespmem:s7], [sflag:$0x1] =	stream.indirect.gather [hbm4b:s1+s15], $0x80, s30, s15, $0xb8;
	[tilespmem:$0x1C700] =	vst v63  }
0x1d4: {  	_ =	swait.ge [sflag:s10], $0x1000  }
0x1d5: {  	[sflag:s10] =	ssyncset.done $0x0  }
0x1d6: {  	s9 =	simm.s32 $0xA;
	s2 =	rddreg [dreg:$0xf];
	[sflag:s10] =	ssyncadd.s32 $0xFFFFF000  }
0x1d7: {  	[spmem:s3] =	stream.indirect.scatter.add.f32 [tilespmem:s23], [sflag:$0xC], $0x80, s2, s15, $0xb8;
	[tilespmem:$0x1C700] =	vst v63  }
0x1d8: {  	_ =	swait.ge [sflag:s9], $0x1000  }
0x1d9: {  	[sflag:s9] =	ssyncset.done $0x0  }
0x1da: {  	s30 =	simm.s32 $0x5;
	s5 =	rddreg [dreg:$0x10];
	[sflag:s9] =	ssyncadd.s32 $0xFFFFF000  }
0x1db: {  	[tilespmem:s20], [sflag:$0x2] =	stream.indirect.gather [hbm4b:s1+s15], $0x80, s5, s15, $0xb8;
	[tilespmem:$0x1C700] =	vst v63  }
0x1dc: {  	_ =	swait.ge [sflag:s30], $0x1000  }
0x1dd: {  	[sflag:s30] =	ssyncset.done $0x0  }
0x1de: {  	s14 =	simm.s32 $0x280;
	[sflag:s30] =	ssyncadd.s32 $0xFFFFF000  }
0x1df: {  	[spmem:s3] =	stream.indirect.scatter.add.f32 [tilespmem:s31], [sflag:$0xD], $0x80, s14, s15, $0xb8;
	[tilespmem:$0x1C700] =	vst v63  }
0x1e0: {  	s25 =	simm.s32 $0xB  }
0x1e1: {  	[spmem:s17] =	stream.indirect.scatter.add.f32 [tilespmem:s0], [sflag:$0x11], $0x1, s14, s18, $0xb8;
	[tilespmem:$0x1C700] =	vst v63  }
0x1e2: {  	_ =	swait.ge [sflag:s25], $0x1000  }
0x1e3: {  	[sflag:s25] =	ssyncset.done $0x0  }
0x1e4: {  	s16 =	rddreg [dreg:$0x11];
	[sflag:s25] =	ssyncadd.s32 $0xFFFFF000  }
0x1e5: {  	[tilespmem:s21], [sflag:$0x3] =	stream.indirect.gather [hbm4b:s1+s15], $0x80, s16, s15, $0xb8;
	[tilespmem:$0x1C700] =	vst v63  }
0x1e6: {  	s16 =	simm.s32 $0x6  }
0x1e7: {  	_ =	swait.ge [sflag:s16], $0x1000  }
0x1e8: {  	[sflag:s16] =	ssyncset.done $0x0  }
0x1e9: {  	s26 =	rddreg [dreg:$0x12];
	[sflag:s16] =	ssyncadd.s32 $0xFFFFF000  }
0x1ea: {  	[spmem:s3] =	stream.indirect.scatter.add.f32 [tilespmem:s19], [sflag:$0xE], $0x80, s26, s15, $0xb8;
	[tilespmem:$0x1C700] =	vst v63  }
0x1eb: {  	s26 =	simm.s32 $0xC  }
0x1ec: {  	_ =	swait.ge [sflag:s26], $0x1000  }
0x1ed: {  	[sflag:s26] =	ssyncset.done $0x0  }
0x1ee: {  	s14 =	simm.s32 $0x7;
	s29 =	rddreg [dreg:$0x13];
	[sflag:s26] =	ssyncadd.s32 $0xFFFFF000  }
0x1ef: {  	[tilespmem:s23], [sflag:$0x4] =	stream.indirect.gather [hbm4b:s1+s15], $0x80, s29, s15, $0xb8;
	[tilespmem:$0x1C700] =	vst v63  }
0x1f0: {  	_ =	swait.ge [sflag:s14], $0x1000  }
0x1f1: {  	[sflag:s14] =	ssyncset.done $0x0  }
0x1f2: {  	s29 =	simm.s32 $0xD;
	s2 =	rddreg [dreg:$0x14];
	[sflag:s14] =	ssyncadd.s32 $0xFFFFF000  }
0x1f3: {  	[spmem:s3] =	stream.indirect.scatter.add.f32 [tilespmem:s24], [sflag:$0xF], $0x80, s2, s15, $0xb8;
	[tilespmem:$0x1C700] =	vst v63  }
0x1f4: {  	_ =	swait.ge [sflag:s29], $0x1000  }
0x1f5: {  	[sflag:s29] =	ssyncset.done $0x0  }
0x1f6: {  	s5 =	rddreg [dreg:$0x15];
	[sflag:s29] =	ssyncadd.s32 $0xFFFFF000  }
0x1f7: {  	[tilespmem:s31], [sflag:$0x5] =	stream.indirect.gather [hbm4b:s1+s15], $0x80, s5, s15, $0xb8;
	[tilespmem:$0x1C700] =	vst v63  }
0x1f8: {  	s5 =	simm.s32 $0x8  }
0x1f9: {  	_ =	swait.ge [sflag:s5], $0x1000  }
0x1fa: {  	[sflag:s5] =	ssyncset.done $0x0  }
0x1fb: {  	s2 =	rddreg [dreg:$0x16];
	[sflag:s5] =	ssyncadd.s32 $0xFFFFF000  }
0x1fc: {  	[spmem:s3] =	stream.indirect.scatter.add.f32 [tilespmem:s28], [sflag:$0x10], $0x80, s2, s15, $0xb8;
	[tilespmem:$0x1C700] =	vst v63  }
0x1fd: {  	s2 =	simm.s32 $0xE  }
0x1fe: {  	_ =	swait.ge [sflag:s2], $0x1000  }
0x1ff: {  	[sflag:s2] =	ssyncset.done $0x0  }
0x200: {  	s12 =	rddreg [dreg:$0x17];
	[sflag:s2] =	ssyncadd.s32 $0xFFFFF000  }
0x201: {  	[tilespmem:s19], [sflag:$0x6] =	stream.indirect.gather [hbm4b:s1+s15], $0x80, s12, s15, $0xb8;
	[tilespmem:$0x1C700] =	vst v63  }
0x202: {  	_ =	swait.ge [sflag:s22], $0x1000  }
0x203: {  	[sflag:s22] =	ssyncset.done $0x0  }
0x204: {  	s12 =	simm.s32 $0x300;
	[sflag:s22] =	ssyncadd.s32 $0xFFFFF000  }
0x205: {  	[spmem:s3] =	stream.indirect.scatter.add.f32 [tilespmem:s7], [sflag:$0x9], $0x80, s12, s15, $0xb8;
	[tilespmem:$0x1C700] =	vst v63  }
0x206: {  	s7 =	simm.s32 $0xF  }
0x207: {  	[spmem:s17] =	stream.indirect.scatter.add.f32 [tilespmem:s0], [sflag:$0x11], $0x1, s12, s18, $0xb8;
	[tilespmem:$0x1C700] =	vst v63  }
0x208: {  	_ =	swait.ge [sflag:s7], $0x1000  }
0x209: {  	[sflag:s7] =	ssyncset.done $0x0  }
0x20a: {  	s12 =	rddreg [dreg:$0x18];
	[sflag:s7] =	ssyncadd.s32 $0xFFFFF000  }
0x20b: {  	[tilespmem:s24], [sflag:$0x7] =	stream.indirect.gather [hbm4b:s1+s15], $0x80, s12, s15, $0xb8;
	[tilespmem:$0x1C700] =	vst v63  }
0x20c: {  	_ =	swait.ge [sflag:s6], $0x1000  }
0x20d: {  	[sflag:s6] =	ssyncset.done $0x0  }
0x20e: {  	s12 =	rddreg [dreg:$0x19];
	[sflag:s6] =	ssyncadd.s32 $0xFFFFF000;
	s6 =	simm.s32 $0x10  }
0x20f: {  	[spmem:s3] =	stream.indirect.scatter.add.f32 [tilespmem:s20], [sflag:$0xA], $0x80, s12, s15, $0xb8;
	[tilespmem:$0x1C700] =	vst v63  }
0x210: {  	_ =	swait.ge [sflag:s6], $0x1000  }
0x211: {  	[sflag:s6] =	ssyncset.done $0x0  }
0x212: {  	s12 =	rddreg [dreg:$0x1a];
	[sflag:s6] =	ssyncadd.s32 $0xFFFFF000  }
0x213: {  	[tilespmem:s28], [sflag:$0x8] =	stream.indirect.gather [hbm4b:s1+s15], $0x80, s12, s15, $0xb8;
	[tilespmem:$0x1C700] =	vst v63  }
0x214: {  	_ =	swait.ge [sflag:s4], $0x1000  }
0x215: {  	[sflag:s4] =	ssyncset.done $0x0  }
0x216: {  	s12 =	rddreg [dreg:$0x1b];
	[sflag:s4] =	ssyncadd.s32 $0xFFFFF000  }
0x217: {  	[spmem:s3] =	stream.indirect.scatter.add.f32 [tilespmem:s21], [sflag:$0xB], $0x80, s12, s15, $0xb8;
	[tilespmem:$0x1C700] =	vst v63  }
0x218: {  	_ =	swait.ge [sflag:s10], $0x1000  }
0x219: {  	[sflag:s10] =	ssyncset.done $0x0  }
0x21a: {  	s12 =	rddreg [dreg:$0x1c];
	[sflag:s10] =	ssyncadd.s32 $0xFFFFF000  }
0x21b: {  	[spmem:s3] =	stream.indirect.scatter.add.f32 [tilespmem:s23], [sflag:$0xC], $0x80, s12, s15, $0xb8;
	[tilespmem:$0x1C700] =	vst v63  }
0x21c: {  	_ =	swait.ge [sflag:s30], $0x1000  }
0x21d: {  	[sflag:s30] =	ssyncset.done $0x0  }
0x21e: {  	s12 =	simm.s32 $0x380;
	[sflag:s30] =	ssyncadd.s32 $0xFFFFF000  }
0x21f: {  	[spmem:s3] =	stream.indirect.scatter.add.f32 [tilespmem:s31], [sflag:$0xD], $0x80, s12, s15, $0xb8;
	[tilespmem:$0x1C700] =	vst v63  }
0x220: {  	_ = 	snop  }
0x221: {  	[spmem:s17] =	stream.indirect.scatter.add.f32 [tilespmem:s0], [sflag:$0x11], $0x1, s12, s18, $0xb8;
	[tilespmem:$0x1C700] =	vst v63  }
0x222: {  	_ =	swait.ge [sflag:s16], $0x1000  }
0x223: {  	[sflag:s16] =	ssyncset.done $0x0  }
0x224: {  	s18 =	rddreg [dreg:$0x1d];
	[sflag:s16] =	ssyncadd.s32 $0xFFFFF000  }
0x225: {  	[spmem:s3] =	stream.indirect.scatter.add.f32 [tilespmem:s19], [sflag:$0xE], $0x80, s18, s15, $0xb8;
	[tilespmem:$0x1C700] =	vst v63  }
0x226: {  	_ =	swait.ge [sflag:s14], $0x1000  }
0x227: {  	[sflag:s14] =	ssyncset.done $0x0  }
0x228: {  	s30 =	rddreg [dreg:$0x1e];
	[sflag:s14] =	ssyncadd.s32 $0xFFFFF000  }
0x229: {  	[spmem:s3] =	stream.indirect.scatter.add.f32 [tilespmem:s24], [sflag:$0xF], $0x80, s30, s15, $0xb8;
	[tilespmem:$0x1C700] =	vst v63  }
0x22a: {  	_ =	swait.ge [sflag:s5], $0x1000  }
0x22b: {  	[sflag:s5] =	ssyncset.done $0x0  }
0x22c: {  	s31 =	rddreg [dreg:$0x1f];
	[sflag:s5] =	ssyncadd.s32 $0xFFFFF000  }
0x22d: {  	[spmem:s3] =	stream.indirect.scatter.add.f32 [tilespmem:s28], [sflag:$0x10], $0x80, s31, s15, $0xb8;
	[tilespmem:$0x1C700] =	vst v63  }
0x22e: {  	_ =	swait.ge [sflag:s13], $0x1000  }
0x22f: {  	[sflag:s13] =	ssyncset.done $0x0  }
0x230: {  	[sflag:s13] =	ssyncadd.s32 $0xFFFFF000  }
0x231: {  	_ =	swait.ge [sflag:s9], $0x1000  }
0x232: {  	[sflag:s9] =	ssyncset.done $0x0  }
0x233: {  	[sflag:s9] =	ssyncadd.s32 $0xFFFFF000  }
0x234: {  	_ =	swait.ge [sflag:s25], $0x1000  }
0x235: {  	[sflag:s25] =	ssyncset.done $0x0  }
0x236: {  	[sflag:s25] =	ssyncadd.s32 $0xFFFFF000  }
0x237: {  	_ =	swait.ge [sflag:s26], $0x1000  }
0x238: {  	[sflag:s26] =	ssyncset.done $0x0  }
0x239: {  	[sflag:s26] =	ssyncadd.s32 $0xFFFFF000  }
0x23a: {  	_ =	swait.ge [sflag:s29], $0x1000  }
0x23b: {  	[sflag:s29] =	ssyncset.done $0x0  }
0x23c: {  	[sflag:s29] =	ssyncadd.s32 $0xFFFFF000  }
0x23d: {  	_ =	swait.ge [sflag:s2], $0x1000  }
0x23e: {  	[sflag:s2] =	ssyncset.done $0x0  }
0x23f: {  	[sflag:s2] =	ssyncadd.s32 $0xFFFFF000  }
0x240: {  	_ =	swait.ge [sflag:s7], $0x1000  }
0x241: {  	[sflag:s7] =	ssyncset.done $0x0  }
0x242: {  	[sflag:s7] =	ssyncadd.s32 $0xFFFFF000  }
0x243: {  	_ =	swait.ge [sflag:s6], $0x1000  }
0x244: {  	[sflag:s6] =	ssyncset.done $0x0  }
0x245: {  	s4 =	simm.s32 $0x11;
	[sflag:s6] =	ssyncadd.s32 $0xFFFFF000  }
0x246: {  	_ =	swait.ge [sflag:s4], $0x80  }
0x247: {  	[sflag:s4] =	ssyncset.done $0x0  }
0x248: {  	[sflag:s4] =	ssyncadd.s32 $0xFFFFFF80  }
0x249: {  	_ =	swait.ge [sflag:s4], $0x80  }
0x24a: {  	[sflag:s4] =	ssyncset.done $0x0  }
0x24b: {  	p0 =	sne.s32 s11, $0x4C0;
	[sflag:s4] =	ssyncadd.s32 $0xFFFFFF80  }
.Ltmp1:
0x24c: {  	_ =	swait.ge [sflag:s4], $0x80;
	(pc) =	sbr.rel @p0 .LBB2_4-.Ltmp1, $4  }
0x24d: {  	[sflag:s4] =	ssyncset.done $0x0  }
0x24e: {  	[sflag:s4] =	ssyncadd.s32 $0xFFFFFF80  }
0x24f: {  	s11 =	sadd.s32 $0x40, s11;
	_ =	swait.ge [sflag:s4], $0x80  }
0x250: {  	s23 =	simm.s32 $0x12;
	s12 =	rddreg [dreg:$0x5];
	[sflag:s4] =	ssyncset.done $0x0  }
0x251: {  	[sflag:s4] =	ssyncadd.s32 $0xFFFFFF80;
	s11 =	sadd.s32 s8, s12;
	s0 =	simm.s32 $0x0  }
0x252: {  	[tilespmem:s0], [sflag:$0x12] =	stream.linear.gather [hbm4b:s11+s0], $0x200, $0x38;
	[tilespmem:$0x1C700] =	vst v63  }
0x253: {  	_ =	swait.ge [sflag:s23], $0x200  }
0x254: {  	s2 =	rddreg [dreg:$0x6];
	[sflag:s23] =	ssyncset.done $0x0  }
0x255: {  	s5 =	simm.s32 $0x200;
	[sflag:s23] =	ssyncadd.s32 $0xFFFFFE00;
	s4 =	sadd.s32 s8, s2  }
0x256: {  	[tilespmem:s5], [sflag:$0x12] =	stream.linear.gather [hbm4b:s4+s0], $0x200, $0x38;
	[tilespmem:$0x1C700] =	vst v63  }
0x257: {  	_ =	swait.ge [sflag:s23], $0x200  }
0x258: {  	[sflag:s23] =	ssyncset.done $0x0  }
0x259: {  	s7 =	simm.s32 $0x400;
	[sflag:s23] =	ssyncadd.s32 $0xFFFFFE00  }
0x25a: {  	[tilespmem:s7], [sflag:$0x1] =	stream.indirect.gather [hbm4b:s1+s15], $0x80, s0, s15, $0xb8;
	[tilespmem:$0x1C700] =	vst v63  }
0x25b: {  	_ = 	snop  }
0x25c: {  	[tilespmem:s20], [sflag:$0x2] =	stream.indirect.gather [hbm4b:s1+s15], $0x80, s15, s15, $0xb8;
	[tilespmem:$0x1C700] =	vst v63  }
0x25d: {  	s6 =	rddreg [dreg:$0x7]  }
0x25e: {  	[tilespmem:s21], [sflag:$0x3] =	stream.indirect.gather [hbm4b:s1+s15], $0x80, s6, s15, $0xb8;
	[tilespmem:$0x1C700] =	vst v63  }
0x25f: {  	s12 =	simm.s32 $0x3400;
	s9 =	rddreg [dreg:$0x8]  }
0x260: {  	[tilespmem:s12], [sflag:$0x4] =	stream.indirect.gather [hbm4b:s1+s15], $0x80, s9, s15, $0xb8;
	[tilespmem:$0x1C700] =	vst v63  }
0x261: {  	s24 =	simm.s32 $0x80;
	s31 =	simm.s32 $0x4400  }
0x262: {  	[tilespmem:s31], [sflag:$0x5] =	stream.indirect.gather [hbm4b:s1+s15], $0x80, s24, s15, $0xb8;
	[tilespmem:$0x1C700] =	vst v63  }
0x263: {  	s18 =	simm.s32 $0x5400;
	s10 =	rddreg [dreg:$0x9]  }
0x264: {  	[tilespmem:s18], [sflag:$0x6] =	stream.indirect.gather [hbm4b:s1+s15], $0x80, s10, s15, $0xb8;
	[tilespmem:$0x1C700] =	vst v63  }
0x265: {  	_ =	swait.ge [sflag:s22], $0x1000  }
0x266: {  	[sflag:s22] =	ssyncset.done $0x0  }
0x267: {  	[sflag:s22] =	ssyncadd.s32 $0xFFFFF000  }
0x268: {  	[spmem:s3] =	stream.indirect.scatter.add.f32 [tilespmem:s7], [sflag:$0x9], $0x80, s5, s15, $0xb8;
	[tilespmem:$0x1C700] =	vst v63  }
0x269: {  	s0 =	simm.s32 $0x8400  }
0x26a: {  	[spmem:s17] =	stream.indirect.scatter.add.f32 [tilespmem:s0], [sflag:$0x11], $0x1, s5, s24, $0xb8;
	[tilespmem:$0x1C700] =	vst v63  }
0x26b: {  	s19 =	simm.s32 $0x6400;
	s6 =	simm.s32 $0x2;
	s11 =	rddreg [dreg:$0xa]  }
0x26c: {  	[tilespmem:s19], [sflag:$0x7] =	stream.indirect.gather [hbm4b:s1+s15], $0x80, s11, s15, $0xb8;
	[tilespmem:$0x1C700] =	vst v63  }
0x26d: {  	_ =	swait.ge [sflag:s6], $0x1000  }
0x26e: {  	[sflag:s6] =	ssyncset.done $0x0  }
0x26f: {  	s13 =	rddreg [dreg:$0xb];
	[sflag:s6] =	ssyncadd.s32 $0xFFFFF000  }
0x270: {  	[spmem:s3] =	stream.indirect.scatter.add.f32 [tilespmem:s20], [sflag:$0xA], $0x80, s13, s15, $0xb8;
	[tilespmem:$0x1C700] =	vst v63  }
0x271: {  	s28 =	simm.s32 $0x7400;
	s4 =	simm.s32 $0x3;
	s14 =	rddreg [dreg:$0xc]  }
0x272: {  	[tilespmem:s28], [sflag:$0x8] =	stream.indirect.gather [hbm4b:s1+s15], $0x80, s14, s15, $0xb8;
	[tilespmem:$0x1C700] =	vst v63  }
0x273: {  	_ =	swait.ge [sflag:s4], $0x1000  }
0x274: {  	[sflag:s4] =	ssyncset.done $0x0  }
0x275: {  	s13 =	simm.s32 $0x9;
	s16 =	rddreg [dreg:$0xd];
	[sflag:s4] =	ssyncadd.s32 $0xFFFFF000  }
0x276: {  	[spmem:s3] =	stream.indirect.scatter.add.f32 [tilespmem:s21], [sflag:$0xB], $0x80, s16, s15, $0xb8;
	[tilespmem:$0x1C700] =	vst v63  }
0x277: {  	_ =	swait.ge [sflag:s13], $0x1000  }
0x278: {  	[sflag:s13] =	ssyncset.done $0x0  }
0x279: {  	s10 =	simm.s32 $0x4;
	s25 =	rddreg [dreg:$0xe];
	[sflag:s13] =	ssyncadd.s32 $0xFFFFF000  }
0x27a: {  	[tilespmem:s7], [sflag:$0x1] =	stream.indirect.gather [hbm4b:s1+s15], $0x80, s25, s15, $0xb8;
	[tilespmem:$0x1C700] =	vst v63  }
0x27b: {  	_ =	swait.ge [sflag:s10], $0x1000  }
0x27c: {  	[sflag:s10] =	ssyncset.done $0x0  }
0x27d: {  	s9 =	simm.s32 $0xA;
	s26 =	rddreg [dreg:$0xf];
	[sflag:s10] =	ssyncadd.s32 $0xFFFFF000  }
0x27e: {  	[spmem:s3] =	stream.indirect.scatter.add.f32 [tilespmem:s12], [sflag:$0xC], $0x80, s26, s15, $0xb8;
	[tilespmem:$0x1C700] =	vst v63  }
0x27f: {  	_ =	swait.ge [sflag:s9], $0x1000  }
0x280: {  	[sflag:s9] =	ssyncset.done $0x0  }
0x281: {  	s11 =	simm.s32 $0x5;
	s29 =	rddreg [dreg:$0x10];
	[sflag:s9] =	ssyncadd.s32 $0xFFFFF000  }
0x282: {  	[tilespmem:s20], [sflag:$0x2] =	stream.indirect.gather [hbm4b:s1+s15], $0x80, s29, s15, $0xb8;
	[tilespmem:$0x1C700] =	vst v63  }
0x283: {  	_ =	swait.ge [sflag:s11], $0x1000  }
0x284: {  	[sflag:s11] =	ssyncset.done $0x0  }
0x285: {  	s30 =	simm.s32 $0x280;
	[sflag:s11] =	ssyncadd.s32 $0xFFFFF000  }
0x286: {  	[spmem:s3] =	stream.indirect.scatter.add.f32 [tilespmem:s31], [sflag:$0xD], $0x80, s30, s15, $0xb8;
	[tilespmem:$0x1C700] =	vst v63  }
0x287: {  	s25 =	simm.s32 $0xB  }
0x288: {  	[spmem:s17] =	stream.indirect.scatter.add.f32 [tilespmem:s0], [sflag:$0x11], $0x1, s30, s24, $0xb8;
	[tilespmem:$0x1C700] =	vst v63  }
0x289: {  	_ =	swait.ge [sflag:s25], $0x1000  }
0x28a: {  	[sflag:s25] =	ssyncset.done $0x0  }
0x28b: {  	s16 =	simm.s32 $0x6;
	s2 =	rddreg [dreg:$0x11];
	[sflag:s25] =	ssyncadd.s32 $0xFFFFF000  }
0x28c: {  	[tilespmem:s21], [sflag:$0x3] =	stream.indirect.gather [hbm4b:s1+s15], $0x80, s2, s15, $0xb8;
	[tilespmem:$0x1C700] =	vst v63  }
0x28d: {  	_ =	swait.ge [sflag:s16], $0x1000  }
0x28e: {  	[sflag:s16] =	ssyncset.done $0x0  }
0x28f: {  	s26 =	simm.s32 $0xC;
	s5 =	rddreg [dreg:$0x12];
	[sflag:s16] =	ssyncadd.s32 $0xFFFFF000  }
0x290: {  	[spmem:s3] =	stream.indirect.scatter.add.f32 [tilespmem:s18], [sflag:$0xE], $0x80, s5, s15, $0xb8;
	[tilespmem:$0x1C700] =	vst v63  }
0x291: {  	_ =	swait.ge [sflag:s26], $0x1000  }
0x292: {  	[sflag:s26] =	ssyncset.done $0x0  }
0x293: {  	s14 =	rddreg [dreg:$0x13];
	[sflag:s26] =	ssyncadd.s32 $0xFFFFF000  }
0x294: {  	[tilespmem:s12], [sflag:$0x4] =	stream.indirect.gather [hbm4b:s1+s15], $0x80, s14, s15, $0xb8;
	[tilespmem:$0x1C700] =	vst v63  }
0x295: {  	s14 =	simm.s32 $0x7  }
0x296: {  	_ =	swait.ge [sflag:s14], $0x1000  }
0x297: {  	[sflag:s14] =	ssyncset.done $0x0  }
0x298: {  	s29 =	rddreg [dreg:$0x14];
	[sflag:s14] =	ssyncadd.s32 $0xFFFFF000  }
0x299: {  	[spmem:s3] =	stream.indirect.scatter.add.f32 [tilespmem:s19], [sflag:$0xF], $0x80, s29, s15, $0xb8;
	[tilespmem:$0x1C700] =	vst v63  }
0x29a: {  	s29 =	simm.s32 $0xD  }
0x29b: {  	_ =	swait.ge [sflag:s29], $0x1000  }
0x29c: {  	[sflag:s29] =	ssyncset.done $0x0  }
0x29d: {  	s5 =	simm.s32 $0x8;
	s30 =	rddreg [dreg:$0x15];
	[sflag:s29] =	ssyncadd.s32 $0xFFFFF000  }
0x29e: {  	[tilespmem:s31], [sflag:$0x5] =	stream.indirect.gather [hbm4b:s1+s15], $0x80, s30, s15, $0xb8;
	[tilespmem:$0x1C700] =	vst v63  }
0x29f: {  	_ =	swait.ge [sflag:s5], $0x1000  }
0x2a0: {  	[sflag:s5] =	ssyncset.done $0x0  }
0x2a1: {  	s2 =	rddreg [dreg:$0x16];
	[sflag:s5] =	ssyncadd.s32 $0xFFFFF000  }
0x2a2: {  	[spmem:s3] =	stream.indirect.scatter.add.f32 [tilespmem:s28], [sflag:$0x10], $0x80, s2, s15, $0xb8;
	[tilespmem:$0x1C700] =	vst v63  }
0x2a3: {  	s2 =	simm.s32 $0xE  }
0x2a4: {  	_ =	swait.ge [sflag:s2], $0x1000  }
0x2a5: {  	[sflag:s2] =	ssyncset.done $0x0  }
0x2a6: {  	s30 =	rddreg [dreg:$0x17];
	[sflag:s2] =	ssyncadd.s32 $0xFFFFF000  }
0x2a7: {  	[tilespmem:s18], [sflag:$0x6] =	stream.indirect.gather [hbm4b:s1+s15], $0x80, s30, s15, $0xb8;
	[tilespmem:$0x1C700] =	vst v63  }
0x2a8: {  	_ =	swait.ge [sflag:s22], $0x1000  }
0x2a9: {  	[sflag:s22] =	ssyncset.done $0x0  }
0x2aa: {  	[sflag:s22] =	ssyncadd.s32 $0xFFFFF000;
	s22 =	simm.s32 $0x300  }
0x2ab: {  	[spmem:s3] =	stream.indirect.scatter.add.f32 [tilespmem:s7], [sflag:$0x9], $0x80, s22, s15, $0xb8;
	[tilespmem:$0x1C700] =	vst v63  }
0x2ac: {  	s7 =	simm.s32 $0xF  }
0x2ad: {  	[spmem:s17] =	stream.indirect.scatter.add.f32 [tilespmem:s0], [sflag:$0x11], $0x1, s22, s24, $0xb8;
	[tilespmem:$0x1C700] =	vst v63  }
0x2ae: {  	_ =	swait.ge [sflag:s7], $0x1000  }
0x2af: {  	[sflag:s7] =	ssyncset.done $0x0  }
0x2b0: {  	s30 =	rddreg [dreg:$0x18];
	[sflag:s7] =	ssyncadd.s32 $0xFFFFF000  }
0x2b1: {  	[tilespmem:s19], [sflag:$0x7] =	stream.indirect.gather [hbm4b:s1+s15], $0x80, s30, s15, $0xb8;
	[tilespmem:$0x1C700] =	vst v63  }
0x2b2: {  	_ =	swait.ge [sflag:s6], $0x1000  }
0x2b3: {  	[sflag:s6] =	ssyncset.done $0x0  }
0x2b4: {  	s22 =	rddreg [dreg:$0x19];
	[sflag:s6] =	ssyncadd.s32 $0xFFFFF000;
	s6 =	simm.s32 $0x10  }
0x2b5: {  	[spmem:s3] =	stream.indirect.scatter.add.f32 [tilespmem:s20], [sflag:$0xA], $0x80, s22, s15, $0xb8;
	[tilespmem:$0x1C700] =	vst v63  }
0x2b6: {  	_ =	swait.ge [sflag:s6], $0x1000  }
0x2b7: {  	[sflag:s6] =	ssyncset.done $0x0  }
0x2b8: {  	s30 =	rddreg [dreg:$0x1a];
	[sflag:s6] =	ssyncadd.s32 $0xFFFFF000  }
0x2b9: {  	[tilespmem:s28], [sflag:$0x8] =	stream.indirect.gather [hbm4b:s1+s15], $0x80, s30, s15, $0xb8;
	[tilespmem:$0x1C700] =	vst v63  }
0x2ba: {  	_ =	swait.ge [sflag:s4], $0x1000  }
0x2bb: {  	[sflag:s4] =	ssyncset.done $0x0  }
0x2bc: {  	s22 =	rddreg [dreg:$0x1b];
	[sflag:s4] =	ssyncadd.s32 $0xFFFFF000  }
0x2bd: {  	[spmem:s3] =	stream.indirect.scatter.add.f32 [tilespmem:s21], [sflag:$0xB], $0x80, s22, s15, $0xb8;
	[tilespmem:$0x1C700] =	vst v63  }
0x2be: {  	_ =	swait.ge [sflag:s10], $0x1000  }
0x2bf: {  	[sflag:s10] =	ssyncset.done $0x0  }
0x2c0: {  	s30 =	rddreg [dreg:$0x1c];
	[sflag:s10] =	ssyncadd.s32 $0xFFFFF000  }
0x2c1: {  	[spmem:s3] =	stream.indirect.scatter.add.f32 [tilespmem:s12], [sflag:$0xC], $0x80, s30, s15, $0xb8;
	[tilespmem:$0x1C700] =	vst v63  }
0x2c2: {  	_ =	swait.ge [sflag:s11], $0x1000  }
0x2c3: {  	[sflag:s11] =	ssyncset.done $0x0  }
0x2c4: {  	[sflag:s11] =	ssyncadd.s32 $0xFFFFF000;
	s11 =	simm.s32 $0x380  }
0x2c5: {  	[spmem:s3] =	stream.indirect.scatter.add.f32 [tilespmem:s31], [sflag:$0xD], $0x80, s11, s15, $0xb8;
	[tilespmem:$0x1C700] =	vst v63  }
0x2c6: {  	_ = 	snop  }
0x2c7: {  	[spmem:s17] =	stream.indirect.scatter.add.f32 [tilespmem:s0], [sflag:$0x11], $0x1, s11, s24, $0xb8;
	[tilespmem:$0x1C700] =	vst v63  }
0x2c8: {  	_ =	swait.ge [sflag:s16], $0x1000  }
0x2c9: {  	[sflag:s16] =	ssyncset.done $0x0  }
0x2ca: {  	s12 =	rddreg [dreg:$0x1d];
	[sflag:s16] =	ssyncadd.s32 $0xFFFFF000  }
0x2cb: {  	[spmem:s3] =	stream.indirect.scatter.add.f32 [tilespmem:s18], [sflag:$0xE], $0x80, s12, s15, $0xb8;
	[tilespmem:$0x1C700] =	vst v63  }
0x2cc: {  	_ =	swait.ge [sflag:s14], $0x1000  }
0x2cd: {  	[sflag:s14] =	ssyncset.done $0x0  }
0x2ce: {  	s18 =	rddreg [dreg:$0x1e];
	[sflag:s14] =	ssyncadd.s32 $0xFFFFF000  }
0x2cf: {  	[spmem:s3] =	stream.indirect.scatter.add.f32 [tilespmem:s19], [sflag:$0xF], $0x80, s18, s15, $0xb8;
	[tilespmem:$0x1C700] =	vst v63  }
0x2d0: {  	_ =	swait.ge [sflag:s5], $0x1000  }
0x2d1: {  	[sflag:s5] =	ssyncset.done $0x0  }
0x2d2: {  	s19 =	rddreg [dreg:$0x1f];
	[sflag:s5] =	ssyncadd.s32 $0xFFFFF000  }
0x2d3: {  	[spmem:s3] =	stream.indirect.scatter.add.f32 [tilespmem:s28], [sflag:$0x10], $0x80, s19, s15, $0xb8;
	[tilespmem:$0x1C700] =	vst v63  }
0x2d4: {  	_ =	swait.ge [sflag:s13], $0x1000  }
0x2d5: {  	[sflag:s13] =	ssyncset.done $0x0  }
0x2d6: {  	[sflag:s13] =	ssyncadd.s32 $0xFFFFF000  }
0x2d7: {  	_ =	swait.ge [sflag:s9], $0x1000  }
0x2d8: {  	[sflag:s9] =	ssyncset.done $0x0  }
0x2d9: {  	[sflag:s9] =	ssyncadd.s32 $0xFFFFF000  }
0x2da: {  	_ =	swait.ge [sflag:s25], $0x1000  }
0x2db: {  	[sflag:s25] =	ssyncset.done $0x0  }
0x2dc: {  	[sflag:s25] =	ssyncadd.s32 $0xFFFFF000  }
0x2dd: {  	_ =	swait.ge [sflag:s26], $0x1000  }
0x2de: {  	[sflag:s26] =	ssyncset.done $0x0  }
0x2df: {  	[sflag:s26] =	ssyncadd.s32 $0xFFFFF000  }
0x2e0: {  	_ =	swait.ge [sflag:s29], $0x1000  }
0x2e1: {  	[sflag:s29] =	ssyncset.done $0x0  }
0x2e2: {  	[sflag:s29] =	ssyncadd.s32 $0xFFFFF000  }
0x2e3: {  	_ =	swait.ge [sflag:s2], $0x1000  }
0x2e4: {  	[sflag:s2] =	ssyncset.done $0x0  }
0x2e5: {  	[sflag:s2] =	ssyncadd.s32 $0xFFFFF000  }
0x2e6: {  	_ =	swait.ge [sflag:s7], $0x1000  }
0x2e7: {  	[sflag:s7] =	ssyncset.done $0x0  }
0x2e8: {  	[sflag:s7] =	ssyncadd.s32 $0xFFFFF000  }
0x2e9: {  	_ =	swait.ge [sflag:s6], $0x1000  }
0x2ea: {  	[sflag:s6] =	ssyncset.done $0x0  }
0x2eb: {  	s4 =	simm.s32 $0x11;
	[sflag:s6] =	ssyncadd.s32 $0xFFFFF000  }
0x2ec: {  	_ =	swait.ge [sflag:s4], $0x80  }
0x2ed: {  	[sflag:s4] =	ssyncset.done $0x0  }
0x2ee: {  	[sflag:s4] =	ssyncadd.s32 $0xFFFFFF80  }
0x2ef: {  	_ =	swait.ge [sflag:s4], $0x80  }
0x2f0: {  	[sflag:s4] =	ssyncset.done $0x0  }
0x2f1: {  	[sflag:s4] =	ssyncadd.s32 $0xFFFFFF80  }
0x2f2: {  	_ =	swait.ge [sflag:s4], $0x80  }
0x2f3: {  	[sflag:s4] =	ssyncset.done $0x0  }
0x2f4: {  	[sflag:s4] =	ssyncadd.s32 $0xFFFFFF80  }
0x2f5: {  	_ =	swait.ge [sflag:s4], $0x80  }
0x2f6: {  	[sflag:s4] =	ssyncset.done $0x0  }
0x2f7: {  	[sflag:s4] =	ssyncadd.s32 $0xFFFFFF80  }
0x2f8: {  	[bflag:$0x0] =	sbarrier.arrive $0xFFFF  }
0x2f9: {  	s18 =	sld [smem:$0x7FD]  }
0x2fa: {  	s22 =	stileid.u32;
	s25 =	sld [smem:$0x7EE]  }
0x2fb: {  	s8 =	sshll.u32 s22, $0x6  }
0x2fc: {  	s8 =	sor.u32 $0x1C12, s8;
	s24 =	sshrl.u32 s18, $0x3  }
0x2fd: {  	[hbm:s25], [sflag:s8] =	dma.local [spmem:s24], $0x2800  }
0x2fe: {  	_ =	swait.ge [sflag:s23], $0x2800  }
0x2ff: {  	s26 =	sld [smem:$0x7E5]  }
0x300: {  	s29 =	sld [smem:$0x7EF]  }
0x301: {  	[sflag:s23] =	ssyncset.done $0x0  }
0x302: {  	[sflag:s23] =	ssyncadd.s32 $0xFFFFD800;
	s11 =	sshrl.u32 s26, $0x3  }
0x303: {  	[hbm:s29], [sflag:s8] =	dma.local [spmem:s11], $0x50  }
0x304: {  	_ =	swait.ge [sflag:s23], $0x50  }
0x305: {  	s30 =	sld [smem:$0x7E1]  }
0x306: {  	s31 =	sld [smem:$0x7F4];
	_ =	sdelay $0x1  }
0x307: {  	s11 =	sadd.s32 $0x1, s30  }
0x308: {  	s22 =	simm.s32 $0x0;
	p0 =	sne.s32 s11, s31  }
.Ltmp2:
0x309: {  	s16 =	smov.u32 s17;
	s14 =	simm.s32 $0xF;
	(pc) =	sbr.rel @p0 .LBB2_1-.Ltmp2, $4  }
0x30a: {  	s5 =	simm.s32 $0xE;
	s19 =	simm.s32 $0x1;
	s28 =	simm.s32 $0x10  }
0x30b: {  	s9 =	simm.s32 $0x2;
	s2 =	simm.s32 $0xB;
	s7 =	simm.s32 $0xC  }
0x30c: {  	s6 =	simm.s32 $0xD;
	s24 =	simm.s32 $0x3;
	[sflag:s23] =	ssyncset.done $0x0  }
0x30d: {  	s25 =	simm.s32 $0x9;
	s26 =	simm.s32 $0xA;
	[sflag:s23] =	ssyncadd.s32 $0xFFFFFFB0  }
0x30e: {  	_ =	sfence.sel $0x180000  }
0x30f: {  	[bflag:$0x0] =	sbarrier.arrive $0xFFFF  }
0x310: {  	_ =	strace $0x90000047  }
0x311: {  	s0 =	stileid.u32;
	[bflag:$0x2] =	sbarrier.arrive $0xFFFF  }
0x312: {  	p0 =	sne.s32 s0, $0x0;
	s0 =	rddreg [dreg:$0x4]  }
0x313: {  	s0 =	sadd.s32 @!p0 $0x100000, s0  }
0x314: {  	[sflag:s0] =	ssyncadd.tile.s32 @!p0 $0x1;
	_ =	shalt  }
.Lfunc_end2:
_tile_overlayer_lowered:
.L_overlay_start_2:
0x315: {  	(tag) =	ssettag $0x2  }
0x316: {  	s0 =	rddreg [dreg:$0x0];
	s2 =	stileid.u32  }
0x317: {  	s1 =	rddreg [dreg:$0x1];
	p0 =	sne.s32 s2, $0x0  }
0x318: {  	s3 =	rddreg [dreg:$0x2];
	[bflag:$0x3] =	sbarrier.arrive $0xFFFF;
	s2 =	simm.s32 @!p0 $0x1C12  }
0x319: {  	[timem:s3], [sflag:s2] =	dma.local @!p0 [hbm:s0], s1  }
0x31a: {  	s0 =	simm.s32 @!p0 $0x12  }
0x31b: {  	_ =	swait.ge @!p0 [sflag:s0], s1  }
0x31c: {  	s1 =	ssub.s32 @!p0 $0x0, s1;
	[sflag:s0] =	ssyncset.done @!p0 $0x0  }
0x31d: {  	[sflag:s0] =	ssyncadd.s32 @!p0 s1  }
0x31e: {  	[bflag:$0x3] =	sbarrier.arrive $0xFFFF  }
0x31f: {  	_ =	shalt  }

// kernel: kernel.8.cloned.1.call-start
scs
__scs_entry_jumppad:
0x0: {  	(pc) =	sbr.rel $0x88, $3  }
0x1: {  	(tag) =	ssettag $0x0;
	lr =	simm.s32 $0x1  }
0x2: {  	[smem:$0x3F99] =	sst lr;
	_ =	strace $0xD0000000  }
0x3: {  	_ = 	snop  }
0x4: {  	_ = 	snop  }
0x5: {  	_ = 	snop  }
0x6: {  	_ = 	snop  }
0x7: {  	_ = 	snop  }
__scs_overlays_trampoline_lowered:
0x8: {  	[smem:$0x3FA8] =	sst s0  }
0x9: {  	[smem:$0x3FA9] =	sst s1  }
0xa: {  	[smem:$0x3FAA] =	sst s2  }
0xb: {  	[smem:$0x3FAB] =	sst s3  }
0xc: {  	[smem:$0x3FAC] =	sst s4  }
0xd: {  	[smem:$0x3FAD] =	sst s5  }
0xe: {  	[smem:$0x3FAE] =	sst s6  }
0xf: {  	[smem:$0x3FAF] =	sst s7  }
0x10: {  	[smem:$0x3FB0] =	sst s8  }
0x11: {  	[smem:$0x3FB1] =	sst s9;
	s0 =	simm.s32 @!p0 $0x0  }
0x12: {  	s1 =	sld [smem:$0x3F97];
	s0 =	simm.s32 @p0 $0x1  }
0x13: {  	[smem:$0x3FB2] =	sst s0;
	s0 =	simm.s32 @!p1 $0x0  }
0x14: {  	s2 =	sld [smem:$0x3F96];
	s0 =	simm.s32 @p1 $0x1  }
0x15: {  	[smem:$0x3FB3] =	sst s0;
	s0 =	simm.s32 @!p2 $0x0  }
0x16: {  	s3 =	sld [smem:$0x3FDB];
	s0 =	simm.s32 @p2 $0x1  }
0x17: {  	s4 =	simm.s32 $0x1BF5;
	[smem:$0x3FB5] =	sst s0  }
0x18: {  	s0 =	sld [smem:$0x3F98];
	_ =	swait.ge [sflag:s4], $0x0  }
0x19: {  	s7 =	sld [smem:$0x3F99]  }
0x1a: {  	s8 =	sadd.s32 $0xFFFFE003, lr  }
0x1b: {  	s9 =	sadd.s32 $0xFFFFFEF7, lr;
	s5 =	simm.s32 $0xFFFFFFFF;
	p2 =	slt.u32 s8, $0xFFFFF086  }
0x1c: {  	p1 =	slt.u32 s9, $0xF7A;
	s5 =	simm.s32 @!p2 $0x0  }
0x1d: {  	s5 =	simm.s32 @p1 $0x1;
	p0 =	seq.s32 s7, s2  }
0x1e: {  	s7 =	smul.u32 @!p0 $0xF7A, s2;
	p2 =	seq.s32 @!p0 s5, $0x0  }
0x1f: {  	s9 =	smul.u32 $0xF7A, s1;
	s8 =	simm.s32 @!p0 $0x1BF5;
	p2 =	por !p2, p0  }
0x20: {  	[sflag:s8] =	ssyncset.s32 @!p0 $0xFFFFF086;
	s6 =	sadd.s32 @!p0 s3, s7;
	s7 =	simm.s32 @!p0 $0x108  }
0x21: {  	s3 =	sadd.s32 s3, s9;
	s6 =	sadd.s32 @!p0 $0x88, s6;
	s7 =	simm.s32 @p2 $0x1082  }
0x22: {  	[simem:s7], [sflag:s8] =	dma.local @!p0 [hbm:s6], $0xF7A  }
0x23: {  	s9 =	sor.u32 $0xD0000000, s2;
	s6 =	simm.s32 $0x108;
	_ =	swait.ge @!p0 [sflag:s8], $0x0  }
0x24: {  	s3 =	sadd.s32 $0x88, s3;
	s6 =	simm.s32 @!p1 $0x1082;
	[sflag:s4] =	ssyncset.s32 $0xFFFFF086  }
0x25: {  	[simem:s6], [sflag:s4] =	dma.local [hbm:s3], $0xF7A  }
0x26: {  	[smem:$0x3F99] =	sst s1;
	(tag) =	ssettag s2;
	_ =	strace s9  }
0x27: {  	s1 =	sld [smem:$0x3FA9]  }
0x28: {  	s2 =	sld [smem:$0x3FAA]  }
0x29: {  	s4 =	sld [smem:$0x3FAC]  }
0x2a: {  	p0 =	seq.s32 s5, $0x0;
	s5 =	sld [smem:$0x3FAD]  }
0x2b: {  	s6 =	sld [smem:$0x3FAE]  }
0x2c: {  	s7 =	sld [smem:$0x3FAF]  }
0x2d: {  	s3 =	simm.s32 $0x108;
	s8 =	sld [smem:$0x3FB0]  }
0x2e: {  	s3 =	simm.s32 @!p0 $0x1082;
	s9 =	sld [smem:$0x3FB1]  }
0x2f: {  	lr =	sadd.s32 s0, s3;
	s0 =	sld [smem:$0x3FA8]  }
0x30: {  	s3 =	sld [smem:$0x3FAB]  }
0x31: {  	[smem:$0x3FB4] =	sst s10  }
0x32: {  	s10 =	sld [smem:$0x3FB2];
	_ =	sdelay $0x3  }
0x33: {  	p0 =	seq.s32 s10, $0x1;
	s10 =	sld [smem:$0x3FB4];
	_ =	sdelay $0x3  }
0x34: {  	[smem:$0x3FB4] =	sst s10  }
0x35: {  	s10 =	sld [smem:$0x3FB3];
	_ =	sdelay $0x3  }
0x36: {  	p1 =	seq.s32 s10, $0x1;
	s10 =	sld [smem:$0x3FB4];
	_ =	sdelay $0x3  }
0x37: {  	[smem:$0x3FB4] =	sst s10  }
0x38: {  	s10 =	sld [smem:$0x3FB5]  }
0x39: {  	_ = 	snop;
	(pc) =	sbr.ind lr, $3  }
0x3a: {  	_ = 	snop  }
0x3b: {  	_ = 	snop  }
0x3c: {  	p2 =	seq.s32 s10, $0x1;
	s10 =	sld [smem:$0x3FB4]  }
0x3d: {  	_ =	shalt  }
0x3e: {  	_ =	shalt  }
0x3f: {  	_ =	shalt  }
0x40: {  	_ =	shalt  }
0x41: {  	_ =	shalt  }
0x42: {  	_ =	shalt  }
0x43: {  	_ =	shalt  }
0x44: {  	_ =	shalt  }
0x45: {  	_ =	shalt  }
0x46: {  	_ =	shalt  }
0x47: {  	_ =	shalt  }
0x48: {  	_ =	shalt  }
0x49: {  	_ =	shalt  }
0x4a: {  	_ =	shalt  }
0x4b: {  	_ =	shalt  }
0x4c: {  	_ =	shalt  }
0x4d: {  	_ =	shalt  }
0x4e: {  	_ =	shalt  }
0x4f: {  	_ =	shalt  }
0x50: {  	_ =	shalt  }
0x51: {  	_ =	shalt  }
0x52: {  	_ =	shalt  }
0x53: {  	_ =	shalt  }
0x54: {  	_ =	shalt  }
0x55: {  	_ =	shalt  }
0x56: {  	_ =	shalt  }
0x57: {  	_ =	shalt  }
0x58: {  	_ =	shalt  }
0x59: {  	_ =	shalt  }
0x5a: {  	_ =	shalt  }
0x5b: {  	_ =	shalt  }
0x5c: {  	_ =	shalt  }
0x5d: {  	_ =	shalt  }
0x5e: {  	_ =	shalt  }
0x5f: {  	_ =	shalt  }
0x60: {  	_ =	shalt  }
0x61: {  	_ =	shalt  }
0x62: {  	_ =	shalt  }
0x63: {  	_ =	shalt  }
0x64: {  	_ =	shalt  }
0x65: {  	_ =	shalt  }
0x66: {  	_ =	shalt  }
0x67: {  	_ =	shalt  }
0x68: {  	_ =	shalt  }
0x69: {  	_ =	shalt  }
0x6a: {  	_ =	shalt  }
0x6b: {  	_ =	shalt  }
0x6c: {  	_ =	shalt  }
0x6d: {  	_ =	shalt  }
0x6e: {  	_ =	shalt  }
0x6f: {  	_ =	shalt  }
0x70: {  	_ =	shalt  }
0x71: {  	_ =	shalt  }
0x72: {  	_ =	shalt  }
0x73: {  	_ =	shalt  }
0x74: {  	_ =	shalt  }
0x75: {  	_ =	shalt  }
0x76: {  	_ =	shalt  }
0x77: {  	_ =	shalt  }
0x78: {  	_ =	shalt  }
0x79: {  	_ =	shalt  }
0x7a: {  	_ =	shalt  }
0x7b: {  	_ =	shalt  }
0x7c: {  	_ =	shalt  }
0x7d: {  	_ =	shalt  }
0x7e: {  	_ =	shalt  }
0x7f: {  	_ =	shalt  }
0x80: {  	_ =	shalt  }
0x81: {  	_ =	shalt  }
0x82: {  	_ =	shalt  }
0x83: {  	_ =	shalt  }
0x84: {  	_ =	shalt  }
0x85: {  	_ =	shalt  }
0x86: {  	_ =	shalt  }
0x87: {  	_ =	shalt  }
.Lfunc_end0:
.L_simem_size_0:
called_computation.1_lowered:
.L_overlay_start_0:
0x88: {  	s2 =	sld [smem:$0x3FD9]  }
0x89: {  	s3 =	sld [smem:$0x3FFE];
	_ =	sdelay $0x1  }
0x8a: {  	s1 =	srdreg.scid  }
0x8b: {  	s0 =	sand.u32 $0x1, s1  }
0x8c: {  	s17 =	sshll.u32 s0, $0xA;
	s2 =	sadd.s32 s3, s2  }
0x8d: {  	s2 =	sadd.s32 s2, s17  }
0x8e: {  	[smem:$0x3FC0] =	sst s2  }
0x8f: {  	_ = 	snop  }
0x90: {  	s2 =	sld [smem:$0x3FC9]  }
0x91: {  	s18 =	sld [smem:$0x3FC7]  }
0x92: {  	s4 =	sld [smem:$0x3FD0];
	(tm) =	ssettm $0x1  }
0x93: {  	s5 =	sld [smem:$0x3FFB];
	_ =	sdelay $0x3  }
0x94: {  	_ =	strace s5  }
0x95: {  	s5 =	sld [smem:$0x3FFC];
	_ =	sdelay $0x3  }
0x96: {  	_ =	strace s5  }
0x97: {  	s5 =	sld [smem:$0x3FFD];
	_ =	sdelay $0x3  }
0x98: {  	_ =	strace s5  }
0x99: {  	_ =	strace $0x8FFFFFFF  }
0x9a: {  	s19 =	sld [smem:$0x3FDB];
	_ =	sdelay $0x1  }
0x9b: {  	s6 =	simm.s32 $_scs_section_size  }
0x9c: {  	s7 =	simm.s32 $_size__tile_overlayer_lowered;
	s8 =	simm.s32 $_tile_overlayer_lowered  }
0x9d: {  	s22 =	simm.s32 $0x1BFF;
	s21 =	sshll.u32 s8, $0x1;
	s5 =	sadd.s32 s6, s19  }
0x9e: {  	s9 =	simm.s32 $0x0;
	s20 =	sshll.u32 s7, $0x1;
	s7 =	sadd.s32 s21, s5  }
0x9f: {  	[timem:s9], [sflag:s22] =	dma.local [hbm:s7], s20  }
0xa0: {  	_ =	swait.ge [sflag:s22], s20  }
0xa1: {  	s6 =	ssub.s32 $0x0, s20;
	[sflag:s22] =	ssyncset.done $0x0  }
0xa2: {  	[sflag:s22] =	ssyncadd.s32 s6;
	_ =	sdelay $0x1  }
0xa3: {  	s23 =	simm.s32 $0x1B8B  }
0xa4: {  	_ =	swait.ge [sflag:s23], $0x1  }
0xa5: {  	[sflag:s23] =	ssyncset.done $0x0  }
0xa6: {  	s25 =	simm.s32 $0x1B8E;
	s24 =	sld [smem:$0x3FFE];
	[sflag:s23] =	ssyncadd.s32 $0xFFFFFFFF  }
0xa7: {  	s26 =	simm.s32 $execute0_lowered;
	[smem:$0x3FD2] =	sst s25  }
0xa8: {  	s7 =	sshll.u32 s26, $0x1;
	_ =	strace $0x80000049;
	[dreg:$0x1] =	wrdreg $0xFFFFFFFF  }
0xa9: {  	s28 =	simm.s32 $_size_execute0_lowered;
	s5 =	sadd.s32 s5, s7;
	[dreg:$0x0] =	wrdreg $0x0  }
0xaa: {  	s7 =	sshll.u32 s28, $0x1;
	[dreg:$0x2] =	wrdreg s5  }
0xab: {  	[dreg:$0x3] =	wrdreg s7  }
0xac: {  	[dreg:$0x4] =	wrdreg $0xC0  }
0xad: {  	_ =	task [dreg:s9], $0x5FFFF  }
0xae: {  	[dreg:$0x1] =	wrdreg $0xFFFFFFFF  }
0xaf: {  	[dreg:$0x0] =	wrdreg $0x60  }
0xb0: {  	[dreg:$0x2] =	wrdreg s2  }
0xb1: {  	[dreg:$0x3] =	wrdreg s18  }
0xb2: {  	[dreg:$0x4] =	wrdreg s24  }
0xb3: {  	[dreg:$0x5] =	wrdreg s4  }
0xb4: {  	[dreg:$0x6] =	wrdreg $0x9  }
0xb5: {  	_ =	task.clear_ibuf [dreg:s9], $0x7FFFF;
	_ =	strace $0x90000049  }
0xb6: {  	s29 =	simm.s32 $0x9;
	_ =	strace $0x8000004B  }
0xb7: {  	_ =	swait.ge [sflag:s29], $0x1  }
0xb8: {  	[sflag:s29] =	ssyncadd.s32 $0xFFFFFFFF  }
0xb9: {  	_ =	strace $0x9000004B  }
0xba: {  	_ =	sfence  }
0xbb: {  	s30 =	sld [smem:$0x0];
	_ =	sdelay $0x2  }
0xbc: {  	s31 =	sshll.u32 s1, $0xD;
	s1 =	sshrl.u32 s1, $0x2  }
0xbd: {  	s3 =	sand.u32 $0x4000, s31;
	s1 =	sadd.s32 s1, s30  }
0xbe: {  	s0 =	sor.u32 s3, s0;
	s1 =	sshll.u32 s1, $0x11  }
0xbf: {  	s0 =	sor.u32 s1, s0  }
0xc0: {  	s0 =	sadd.s32 $0x8F2B, s0  }
0xc1: {  	[sflag:s0] =	ssyncadd.remote.s32 $0x1  }
0xc2: {  	_ =	sfence.sel $0xFFFF  }
0xc3: {  	[dreg:$0x0] =	wrdreg $0xFFFFFFFF;
	(pc) =	sbr.abs _section_cstart, $3  }
0xc4: {  	[dreg:$0x1] =	wrdreg $0xFFFFFFFF  }
0xc5: {  	_ =	task.clear_ibuf [dreg:s9], $0x2FFFF;
	_ =	strace $0x9FFFFFFF  }
0xc6: {  	(tm) =	ssettm $0x7FFFFFFF  }
0xc7: {  	_ =	shalt  }
tec
execute0_lowered:
.L_overlay_start_1:
0x0: {  	(tag) =	ssettag $0x1  }
0x1: {  	s8 =	rddreg [dreg:$0x0]  }
0x2: {  	s1 =	rddreg [dreg:$0x1]  }
0x3: {  	s9 =	rddreg [dreg:$0x2]  }
0x4: {  	s15 =	rddreg [dreg:$0x3]  }
0x5: {  	s0 =	rddreg [dreg:$0x4]  }
0x6: {  	s2 =	simm.s32 $0x0;
	s10 =	srdreg.scid;
	s6 =	stileid.u32  }
0x7: {  	s19 =	simm.s32 $0xE900;
	s20 =	simm.s32 $0x80;
	s21 =	simm.s32 $0x100  }
0x8: {  	s22 =	simm.s32 $0x4100;
	s23 =	simm.s32 $0x8100;
	s24 =	simm.s32 $0x1  }
0x9: {  	s25 =	simm.s32 $0x2;
	s26 =	simm.s32 $0x3;
	s28 =	simm.s32 $0x11100  }
0xa: {  	[smem:$0x7FF] =	sst s2;
	s3 =	sadd.s32 $0x15800, s9;
	s4 =	sadd.s32 $0x3D800, s9  }
0xb: {  	s5 =	sadd.s32 $0x65800, s9;
	s7 =	sadd.s32 $0x65E00, s9;
	s12 =	sadd.s32 $0x66400, s9  }
0xc: {  	s13 =	sadd.s32 $0x86400, s9;
	s10 =	sand.u32 $0x1, s10;
	s14 =	sshll.u32 s6, $0x8  }
0xd: {  	s16 =	sadd.s32 $0xA6400, s9;
	s11 =	ssub.s32 $0x2, s10;
	s10 =	sshll.u32 s10, $0xC  }
0xe: {  	_ =	strace $0x8000004A;
	s29 =	sshrl.u32 s11, $0x1;
	s10 =	sor.u32 s14, s10  }
0xf: {  	s17 =	ssub.s32 s11, s29;
	s18 =	sshrl.u32 s10, $0x3;
	s30 =	sshll.u32 s10, $0x4  }
0x10: {  	s8 =	sadd.s32 s8, s18;
	s9 =	sadd.s32 s12, s30;
	s31 =	sor.u32 $0x800, s30  }
0x11: {  	s10 =	sadd.s32 s13, s30;
	s11 =	sadd.s32 s16, s30;
	s15 =	sadd.s32 s15, s18  }
0x12: {  	s18 =	simm.s32 $0xC100;
	s12 =	sadd.s32 s12, s31;
	s13 =	sadd.s32 s13, s31  }
0x13: {  	s14 =	sadd.s32 s16, s31;
	s16 =	smax.u32 s17, $0x1;
	s17 =	simm.s32 $0x4  }
.LBB2_1:
0x14: {  	[tilespmem:s2], [sflag:$0x4] =	stream.linear.gather [hbm4b:s8+s2], $0x100, $0x38;
	[tilespmem:$0x11200] =	vst v63  }
0x15: {  	_ =	swait.ge [sflag:s17], $0x100  }
0x16: {  	[sflag:s17] =	ssyncset.done $0x0  }
0x17: {  	[sflag:s17] =	ssyncadd.s32 $0xFFFFFF00  }
0x18: {  	[tilespmem:s18], [sflag:$0x4] =	stream.linear.gather [hbm4b:s5+s2], $0x2800, $0x38;
	[tilespmem:$0x11200] =	vst v63  }
0x19: {  	_ =	swait.ge [sflag:s17], $0x2800  }
0x1a: {  	[sflag:s17] =	ssyncset.done $0x0  }
0x1b: {  	[sflag:s17] =	ssyncadd.s32 $0xFFFFD800  }
0x1c: {  	[tilespmem:s19], [sflag:$0x4] =	stream.linear.gather [hbm4b:s7+s2], $0x2800, $0x38;
	[tilespmem:$0x11200] =	vst v63  }
0x1d: {  	_ =	swait.ge [sflag:s17], $0x2800  }
0x1e: {  	[sflag:s17] =	ssyncset.done $0x0  }
0x1f: {  	[sflag:s17] =	ssyncadd.s32 $0xFFFFD800  }
0x20: {  	[tilespmem:s21], [sflag:$0x1] =	stream.indirect.gather [hbm4b:s1+s20], $0x80, s2, s20, $0xb8;
	[tilespmem:$0x11200] =	vst v63  }
0x21: {  	_ = 	snop  }
0x22: {  	[tilespmem:s22], [sflag:$0x2] =	stream.indirect.gather [hbm4b:s3+s20], $0x80, s2, s20, $0xb8;
	[tilespmem:$0x11200] =	vst v63  }
0x23: {  	_ = 	snop  }
0x24: {  	[tilespmem:s23], [sflag:$0x3] =	stream.indirect.gather [hbm4b:s4+s20], $0x80, s2, s20, $0xb8;
	[tilespmem:$0x11200] =	vst v63  }
0x25: {  	v0 =	vld [tilespmem:$0x0];
	_ =	sdelay $0x6  }
0x26: {  	v2 =	vld [tilespmem:$0x10]  }
0x27: {  	v1 =	vld.idx.msk [tilespmem:v0+s18+$0x0], $0xffff  }
0x28: {  	v0 =	vld.idx.msk [tilespmem:v0+s19+$0x0], $0xffff;
	_ =	sdelay $0x4  }
0x29: {  	v0 =	vadd.f32 v0, v1;
	_ =	sdelay $0x1  }
0x2a: {  	v36 =	vld [tilespmem:$0x20];
	[tilespmem:$0x11100] =	vst v0  }
0x2b: {  	v0 =	vld.idx.msk [tilespmem:v2+s18+$0x0], $0xffff  }
0x2c: {  	v35 =	vld.idx.msk [tilespmem:v2+s19+$0x0], $0xffff;
	_ =	sdelay $0x4  }
0x2d: {  	v0 =	vadd.f32 v35, v0;
	_ =	sdelay $0x1  }
0x2e: {  	v38 =	vld [tilespmem:$0x30];
	[tilespmem:$0x11110] =	vst v0  }
0x2f: {  	v0 =	vld.idx.msk [tilespmem:v36+s18+$0x0], $0xffff  }
0x30: {  	v37 =	vld.idx.msk [tilespmem:v36+s19+$0x0], $0xffff;
	_ =	sdelay $0x4  }
0x31: {  	v0 =	vadd.f32 v37, v0;
	_ =	sdelay $0x1  }
0x32: {  	v40 =	vld [tilespmem:$0x40];
	[tilespmem:$0x11120] =	vst v0  }
0x33: {  	v0 =	vld.idx.msk [tilespmem:v38+s18+$0x0], $0xffff  }
0x34: {  	v39 =	vld.idx.msk [tilespmem:v38+s19+$0x0], $0xffff;
	_ =	sdelay $0x4  }
0x35: {  	v0 =	vadd.f32 v39, v0;
	_ =	sdelay $0x1  }
0x36: {  	v42 =	vld [tilespmem:$0x50];
	[tilespmem:$0x11130] =	vst v0  }
0x37: {  	v0 =	vld.idx.msk [tilespmem:v40+s18+$0x0], $0xffff  }
0x38: {  	v41 =	vld.idx.msk [tilespmem:v40+s19+$0x0], $0xffff;
	_ =	sdelay $0x4  }
0x39: {  	v0 =	vadd.f32 v41, v0;
	_ =	sdelay $0x1  }
0x3a: {  	v44 =	vld [tilespmem:$0x60];
	[tilespmem:$0x11140] =	vst v0  }
0x3b: {  	v0 =	vld.idx.msk [tilespmem:v42+s18+$0x0], $0xffff  }
0x3c: {  	v43 =	vld.idx.msk [tilespmem:v42+s19+$0x0], $0xffff;
	_ =	sdelay $0x4  }
0x3d: {  	v0 =	vadd.f32 v43, v0;
	_ =	sdelay $0x1  }
0x3e: {  	v46 =	vld [tilespmem:$0x70];
	[tilespmem:$0x11150] =	vst v0  }
0x3f: {  	v0 =	vld.idx.msk [tilespmem:v44+s18+$0x0], $0xffff  }
0x40: {  	v45 =	vld.idx.msk [tilespmem:v44+s19+$0x0], $0xffff;
	_ =	sdelay $0x4  }
0x41: {  	v0 =	vadd.f32 v45, v0;
	_ =	sdelay $0x1  }
0x42: {  	[tilespmem:$0x11160] =	vst v0  }
0x43: {  	v0 =	vld.idx.msk [tilespmem:v46+s18+$0x0], $0xffff  }
0x44: {  	v47 =	vld.idx.msk [tilespmem:v46+s19+$0x0], $0xffff;
	_ =	sdelay $0x4  }
0x45: {  	v0 =	vadd.f32 v47, v0;
	_ =	sdelay $0x1  }
0x46: {  	[tilespmem:$0x11170] =	vst v0  }
0x47: {  	_ =	swait.ge [sflag:s24], $0x4000  }
0x48: {  	[sflag:s24] =	ssyncset.done $0x0  }
0x49: {  	[sflag:s24] =	ssyncadd.s32 $0xFFFFC000  }
0x4a: {  	_ =	swait.ge [sflag:s25], $0x4000  }
0x4b: {  	[sflag:s25] =	ssyncset.done $0x0  }
0x4c: {  	[sflag:s25] =	ssyncadd.s32 $0xFFFFC000  }
0x4d: {  	_ =	swait.ge [sflag:s26], $0x4000  }
0x4e: {  	[sflag:s26] =	ssyncset.done $0x0  }
0x4f: {  	[sflag:s26] =	ssyncadd.s32 $0xFFFFC000  }
0x50: {  	[hbm4b:s9+s2] =	stream.linear.scatter [tilespmem:s21], [sflag:$0x4], $0x4000, $0x38;
	[tilespmem:$0x11200] =	vst v63  }
0x51: {  	_ =	swait.ge [sflag:s17], $0x4000  }
0x52: {  	[sflag:s17] =	ssyncset.done $0x0  }
0x53: {  	[sflag:s17] =	ssyncadd.s32 $0xFFFFC000  }
0x54: {  	[hbm4b:s10+s2] =	stream.linear.scatter [tilespmem:s22], [sflag:$0x4], $0x4000, $0x38;
	[tilespmem:$0x11200] =	vst v63  }
0x55: {  	_ =	swait.ge [sflag:s17], $0x4000  }
0x56: {  	[sflag:s17] =	ssyncset.done $0x0  }
0x57: {  	[sflag:s17] =	ssyncadd.s32 $0xFFFFC000  }
0x58: {  	[hbm4b:s11+s2] =	stream.linear.scatter [tilespmem:s23], [sflag:$0x4], $0x4000, $0x38;
	[tilespmem:$0x11200] =	vst v63  }
0x59: {  	_ =	swait.ge [sflag:s17], $0x4000  }
0x5a: {  	[sflag:s17] =	ssyncset.done $0x0  }
0x5b: {  	[sflag:s17] =	ssyncadd.s32 $0xFFFFC000  }
0x5c: {  	[tilespmem:s21], [sflag:$0x1] =	stream.indirect.gather [hbm4b:s1+s20], $0x80, s20, s20, $0xb8;
	[tilespmem:$0x11200] =	vst v63  }
0x5d: {  	_ = 	snop  }
0x5e: {  	[tilespmem:s22], [sflag:$0x2] =	stream.indirect.gather [hbm4b:s3+s20], $0x80, s20, s20, $0xb8;
	[tilespmem:$0x11200] =	vst v63  }
0x5f: {  	_ = 	snop  }
0x60: {  	[tilespmem:s23], [sflag:$0x3] =	stream.indirect.gather [hbm4b:s4+s20], $0x80, s20, s20, $0xb8;
	[tilespmem:$0x11200] =	vst v63  }
0x61: {  	v48 =	vld [tilespmem:$0x80];
	_ =	sdelay $0x6  }
0x62: {  	v50 =	vld [tilespmem:$0x90]  }
0x63: {  	v49 =	vld.idx.msk [tilespmem:v48+s18+$0x0], $0xffff  }
0x64: {  	v0 =	vld.idx.msk [tilespmem:v48+s19+$0x0], $0xffff;
	_ =	sdelay $0x4  }
0x65: {  	v0 =	vadd.f32 v0, v49;
	_ =	sdelay $0x1  }
0x66: {  	v52 =	vld [tilespmem:$0xA0];
	[tilespmem:$0x11180] =	vst v0  }
0x67: {  	v0 =	vld.idx.msk [tilespmem:v50+s18+$0x0], $0xffff  }
0x68: {  	v51 =	vld.idx.msk [tilespmem:v50+s19+$0x0], $0xffff;
	_ =	sdelay $0x4  }
0x69: {  	v0 =	vadd.f32 v51, v0;
	_ =	sdelay $0x1  }
0x6a: {  	v54 =	vld [tilespmem:$0xB0];
	[tilespmem:$0x11190] =	vst v0  }
0x6b: {  	v0 =	vld.idx.msk [tilespmem:v52+s18+$0x0], $0xffff  }
0x6c: {  	v53 =	vld.idx.msk [tilespmem:v52+s19+$0x0], $0xffff;
	_ =	sdelay $0x4  }
0x6d: {  	v0 =	vadd.f32 v53, v0;
	_ =	sdelay $0x1  }
0x6e: {  	v56 =	vld [tilespmem:$0xC0];
	[tilespmem:$0x111A0] =	vst v0  }
0x6f: {  	v0 =	vld.idx.msk [tilespmem:v54+s18+$0x0], $0xffff  }
0x70: {  	v55 =	vld.idx.msk [tilespmem:v54+s19+$0x0], $0xffff;
	_ =	sdelay $0x4  }
0x71: {  	v0 =	vadd.f32 v55, v0;
	_ =	sdelay $0x1  }
0x72: {  	v58 =	vld [tilespmem:$0xD0];
	[tilespmem:$0x111B0] =	vst v0  }
0x73: {  	v0 =	vld.idx.msk [tilespmem:v56+s18+$0x0], $0xffff  }
0x74: {  	v57 =	vld.idx.msk [tilespmem:v56+s19+$0x0], $0xffff;
	_ =	sdelay $0x4  }
0x75: {  	v0 =	vadd.f32 v57, v0;
	_ =	sdelay $0x1  }
0x76: {  	v60 =	vld [tilespmem:$0xE0];
	[tilespmem:$0x111C0] =	vst v0  }
0x77: {  	v0 =	vld.idx.msk [tilespmem:v58+s18+$0x0], $0xffff  }
0x78: {  	v59 =	vld.idx.msk [tilespmem:v58+s19+$0x0], $0xffff;
	_ =	sdelay $0x4  }
0x79: {  	v0 =	vadd.f32 v59, v0;
	_ =	sdelay $0x1  }
0x7a: {  	v62 =	vld [tilespmem:$0xF0];
	[tilespmem:$0x111D0] =	vst v0  }
0x7b: {  	v0 =	vld.idx.msk [tilespmem:v60+s18+$0x0], $0xffff  }
0x7c: {  	v61 =	vld.idx.msk [tilespmem:v60+s19+$0x0], $0xffff;
	_ =	sdelay $0x4  }
0x7d: {  	v0 =	vadd.f32 v61, v0;
	_ =	sdelay $0x1  }
0x7e: {  	[tilespmem:$0x111E0] =	vst v0  }
0x7f: {  	v0 =	vld.idx.msk [tilespmem:v62+s18+$0x0], $0xffff  }
0x80: {  	v63 =	vld.idx.msk [tilespmem:v62+s19+$0x0], $0xffff;
	_ =	sdelay $0x4  }
0x81: {  	v0 =	vadd.f32 v63, v0;
	_ =	sdelay $0x1  }
0x82: {  	[tilespmem:$0x111F0] =	vst v0  }
0x83: {  	_ =	swait.ge [sflag:s24], $0x4000  }
0x84: {  	[sflag:s24] =	ssyncset.done $0x0  }
0x85: {  	[sflag:s24] =	ssyncadd.s32 $0xFFFFC000  }
0x86: {  	_ =	swait.ge [sflag:s25], $0x4000  }
0x87: {  	[sflag:s25] =	ssyncset.done $0x0  }
0x88: {  	[sflag:s25] =	ssyncadd.s32 $0xFFFFC000  }
0x89: {  	_ =	swait.ge [sflag:s26], $0x4000  }
0x8a: {  	[sflag:s26] =	ssyncset.done $0x0  }
0x8b: {  	[sflag:s26] =	ssyncadd.s32 $0xFFFFC000  }
0x8c: {  	[hbm4b:s12+s2] =	stream.linear.scatter [tilespmem:s21], [sflag:$0x4], $0x4000, $0x38;
	[tilespmem:$0x11200] =	vst v63  }
0x8d: {  	_ =	swait.ge [sflag:s17], $0x4000  }
0x8e: {  	[sflag:s17] =	ssyncset.done $0x0  }
0x8f: {  	[sflag:s17] =	ssyncadd.s32 $0xFFFFC000  }
0x90: {  	[hbm4b:s13+s2] =	stream.linear.scatter [tilespmem:s22], [sflag:$0x4], $0x4000, $0x38;
	[tilespmem:$0x11200] =	vst v63  }
0x91: {  	_ =	swait.ge [sflag:s17], $0x4000  }
0x92: {  	[sflag:s17] =	ssyncset.done $0x0  }
0x93: {  	[sflag:s17] =	ssyncadd.s32 $0xFFFFC000  }
0x94: {  	[hbm4b:s14+s2] =	stream.linear.scatter [tilespmem:s23], [sflag:$0x4], $0x4000, $0x38;
	[tilespmem:$0x11200] =	vst v63  }
0x95: {  	_ =	swait.ge [sflag:s17], $0x4000  }
0x96: {  	p0 =	sne.s32 s16, $0x1;
	[sflag:s17] =	ssyncset.done $0x0  }
.Ltmp0:
0x97: {  	[sflag:s17] =	ssyncadd.s32 $0xFFFFC000;
	(pc) =	sbr.rel @p0 .LBB2_1-.Ltmp0, $4  }
0x98: {  	[hbm4b:s15+s2] =	stream.linear.scatter [tilespmem:s28], [sflag:$0x4], $0x100, $0x38;
	[tilespmem:$0x11200] =	vst v63  }
0x99: {  	_ =	swait.ge [sflag:s17], $0x100  }
0x9a: {  	[sflag:s17] =	ssyncset.done $0x0  }
0x9b: {  	s16 =	sadd.s32 $0xFFFFFFFF, s16;
	[sflag:s17] =	ssyncadd.s32 $0xFFFFFF00  }
0x9c: {  	_ =	sfence.sel $0x180000  }
0x9d: {  	[bflag:$0x0] =	sbarrier.arrive $0xFFFF  }
0x9e: {  	p0 =	sne.s32 s6, $0x0;
	_ =	strace $0x9000004A  }
0x9f: {  	s0 =	sadd.s32 @!p0 $0x100000, s0;
	[bflag:$0x2] =	sbarrier.arrive $0xFFFF  }
0xa0: {  	[sflag:s0] =	ssyncadd.tile.s32 @!p0 $0x1;
	_ =	shalt  }
.Lfunc_end2:
_tile_overlayer_lowered:
.L_overlay_start_2:
0xa1: {  	(tag) =	ssettag $0x2  }
0xa2: {  	s0 =	rddreg [dreg:$0x0];
	s2 =	stileid.u32  }
0xa3: {  	s1 =	rddreg [dreg:$0x1];
	p0 =	sne.s32 s2, $0x0  }
0xa4: {  	s3 =	rddreg [dreg:$0x2];
	[bflag:$0x3] =	sbarrier.arrive $0xFFFF;
	s2 =	simm.s32 @!p0 $0x1C04  }
0xa5: {  	[timem:s3], [sflag:s2] =	dma.local @!p0 [hbm:s0], s1  }
0xa6: {  	s0 =	simm.s32 @!p0 $0x4  }
0xa7: {  	_ =	swait.ge @!p0 [sflag:s0], s1  }
0xa8: {  	s1 =	ssub.s32 @!p0 $0x0, s1;
	[sflag:s0] =	ssyncset.done @!p0 $0x0  }
0xa9: {  	[sflag:s0] =	ssyncadd.s32 @!p0 s1  }
0xaa: {  	[bflag:$0x3] =	sbarrier.arrive $0xFFFF  }
0xab: {  	_ =	shalt  }

</sc_bundles>
